<compile_context>
chip_gen: v7x
topology: tpu7x:2x2x1
jax: 0.10.2.dev20260603
libtpu: 0.0.44.dev20260713+nightly
codegen_flags: <defaults>
</compile_context>

<pallas_src>
import functools

import jax
import jax.numpy as jnp
from jax import lax
from jax.experimental import pallas as pl
from jax.experimental.pallas import tpu as pltpu
from jax.experimental.pallas import tpu_sc as plsc

N = 50000
E = 800000
H = 64
NC = 2
NS = 16
HALF = N // NC
STRIPE = 1584
SPR = NS * STRIPE
TRASH = HALF
EB = 80
EPT = E // NS
SB = 2000
SUB = SB // EB
NCH = EPT // SB
RING = 2

_MESH = plsc.VectorSubcoreMesh(core_axis_name="c", subcore_axis_name="s")


@functools.partial(
    pl.kernel,
    out_type=jax.ShapeDtypeStruct((NC, SPR, H), jnp.float32),
    mesh=_MESH,
    scratch_types=[
        pltpu.VMEM((2, SB), jnp.int32),
        pltpu.VMEM((2, SB), jnp.int32),
        pltpu.VMEM((SUB, EB), jnp.int32),
        pltpu.VMEM((RING, EB, H), jnp.float32),
        pltpu.VMEM_SHARED((SPR, H), jnp.float32),
        pltpu.SemaphoreType.DMA,
        pltpu.SemaphoreType.DMA,
        pltpu.SemaphoreType.DMA,
    ],
    compiler_params=pltpu.CompilerParams(use_tc_tiling_on_sc=False),
)
def _sc_scatter(g_hbm, src_hbm, dst_hbm, zeros_hbm, out_hbm,
                sidx, didx, lbuf, rows, acc, gsem, ssem, isem):
    c = lax.axis_index("c")
    s = lax.axis_index("s")
    base = c * HALF

    def stage(ci):
        e0 = pl.multiple_of(s * EPT + ci * SB, 8)
        b = lax.rem(ci, 2)
        pltpu.async_copy(src_hbm.at[pl.ds(e0, SB)], sidx.at[b], isem)
        pltpu.async_copy(dst_hbm.at[pl.ds(e0, SB)], didx.at[b], isem)

    def wait_stage():
        pltpu.make_async_copy(src_hbm.at[pl.ds(0, SB)], sidx.at[0],
                              isem).wait()
        pltpu.make_async_copy(dst_hbm.at[pl.ds(0, SB)], didx.at[0],
                              isem).wait()

    def wait_gather():
        pltpu.make_async_copy(g_hbm.at[sidx.at[0].at[pl.ds(0, EB)]],
                              rows.at[0], gsem).wait()

    def start_scatter(j):
        pltpu.async_copy(rows.at[lax.rem(j, RING)], acc.at[lbuf.at[j]],
                         ssem, add=True)

    def wait_scatter():
        pltpu.make_async_copy(rows.at[0], acc.at[lbuf.at[0]], ssem).wait()

    stage(0)
    pltpu.sync_copy(zeros_hbm, acc.at[pl.ds(s * STRIPE, STRIPE)])
    plsc.subcore_barrier()

    def chunk(ci, carry):
        b = lax.rem(ci, 2)
        wait_stage()

        @pl.when(ci + 1 < NCH)
        def _():
            stage(ci + 1)

        def start_gather(j):
            pltpu.async_copy(
                g_hbm.at[sidx.at[b].at[pl.ds(pl.multiple_of(j * EB, 8), EB)]],
                rows.at[lax.rem(j, RING)], gsem)

        trash = TRASH + s * 16

        def compute_loc(j):
            ii = lax.iota(jnp.int32, 16)
            for kk in range(EB // 16):
                d = didx[b, pl.ds(j * EB + kk * 16, 16)]
                l = d - base
                ok = (l >= 0) & (l < HALF)
                lbuf[j, pl.ds(kk * 16, 16)] = jnp.where(ok, l, trash + ii)

        compute_loc(0)
        start_gather(0)

        def inner(j, carry):
            @pl.when(j >= RING - 1)
            def _():
                wait_scatter()
            start_gather(j + 1)
            compute_loc(j + 1)
            wait_gather()
            start_scatter(j)
            return carry

        lax.fori_loop(0, SUB - 1, inner, 0)
        wait_gather()
        start_scatter(SUB - 1)
        for _ in range(RING):
            wait_scatter()
        return carry

    lax.fori_loop(0, NCH, chunk, 0)
    plsc.subcore_barrier()
    pltpu.sync_copy(acc.at[pl.ds(s * STRIPE, STRIPE)],
                    out_hbm.at[c].at[pl.ds(s * STRIPE, STRIPE)])


@functools.partial(
    pl.kernel,
    out_type=jax.ShapeDtypeStruct((NC, SPR, 16), jnp.float32),
    mesh=_MESH,
    scratch_types=[
        pltpu.VMEM((2, SB), jnp.int32),
        pltpu.VMEM((SUB, EB), jnp.int32),
        pltpu.VMEM((EB, 16), jnp.float32),
        pltpu.VMEM_SHARED((SPR, 16), jnp.float32),
        pltpu.SemaphoreType.DMA,
        pltpu.SemaphoreType.DMA,
    ],
    compiler_params=pltpu.CompilerParams(use_tc_tiling_on_sc=False),
)
def _sc_degree(dst_hbm, zeros_hbm, ones_hbm, out_hbm, didx, lbuf, ones_v, acc,
               ssem, isem):
    c = lax.axis_index("c")
    s = lax.axis_index("s")
    base = c * HALF

    def stage(ci):
        e0 = pl.multiple_of(s * EPT + ci * SB, 8)
        pltpu.async_copy(dst_hbm.at[pl.ds(e0, SB)], didx.at[lax.rem(ci, 2)],
                         isem)

    def wait_stage():
        pltpu.make_async_copy(dst_hbm.at[pl.ds(0, SB)], didx.at[0],
                              isem).wait()

    stage(0)
    pltpu.sync_copy(zeros_hbm, acc.at[pl.ds(s * STRIPE, STRIPE)])
    pltpu.sync_copy(ones_hbm, ones_v)
    plsc.subcore_barrier()

    def chunk(ci, carry):
        b = lax.rem(ci, 2)
        wait_stage()

        @pl.when(ci + 1 < NCH)
        def _():
            stage(ci + 1)

        trash = TRASH + s * 16

        def fire(j, carry):
            ii = lax.iota(jnp.int32, 16)
            for kk in range(EB // 16):
                d = didx[b, pl.ds(j * EB + kk * 16, 16)]
                l = d - base
                ok = (l >= 0) & (l < HALF)
                lbuf[j, pl.ds(kk * 16, 16)] = jnp.where(ok, l, trash + ii)
            pltpu.async_copy(ones_v, acc.at[lbuf.at[j]], ssem, add=True)
            return carry

        lax.fori_loop(0, SUB, fire, 0)

        def drain(j, carry):
            pltpu.make_async_copy(ones_v, acc.at[lbuf.at[0]], ssem).wait()
            return carry

        lax.fori_loop(0, SUB, drain, 0)
        return carry

    lax.fori_loop(0, NCH, chunk, 0)
    plsc.subcore_barrier()
    pltpu.sync_copy(acc.at[pl.ds(s * STRIPE, STRIPE)],
                    out_hbm.at[c].at[pl.ds(s * STRIPE, STRIPE)])



RB = 1000
NRB = N // RB
HB = HALF // RB


def _ln(x, gamma, beta):
    m = jnp.mean(x, axis=-1, keepdims=True)
    v = jnp.mean((x - m) ** 2, axis=-1, keepdims=True)
    return (x - m) * lax.rsqrt(v + 1e-5) * gamma + beta


def _dinv_of(dg):
    deg = dg[0][:, :1] + 1.0
    return lax.rsqrt(jnp.maximum(deg, 1e-12))


def _rep(shape):
    return pl.BlockSpec(shape, lambda j: tuple(0 for _ in shape))


def _rows(f):
    return pl.BlockSpec((RB, f), lambda j: (j, 0))


def _sc_rows(f):
    return pl.BlockSpec((1, RB, f), lambda j: (j // HB, j % HB, 0))


def _encoder(x, W_enc, b_enc, gamma, beta, deg_sc, Wc0):
    def body(x_ref, We, be, ga, bb, dg, W0, h_ref, g_ref):
        h = jnp.dot(x_ref[...], We[...], preferred_element_type=jnp.float32)
        h = jnp.maximum(h + be[...], 0.0)
        h = _ln(h, ga[...], bb[...])
        h_ref[...] = h
        g_ref[...] = _dinv_of(dg) * jnp.dot(
            h, W0[...], preferred_element_type=jnp.float32)

    return pl.pallas_call(
        body,
        grid=(NRB,),
        in_specs=[_rows(2), _rep((2, H)), _rep((1, H)), _rep((1, H)),
                  _rep((1, H)), _sc_rows(16), _rep((H, H))],
        out_specs=[_rows(H), _rows(H)],
        out_shape=[jax.ShapeDtypeStruct((N, H), jnp.float32),
                   jax.ShapeDtypeStruct((N, H), jnp.float32)],
    )(x, W_enc, b_enc, gamma, beta, deg_sc, Wc0)


def _layer(s_sc, gprev, h, deg_sc, bci, gamma, beta, Wnext):
    def body(s_ref, gp, h_ref, dg, bc, ga, bb, Wn, ho, go):
        dinv = _dinv_of(dg)
        t = jnp.maximum(dinv * (s_ref[0] + gp[...]) + bc[...], 0.0)
        hn = _ln(t + h_ref[...], ga[...], bb[...])
        ho[...] = hn
        go[...] = dinv * jnp.dot(hn, Wn[...], preferred_element_type=jnp.float32)

    return pl.pallas_call(
        body,
        grid=(NRB,),
        in_specs=[_sc_rows(H), _rows(H), _rows(H), _sc_rows(16),
                  _rep((1, H)), _rep((1, H)), _rep((1, H)), _rep((H, H))],
        out_specs=[_rows(H), _rows(H)],
        out_shape=[jax.ShapeDtypeStruct((N, H), jnp.float32),
                   jax.ShapeDtypeStruct((N, H), jnp.float32)],
    )(s_sc, gprev, h, deg_sc, bci, gamma, beta, Wnext)


def _final(s_sc, gprev, h, deg_sc, bci, gamma, beta, Wf1, bf1, Wf2, bf2):
    def body(s_ref, gp, h_ref, dg, bc, ga, bb, W1, b1, W2, b2, y_ref):
        dinv = _dinv_of(dg)
        t = jnp.maximum(dinv * (s_ref[0] + gp[...]) + bc[...], 0.0)
        hn = _ln(t + h_ref[...], ga[...], bb[...])
        f = jnp.maximum(
            jnp.dot(hn, W1[...], preferred_element_type=jnp.float32) + b1[...],
            0.0)
        y_ref[...] = jnp.tanh(
            jnp.dot(f, W2[...], preferred_element_type=jnp.float32) + b2[...])

    return pl.pallas_call(
        body,
        grid=(NRB,),
        in_specs=[_sc_rows(H), _rows(H), _rows(H), _sc_rows(16),
                  _rep((1, H)), _rep((1, H)), _rep((1, H)),
                  _rep((H, 32)), _rep((1, 32)), _rep((32, 2)), _rep((1, 2))],
        out_specs=_rows(2),
        out_shape=jax.ShapeDtypeStruct((N, 2), jnp.float32),
    )(s_sc, gprev, h, deg_sc, bci, gamma, beta, Wf1, bf1, Wf2, bf2)


def kernel(x, edge_index, W_enc, b_enc, gamma, beta, Wc, bc, Wf1, bf1, Wf2, bf2):
    src = edge_index[0]
    dst = edge_index[1]
    zeros64 = jnp.zeros((STRIPE, H), jnp.float32)
    zeros16 = jnp.zeros((STRIPE, 16), jnp.float32)
    ones16 = jnp.ones((EB, 16), jnp.float32)
    gamma2 = gamma.reshape(1, H)
    beta2 = beta.reshape(1, H)

    deg_sc = _sc_degree(dst, zeros16, ones16)
    h, g = _encoder(x, W_enc, b_enc.reshape(1, H), gamma2, beta2,
                    deg_sc, Wc[0])
    for i in range(4):
        s_sc = _sc_scatter(g, src, dst, zeros64)
        if i < 3:
            h, g = _layer(s_sc, g, h, deg_sc, bc[i].reshape(1, H),
                          gamma2, beta2, Wc[i + 1])
        else:
            y = _final(s_sc, g, h, deg_sc, bc[3].reshape(1, H), gamma2, beta2,
                       Wf1, bf1.reshape(1, 32), Wf2, bf2.reshape(1, 2))
    return y

# --- scband reference (transcript-rebuilt; emitter-appended) ---
"""Pipeline reference for scband-enhanced-gnn-46703474377039 (READ-ONLY COPY).

The authoritative reference and input builder live on the scoring server;
editing this copy changes nothing except your own understanding.
"""

import jax, jax.numpy as jnp
import numpy as np

N = 50000
E = 800000
H = 64
L = 4


def layer_norm(x, g, b, eps=1e-5):
    m = jnp.mean(x, axis=-1, keepdims=True)
    v = jnp.mean((x - m) ** 2, axis=-1, keepdims=True)
    return (x - m) * jax.lax.rsqrt(v + eps) * g + b


def gcn_conv(x, edge_index, W, b):
    n = x.shape[0]
    h = x @ W
    loop = jnp.arange(n, dtype=edge_index.dtype)
    src = jnp.concatenate([edge_index[0], loop])
    dst = jnp.concatenate([edge_index[1], loop])
    deg = jnp.zeros((n,), h.dtype).at[dst].add(1.0)
    dinv = jax.lax.rsqrt(jnp.maximum(deg, 1e-12))
    norm = dinv[src] * dinv[dst]
    msg = h[src] * norm[:, None]
    out = jnp.zeros_like(h).at[dst].add(msg)
    return out + b


def setup_inputs(seed: int = 0) -> dict:
    key = jax.random.key(seed)
    ks = jax.random.split(key, 14)
    x = jax.random.normal(ks[0], (N, 2), dtype=jnp.float32)
    edge_index = jax.random.randint(ks[1], (2, E), 0, N, dtype=jnp.int32)
    W_enc = jax.random.normal(ks[2], (2, H), dtype=jnp.float32) * (1.0 / np.sqrt(2.0))
    b_enc = jnp.zeros((H,), jnp.float32)
    gamma = jnp.ones((H,), jnp.float32)
    beta = jnp.zeros((H,), jnp.float32)
    Wc = jax.random.normal(ks[3], (L, H, H), dtype=jnp.float32) * (1.0 / np.sqrt(H))
    bc = jnp.zeros((L, H), jnp.float32)
    Wf1 = jax.random.normal(ks[4], (H, 32), dtype=jnp.float32) * (1.0 / np.sqrt(H))
    bf1 = jnp.zeros((32,), jnp.float32)
    Wf2 = jax.random.normal(ks[5], (32, 2), dtype=jnp.float32) * (1.0 / np.sqrt(32.0))
    bf2 = jnp.zeros((2,), jnp.float32)
    return {"x": x, "edge_index": edge_index, "W_enc": W_enc, "b_enc": b_enc,
            "gamma": gamma, "beta": beta, "Wc": Wc, "bc": bc,
            "Wf1": Wf1, "bf1": bf1, "Wf2": Wf2, "bf2": bf2}


def reference(x, edge_index, W_enc, b_enc, gamma, beta, Wc, bc, Wf1, bf1, Wf2, bf2):
    h = jax.nn.relu(x @ W_enc + b_enc)
    h = layer_norm(h, gamma, beta)
    for i in range(L):
        res = h
        h = jax.nn.relu(gcn_conv(h, edge_index, Wc[i], bc[i]))
        h = h + res
        h = layer_norm(h, gamma, beta)
        # dropout (p=0.3) is identity in eval mode
    h = jax.nn.relu(h @ Wf1 + bf1)
    return jnp.tanh(h @ Wf2 + bf2)

if __name__ == "__main__":
    import jax
    _d = setup_inputs()
    print(jax.jit(kernel)(*tuple(_d.values())))

</pallas_src>

<mosaic_0001>
#map = affine_map<(d0, d1) -> (0)>
#map1 = affine_map<(d0, d1) -> (0, 0)>
#map2 = affine_map<(d0, d1) -> (0, 0, 0)>
module attributes {stable_mosaic.version = 14 : i64} {
  func.func @_sc_degree(%arg0: i32, %arg1: i32, %arg2: memref<800000xi32, #tpu.memory_space<hbm>>, %arg3: memref<1584x16xf32, #tpu.memory_space<hbm>>, %arg4: memref<80x16xf32, #tpu.memory_space<hbm>>, %arg5: memref<2x25344x16xf32, #tpu.memory_space<hbm>>, %arg6: memref<2x2000xi32, #tpu.memory_space<vmem>>, %arg7: memref<25x80xi32, #tpu.memory_space<vmem>>, %arg8: memref<80x16xf32, #tpu.memory_space<vmem>>, %arg9: memref<25344x16xf32, #tpu.memory_space<vmem_shared>>, %arg10: memref<!tpu.dma_semaphore, #tpu.memory_space<semaphore_mem>>, %arg11: memref<!tpu.dma_semaphore, #tpu.memory_space<semaphore_mem>>) attributes {dimension_semantics = [#tpu.dimension_semantics<core_parallel>, #tpu.dimension_semantics<subcore_parallel>], iteration_bounds = array<i64: 2, 16>, scalar_prefetch = 0 : i64, scratch_operands = 6 : i64, tpu.core_type = #tpu.core_type<sc_vector_subcore>, window_params = [{transform_indices = #map}, {transform_indices = #map1}, {transform_indices = #map1}, {transform_indices = #map2}]} {
    %mul3A = arith.constant 25000 : i32
    %mul3A_0 = arith.muli %arg0, %mul3A : i32
    %mul3A_1 = arith.constant 50000 : i32
    %mul3A_2 = arith.muli %arg1, %mul3A_1 : i32
    %add3A = arith.constant 0 : i32
    %add3A_3 = arith.addi %mul3A_2, %add3A : i32
    %multiple_of3A = tpu.assume_multiple %add3A_3, 8 : i32
    %rem3A = arith.constant 0 : i32
    %rem3A_4 = arith.constant 2 : i32
    %rem3A_5 = arith.remsi %rem3A, %rem3A_4 : i32
    %dma_start3A = arith.constant 0 : i32
    %dma_start3A_6 = tpu.memref_slice %arg6[%rem3A_5, %dma_start3A] : memref<2x2000xi32, #tpu.memory_space<vmem>> -> memref<1x2000xi32, #tpu.memory_space<vmem>>
    %dma_start3A_7 = tpu.memref_squeeze %dma_start3A_6 : memref<1x2000xi32, #tpu.memory_space<vmem>> -> memref<2000xi32, #tpu.memory_space<vmem>>
    %dma_start3A_8 = tpu.memref_slice %arg2[%multiple_of3A] : memref<800000xi32, #tpu.memory_space<hbm>> -> memref<2000xi32, #tpu.memory_space<hbm>>
    %dma_start3A_9 = arith.constant 0 : i32
    %dma_start3A_10 = tpu.memref_slice %arg6[%rem3A_5, %dma_start3A_9] : memref<2x2000xi32, #tpu.memory_space<vmem>> -> memref<1x2000xi32, #tpu.memory_space<vmem>>
    %dma_start3A_11 = tpu.memref_squeeze %dma_start3A_10 : memref<1x2000xi32, #tpu.memory_space<vmem>> -> memref<2000xi32, #tpu.memory_space<vmem>>
    %dma_start3A_12 = tpu.memref_slice %arg2[%multiple_of3A] : memref<800000xi32, #tpu.memory_space<hbm>> -> memref<2000xi32, #tpu.memory_space<hbm>>
    tpu.enqueue_dma source(%dma_start3A_12 : memref<2000xi32, #tpu.memory_space<hbm>>) target(%dma_start3A_11 : memref<2000xi32, #tpu.memory_space<vmem>>) target_semaphore(%arg11 : memref<!tpu.dma_semaphore, #tpu.memory_space<semaphore_mem>>)
    %mul3A_13 = arith.constant 1584 : i32
    %mul3A_14 = arith.muli %arg1, %mul3A_13 : i32
    "tpu.region"() ({
      %run_scoped3A = tpu.sem_alloc : memref<!tpu.dma_semaphore, #tpu.memory_space<semaphore_mem>>
      %dma_start3A_25 = arith.constant 0 : i32
      %dma_start3A_26 = tpu.memref_slice %arg9[%mul3A_14, %dma_start3A_25] : memref<25344x16xf32, #tpu.memory_space<vmem_shared>> -> memref<1584x16xf32, #tpu.memory_space<vmem_shared>>
      tpu.enqueue_dma source(%arg3 : memref<1584x16xf32, #tpu.memory_space<hbm>>) target(%dma_start3A_26 : memref<1584x16xf32, #tpu.memory_space<vmem_shared>>) target_semaphore(%run_scoped3A : memref<!tpu.dma_semaphore, #tpu.memory_space<semaphore_mem>>)
      %dma_wait3A = arith.constant 0 : i32
      %dma_wait3A_27 = tpu.memref_slice %arg9[%mul3A_14, %dma_wait3A] : memref<25344x16xf32, #tpu.memory_space<vmem_shared>> -> memref<1584x16xf32, #tpu.memory_space<vmem_shared>>
      tpu.wait_dma2 semaphore(%run_scoped3A : memref<!tpu.dma_semaphore, #tpu.memory_space<semaphore_mem>>) src(%arg3 : memref<1584x16xf32, #tpu.memory_space<hbm>>) dst(%dma_wait3A_27 : memref<1584x16xf32, #tpu.memory_space<vmem_shared>>)
      tpu.yield
    }) : () -> ()
    "tpu.region"() ({
      %run_scoped3A = tpu.sem_alloc : memref<!tpu.dma_semaphore, #tpu.memory_space<semaphore_mem>>
      tpu.enqueue_dma source(%arg4 : memref<80x16xf32, #tpu.memory_space<hbm>>) target(%arg8 : memref<80x16xf32, #tpu.memory_space<vmem>>) target_semaphore(%run_scoped3A : memref<!tpu.dma_semaphore, #tpu.memory_space<semaphore_mem>>)
      tpu.wait_dma2 semaphore(%run_scoped3A : memref<!tpu.dma_semaphore, #tpu.memory_space<semaphore_mem>>) src(%arg4 : memref<80x16xf32, #tpu.memory_space<hbm>>) dst(%arg8 : memref<80x16xf32, #tpu.memory_space<vmem>>)
      tpu.yield
    }) : () -> ()
    %barrier3A = arith.constant 0 : index
    tpu.barrier barrier_id(%barrier3A)
    %scan3A = arith.constant 0 : i32
    %scan3A_15 = arith.constant 0 : i32
    %scan3A_16 = arith.constant 25 : i32
    %scan3A_17 = arith.addi %scan3A_15, %scan3A_16 : i32
    %scan3A_18 = arith.constant 1 : i32
    scf.for %scan3A_25 = %scan3A_15 to %scan3A_17 step %scan3A_18  : i32 {
      %rem3A_26 = arith.constant 2 : i32
      %rem3A_27 = arith.remsi %scan3A_25, %rem3A_26 : i32
      %dma_wait3A = arith.constant 0 : i32
      %dma_wait3A_28 = arith.constant 0 : i32
      %dma_wait3A_29 = tpu.memref_slice %arg6[%dma_wait3A, %dma_wait3A_28] : memref<2x2000xi32, #tpu.memory_space<vmem>> -> memref<1x2000xi32, #tpu.memory_space<vmem>>
      %dma_wait3A_30 = tpu.memref_squeeze %dma_wait3A_29 : memref<1x2000xi32, #tpu.memory_space<vmem>> -> memref<2000xi32, #tpu.memory_space<vmem>>
      %dma_wait3A_31 = arith.constant 0 : i32
      %dma_wait3A_32 = tpu.memref_slice %arg2[%dma_wait3A_31] : memref<800000xi32, #tpu.memory_space<hbm>> -> memref<2000xi32, #tpu.memory_space<hbm>>
      %dma_wait3A_33 = arith.constant 0 : i32
      %dma_wait3A_34 = tpu.memref_slice %arg6[%dma_wait3A, %dma_wait3A_33] : memref<2x2000xi32, #tpu.memory_space<vmem>> -> memref<1x2000xi32, #tpu.memory_space<vmem>>
      %dma_wait3A_35 = tpu.memref_squeeze %dma_wait3A_34 : memref<1x2000xi32, #tpu.memory_space<vmem>> -> memref<2000xi32, #tpu.memory_space<vmem>>
      %dma_wait3A_36 = arith.constant 0 : i32
      %dma_wait3A_37 = tpu.memref_slice %arg2[%dma_wait3A_36] : memref<800000xi32, #tpu.memory_space<hbm>> -> memref<2000xi32, #tpu.memory_space<hbm>>
      tpu.wait_dma2 semaphore(%arg11 : memref<!tpu.dma_semaphore, #tpu.memory_space<semaphore_mem>>) src(%dma_wait3A_37 : memref<2000xi32, #tpu.memory_space<hbm>>) dst(%dma_wait3A_35 : memref<2000xi32, #tpu.memory_space<vmem>>)
      %add3A_38 = arith.constant 1 : i32
      %add3A_39 = arith.addi %scan3A_25, %add3A_38 : i32
      %lt3A = arith.constant 25 : i32
      %lt3A_40 = arith.cmpi slt, %add3A_39, %lt3A : i32
      %convert_element_type3A = arith.extui %lt3A_40 : i1 to i32
      %cond3A = arith.constant 0 : i32
      %cond3A_41 = arith.cmpi ne, %convert_element_type3A, %cond3A : i32
      scf.if %cond3A_41 {
        %add3A_58 = arith.constant 1 : i32
        %add3A_59 = arith.addi %scan3A_25, %add3A_58 : i32
        %mul3A_60 = arith.constant 50000 : i32
        %mul3A_61 = arith.muli %arg1, %mul3A_60 : i32
        %mul3A_62 = arith.constant 2000 : i32
        %mul3A_63 = arith.muli %add3A_59, %mul3A_62 : i32
        %add3A_64 = arith.addi %mul3A_61, %mul3A_63 : i32
        %multiple_of3A_65 = tpu.assume_multiple %add3A_64, 8 : i32
        %rem3A_66 = arith.constant 2 : i32
        %rem3A_67 = arith.remsi %add3A_59, %rem3A_66 : i32
        %dma_start3A_68 = arith.constant 0 : i32
        %dma_start3A_69 = tpu.memref_slice %arg6[%rem3A_67, %dma_start3A_68] : memref<2x2000xi32, #tpu.memory_space<vmem>> -> memref<1x2000xi32, #tpu.memory_space<vmem>>
        %dma_start3A_70 = tpu.memref_squeeze %dma_start3A_69 : memref<1x2000xi32, #tpu.memory_space<vmem>> -> memref<2000xi32, #tpu.memory_space<vmem>>
        %dma_start3A_71 = tpu.memref_slice %arg2[%multiple_of3A_65] : memref<800000xi32, #tpu.memory_space<hbm>> -> memref<2000xi32, #tpu.memory_space<hbm>>
        %dma_start3A_72 = arith.constant 0 : i32
        %dma_start3A_73 = tpu.memref_slice %arg6[%rem3A_67, %dma_start3A_72] : memref<2x2000xi32, #tpu.memory_space<vmem>> -> memref<1x2000xi32, #tpu.memory_space<vmem>>
        %dma_start3A_74 = tpu.memref_squeeze %dma_start3A_73 : memref<1x2000xi32, #tpu.memory_space<vmem>> -> memref<2000xi32, #tpu.memory_space<vmem>>
        %dma_start3A_75 = tpu.memref_slice %arg2[%multiple_of3A_65] : memref<800000xi32, #tpu.memory_space<hbm>> -> memref<2000xi32, #tpu.memory_space<hbm>>
        tpu.enqueue_dma source(%dma_start3A_75 : memref<2000xi32, #tpu.memory_space<hbm>>) target(%dma_start3A_74 : memref<2000xi32, #tpu.memory_space<vmem>>) target_semaphore(%arg11 : memref<!tpu.dma_semaphore, #tpu.memory_space<semaphore_mem>>)
      } else {
      }
      %mul3A_42 = arith.constant 16 : i32
      %mul3A_43 = arith.muli %arg1, %mul3A_42 : i32
      %add3A_44 = arith.constant 25000 : i32
      %add3A_45 = arith.addi %add3A_44, %mul3A_43 : i32
      %scan3A_46 = arith.constant 0 : i32
      %scan3A_47 = arith.constant 0 : i32
      %scan3A_48 = arith.constant 25 : i32
      %scan3A_49 = arith.addi %scan3A_47, %scan3A_48 : i32
      %scan3A_50 = arith.constant 1 : i32
      scf.for %scan3A_58 = %scan3A_47 to %scan3A_49 step %scan3A_50  : i32 {
        %iota3A = tpu.iota {dimensions = array<i32: 0>} : vector<16xi32>
        %mul3A_59 = arith.constant 80 : i32
        %mul3A_60 = arith.muli %scan3A_58, %mul3A_59 : i32
        %add3A_61 = arith.constant 0 : i32
        %add3A_62 = arith.addi %mul3A_60, %add3A_61 : i32
        %get3A = arith.index_cast %rem3A_27 : i32 to index
        %get3A_63 = arith.index_cast %add3A_62 : i32 to index
        %get3A_64 = tpu.vector_load %arg6[%get3A, %get3A_63] {strides = array<i32>} : memref<2x2000xi32, #tpu.memory_space<vmem>>, vector<1x16xi32>,
        %get3A_65 = vector.shape_cast %get3A_64 : vector<1x16xi32> to vector<16xi32>
        %sub3A = vector.broadcast %mul3A_0 : i32 to vector<16xi32>
        %sub3A_66 = arith.subi %get3A_65, %sub3A : vector<16xi32>
        %ge3A = arith.constant 0 : i32
        %ge3A_67 = vector.broadcast %ge3A : i32 to vector<16xi32>
        %ge3A_68 = arith.cmpi sge, %sub3A_66, %ge3A_67 : vector<16xi32>
        %lt3A_69 = arith.constant 25000 : i32
        %lt3A_70 = vector.broadcast %lt3A_69 : i32 to vector<16xi32>
        %lt3A_71 = arith.cmpi slt, %sub3A_66, %lt3A_70 : vector<16xi32>
        %and3A = arith.andi %ge3A_68, %lt3A_71 : vector<16xi1>
        %add3A_72 = vector.broadcast %add3A_45 : i32 to vector<16xi32>
        %add3A_73 = arith.addi %add3A_72, %iota3A : vector<16xi32>
        %select_n3A = arith.select %and3A, %sub3A_66, %add3A_73 : vector<16xi1>, vector<16xi32>
        %swap3A = arith.index_cast %scan3A_58 : i32 to index
        %swap3A_74 = arith.constant 0 : index
        %swap3A_75 = tpu.vector_load %arg7[%swap3A, %swap3A_74] {strides = array<i32>} : memref<25x80xi32, #tpu.memory_space<vmem>>, vector<1x16xi32>,
        %swap3A_76 = vector.shape_cast %swap3A_75 : vector<1x16xi32> to vector<16xi32>
        %swap3A_77 = vector.shape_cast %select_n3A : vector<16xi32> to vector<1x16xi32>
        tpu.vector_store %arg7[%swap3A, %swap3A_74], %swap3A_77 {strides = array<i32>} : memref<25x80xi32, #tpu.memory_space<vmem>>, vector<1x16xi32>,
        %mul3A_78 = arith.constant 80 : i32
        %mul3A_79 = arith.muli %scan3A_58, %mul3A_78 : i32
        %add3A_80 = arith.constant 16 : i32
        %add3A_81 = arith.addi %mul3A_79, %add3A_80 : i32
        %get3A_82 = arith.index_cast %rem3A_27 : i32 to index
        %get3A_83 = arith.index_cast %add3A_81 : i32 to index
        %get3A_84 = tpu.vector_load %arg6[%get3A_82, %get3A_83] {strides = array<i32>} : memref<2x2000xi32, #tpu.memory_space<vmem>>, vector<1x16xi32>,
        %get3A_85 = vector.shape_cast %get3A_84 : vector<1x16xi32> to vector<16xi32>
        %sub3A_86 = vector.broadcast %mul3A_0 : i32 to vector<16xi32>
        %sub3A_87 = arith.subi %get3A_85, %sub3A_86 : vector<16xi32>
        %ge3A_88 = arith.constant 0 : i32
        %ge3A_89 = vector.broadcast %ge3A_88 : i32 to vector<16xi32>
        %ge3A_90 = arith.cmpi sge, %sub3A_87, %ge3A_89 : vector<16xi32>
        %lt3A_91 = arith.constant 25000 : i32
        %lt3A_92 = vector.broadcast %lt3A_91 : i32 to vector<16xi32>
        %lt3A_93 = arith.cmpi slt, %sub3A_87, %lt3A_92 : vector<16xi32>
        %and3A_94 = arith.andi %ge3A_90, %lt3A_93 : vector<16xi1>
        %add3A_95 = vector.broadcast %add3A_45 : i32 to vector<16xi32>
        %add3A_96 = arith.addi %add3A_95, %iota3A : vector<16xi32>
        %select_n3A_97 = arith.select %and3A_94, %sub3A_87, %add3A_96 : vector<16xi1>, vector<16xi32>
        %swap3A_98 = arith.index_cast %scan3A_58 : i32 to index
        %swap3A_99 = arith.constant 16 : index
        %swap3A_100 = tpu.vector_load %arg7[%swap3A_98, %swap3A_99] {strides = array<i32>} : memref<25x80xi32, #tpu.memory_space<vmem>>, vector<1x16xi32>,
        %swap3A_101 = vector.shape_cast %swap3A_100 : vector<1x16xi32> to vector<16xi32>
        %swap3A_102 = vector.shape_cast %select_n3A_97 : vector<16xi32> to vector<1x16xi32>
        tpu.vector_store %arg7[%swap3A_98, %swap3A_99], %swap3A_102 {strides = array<i32>} : memref<25x80xi32, #tpu.memory_space<vmem>>, vector<1x16xi32>,
        %mul3A_103 = arith.constant 80 : i32
        %mul3A_104 = arith.muli %scan3A_58, %mul3A_103 : i32
        %add3A_105 = arith.constant 32 : i32
        %add3A_106 = arith.addi %mul3A_104, %add3A_105 : i32
        %get3A_107 = arith.index_cast %rem3A_27 : i32 to index
        %get3A_108 = arith.index_cast %add3A_106 : i32 to index
        %get3A_109 = tpu.vector_load %arg6[%get3A_107, %get3A_108] {strides = array<i32>} : memref<2x2000xi32, #tpu.memory_space<vmem>>, vector<1x16xi32>,
        %get3A_110 = vector.shape_cast %get3A_109 : vector<1x16xi32> to vector<16xi32>
        %sub3A_111 = vector.broadcast %mul3A_0 : i32 to vector<16xi32>
        %sub3A_112 = arith.subi %get3A_110, %sub3A_111 : vector<16xi32>
        %ge3A_113 = arith.constant 0 : i32
        %ge3A_114 = vector.broadcast %ge3A_113 : i32 to vector<16xi32>
        %ge3A_115 = arith.cmpi sge, %sub3A_112, %ge3A_114 : vector<16xi32>
        %lt3A_116 = arith.constant 25000 : i32
        %lt3A_117 = vector.broadcast %lt3A_116 : i32 to vector<16xi32>
        %lt3A_118 = arith.cmpi slt, %sub3A_112, %lt3A_117 : vector<16xi32>
        %and3A_119 = arith.andi %ge3A_115, %lt3A_118 : vector<16xi1>
        %add3A_120 = vector.broadcast %add3A_45 : i32 to vector<16xi32>
        %add3A_121 = arith.addi %add3A_120, %iota3A : vector<16xi32>
        %select_n3A_122 = arith.select %and3A_119, %sub3A_112, %add3A_121 : vector<16xi1>, vector<16xi32>
        %swap3A_123 = arith.index_cast %scan3A_58 : i32 to index
        %swap3A_124 = arith.constant 32 : index
        %swap3A_125 = tpu.vector_load %arg7[%swap3A_123, %swap3A_124] {strides = array<i32>} : memref<25x80xi32, #tpu.memory_space<vmem>>, vector<1x16xi32>,
        %swap3A_126 = vector.shape_cast %swap3A_125 : vector<1x16xi32> to vector<16xi32>
        %swap3A_127 = vector.shape_cast %select_n3A_122 : vector<16xi32> to vector<1x16xi32>
        tpu.vector_store %arg7[%swap3A_123, %swap3A_124], %swap3A_127 {strides = array<i32>} : memref<25x80xi32, #tpu.memory_space<vmem>>, vector<1x16xi32>,
        %mul3A_128 = arith.constant 80 : i32
        %mul3A_129 = arith.muli %scan3A_58, %mul3A_128 : i32
        %add3A_130 = arith.constant 48 : i32
        %add3A_131 = arith.addi %mul3A_129, %add3A_130 : i32
        %get3A_132 = arith.index_cast %rem3A_27 : i32 to index
        %get3A_133 = arith.index_cast %add3A_131 : i32 to index
        %get3A_134 = tpu.vector_load %arg6[%get3A_132, %get3A_133] {strides = array<i32>} : memref<2x2000xi32, #tpu.memory_space<vmem>>, vector<1x16xi32>,
        %get3A_135 = vector.shape_cast %get3A_134 : vector<1x16xi32> to vector<16xi32>
        %sub3A_136 = vector.broadcast %mul3A_0 : i32 to vector<16xi32>
        %sub3A_137 = arith.subi %get3A_135, %sub3A_136 : vector<16xi32>
        %ge3A_138 = arith.constant 0 : i32
        %ge3A_139 = vector.broadcast %ge3A_138 : i32 to vector<16xi32>
        %ge3A_140 = arith.cmpi sge, %sub3A_137, %ge3A_139 : vector<16xi32>
        %lt3A_141 = arith.constant 25000 : i32
        %lt3A_142 = vector.broadcast %lt3A_141 : i32 to vector<16xi32>
        %lt3A_143 = arith.cmpi slt, %sub3A_137, %lt3A_142 : vector<16xi32>
        %and3A_144 = arith.andi %ge3A_140, %lt3A_143 : vector<16xi1>
        %add3A_145 = vector.broadcast %add3A_45 : i32 to vector<16xi32>
        %add3A_146 = arith.addi %add3A_145, %iota3A : vector<16xi32>
        %select_n3A_147 = arith.select %and3A_144, %sub3A_137, %add3A_146 : vector<16xi1>, vector<16xi32>
        %swap3A_148 = arith.index_cast %scan3A_58 : i32 to index
        %swap3A_149 = arith.constant 48 : index
        %swap3A_150 = tpu.vector_load %arg7[%swap3A_148, %swap3A_149] {strides = array<i32>} : memref<25x80xi32, #tpu.memory_space<vmem>>, vector<1x16xi32>,
        %swap3A_151 = vector.shape_cast %swap3A_150 : vector<1x16xi32> to vector<16xi32>
        %swap3A_152 = vector.shape_cast %select_n3A_147 : vector<16xi32> to vector<1x16xi32>
        tpu.vector_store %arg7[%swap3A_148, %swap3A_149], %swap3A_152 {strides = array<i32>} : memref<25x80xi32, #tpu.memory_space<vmem>>, vector<1x16xi32>,
        %mul3A_153 = arith.constant 80 : i32
        %mul3A_154 = arith.muli %scan3A_58, %mul3A_153 : i32
        %add3A_155 = arith.constant 64 : i32
        %add3A_156 = arith.addi %mul3A_154, %add3A_155 : i32
        %get3A_157 = arith.index_cast %rem3A_27 : i32 to index
        %get3A_158 = arith.index_cast %add3A_156 : i32 to index
        %get3A_159 = tpu.vector_load %arg6[%get3A_157, %get3A_158] {strides = array<i32>} : memref<2x2000xi32, #tpu.memory_space<vmem>>, vector<1x16xi32>,
        %get3A_160 = vector.shape_cast %get3A_159 : vector<1x16xi32> to vector<16xi32>
        %sub3A_161 = vector.broadcast %mul3A_0 : i32 to vector<16xi32>
        %sub3A_162 = arith.subi %get3A_160, %sub3A_161 : vector<16xi32>
        %ge3A_163 = arith.constant 0 : i32
        %ge3A_164 = vector.broadcast %ge3A_163 : i32 to vector<16xi32>
        %ge3A_165 = arith.cmpi sge, %sub3A_162, %ge3A_164 : vector<16xi32>
        %lt3A_166 = arith.constant 25000 : i32
        %lt3A_167 = vector.broadcast %lt3A_166 : i32 to vector<16xi32>
        %lt3A_168 = arith.cmpi slt, %sub3A_162, %lt3A_167 : vector<16xi32>
        %and3A_169 = arith.andi %ge3A_165, %lt3A_168 : vector<16xi1>
        %add3A_170 = vector.broadcast %add3A_45 : i32 to vector<16xi32>
        %add3A_171 = arith.addi %add3A_170, %iota3A : vector<16xi32>
        %select_n3A_172 = arith.select %and3A_169, %sub3A_162, %add3A_171 : vector<16xi1>, vector<16xi32>
        %swap3A_173 = arith.index_cast %scan3A_58 : i32 to index
        %swap3A_174 = arith.constant 64 : index
        %swap3A_175 = tpu.vector_load %arg7[%swap3A_173, %swap3A_174] {strides = array<i32>} : memref<25x80xi32, #tpu.memory_space<vmem>>, vector<1x16xi32>,
        %swap3A_176 = vector.shape_cast %swap3A_175 : vector<1x16xi32> to vector<16xi32>
        %swap3A_177 = vector.shape_cast %select_n3A_172 : vector<16xi32> to vector<1x16xi32>
        tpu.vector_store %arg7[%swap3A_173, %swap3A_174], %swap3A_177 {strides = array<i32>} : memref<25x80xi32, #tpu.memory_space<vmem>>, vector<1x16xi32>,
        %dma_start3A_178 = arith.constant 0 : i32
        %dma_start3A_179 = tpu.memref_slice %arg7[%scan3A_58, %dma_start3A_178] : memref<25x80xi32, #tpu.memory_space<vmem>> -> memref<1x80xi32, #tpu.memory_space<vmem>>
        %dma_start3A_180 = tpu.memref_squeeze %dma_start3A_179 : memref<1x80xi32, #tpu.memory_space<vmem>> -> memref<80xi32, #tpu.memory_space<vmem>>
        %dma_start3A_181 = arith.constant 0 : i32
        %dma_start3A_182 = arith.constant 0 : i32
        %dma_start3A_183 = tpu.memref_slice %arg9[%dma_start3A_181, %dma_start3A_182] : memref<25344x16xf32, #tpu.memory_space<vmem_shared>> -> memref<25344x16xf32, #tpu.memory_space<vmem_shared>>
        tpu.enqueue_indirect_dma source(%arg8 : memref<80x16xf32, #tpu.memory_space<vmem>>) target(%dma_start3A_183 : memref<25344x16xf32, #tpu.memory_space<vmem_shared>>) offsets(%dma_start3A_180 : memref<80xi32, #tpu.memory_space<vmem>>) semaphore(%arg10 : memref<!tpu.dma_semaphore, #tpu.memory_space<semaphore_mem>>) {add = true}
      }
      %scan3A_51 = arith.constant 25 : i32
      %scan3A_52 = arith.constant 0 : i32
      %scan3A_53 = arith.constant 0 : i32
      %scan3A_54 = arith.constant 25 : i32
      %scan3A_55 = arith.addi %scan3A_53, %scan3A_54 : i32
      %scan3A_56 = arith.constant 1 : i32
      scf.for %scan3A_58 = %scan3A_53 to %scan3A_55 step %scan3A_56  : i32 {
        %dma_wait3A_59 = arith.constant 0 : i32
        %dma_wait3A_60 = arith.constant 0 : i32
        %dma_wait3A_61 = tpu.memref_slice %arg7[%dma_wait3A_59, %dma_wait3A_60] : memref<25x80xi32, #tpu.memory_space<vmem>> -> memref<1x80xi32, #tpu.memory_space<vmem>>
        %dma_wait3A_62 = tpu.memref_squeeze %dma_wait3A_61 : memref<1x80xi32, #tpu.memory_space<vmem>> -> memref<80xi32, #tpu.memory_space<vmem>>
        %dma_wait3A_63 = arith.constant 0 : i32
        %dma_wait3A_64 = arith.constant 0 : i32
        %dma_wait3A_65 = tpu.memref_slice %arg9[%dma_wait3A_63, %dma_wait3A_64] : memref<25344x16xf32, #tpu.memory_space<vmem_shared>> -> memref<25344x16xf32, #tpu.memory_space<vmem_shared>>
        tpu.wait_indirect_dma semaphore(%arg10 : memref<!tpu.dma_semaphore, #tpu.memory_space<semaphore_mem>>) src(%arg8 : memref<80x16xf32, #tpu.memory_space<vmem>>) dst(%dma_wait3A_65 : memref<25344x16xf32, #tpu.memory_space<vmem_shared>>)
      }
      %scan3A_57 = arith.constant 25 : i32
    }
    %scan3A_19 = arith.constant 25 : i32
    %barrier3A_20 = arith.constant 0 : index
    tpu.barrier barrier_id(%barrier3A_20)
    %mul3A_21 = arith.constant 1584 : i32
    %mul3A_22 = arith.muli %arg1, %mul3A_21 : i32
    %mul3A_23 = arith.constant 1584 : i32
    %mul3A_24 = arith.muli %arg1, %mul3A_23 : i32
    "tpu.region"() ({
      %run_scoped3A = tpu.sem_alloc : memref<!tpu.dma_semaphore, #tpu.memory_space<semaphore_mem>>
      %dma_start3A_25 = arith.constant 0 : i32
      %dma_start3A_26 = arith.constant 0 : i32
      %dma_start3A_27 = tpu.memref_slice %arg5[%arg0, %dma_start3A_25, %dma_start3A_26] : memref<2x25344x16xf32, #tpu.memory_space<hbm>> -> memref<1x25344x16xf32, #tpu.memory_space<hbm>>
      %dma_start3A_28 = tpu.memref_squeeze %dma_start3A_27 : memref<1x25344x16xf32, #tpu.memory_space<hbm>> -> memref<25344x16xf32, #tpu.memory_space<hbm>>
      %dma_start3A_29 = arith.constant 0 : i32
      %dma_start3A_30 = tpu.memref_slice %dma_start3A_28[%mul3A_24, %dma_start3A_29] : memref<25344x16xf32, #tpu.memory_space<hbm>> -> memref<1584x16xf32, #tpu.memory_space<hbm>>
      %dma_start3A_31 = arith.constant 0 : i32
      %dma_start3A_32 = tpu.memref_slice %arg9[%mul3A_22, %dma_start3A_31] : memref<25344x16xf32, #tpu.memory_space<vmem_shared>> -> memref<1584x16xf32, #tpu.memory_space<vmem_shared>>
      tpu.enqueue_dma source(%dma_start3A_32 : memref<1584x16xf32, #tpu.memory_space<vmem_shared>>) target(%dma_start3A_30 : memref<1584x16xf32, #tpu.memory_space<hbm>>) target_semaphore(%run_scoped3A : memref<!tpu.dma_semaphore, #tpu.memory_space<semaphore_mem>>)
      %dma_wait3A = arith.constant 0 : i32
      %dma_wait3A_33 = arith.constant 0 : i32
      %dma_wait3A_34 = tpu.memref_slice %arg5[%arg0, %dma_wait3A, %dma_wait3A_33] : memref<2x25344x16xf32, #tpu.memory_space<hbm>> -> memref<1x25344x16xf32, #tpu.memory_space<hbm>>
      %dma_wait3A_35 = tpu.memref_squeeze %dma_wait3A_34 : memref<1x25344x16xf32, #tpu.memory_space<hbm>> -> memref<25344x16xf32, #tpu.memory_space<hbm>>
      %dma_wait3A_36 = arith.constant 0 : i32
      %dma_wait3A_37 = tpu.memref_slice %dma_wait3A_35[%mul3A_24, %dma_wait3A_36] : memref<25344x16xf32, #tpu.memory_space<hbm>> -> memref<1584x16xf32, #tpu.memory_space<hbm>>
      %dma_wait3A_38 = arith.constant 0 : i32
      %dma_wait3A_39 = tpu.memref_slice %arg9[%mul3A_22, %dma_wait3A_38] : memref<25344x16xf32, #tpu.memory_space<vmem_shared>> -> memref<1584x16xf32, #tpu.memory_space<vmem_shared>>
      tpu.wait_dma2 semaphore(%run_scoped3A : memref<!tpu.dma_semaphore, #tpu.memory_space<semaphore_mem>>) src(%dma_wait3A_39 : memref<1584x16xf32, #tpu.memory_space<vmem_shared>>) dst(%dma_wait3A_37 : memref<1584x16xf32, #tpu.memory_space<hbm>>)
      tpu.yield
    }) : () -> ()
    return
  }
}

#map = affine_map<(d0, d1) -> (0, 0)>
#map1 = affine_map<(d0, d1) -> (0)>
#map2 = affine_map<(d0, d1) -> (0, 0, 0)>
module attributes {stable_mosaic.version = 14 : i64} {
  func.func @_sc_scatter(%arg0: i32, %arg1: i32, %arg2: memref<50000x64xf32, #tpu.memory_space<hbm>>, %arg3: memref<800000xi32, #tpu.memory_space<hbm>>, %arg4: memref<800000xi32, #tpu.memory_space<hbm>>, %arg5: memref<1584x64xf32, #tpu.memory_space<hbm>>, %arg6: memref<2x25344x64xf32, #tpu.memory_space<hbm>>, %arg7: memref<2x2000xi32, #tpu.memory_space<vmem>>, %arg8: memref<2x2000xi32, #tpu.memory_space<vmem>>, %arg9: memref<25x80xi32, #tpu.memory_space<vmem>>, %arg10: memref<2x80x64xf32, #tpu.memory_space<vmem>>, %arg11: memref<25344x64xf32, #tpu.memory_space<vmem_shared>>, %arg12: memref<!tpu.dma_semaphore, #tpu.memory_space<semaphore_mem>>, %arg13: memref<!tpu.dma_semaphore, #tpu.memory_space<semaphore_mem>>, %arg14: memref<!tpu.dma_semaphore, #tpu.memory_space<semaphore_mem>>) attributes {dimension_semantics = [#tpu.dimension_semantics<core_parallel>, #tpu.dimension_semantics<subcore_parallel>], iteration_bounds = array<i64: 2, 16>, scalar_prefetch = 0 : i64, scratch_operands = 8 : i64, tpu.core_type = #tpu.core_type<sc_vector_subcore>, window_params = [{transform_indices = #map}, {transform_indices = #map1}, {transform_indices = #map1}, {transform_indices = #map}, {transform_indices = #map2}]} {
    %mul3A = arith.constant 25000 : i32
    %mul3A_0 = arith.muli %arg0, %mul3A : i32
    %mul3A_1 = arith.constant 50000 : i32
    %mul3A_2 = arith.muli %arg1, %mul3A_1 : i32
    %add3A = arith.constant 0 : i32
    %add3A_3 = arith.addi %mul3A_2, %add3A : i32
    %multiple_of3A = tpu.assume_multiple %add3A_3, 8 : i32
    %rem3A = arith.constant 0 : i32
    %rem3A_4 = arith.constant 2 : i32
    %rem3A_5 = arith.remsi %rem3A, %rem3A_4 : i32
    %dma_start3A = arith.constant 0 : i32
    %dma_start3A_6 = tpu.memref_slice %arg7[%rem3A_5, %dma_start3A] : memref<2x2000xi32, #tpu.memory_space<vmem>> -> memref<1x2000xi32, #tpu.memory_space<vmem>>
    %dma_start3A_7 = tpu.memref_squeeze %dma_start3A_6 : memref<1x2000xi32, #tpu.memory_space<vmem>> -> memref<2000xi32, #tpu.memory_space<vmem>>
    %dma_start3A_8 = tpu.memref_slice %arg3[%multiple_of3A] : memref<800000xi32, #tpu.memory_space<hbm>> -> memref<2000xi32, #tpu.memory_space<hbm>>
    %dma_start3A_9 = arith.constant 0 : i32
    %dma_start3A_10 = tpu.memref_slice %arg7[%rem3A_5, %dma_start3A_9] : memref<2x2000xi32, #tpu.memory_space<vmem>> -> memref<1x2000xi32, #tpu.memory_space<vmem>>
    %dma_start3A_11 = tpu.memref_squeeze %dma_start3A_10 : memref<1x2000xi32, #tpu.memory_space<vmem>> -> memref<2000xi32, #tpu.memory_space<vmem>>
    %dma_start3A_12 = tpu.memref_slice %arg3[%multiple_of3A] : memref<800000xi32, #tpu.memory_space<hbm>> -> memref<2000xi32, #tpu.memory_space<hbm>>
    tpu.enqueue_dma source(%dma_start3A_12 : memref<2000xi32, #tpu.memory_space<hbm>>) target(%dma_start3A_11 : memref<2000xi32, #tpu.memory_space<vmem>>) target_semaphore(%arg14 : memref<!tpu.dma_semaphore, #tpu.memory_space<semaphore_mem>>)
    %dma_start3A_13 = arith.constant 0 : i32
    %dma_start3A_14 = tpu.memref_slice %arg8[%rem3A_5, %dma_start3A_13] : memref<2x2000xi32, #tpu.memory_space<vmem>> -> memref<1x2000xi32, #tpu.memory_space<vmem>>
    %dma_start3A_15 = tpu.memref_squeeze %dma_start3A_14 : memref<1x2000xi32, #tpu.memory_space<vmem>> -> memref<2000xi32, #tpu.memory_space<vmem>>
    %dma_start3A_16 = tpu.memref_slice %arg4[%multiple_of3A] : memref<800000xi32, #tpu.memory_space<hbm>> -> memref<2000xi32, #tpu.memory_space<hbm>>
    %dma_start3A_17 = arith.constant 0 : i32
    %dma_start3A_18 = tpu.memref_slice %arg8[%rem3A_5, %dma_start3A_17] : memref<2x2000xi32, #tpu.memory_space<vmem>> -> memref<1x2000xi32, #tpu.memory_space<vmem>>
    %dma_start3A_19 = tpu.memref_squeeze %dma_start3A_18 : memref<1x2000xi32, #tpu.memory_space<vmem>> -> memref<2000xi32, #tpu.memory_space<vmem>>
    %dma_start3A_20 = tpu.memref_slice %arg4[%multiple_of3A] : memref<800000xi32, #tpu.memory_space<hbm>> -> memref<2000xi32, #tpu.memory_space<hbm>>
    tpu.enqueue_dma source(%dma_start3A_20 : memref<2000xi32, #tpu.memory_space<hbm>>) target(%dma_start3A_19 : memref<2000xi32, #tpu.memory_space<vmem>>) target_semaphore(%arg14 : memref<!tpu.dma_semaphore, #tpu.memory_space<semaphore_mem>>)
    %mul3A_21 = arith.constant 1584 : i32
    %mul3A_22 = arith.muli %arg1, %mul3A_21 : i32
    "tpu.region"() ({
      %run_scoped3A = tpu.sem_alloc : memref<!tpu.dma_semaphore, #tpu.memory_space<semaphore_mem>>
      %dma_start3A_33 = arith.constant 0 : i32
      %dma_start3A_34 = tpu.memref_slice %arg11[%mul3A_22, %dma_start3A_33] : memref<25344x64xf32, #tpu.memory_space<vmem_shared>> -> memref<1584x64xf32, #tpu.memory_space<vmem_shared>>
      tpu.enqueue_dma source(%arg5 : memref<1584x64xf32, #tpu.memory_space<hbm>>) target(%dma_start3A_34 : memref<1584x64xf32, #tpu.memory_space<vmem_shared>>) target_semaphore(%run_scoped3A : memref<!tpu.dma_semaphore, #tpu.memory_space<semaphore_mem>>)
      %dma_wait3A = arith.constant 0 : i32
      %dma_wait3A_35 = tpu.memref_slice %arg11[%mul3A_22, %dma_wait3A] : memref<25344x64xf32, #tpu.memory_space<vmem_shared>> -> memref<1584x64xf32, #tpu.memory_space<vmem_shared>>
      tpu.wait_dma2 semaphore(%run_scoped3A : memref<!tpu.dma_semaphore, #tpu.memory_space<semaphore_mem>>) src(%arg5 : memref<1584x64xf32, #tpu.memory_space<hbm>>) dst(%dma_wait3A_35 : memref<1584x64xf32, #tpu.memory_space<vmem_shared>>)
      tpu.yield
    }) : () -> ()
    %barrier3A = arith.constant 0 : index
    tpu.barrier barrier_id(%barrier3A)
    %scan3A = arith.constant 0 : i32
    %scan3A_23 = arith.constant 0 : i32
    %scan3A_24 = arith.constant 25 : i32
    %scan3A_25 = arith.addi %scan3A_23, %scan3A_24 : i32
    %scan3A_26 = arith.constant 1 : i32
    scf.for %scan3A_33 = %scan3A_23 to %scan3A_25 step %scan3A_26  : i32 {
      %rem3A_34 = arith.constant 2 : i32
      %rem3A_35 = arith.remsi %scan3A_33, %rem3A_34 : i32
      %dma_wait3A = arith.constant 0 : i32
      %dma_wait3A_36 = arith.constant 0 : i32
      %dma_wait3A_37 = tpu.memref_slice %arg7[%dma_wait3A, %dma_wait3A_36] : memref<2x2000xi32, #tpu.memory_space<vmem>> -> memref<1x2000xi32, #tpu.memory_space<vmem>>
      %dma_wait3A_38 = tpu.memref_squeeze %dma_wait3A_37 : memref<1x2000xi32, #tpu.memory_space<vmem>> -> memref<2000xi32, #tpu.memory_space<vmem>>
      %dma_wait3A_39 = arith.constant 0 : i32
      %dma_wait3A_40 = tpu.memref_slice %arg3[%dma_wait3A_39] : memref<800000xi32, #tpu.memory_space<hbm>> -> memref<2000xi32, #tpu.memory_space<hbm>>
      %dma_wait3A_41 = arith.constant 0 : i32
      %dma_wait3A_42 = tpu.memref_slice %arg7[%dma_wait3A, %dma_wait3A_41] : memref<2x2000xi32, #tpu.memory_space<vmem>> -> memref<1x2000xi32, #tpu.memory_space<vmem>>
      %dma_wait3A_43 = tpu.memref_squeeze %dma_wait3A_42 : memref<1x2000xi32, #tpu.memory_space<vmem>> -> memref<2000xi32, #tpu.memory_space<vmem>>
      %dma_wait3A_44 = arith.constant 0 : i32
      %dma_wait3A_45 = tpu.memref_slice %arg3[%dma_wait3A_44] : memref<800000xi32, #tpu.memory_space<hbm>> -> memref<2000xi32, #tpu.memory_space<hbm>>
      tpu.wait_dma2 semaphore(%arg14 : memref<!tpu.dma_semaphore, #tpu.memory_space<semaphore_mem>>) src(%dma_wait3A_45 : memref<2000xi32, #tpu.memory_space<hbm>>) dst(%dma_wait3A_43 : memref<2000xi32, #tpu.memory_space<vmem>>)
      %dma_wait3A_46 = arith.constant 0 : i32
      %dma_wait3A_47 = arith.constant 0 : i32
      %dma_wait3A_48 = tpu.memref_slice %arg8[%dma_wait3A_46, %dma_wait3A_47] : memref<2x2000xi32, #tpu.memory_space<vmem>> -> memref<1x2000xi32, #tpu.memory_space<vmem>>
      %dma_wait3A_49 = tpu.memref_squeeze %dma_wait3A_48 : memref<1x2000xi32, #tpu.memory_space<vmem>> -> memref<2000xi32, #tpu.memory_space<vmem>>
      %dma_wait3A_50 = arith.constant 0 : i32
      %dma_wait3A_51 = tpu.memref_slice %arg4[%dma_wait3A_50] : memref<800000xi32, #tpu.memory_space<hbm>> -> memref<2000xi32, #tpu.memory_space<hbm>>
      %dma_wait3A_52 = arith.constant 0 : i32
      %dma_wait3A_53 = tpu.memref_slice %arg8[%dma_wait3A_46, %dma_wait3A_52] : memref<2x2000xi32, #tpu.memory_space<vmem>> -> memref<1x2000xi32, #tpu.memory_space<vmem>>
      %dma_wait3A_54 = tpu.memref_squeeze %dma_wait3A_53 : memref<1x2000xi32, #tpu.memory_space<vmem>> -> memref<2000xi32, #tpu.memory_space<vmem>>
      %dma_wait3A_55 = arith.constant 0 : i32
      %dma_wait3A_56 = tpu.memref_slice %arg4[%dma_wait3A_55] : memref<800000xi32, #tpu.memory_space<hbm>> -> memref<2000xi32, #tpu.memory_space<hbm>>
      tpu.wait_dma2 semaphore(%arg14 : memref<!tpu.dma_semaphore, #tpu.memory_space<semaphore_mem>>) src(%dma_wait3A_56 : memref<2000xi32, #tpu.memory_space<hbm>>) dst(%dma_wait3A_54 : memref<2000xi32, #tpu.memory_space<vmem>>)
      %add3A_57 = arith.constant 1 : i32
      %add3A_58 = arith.addi %scan3A_33, %add3A_57 : i32
      %lt3A = arith.constant 25 : i32
      %lt3A_59 = arith.cmpi slt, %add3A_58, %lt3A : i32
      %convert_element_type3A = arith.extui %lt3A_59 : i1 to i32
      %cond3A = arith.constant 0 : i32
      %cond3A_60 = arith.cmpi ne, %convert_element_type3A, %cond3A : i32
      scf.if %cond3A_60 {
        %add3A_243 = arith.constant 1 : i32
        %add3A_244 = arith.addi %scan3A_33, %add3A_243 : i32
        %mul3A_245 = arith.constant 50000 : i32
        %mul3A_246 = arith.muli %arg1, %mul3A_245 : i32
        %mul3A_247 = arith.constant 2000 : i32
        %mul3A_248 = arith.muli %add3A_244, %mul3A_247 : i32
        %add3A_249 = arith.addi %mul3A_246, %mul3A_248 : i32
        %multiple_of3A_250 = tpu.assume_multiple %add3A_249, 8 : i32
        %rem3A_251 = arith.constant 2 : i32
        %rem3A_252 = arith.remsi %add3A_244, %rem3A_251 : i32
        %dma_start3A_253 = arith.constant 0 : i32
        %dma_start3A_254 = tpu.memref_slice %arg7[%rem3A_252, %dma_start3A_253] : memref<2x2000xi32, #tpu.memory_space<vmem>> -> memref<1x2000xi32, #tpu.memory_space<vmem>>
        %dma_start3A_255 = tpu.memref_squeeze %dma_start3A_254 : memref<1x2000xi32, #tpu.memory_space<vmem>> -> memref<2000xi32, #tpu.memory_space<vmem>>
        %dma_start3A_256 = tpu.memref_slice %arg3[%multiple_of3A_250] : memref<800000xi32, #tpu.memory_space<hbm>> -> memref<2000xi32, #tpu.memory_space<hbm>>
        %dma_start3A_257 = arith.constant 0 : i32
        %dma_start3A_258 = tpu.memref_slice %arg7[%rem3A_252, %dma_start3A_257] : memref<2x2000xi32, #tpu.memory_space<vmem>> -> memref<1x2000xi32, #tpu.memory_space<vmem>>
        %dma_start3A_259 = tpu.memref_squeeze %dma_start3A_258 : memref<1x2000xi32, #tpu.memory_space<vmem>> -> memref<2000xi32, #tpu.memory_space<vmem>>
        %dma_start3A_260 = tpu.memref_slice %arg3[%multiple_of3A_250] : memref<800000xi32, #tpu.memory_space<hbm>> -> memref<2000xi32, #tpu.memory_space<hbm>>
        tpu.enqueue_dma source(%dma_start3A_260 : memref<2000xi32, #tpu.memory_space<hbm>>) target(%dma_start3A_259 : memref<2000xi32, #tpu.memory_space<vmem>>) target_semaphore(%arg14 : memref<!tpu.dma_semaphore, #tpu.memory_space<semaphore_mem>>)
        %dma_start3A_261 = arith.constant 0 : i32
        %dma_start3A_262 = tpu.memref_slice %arg8[%rem3A_252, %dma_start3A_261] : memref<2x2000xi32, #tpu.memory_space<vmem>> -> memref<1x2000xi32, #tpu.memory_space<vmem>>
        %dma_start3A_263 = tpu.memref_squeeze %dma_start3A_262 : memref<1x2000xi32, #tpu.memory_space<vmem>> -> memref<2000xi32, #tpu.memory_space<vmem>>
        %dma_start3A_264 = tpu.memref_slice %arg4[%multiple_of3A_250] : memref<800000xi32, #tpu.memory_space<hbm>> -> memref<2000xi32, #tpu.memory_space<hbm>>
        %dma_start3A_265 = arith.constant 0 : i32
        %dma_start3A_266 = tpu.memref_slice %arg8[%rem3A_252, %dma_start3A_265] : memref<2x2000xi32, #tpu.memory_space<vmem>> -> memref<1x2000xi32, #tpu.memory_space<vmem>>
        %dma_start3A_267 = tpu.memref_squeeze %dma_start3A_266 : memref<1x2000xi32, #tpu.memory_space<vmem>> -> memref<2000xi32, #tpu.memory_space<vmem>>
        %dma_start3A_268 = tpu.memref_slice %arg4[%multiple_of3A_250] : memref<800000xi32, #tpu.memory_space<hbm>> -> memref<2000xi32, #tpu.memory_space<hbm>>
        tpu.enqueue_dma source(%dma_start3A_268 : memref<2000xi32, #tpu.memory_space<hbm>>) target(%dma_start3A_267 : memref<2000xi32, #tpu.memory_space<vmem>>) target_semaphore(%arg14 : memref<!tpu.dma_semaphore, #tpu.memory_space<semaphore_mem>>)
      } else {
      }
      %mul3A_61 = arith.constant 16 : i32
      %mul3A_62 = arith.muli %arg1, %mul3A_61 : i32
      %add3A_63 = arith.constant 25000 : i32
      %add3A_64 = arith.addi %add3A_63, %mul3A_62 : i32
      %iota3A = tpu.iota {dimensions = array<i32: 0>} : vector<16xi32>
      %get3A = arith.index_cast %rem3A_35 : i32 to index
      %get3A_65 = arith.constant 0 : index
      %get3A_66 = tpu.vector_load %arg8[%get3A, %get3A_65] {strides = array<i32>} : memref<2x2000xi32, #tpu.memory_space<vmem>>, vector<1x16xi32>,
      %get3A_67 = vector.shape_cast %get3A_66 : vector<1x16xi32> to vector<16xi32>
      %sub3A = vector.broadcast %mul3A_0 : i32 to vector<16xi32>
      %sub3A_68 = arith.subi %get3A_67, %sub3A : vector<16xi32>
      %ge3A = arith.constant 0 : i32
      %ge3A_69 = vector.broadcast %ge3A : i32 to vector<16xi32>
      %ge3A_70 = arith.cmpi sge, %sub3A_68, %ge3A_69 : vector<16xi32>
      %lt3A_71 = arith.constant 25000 : i32
      %lt3A_72 = vector.broadcast %lt3A_71 : i32 to vector<16xi32>
      %lt3A_73 = arith.cmpi slt, %sub3A_68, %lt3A_72 : vector<16xi32>
      %and3A = arith.andi %ge3A_70, %lt3A_73 : vector<16xi1>
      %add3A_74 = vector.broadcast %add3A_64 : i32 to vector<16xi32>
      %add3A_75 = arith.addi %add3A_74, %iota3A : vector<16xi32>
      %select_n3A = arith.select %and3A, %sub3A_68, %add3A_75 : vector<16xi1>, vector<16xi32>
      %swap3A = arith.constant 0 : i32
      %swap3A_76 = arith.index_cast %swap3A : i32 to index
      %swap3A_77 = arith.constant 0 : index
      %swap3A_78 = tpu.vector_load %arg9[%swap3A_76, %swap3A_77] {strides = array<i32>} : memref<25x80xi32, #tpu.memory_space<vmem>>, vector<1x16xi32>,
      %swap3A_79 = vector.shape_cast %swap3A_78 : vector<1x16xi32> to vector<16xi32>
      %swap3A_80 = vector.shape_cast %select_n3A : vector<16xi32> to vector<1x16xi32>
      tpu.vector_store %arg9[%swap3A_76, %swap3A_77], %swap3A_80 {strides = array<i32>} : memref<25x80xi32, #tpu.memory_space<vmem>>, vector<1x16xi32>,
      %get3A_81 = arith.index_cast %rem3A_35 : i32 to index
      %get3A_82 = arith.constant 16 : index
      %get3A_83 = tpu.vector_load %arg8[%get3A_81, %get3A_82] {strides = array<i32>} : memref<2x2000xi32, #tpu.memory_space<vmem>>, vector<1x16xi32>,
      %get3A_84 = vector.shape_cast %get3A_83 : vector<1x16xi32> to vector<16xi32>
      %sub3A_85 = vector.broadcast %mul3A_0 : i32 to vector<16xi32>
      %sub3A_86 = arith.subi %get3A_84, %sub3A_85 : vector<16xi32>
      %ge3A_87 = arith.constant 0 : i32
      %ge3A_88 = vector.broadcast %ge3A_87 : i32 to vector<16xi32>
      %ge3A_89 = arith.cmpi sge, %sub3A_86, %ge3A_88 : vector<16xi32>
      %lt3A_90 = arith.constant 25000 : i32
      %lt3A_91 = vector.broadcast %lt3A_90 : i32 to vector<16xi32>
      %lt3A_92 = arith.cmpi slt, %sub3A_86, %lt3A_91 : vector<16xi32>
      %and3A_93 = arith.andi %ge3A_89, %lt3A_92 : vector<16xi1>
      %add3A_94 = vector.broadcast %add3A_64 : i32 to vector<16xi32>
      %add3A_95 = arith.addi %add3A_94, %iota3A : vector<16xi32>
      %select_n3A_96 = arith.select %and3A_93, %sub3A_86, %add3A_95 : vector<16xi1>, vector<16xi32>
      %swap3A_97 = arith.constant 0 : i32
      %swap3A_98 = arith.index_cast %swap3A_97 : i32 to index
      %swap3A_99 = arith.constant 16 : index
      %swap3A_100 = tpu.vector_load %arg9[%swap3A_98, %swap3A_99] {strides = array<i32>} : memref<25x80xi32, #tpu.memory_space<vmem>>, vector<1x16xi32>,
      %swap3A_101 = vector.shape_cast %swap3A_100 : vector<1x16xi32> to vector<16xi32>
      %swap3A_102 = vector.shape_cast %select_n3A_96 : vector<16xi32> to vector<1x16xi32>
      tpu.vector_store %arg9[%swap3A_98, %swap3A_99], %swap3A_102 {strides = array<i32>} : memref<25x80xi32, #tpu.memory_space<vmem>>, vector<1x16xi32>,
      %get3A_103 = arith.index_cast %rem3A_35 : i32 to index
      %get3A_104 = arith.constant 32 : index
      %get3A_105 = tpu.vector_load %arg8[%get3A_103, %get3A_104] {strides = array<i32>} : memref<2x2000xi32, #tpu.memory_space<vmem>>, vector<1x16xi32>,
      %get3A_106 = vector.shape_cast %get3A_105 : vector<1x16xi32> to vector<16xi32>
      %sub3A_107 = vector.broadcast %mul3A_0 : i32 to vector<16xi32>
      %sub3A_108 = arith.subi %get3A_106, %sub3A_107 : vector<16xi32>
      %ge3A_109 = arith.constant 0 : i32
      %ge3A_110 = vector.broadcast %ge3A_109 : i32 to vector<16xi32>
      %ge3A_111 = arith.cmpi sge, %sub3A_108, %ge3A_110 : vector<16xi32>
      %lt3A_112 = arith.constant 25000 : i32
      %lt3A_113 = vector.broadcast %lt3A_112 : i32 to vector<16xi32>
      %lt3A_114 = arith.cmpi slt, %sub3A_108, %lt3A_113 : vector<16xi32>
      %and3A_115 = arith.andi %ge3A_111, %lt3A_114 : vector<16xi1>
      %add3A_116 = vector.broadcast %add3A_64 : i32 to vector<16xi32>
      %add3A_117 = arith.addi %add3A_116, %iota3A : vector<16xi32>
      %select_n3A_118 = arith.select %and3A_115, %sub3A_108, %add3A_117 : vector<16xi1>, vector<16xi32>
      %swap3A_119 = arith.constant 0 : i32
      %swap3A_120 = arith.index_cast %swap3A_119 : i32 to index
      %swap3A_121 = arith.constant 32 : index
      %swap3A_122 = tpu.vector_load %arg9[%swap3A_120, %swap3A_121] {strides = array<i32>} : memref<25x80xi32, #tpu.memory_space<vmem>>, vector<1x16xi32>,
      %swap3A_123 = vector.shape_cast %swap3A_122 : vector<1x16xi32> to vector<16xi32>
      %swap3A_124 = vector.shape_cast %select_n3A_118 : vector<16xi32> to vector<1x16xi32>
      tpu.vector_store %arg9[%swap3A_120, %swap3A_121], %swap3A_124 {strides = array<i32>} : memref<25x80xi32, #tpu.memory_space<vmem>>, vector<1x16xi32>,
      %get3A_125 = arith.index_cast %rem3A_35 : i32 to index
      %get3A_126 = arith.constant 48 : index
      %get3A_127 = tpu.vector_load %arg8[%get3A_125, %get3A_126] {strides = array<i32>} : memref<2x2000xi32, #tpu.memory_space<vmem>>, vector<1x16xi32>,
      %get3A_128 = vector.shape_cast %get3A_127 : vector<1x16xi32> to vector<16xi32>
      %sub3A_129 = vector.broadcast %mul3A_0 : i32 to vector<16xi32>
      %sub3A_130 = arith.subi %get3A_128, %sub3A_129 : vector<16xi32>
      %ge3A_131 = arith.constant 0 : i32
      %ge3A_132 = vector.broadcast %ge3A_131 : i32 to vector<16xi32>
      %ge3A_133 = arith.cmpi sge, %sub3A_130, %ge3A_132 : vector<16xi32>
      %lt3A_134 = arith.constant 25000 : i32
      %lt3A_135 = vector.broadcast %lt3A_134 : i32 to vector<16xi32>
      %lt3A_136 = arith.cmpi slt, %sub3A_130, %lt3A_135 : vector<16xi32>
      %and3A_137 = arith.andi %ge3A_133, %lt3A_136 : vector<16xi1>
      %add3A_138 = vector.broadcast %add3A_64 : i32 to vector<16xi32>
      %add3A_139 = arith.addi %add3A_138, %iota3A : vector<16xi32>
      %select_n3A_140 = arith.select %and3A_137, %sub3A_130, %add3A_139 : vector<16xi1>, vector<16xi32>
      %swap3A_141 = arith.constant 0 : i32
      %swap3A_142 = arith.index_cast %swap3A_141 : i32 to index
      %swap3A_143 = arith.constant 48 : index
      %swap3A_144 = tpu.vector_load %arg9[%swap3A_142, %swap3A_143] {strides = array<i32>} : memref<25x80xi32, #tpu.memory_space<vmem>>, vector<1x16xi32>,
      %swap3A_145 = vector.shape_cast %swap3A_144 : vector<1x16xi32> to vector<16xi32>
      %swap3A_146 = vector.shape_cast %select_n3A_140 : vector<16xi32> to vector<1x16xi32>
      tpu.vector_store %arg9[%swap3A_142, %swap3A_143], %swap3A_146 {strides = array<i32>} : memref<25x80xi32, #tpu.memory_space<vmem>>, vector<1x16xi32>,
      %get3A_147 = arith.index_cast %rem3A_35 : i32 to index
      %get3A_148 = arith.constant 64 : index
      %get3A_149 = tpu.vector_load %arg8[%get3A_147, %get3A_148] {strides = array<i32>} : memref<2x2000xi32, #tpu.memory_space<vmem>>, vector<1x16xi32>,
      %get3A_150 = vector.shape_cast %get3A_149 : vector<1x16xi32> to vector<16xi32>
      %sub3A_151 = vector.broadcast %mul3A_0 : i32 to vector<16xi32>
      %sub3A_152 = arith.subi %get3A_150, %sub3A_151 : vector<16xi32>
      %ge3A_153 = arith.constant 0 : i32
      %ge3A_154 = vector.broadcast %ge3A_153 : i32 to vector<16xi32>
      %ge3A_155 = arith.cmpi sge, %sub3A_152, %ge3A_154 : vector<16xi32>
      %lt3A_156 = arith.constant 25000 : i32
      %lt3A_157 = vector.broadcast %lt3A_156 : i32 to vector<16xi32>
      %lt3A_158 = arith.cmpi slt, %sub3A_152, %lt3A_157 : vector<16xi32>
      %and3A_159 = arith.andi %ge3A_155, %lt3A_158 : vector<16xi1>
      %add3A_160 = vector.broadcast %add3A_64 : i32 to vector<16xi32>
      %add3A_161 = arith.addi %add3A_160, %iota3A : vector<16xi32>
      %select_n3A_162 = arith.select %and3A_159, %sub3A_152, %add3A_161 : vector<16xi1>, vector<16xi32>
      %swap3A_163 = arith.constant 0 : i32
      %swap3A_164 = arith.index_cast %swap3A_163 : i32 to index
      %swap3A_165 = arith.constant 64 : index
      %swap3A_166 = tpu.vector_load %arg9[%swap3A_164, %swap3A_165] {strides = array<i32>} : memref<25x80xi32, #tpu.memory_space<vmem>>, vector<1x16xi32>,
      %swap3A_167 = vector.shape_cast %swap3A_166 : vector<1x16xi32> to vector<16xi32>
      %swap3A_168 = vector.shape_cast %select_n3A_162 : vector<16xi32> to vector<1x16xi32>
      tpu.vector_store %arg9[%swap3A_164, %swap3A_165], %swap3A_168 {strides = array<i32>} : memref<25x80xi32, #tpu.memory_space<vmem>>, vector<1x16xi32>,
      %multiple_of3A_169 = arith.constant 0 : i32
      %multiple_of3A_170 = tpu.assume_multiple %multiple_of3A_169, 8 : i32
      %rem3A_171 = arith.constant 0 : i32
      %rem3A_172 = arith.constant 2 : i32
      %rem3A_173 = arith.remsi %rem3A_171, %rem3A_172 : i32
      %dma_start3A_174 = arith.constant 0 : i32
      %dma_start3A_175 = arith.constant 0 : i32
      %dma_start3A_176 = tpu.memref_slice %arg10[%rem3A_173, %dma_start3A_174, %dma_start3A_175] : memref<2x80x64xf32, #tpu.memory_space<vmem>> -> memref<1x80x64xf32, #tpu.memory_space<vmem>>
      %dma_start3A_177 = tpu.memref_squeeze %dma_start3A_176 : memref<1x80x64xf32, #tpu.memory_space<vmem>> -> memref<80x64xf32, #tpu.memory_space<vmem>>
      %dma_start3A_178 = arith.constant 0 : i32
      %dma_start3A_179 = tpu.memref_slice %arg7[%rem3A_35, %dma_start3A_178] : memref<2x2000xi32, #tpu.memory_space<vmem>> -> memref<1x2000xi32, #tpu.memory_space<vmem>>
      %dma_start3A_180 = tpu.memref_squeeze %dma_start3A_179 : memref<1x2000xi32, #tpu.memory_space<vmem>> -> memref<2000xi32, #tpu.memory_space<vmem>>
      %dma_start3A_181 = tpu.memref_slice %dma_start3A_180[%multiple_of3A_170] : memref<2000xi32, #tpu.memory_space<vmem>> -> memref<80xi32, #tpu.memory_space<vmem>>
      %dma_start3A_182 = arith.constant 0 : i32
      %dma_start3A_183 = arith.constant 0 : i32
      %dma_start3A_184 = tpu.memref_slice %arg2[%dma_start3A_182, %dma_start3A_183] : memref<50000x64xf32, #tpu.memory_space<hbm>> -> memref<50000x64xf32, #tpu.memory_space<hbm>>
      tpu.enqueue_indirect_dma source(%dma_start3A_184 : memref<50000x64xf32, #tpu.memory_space<hbm>>) target(%dma_start3A_177 : memref<80x64xf32, #tpu.memory_space<vmem>>) offsets(%dma_start3A_181 : memref<80xi32, #tpu.memory_space<vmem>>) semaphore(%arg12 : memref<!tpu.dma_semaphore, #tpu.memory_space<semaphore_mem>>)
      %scan3A_185 = arith.constant 0 : i32
      %scan3A_186 = arith.constant 0 : i32
      %scan3A_187 = arith.constant 24 : i32
      %scan3A_188 = arith.addi %scan3A_186, %scan3A_187 : i32
      %scan3A_189 = arith.constant 1 : i32
      scf.for %scan3A_243 = %scan3A_186 to %scan3A_188 step %scan3A_189  : i32 {
        %ge3A_244 = arith.constant 1 : i32
        %ge3A_245 = arith.cmpi sge, %scan3A_243, %ge3A_244 : i32
        %convert_element_type3A_246 = arith.extui %ge3A_245 : i1 to i32
        %cond3A_247 = arith.constant 0 : i32
        %cond3A_248 = arith.cmpi ne, %convert_element_type3A_246, %cond3A_247 : i32
        scf.if %cond3A_248 {
          %dma_wait3A_421 = arith.constant 0 : i32
          %dma_wait3A_422 = arith.constant 0 : i32
          %dma_wait3A_423 = arith.constant 0 : i32
          %dma_wait3A_424 = arith.constant 0 : i32
          %dma_wait3A_425 = tpu.memref_slice %arg10[%dma_wait3A_421, %dma_wait3A_423, %dma_wait3A_424] : memref<2x80x64xf32, #tpu.memory_space<vmem>> -> memref<1x80x64xf32, #tpu.memory_space<vmem>>
          %dma_wait3A_426 = tpu.memref_squeeze %dma_wait3A_425 : memref<1x80x64xf32, #tpu.memory_space<vmem>> -> memref<80x64xf32, #tpu.memory_space<vmem>>
          %dma_wait3A_427 = arith.constant 0 : i32
          %dma_wait3A_428 = tpu.memref_slice %arg9[%dma_wait3A_422, %dma_wait3A_427] : memref<25x80xi32, #tpu.memory_space<vmem>> -> memref<1x80xi32, #tpu.memory_space<vmem>>
          %dma_wait3A_429 = tpu.memref_squeeze %dma_wait3A_428 : memref<1x80xi32, #tpu.memory_space<vmem>> -> memref<80xi32, #tpu.memory_space<vmem>>
          %dma_wait3A_430 = arith.constant 0 : i32
          %dma_wait3A_431 = arith.constant 0 : i32
          %dma_wait3A_432 = tpu.memref_slice %arg11[%dma_wait3A_430, %dma_wait3A_431] : memref<25344x64xf32, #tpu.memory_space<vmem_shared>> -> memref<25344x64xf32, #tpu.memory_space<vmem_shared>>
          tpu.wait_indirect_dma semaphore(%arg13 : memref<!tpu.dma_semaphore, #tpu.memory_space<semaphore_mem>>) src(%dma_wait3A_426 : memref<80x64xf32, #tpu.memory_space<vmem>>) dst(%dma_wait3A_432 : memref<25344x64xf32, #tpu.memory_space<vmem_shared>>)
        } else {
        }
        %add3A_249 = arith.constant 1 : i32
        %add3A_250 = arith.addi %scan3A_243, %add3A_249 : i32
        %mul3A_251 = arith.constant 80 : i32
        %mul3A_252 = arith.muli %add3A_250, %mul3A_251 : i32
        %multiple_of3A_253 = tpu.assume_multiple %mul3A_252, 8 : i32
        %rem3A_254 = arith.constant 2 : i32
        %rem3A_255 = arith.remsi %add3A_250, %rem3A_254 : i32
        %dma_start3A_256 = arith.constant 0 : i32
        %dma_start3A_257 = arith.constant 0 : i32
        %dma_start3A_258 = tpu.memref_slice %arg10[%rem3A_255, %dma_start3A_256, %dma_start3A_257] : memref<2x80x64xf32, #tpu.memory_space<vmem>> -> memref<1x80x64xf32, #tpu.memory_space<vmem>>
        %dma_start3A_259 = tpu.memref_squeeze %dma_start3A_258 : memref<1x80x64xf32, #tpu.memory_space<vmem>> -> memref<80x64xf32, #tpu.memory_space<vmem>>
        %dma_start3A_260 = arith.constant 0 : i32
        %dma_start3A_261 = tpu.memref_slice %arg7[%rem3A_35, %dma_start3A_260] : memref<2x2000xi32, #tpu.memory_space<vmem>> -> memref<1x2000xi32, #tpu.memory_space<vmem>>
        %dma_start3A_262 = tpu.memref_squeeze %dma_start3A_261 : memref<1x2000xi32, #tpu.memory_space<vmem>> -> memref<2000xi32, #tpu.memory_space<vmem>>
        %dma_start3A_263 = tpu.memref_slice %dma_start3A_262[%multiple_of3A_253] : memref<2000xi32, #tpu.memory_space<vmem>> -> memref<80xi32, #tpu.memory_space<vmem>>
        %dma_start3A_264 = arith.constant 0 : i32
        %dma_start3A_265 = arith.constant 0 : i32
        %dma_start3A_266 = tpu.memref_slice %arg2[%dma_start3A_264, %dma_start3A_265] : memref<50000x64xf32, #tpu.memory_space<hbm>> -> memref<50000x64xf32, #tpu.memory_space<hbm>>
        tpu.enqueue_indirect_dma source(%dma_start3A_266 : memref<50000x64xf32, #tpu.memory_space<hbm>>) target(%dma_start3A_259 : memref<80x64xf32, #tpu.memory_space<vmem>>) offsets(%dma_start3A_263 : memref<80xi32, #tpu.memory_space<vmem>>) semaphore(%arg12 : memref<!tpu.dma_semaphore, #tpu.memory_space<semaphore_mem>>)
        %add3A_267 = arith.constant 1 : i32
        %add3A_268 = arith.addi %scan3A_243, %add3A_267 : i32
        %iota3A_269 = tpu.iota {dimensions = array<i32: 0>} : vector<16xi32>
        %mul3A_270 = arith.constant 80 : i32
        %mul3A_271 = arith.muli %add3A_268, %mul3A_270 : i32
        %add3A_272 = arith.constant 0 : i32
        %add3A_273 = arith.addi %mul3A_271, %add3A_272 : i32
        %get3A_274 = arith.index_cast %rem3A_35 : i32 to index
        %get3A_275 = arith.index_cast %add3A_273 : i32 to index
        %get3A_276 = tpu.vector_load %arg8[%get3A_274, %get3A_275] {strides = array<i32>} : memref<2x2000xi32, #tpu.memory_space<vmem>>, vector<1x16xi32>,
        %get3A_277 = vector.shape_cast %get3A_276 : vector<1x16xi32> to vector<16xi32>
        %sub3A_278 = vector.broadcast %mul3A_0 : i32 to vector<16xi32>
        %sub3A_279 = arith.subi %get3A_277, %sub3A_278 : vector<16xi32>
        %ge3A_280 = arith.constant 0 : i32
        %ge3A_281 = vector.broadcast %ge3A_280 : i32 to vector<16xi32>
        %ge3A_282 = arith.cmpi sge, %sub3A_279, %ge3A_281 : vector<16xi32>
        %lt3A_283 = arith.constant 25000 : i32
        %lt3A_284 = vector.broadcast %lt3A_283 : i32 to vector<16xi32>
        %lt3A_285 = arith.cmpi slt, %sub3A_279, %lt3A_284 : vector<16xi32>
        %and3A_286 = arith.andi %ge3A_282, %lt3A_285 : vector<16xi1>
        %add3A_287 = vector.broadcast %add3A_64 : i32 to vector<16xi32>
        %add3A_288 = arith.addi %add3A_287, %iota3A_269 : vector<16xi32>
        %select_n3A_289 = arith.select %and3A_286, %sub3A_279, %add3A_288 : vector<16xi1>, vector<16xi32>
        %swap3A_290 = arith.index_cast %add3A_268 : i32 to index
        %swap3A_291 = arith.constant 0 : index
        %swap3A_292 = tpu.vector_load %arg9[%swap3A_290, %swap3A_291] {strides = array<i32>} : memref<25x80xi32, #tpu.memory_space<vmem>>, vector<1x16xi32>,
        %swap3A_293 = vector.shape_cast %swap3A_292 : vector<1x16xi32> to vector<16xi32>
        %swap3A_294 = vector.shape_cast %select_n3A_289 : vector<16xi32> to vector<1x16xi32>
        tpu.vector_store %arg9[%swap3A_290, %swap3A_291], %swap3A_294 {strides = array<i32>} : memref<25x80xi32, #tpu.memory_space<vmem>>, vector<1x16xi32>,
        %mul3A_295 = arith.constant 80 : i32
        %mul3A_296 = arith.muli %add3A_268, %mul3A_295 : i32
        %add3A_297 = arith.constant 16 : i32
        %add3A_298 = arith.addi %mul3A_296, %add3A_297 : i32
        %get3A_299 = arith.index_cast %rem3A_35 : i32 to index
        %get3A_300 = arith.index_cast %add3A_298 : i32 to index
        %get3A_301 = tpu.vector_load %arg8[%get3A_299, %get3A_300] {strides = array<i32>} : memref<2x2000xi32, #tpu.memory_space<vmem>>, vector<1x16xi32>,
        %get3A_302 = vector.shape_cast %get3A_301 : vector<1x16xi32> to vector<16xi32>
        %sub3A_303 = vector.broadcast %mul3A_0 : i32 to vector<16xi32>
        %sub3A_304 = arith.subi %get3A_302, %sub3A_303 : vector<16xi32>
        %ge3A_305 = arith.constant 0 : i32
        %ge3A_306 = vector.broadcast %ge3A_305 : i32 to vector<16xi32>
        %ge3A_307 = arith.cmpi sge, %sub3A_304, %ge3A_306 : vector<16xi32>
        %lt3A_308 = arith.constant 25000 : i32
        %lt3A_309 = vector.broadcast %lt3A_308 : i32 to vector<16xi32>
        %lt3A_310 = arith.cmpi slt, %sub3A_304, %lt3A_309 : vector<16xi32>
        %and3A_311 = arith.andi %ge3A_307, %lt3A_310 : vector<16xi1>
        %add3A_312 = vector.broadcast %add3A_64 : i32 to vector<16xi32>
        %add3A_313 = arith.addi %add3A_312, %iota3A_269 : vector<16xi32>
        %select_n3A_314 = arith.select %and3A_311, %sub3A_304, %add3A_313 : vector<16xi1>, vector<16xi32>
        %swap3A_315 = arith.index_cast %add3A_268 : i32 to index
        %swap3A_316 = arith.constant 16 : index
        %swap3A_317 = tpu.vector_load %arg9[%swap3A_315, %swap3A_316] {strides = array<i32>} : memref<25x80xi32, #tpu.memory_space<vmem>>, vector<1x16xi32>,
        %swap3A_318 = vector.shape_cast %swap3A_317 : vector<1x16xi32> to vector<16xi32>
        %swap3A_319 = vector.shape_cast %select_n3A_314 : vector<16xi32> to vector<1x16xi32>
        tpu.vector_store %arg9[%swap3A_315, %swap3A_316], %swap3A_319 {strides = array<i32>} : memref<25x80xi32, #tpu.memory_space<vmem>>, vector<1x16xi32>,
        %mul3A_320 = arith.constant 80 : i32
        %mul3A_321 = arith.muli %add3A_268, %mul3A_320 : i32
        %add3A_322 = arith.constant 32 : i32
        %add3A_323 = arith.addi %mul3A_321, %add3A_322 : i32
        %get3A_324 = arith.index_cast %rem3A_35 : i32 to index
        %get3A_325 = arith.index_cast %add3A_323 : i32 to index
        %get3A_326 = tpu.vector_load %arg8[%get3A_324, %get3A_325] {strides = array<i32>} : memref<2x2000xi32, #tpu.memory_space<vmem>>, vector<1x16xi32>,
        %get3A_327 = vector.shape_cast %get3A_326 : vector<1x16xi32> to vector<16xi32>
        %sub3A_328 = vector.broadcast %mul3A_0 : i32 to vector<16xi32>
        %sub3A_329 = arith.subi %get3A_327, %sub3A_328 : vector<16xi32>
        %ge3A_330 = arith.constant 0 : i32
        %ge3A_331 = vector.broadcast %ge3A_330 : i32 to vector<16xi32>
        %ge3A_332 = arith.cmpi sge, %sub3A_329, %ge3A_331 : vector<16xi32>
        %lt3A_333 = arith.constant 25000 : i32
        %lt3A_334 = vector.broadcast %lt3A_333 : i32 to vector<16xi32>
        %lt3A_335 = arith.cmpi slt, %sub3A_329, %lt3A_334 : vector<16xi32>
        %and3A_336 = arith.andi %ge3A_332, %lt3A_335 : vector<16xi1>
        %add3A_337 = vector.broadcast %add3A_64 : i32 to vector<16xi32>
        %add3A_338 = arith.addi %add3A_337, %iota3A_269 : vector<16xi32>
        %select_n3A_339 = arith.select %and3A_336, %sub3A_329, %add3A_338 : vector<16xi1>, vector<16xi32>
        %swap3A_340 = arith.index_cast %add3A_268 : i32 to index
        %swap3A_341 = arith.constant 32 : index
        %swap3A_342 = tpu.vector_load %arg9[%swap3A_340, %swap3A_341] {strides = array<i32>} : memref<25x80xi32, #tpu.memory_space<vmem>>, vector<1x16xi32>,
        %swap3A_343 = vector.shape_cast %swap3A_342 : vector<1x16xi32> to vector<16xi32>
        %swap3A_344 = vector.shape_cast %select_n3A_339 : vector<16xi32> to vector<1x16xi32>
        tpu.vector_store %arg9[%swap3A_340, %swap3A_341], %swap3A_344 {strides = array<i32>} : memref<25x80xi32, #tpu.memory_space<vmem>>, vector<1x16xi32>,
        %mul3A_345 = arith.constant 80 : i32
        %mul3A_346 = arith.muli %add3A_268, %mul3A_345 : i32
        %add3A_347 = arith.constant 48 : i32
        %add3A_348 = arith.addi %mul3A_346, %add3A_347 : i32
        %get3A_349 = arith.index_cast %rem3A_35 : i32 to index
        %get3A_350 = arith.index_cast %add3A_348 : i32 to index
        %get3A_351 = tpu.vector_load %arg8[%get3A_349, %get3A_350] {strides = array<i32>} : memref<2x2000xi32, #tpu.memory_space<vmem>>, vector<1x16xi32>,
        %get3A_352 = vector.shape_cast %get3A_351 : vector<1x16xi32> to vector<16xi32>
        %sub3A_353 = vector.broadcast %mul3A_0 : i32 to vector<16xi32>
        %sub3A_354 = arith.subi %get3A_352, %sub3A_353 : vector<16xi32>
        %ge3A_355 = arith.constant 0 : i32
        %ge3A_356 = vector.broadcast %ge3A_355 : i32 to vector<16xi32>
        %ge3A_357 = arith.cmpi sge, %sub3A_354, %ge3A_356 : vector<16xi32>
        %lt3A_358 = arith.constant 25000 : i32
        %lt3A_359 = vector.broadcast %lt3A_358 : i32 to vector<16xi32>
        %lt3A_360 = arith.cmpi slt, %sub3A_354, %lt3A_359 : vector<16xi32>
        %and3A_361 = arith.andi %ge3A_357, %lt3A_360 : vector<16xi1>
        %add3A_362 = vector.broadcast %add3A_64 : i32 to vector<16xi32>
        %add3A_363 = arith.addi %add3A_362, %iota3A_269 : vector<16xi32>
        %select_n3A_364 = arith.select %and3A_361, %sub3A_354, %add3A_363 : vector<16xi1>, vector<16xi32>
        %swap3A_365 = arith.index_cast %add3A_268 : i32 to index
        %swap3A_366 = arith.constant 48 : index
        %swap3A_367 = tpu.vector_load %arg9[%swap3A_365, %swap3A_366] {strides = array<i32>} : memref<25x80xi32, #tpu.memory_space<vmem>>, vector<1x16xi32>,
        %swap3A_368 = vector.shape_cast %swap3A_367 : vector<1x16xi32> to vector<16xi32>
        %swap3A_369 = vector.shape_cast %select_n3A_364 : vector<16xi32> to vector<1x16xi32>
        tpu.vector_store %arg9[%swap3A_365, %swap3A_366], %swap3A_369 {strides = array<i32>} : memref<25x80xi32, #tpu.memory_space<vmem>>, vector<1x16xi32>,
        %mul3A_370 = arith.constant 80 : i32
        %mul3A_371 = arith.muli %add3A_268, %mul3A_370 : i32
        %add3A_372 = arith.constant 64 : i32
        %add3A_373 = arith.addi %mul3A_371, %add3A_372 : i32
        %get3A_374 = arith.index_cast %rem3A_35 : i32 to index
        %get3A_375 = arith.index_cast %add3A_373 : i32 to index
        %get3A_376 = tpu.vector_load %arg8[%get3A_374, %get3A_375] {strides = array<i32>} : memref<2x2000xi32, #tpu.memory_space<vmem>>, vector<1x16xi32>,
        %get3A_377 = vector.shape_cast %get3A_376 : vector<1x16xi32> to vector<16xi32>
        %sub3A_378 = vector.broadcast %mul3A_0 : i32 to vector<16xi32>
        %sub3A_379 = arith.subi %get3A_377, %sub3A_378 : vector<16xi32>
        %ge3A_380 = arith.constant 0 : i32
        %ge3A_381 = vector.broadcast %ge3A_380 : i32 to vector<16xi32>
        %ge3A_382 = arith.cmpi sge, %sub3A_379, %ge3A_381 : vector<16xi32>
        %lt3A_383 = arith.constant 25000 : i32
        %lt3A_384 = vector.broadcast %lt3A_383 : i32 to vector<16xi32>
        %lt3A_385 = arith.cmpi slt, %sub3A_379, %lt3A_384 : vector<16xi32>
        %and3A_386 = arith.andi %ge3A_382, %lt3A_385 : vector<16xi1>
        %add3A_387 = vector.broadcast %add3A_64 : i32 to vector<16xi32>
        %add3A_388 = arith.addi %add3A_387, %iota3A_269 : vector<16xi32>
        %select_n3A_389 = arith.select %and3A_386, %sub3A_379, %add3A_388 : vector<16xi1>, vector<16xi32>
        %swap3A_390 = arith.index_cast %add3A_268 : i32 to index
        %swap3A_391 = arith.constant 64 : index
        %swap3A_392 = tpu.vector_load %arg9[%swap3A_390, %swap3A_391] {strides = array<i32>} : memref<25x80xi32, #tpu.memory_space<vmem>>, vector<1x16xi32>,
        %swap3A_393 = vector.shape_cast %swap3A_392 : vector<1x16xi32> to vector<16xi32>
        %swap3A_394 = vector.shape_cast %select_n3A_389 : vector<16xi32> to vector<1x16xi32>
        tpu.vector_store %arg9[%swap3A_390, %swap3A_391], %swap3A_394 {strides = array<i32>} : memref<25x80xi32, #tpu.memory_space<vmem>>, vector<1x16xi32>,
        %dma_wait3A_395 = arith.constant 0 : i32
        %dma_wait3A_396 = arith.constant 0 : i32
        %dma_wait3A_397 = arith.constant 0 : i32
        %dma_wait3A_398 = arith.constant 0 : i32
        %dma_wait3A_399 = tpu.memref_slice %arg10[%dma_wait3A_396, %dma_wait3A_397, %dma_wait3A_398] : memref<2x80x64xf32, #tpu.memory_space<vmem>> -> memref<1x80x64xf32, #tpu.memory_space<vmem>>
        %dma_wait3A_400 = tpu.memref_squeeze %dma_wait3A_399 : memref<1x80x64xf32, #tpu.memory_space<vmem>> -> memref<80x64xf32, #tpu.memory_space<vmem>>
        %dma_wait3A_401 = arith.constant 0 : i32
        %dma_wait3A_402 = tpu.memref_slice %arg7[%dma_wait3A_395, %dma_wait3A_401] : memref<2x2000xi32, #tpu.memory_space<vmem>> -> memref<1x2000xi32, #tpu.memory_space<vmem>>
        %dma_wait3A_403 = tpu.memref_squeeze %dma_wait3A_402 : memref<1x2000xi32, #tpu.memory_space<vmem>> -> memref<2000xi32, #tpu.memory_space<vmem>>
        %dma_wait3A_404 = arith.constant 0 : i32
        %dma_wait3A_405 = tpu.memref_slice %dma_wait3A_403[%dma_wait3A_404] : memref<2000xi32, #tpu.memory_space<vmem>> -> memref<80xi32, #tpu.memory_space<vmem>>
        %dma_wait3A_406 = arith.constant 0 : i32
        %dma_wait3A_407 = arith.constant 0 : i32
        %dma_wait3A_408 = tpu.memref_slice %arg2[%dma_wait3A_406, %dma_wait3A_407] : memref<50000x64xf32, #tpu.memory_space<hbm>> -> memref<50000x64xf32, #tpu.memory_space<hbm>>
        tpu.wait_indirect_dma semaphore(%arg12 : memref<!tpu.dma_semaphore, #tpu.memory_space<semaphore_mem>>) src(%dma_wait3A_408 : memref<50000x64xf32, #tpu.memory_space<hbm>>) dst(%dma_wait3A_400 : memref<80x64xf32, #tpu.memory_space<vmem>>)
        %rem3A_409 = arith.constant 2 : i32
        %rem3A_410 = arith.remsi %scan3A_243, %rem3A_409 : i32
        %dma_start3A_411 = arith.constant 0 : i32
        %dma_start3A_412 = arith.constant 0 : i32
        %dma_start3A_413 = tpu.memref_slice %arg10[%rem3A_410, %dma_start3A_411, %dma_start3A_412] : memref<2x80x64xf32, #tpu.memory_space<vmem>> -> memref<1x80x64xf32, #tpu.memory_space<vmem>>
        %dma_start3A_414 = tpu.memref_squeeze %dma_start3A_413 : memref<1x80x64xf32, #tpu.memory_space<vmem>> -> memref<80x64xf32, #tpu.memory_space<vmem>>
        %dma_start3A_415 = arith.constant 0 : i32
        %dma_start3A_416 = tpu.memref_slice %arg9[%scan3A_243, %dma_start3A_415] : memref<25x80xi32, #tpu.memory_space<vmem>> -> memref<1x80xi32, #tpu.memory_space<vmem>>
        %dma_start3A_417 = tpu.memref_squeeze %dma_start3A_416 : memref<1x80xi32, #tpu.memory_space<vmem>> -> memref<80xi32, #tpu.memory_space<vmem>>
        %dma_start3A_418 = arith.constant 0 : i32
        %dma_start3A_419 = arith.constant 0 : i32
        %dma_start3A_420 = tpu.memref_slice %arg11[%dma_start3A_418, %dma_start3A_419] : memref<25344x64xf32, #tpu.memory_space<vmem_shared>> -> memref<25344x64xf32, #tpu.memory_space<vmem_shared>>
        tpu.enqueue_indirect_dma source(%dma_start3A_414 : memref<80x64xf32, #tpu.memory_space<vmem>>) target(%dma_start3A_420 : memref<25344x64xf32, #tpu.memory_space<vmem_shared>>) offsets(%dma_start3A_417 : memref<80xi32, #tpu.memory_space<vmem>>) semaphore(%arg13 : memref<!tpu.dma_semaphore, #tpu.memory_space<semaphore_mem>>) {add = true}
      }
      %scan3A_190 = arith.constant 24 : i32
      %dma_wait3A_191 = arith.constant 0 : i32
      %dma_wait3A_192 = arith.constant 0 : i32
      %dma_wait3A_193 = arith.constant 0 : i32
      %dma_wait3A_194 = arith.constant 0 : i32
      %dma_wait3A_195 = tpu.memref_slice %arg10[%dma_wait3A_192, %dma_wait3A_193, %dma_wait3A_194] : memref<2x80x64xf32, #tpu.memory_space<vmem>> -> memref<1x80x64xf32, #tpu.memory_space<vmem>>
      %dma_wait3A_196 = tpu.memref_squeeze %dma_wait3A_195 : memref<1x80x64xf32, #tpu.memory_space<vmem>> -> memref<80x64xf32, #tpu.memory_space<vmem>>
      %dma_wait3A_197 = arith.constant 0 : i32
      %dma_wait3A_198 = tpu.memref_slice %arg7[%dma_wait3A_191, %dma_wait3A_197] : memref<2x2000xi32, #tpu.memory_space<vmem>> -> memref<1x2000xi32, #tpu.memory_space<vmem>>
      %dma_wait3A_199 = tpu.memref_squeeze %dma_wait3A_198 : memref<1x2000xi32, #tpu.memory_space<vmem>> -> memref<2000xi32, #tpu.memory_space<vmem>>
      %dma_wait3A_200 = arith.constant 0 : i32
      %dma_wait3A_201 = tpu.memref_slice %dma_wait3A_199[%dma_wait3A_200] : memref<2000xi32, #tpu.memory_space<vmem>> -> memref<80xi32, #tpu.memory_space<vmem>>
      %dma_wait3A_202 = arith.constant 0 : i32
      %dma_wait3A_203 = arith.constant 0 : i32
      %dma_wait3A_204 = tpu.memref_slice %arg2[%dma_wait3A_202, %dma_wait3A_203] : memref<50000x64xf32, #tpu.memory_space<hbm>> -> memref<50000x64xf32, #tpu.memory_space<hbm>>
      tpu.wait_indirect_dma semaphore(%arg12 : memref<!tpu.dma_semaphore, #tpu.memory_space<semaphore_mem>>) src(%dma_wait3A_204 : memref<50000x64xf32, #tpu.memory_space<hbm>>) dst(%dma_wait3A_196 : memref<80x64xf32, #tpu.memory_space<vmem>>)
      %rem3A_205 = arith.constant 24 : i32
      %rem3A_206 = arith.constant 2 : i32
      %rem3A_207 = arith.remsi %rem3A_205, %rem3A_206 : i32
      %dma_start3A_208 = arith.constant 24 : i32
      %dma_start3A_209 = arith.constant 0 : i32
      %dma_start3A_210 = arith.constant 0 : i32
      %dma_start3A_211 = tpu.memref_slice %arg10[%rem3A_207, %dma_start3A_209, %dma_start3A_210] : memref<2x80x64xf32, #tpu.memory_space<vmem>> -> memref<1x80x64xf32, #tpu.memory_space<vmem>>
      %dma_start3A_212 = tpu.memref_squeeze %dma_start3A_211 : memref<1x80x64xf32, #tpu.memory_space<vmem>> -> memref<80x64xf32, #tpu.memory_space<vmem>>
      %dma_start3A_213 = arith.constant 0 : i32
      %dma_start3A_214 = tpu.memref_slice %arg9[%dma_start3A_208, %dma_start3A_213] : memref<25x80xi32, #tpu.memory_space<vmem>> -> memref<1x80xi32, #tpu.memory_space<vmem>>
      %dma_start3A_215 = tpu.memref_squeeze %dma_start3A_214 : memref<1x80xi32, #tpu.memory_space<vmem>> -> memref<80xi32, #tpu.memory_space<vmem>>
      %dma_start3A_216 = arith.constant 0 : i32
      %dma_start3A_217 = arith.constant 0 : i32
      %dma_start3A_218 = tpu.memref_slice %arg11[%dma_start3A_216, %dma_start3A_217] : memref<25344x64xf32, #tpu.memory_space<vmem_shared>> -> memref<25344x64xf32, #tpu.memory_space<vmem_shared>>
      tpu.enqueue_indirect_dma source(%dma_start3A_212 : memref<80x64xf32, #tpu.memory_space<vmem>>) target(%dma_start3A_218 : memref<25344x64xf32, #tpu.memory_space<vmem_shared>>) offsets(%dma_start3A_215 : memref<80xi32, #tpu.memory_space<vmem>>) semaphore(%arg13 : memref<!tpu.dma_semaphore, #tpu.memory_space<semaphore_mem>>) {add = true}
      %dma_wait3A_219 = arith.constant 0 : i32
      %dma_wait3A_220 = arith.constant 0 : i32
      %dma_wait3A_221 = arith.constant 0 : i32
      %dma_wait3A_222 = arith.constant 0 : i32
      %dma_wait3A_223 = tpu.memref_slice %arg10[%dma_wait3A_219, %dma_wait3A_221, %dma_wait3A_222] : memref<2x80x64xf32, #tpu.memory_space<vmem>> -> memref<1x80x64xf32, #tpu.memory_space<vmem>>
      %dma_wait3A_224 = tpu.memref_squeeze %dma_wait3A_223 : memref<1x80x64xf32, #tpu.memory_space<vmem>> -> memref<80x64xf32, #tpu.memory_space<vmem>>
      %dma_wait3A_225 = arith.constant 0 : i32
      %dma_wait3A_226 = tpu.memref_slice %arg9[%dma_wait3A_220, %dma_wait3A_225] : memref<25x80xi32, #tpu.memory_space<vmem>> -> memref<1x80xi32, #tpu.memory_space<vmem>>
      %dma_wait3A_227 = tpu.memref_squeeze %dma_wait3A_226 : memref<1x80xi32, #tpu.memory_space<vmem>> -> memref<80xi32, #tpu.memory_space<vmem>>
      %dma_wait3A_228 = arith.constant 0 : i32
      %dma_wait3A_229 = arith.constant 0 : i32
      %dma_wait3A_230 = tpu.memref_slice %arg11[%dma_wait3A_228, %dma_wait3A_229] : memref<25344x64xf32, #tpu.memory_space<vmem_shared>> -> memref<25344x64xf32, #tpu.memory_space<vmem_shared>>
      tpu.wait_indirect_dma semaphore(%arg13 : memref<!tpu.dma_semaphore, #tpu.memory_space<semaphore_mem>>) src(%dma_wait3A_224 : memref<80x64xf32, #tpu.memory_space<vmem>>) dst(%dma_wait3A_230 : memref<25344x64xf32, #tpu.memory_space<vmem_shared>>)
      %dma_wait3A_231 = arith.constant 0 : i32
      %dma_wait3A_232 = arith.constant 0 : i32
      %dma_wait3A_233 = arith.constant 0 : i32
      %dma_wait3A_234 = arith.constant 0 : i32
      %dma_wait3A_235 = tpu.memref_slice %arg10[%dma_wait3A_231, %dma_wait3A_233, %dma_wait3A_234] : memref<2x80x64xf32, #tpu.memory_space<vmem>> -> memref<1x80x64xf32, #tpu.memory_space<vmem>>
      %dma_wait3A_236 = tpu.memref_squeeze %dma_wait3A_235 : memref<1x80x64xf32, #tpu.memory_space<vmem>> -> memref<80x64xf32, #tpu.memory_space<vmem>>
      %dma_wait3A_237 = arith.constant 0 : i32
      %dma_wait3A_238 = tpu.memref_slice %arg9[%dma_wait3A_232, %dma_wait3A_237] : memref<25x80xi32, #tpu.memory_space<vmem>> -> memref<1x80xi32, #tpu.memory_space<vmem>>
      %dma_wait3A_239 = tpu.memref_squeeze %dma_wait3A_238 : memref<1x80xi32, #tpu.memory_space<vmem>> -> memref<80xi32, #tpu.memory_space<vmem>>
      %dma_wait3A_240 = arith.constant 0 : i32
      %dma_wait3A_241 = arith.constant 0 : i32
      %dma_wait3A_242 = tpu.memref_slice %arg11[%dma_wait3A_240, %dma_wait3A_241] : memref<25344x64xf32, #tpu.memory_space<vmem_shared>> -> memref<25344x64xf32, #tpu.memory_space<vmem_shared>>
      tpu.wait_indirect_dma semaphore(%arg13 : memref<!tpu.dma_semaphore, #tpu.memory_space<semaphore_mem>>) src(%dma_wait3A_236 : memref<80x64xf32, #tpu.memory_space<vmem>>) dst(%dma_wait3A_242 : memref<25344x64xf32, #tpu.memory_space<vmem_shared>>)
    }
    %scan3A_27 = arith.constant 25 : i32
    %barrier3A_28 = arith.constant 0 : index
    tpu.barrier barrier_id(%barrier3A_28)
    %mul3A_29 = arith.constant 1584 : i32
    %mul3A_30 = arith.muli %arg1, %mul3A_29 : i32
    %mul3A_31 = arith.constant 1584 : i32
    %mul3A_32 = arith.muli %arg1, %mul3A_31 : i32
    "tpu.region"() ({
      %run_scoped3A = tpu.sem_alloc : memref<!tpu.dma_semaphore, #tpu.memory_space<semaphore_mem>>
      %dma_start3A_33 = arith.constant 0 : i32
      %dma_start3A_34 = arith.constant 0 : i32
      %dma_start3A_35 = tpu.memref_slice %arg6[%arg0, %dma_start3A_33, %dma_start3A_34] : memref<2x25344x64xf32, #tpu.memory_space<hbm>> -> memref<1x25344x64xf32, #tpu.memory_space<hbm>>
      %dma_start3A_36 = tpu.memref_squeeze %dma_start3A_35 : memref<1x25344x64xf32, #tpu.memory_space<hbm>> -> memref<25344x64xf32, #tpu.memory_space<hbm>>
      %dma_start3A_37 = arith.constant 0 : i32
      %dma_start3A_38 = tpu.memref_slice %dma_start3A_36[%mul3A_32, %dma_start3A_37] : memref<25344x64xf32, #tpu.memory_space<hbm>> -> memref<1584x64xf32, #tpu.memory_space<hbm>>
      %dma_start3A_39 = arith.constant 0 : i32
      %dma_start3A_40 = tpu.memref_slice %arg11[%mul3A_30, %dma_start3A_39] : memref<25344x64xf32, #tpu.memory_space<vmem_shared>> -> memref<1584x64xf32, #tpu.memory_space<vmem_shared>>
      tpu.enqueue_dma source(%dma_start3A_40 : memref<1584x64xf32, #tpu.memory_space<vmem_shared>>) target(%dma_start3A_38 : memref<1584x64xf32, #tpu.memory_space<hbm>>) target_semaphore(%run_scoped3A : memref<!tpu.dma_semaphore, #tpu.memory_space<semaphore_mem>>)
      %dma_wait3A = arith.constant 0 : i32
      %dma_wait3A_41 = arith.constant 0 : i32
      %dma_wait3A_42 = tpu.memref_slice %arg6[%arg0, %dma_wait3A, %dma_wait3A_41] : memref<2x25344x64xf32, #tpu.memory_space<hbm>> -> memref<1x25344x64xf32, #tpu.memory_space<hbm>>
      %dma_wait3A_43 = tpu.memref_squeeze %dma_wait3A_42 : memref<1x25344x64xf32, #tpu.memory_space<hbm>> -> memref<25344x64xf32, #tpu.memory_space<hbm>>
      %dma_wait3A_44 = arith.constant 0 : i32
      %dma_wait3A_45 = tpu.memref_slice %dma_wait3A_43[%mul3A_32, %dma_wait3A_44] : memref<25344x64xf32, #tpu.memory_space<hbm>> -> memref<1584x64xf32, #tpu.memory_space<hbm>>
      %dma_wait3A_46 = arith.constant 0 : i32
      %dma_wait3A_47 = tpu.memref_slice %arg11[%mul3A_30, %dma_wait3A_46] : memref<25344x64xf32, #tpu.memory_space<vmem_shared>> -> memref<1584x64xf32, #tpu.memory_space<vmem_shared>>
      tpu.wait_dma2 semaphore(%run_scoped3A : memref<!tpu.dma_semaphore, #tpu.memory_space<semaphore_mem>>) src(%dma_wait3A_47 : memref<1584x64xf32, #tpu.memory_space<vmem_shared>>) dst(%dma_wait3A_45 : memref<1584x64xf32, #tpu.memory_space<hbm>>)
      tpu.yield
    }) : () -> ()
    return
  }
}

#map = affine_map<(d0, d1) -> (0, 0)>
#map1 = affine_map<(d0, d1) -> (0)>
#map2 = affine_map<(d0, d1) -> (0, 0, 0)>
module attributes {stable_mosaic.version = 14 : i64} {
  func.func @_sc_scatter(%arg0: i32, %arg1: i32, %arg2: memref<50000x64xf32, #tpu.memory_space<hbm>>, %arg3: memref<800000xi32, #tpu.memory_space<hbm>>, %arg4: memref<800000xi32, #tpu.memory_space<hbm>>, %arg5: memref<1584x64xf32, #tpu.memory_space<hbm>>, %arg6: memref<2x25344x64xf32, #tpu.memory_space<hbm>>, %arg7: memref<2x2000xi32, #tpu.memory_space<vmem>>, %arg8: memref<2x2000xi32, #tpu.memory_space<vmem>>, %arg9: memref<25x80xi32, #tpu.memory_space<vmem>>, %arg10: memref<2x80x64xf32, #tpu.memory_space<vmem>>, %arg11: memref<25344x64xf32, #tpu.memory_space<vmem_shared>>, %arg12: memref<!tpu.dma_semaphore, #tpu.memory_space<semaphore_mem>>, %arg13: memref<!tpu.dma_semaphore, #tpu.memory_space<semaphore_mem>>, %arg14: memref<!tpu.dma_semaphore, #tpu.memory_space<semaphore_mem>>) attributes {dimension_semantics = [#tpu.dimension_semantics<core_parallel>, #tpu.dimension_semantics<subcore_parallel>], iteration_bounds = array<i64: 2, 16>, scalar_prefetch = 0 : i64, scratch_operands = 8 : i64, tpu.core_type = #tpu.core_type<sc_vector_subcore>, window_params = [{transform_indices = #map}, {transform_indices = #map1}, {transform_indices = #map1}, {transform_indices = #map}, {transform_indices = #map2}]} {
    %mul3A = arith.constant 25000 : i32
    %mul3A_0 = arith.muli %arg0, %mul3A : i32
    %mul3A_1 = arith.constant 50000 : i32
    %mul3A_2 = arith.muli %arg1, %mul3A_1 : i32
    %add3A = arith.constant 0 : i32
    %add3A_3 = arith.addi %mul3A_2, %add3A : i32
    %multiple_of3A = tpu.assume_multiple %add3A_3, 8 : i32
    %rem3A = arith.constant 0 : i32
    %rem3A_4 = arith.constant 2 : i32
    %rem3A_5 = arith.remsi %rem3A, %rem3A_4 : i32
    %dma_start3A = arith.constant 0 : i32
    %dma_start3A_6 = tpu.memref_slice %arg7[%rem3A_5, %dma_start3A] : memref<2x2000xi32, #tpu.memory_space<vmem>> -> memref<1x2000xi32, #tpu.memory_space<vmem>>
    %dma_start3A_7 = tpu.memref_squeeze %dma_start3A_6 : memref<1x2000xi32, #tpu.memory_space<vmem>> -> memref<2000xi32, #tpu.memory_space<vmem>>
    %dma_start3A_8 = tpu.memref_slice %arg3[%multiple_of3A] : memref<800000xi32, #tpu.memory_space<hbm>> -> memref<2000xi32, #tpu.memory_space<hbm>>
    %dma_start3A_9 = arith.constant 0 : i32
    %dma_start3A_10 = tpu.memref_slice %arg7[%rem3A_5, %dma_start3A_9] : memref<2x2000xi32, #tpu.memory_space<vmem>> -> memref<1x2000xi32, #tpu.memory_space<vmem>>
    %dma_start3A_11 = tpu.memref_squeeze %dma_start3A_10 : memref<1x2000xi32, #tpu.memory_space<vmem>> -> memref<2000xi32, #tpu.memory_space<vmem>>
    %dma_start3A_12 = tpu.memref_slice %arg3[%multiple_of3A] : memref<800000xi32, #tpu.memory_space<hbm>> -> memref<2000xi32, #tpu.memory_space<hbm>>
    tpu.enqueue_dma source(%dma_start3A_12 : memref<2000xi32, #tpu.memory_space<hbm>>) target(%dma_start3A_11 : memref<2000xi32, #tpu.memory_space<vmem>>) target_semaphore(%arg14 : memref<!tpu.dma_semaphore, #tpu.memory_space<semaphore_mem>>)
    %dma_start3A_13 = arith.constant 0 : i32
    %dma_start3A_14 = tpu.memref_slice %arg8[%rem3A_5, %dma_start3A_13] : memref<2x2000xi32, #tpu.memory_space<vmem>> -> memref<1x2000xi32, #tpu.memory_space<vmem>>
    %dma_start3A_15 = tpu.memref_squeeze %dma_start3A_14 : memref<1x2000xi32, #tpu.memory_space<vmem>> -> memref<2000xi32, #tpu.memory_space<vmem>>
    %dma_start3A_16 = tpu.memref_slice %arg4[%multiple_of3A] : memref<800000xi32, #tpu.memory_space<hbm>> -> memref<2000xi32, #tpu.memory_space<hbm>>
    %dma_start3A_17 = arith.constant 0 : i32
    %dma_start3A_18 = tpu.memref_slice %arg8[%rem3A_5, %dma_start3A_17] : memref<2x2000xi32, #tpu.memory_space<vmem>> -> memref<1x2000xi32, #tpu.memory_space<vmem>>
    %dma_start3A_19 = tpu.memref_squeeze %dma_start3A_18 : memref<1x2000xi32, #tpu.memory_space<vmem>> -> memref<2000xi32, #tpu.memory_space<vmem>>
    %dma_start3A_20 = tpu.memref_slice %arg4[%multiple_of3A] : memref<800000xi32, #tpu.memory_space<hbm>> -> memref<2000xi32, #tpu.memory_space<hbm>>
    tpu.enqueue_dma source(%dma_start3A_20 : memref<2000xi32, #tpu.memory_space<hbm>>) target(%dma_start3A_19 : memref<2000xi32, #tpu.memory_space<vmem>>) target_semaphore(%arg14 : memref<!tpu.dma_semaphore, #tpu.memory_space<semaphore_mem>>)
    %mul3A_21 = arith.constant 1584 : i32
    %mul3A_22 = arith.muli %arg1, %mul3A_21 : i32
    "tpu.region"() ({
      %run_scoped3A = tpu.sem_alloc : memref<!tpu.dma_semaphore, #tpu.memory_space<semaphore_mem>>
      %dma_start3A_33 = arith.constant 0 : i32
      %dma_start3A_34 = tpu.memref_slice %arg11[%mul3A_22, %dma_start3A_33] : memref<25344x64xf32, #tpu.memory_space<vmem_shared>> -> memref<1584x64xf32, #tpu.memory_space<vmem_shared>>
      tpu.enqueue_dma source(%arg5 : memref<1584x64xf32, #tpu.memory_space<hbm>>) target(%dma_start3A_34 : memref<1584x64xf32, #tpu.memory_space<vmem_shared>>) target_semaphore(%run_scoped3A : memref<!tpu.dma_semaphore, #tpu.memory_space<semaphore_mem>>)
      %dma_wait3A = arith.constant 0 : i32
      %dma_wait3A_35 = tpu.memref_slice %arg11[%mul3A_22, %dma_wait3A] : memref<25344x64xf32, #tpu.memory_space<vmem_shared>> -> memref<1584x64xf32, #tpu.memory_space<vmem_shared>>
      tpu.wait_dma2 semaphore(%run_scoped3A : memref<!tpu.dma_semaphore, #tpu.memory_space<semaphore_mem>>) src(%arg5 : memref<1584x64xf32, #tpu.memory_space<hbm>>) dst(%dma_wait3A_35 : memref<1584x64xf32, #tpu.memory_space<vmem_shared>>)
      tpu.yield
    }) : () -> ()
    %barrier3A = arith.constant 0 : index
    tpu.barrier barrier_id(%barrier3A)
    %scan3A = arith.constant 0 : i32
    %scan3A_23 = arith.constant 0 : i32
    %scan3A_24 = arith.constant 25 : i32
    %scan3A_25 = arith.addi %scan3A_23, %scan3A_24 : i32
    %scan3A_26 = arith.constant 1 : i32
    scf.for %scan3A_33 = %scan3A_23 to %scan3A_25 step %scan3A_26  : i32 {
      %rem3A_34 = arith.constant 2 : i32
      %rem3A_35 = arith.remsi %scan3A_33, %rem3A_34 : i32
      %dma_wait3A = arith.constant 0 : i32
      %dma_wait3A_36 = arith.constant 0 : i32
      %dma_wait3A_37 = tpu.memref_slice %arg7[%dma_wait3A, %dma_wait3A_36] : memref<2x2000xi32, #tpu.memory_space<vmem>> -> memref<1x2000xi32, #tpu.memory_space<vmem>>
      %dma_wait3A_38 = tpu.memref_squeeze %dma_wait3A_37 : memref<1x2000xi32, #tpu.memory_space<vmem>> -> memref<2000xi32, #tpu.memory_space<vmem>>
      %dma_wait3A_39 = arith.constant 0 : i32
      %dma_wait3A_40 = tpu.memref_slice %arg3[%dma_wait3A_39] : memref<800000xi32, #tpu.memory_space<hbm>> -> memref<2000xi32, #tpu.memory_space<hbm>>
      %dma_wait3A_41 = arith.constant 0 : i32
      %dma_wait3A_42 = tpu.memref_slice %arg7[%dma_wait3A, %dma_wait3A_41] : memref<2x2000xi32, #tpu.memory_space<vmem>> -> memref<1x2000xi32, #tpu.memory_space<vmem>>
      %dma_wait3A_43 = tpu.memref_squeeze %dma_wait3A_42 : memref<1x2000xi32, #tpu.memory_space<vmem>> -> memref<2000xi32, #tpu.memory_space<vmem>>
      %dma_wait3A_44 = arith.constant 0 : i32
      %dma_wait3A_45 = tpu.memref_slice %arg3[%dma_wait3A_44] : memref<800000xi32, #tpu.memory_space<hbm>> -> memref<2000xi32, #tpu.memory_space<hbm>>
      tpu.wait_dma2 semaphore(%arg14 : memref<!tpu.dma_semaphore, #tpu.memory_space<semaphore_mem>>) src(%dma_wait3A_45 : memref<2000xi32, #tpu.memory_space<hbm>>) dst(%dma_wait3A_43 : memref<2000xi32, #tpu.memory_space<vmem>>)
      %dma_wait3A_46 = arith.constant 0 : i32
      %dma_wait3A_47 = arith.constant 0 : i32
      %dma_wait3A_48 = tpu.memref_slice %arg8[%dma_wait3A_46, %dma_wait3A_47] : memref<2x2000xi32, #tpu.memory_space<vmem>> -> memref<1x2000xi32, #tpu.memory_space<vmem>>
      %dma_wait3A_49 = tpu.memref_squeeze %dma_wait3A_48 : memref<1x2000xi32, #tpu.memory_space<vmem>> -> memref<2000xi32, #tpu.memory_space<vmem>>
      %dma_wait3A_50 = arith.constant 0 : i32
      %dma_wait3A_51 = tpu.memref_slice %arg4[%dma_wait3A_50] : memref<800000xi32, #tpu.memory_space<hbm>> -> memref<2000xi32, #tpu.memory_space<hbm>>
      %dma_wait3A_52 = arith.constant 0 : i32
      %dma_wait3A_53 = tpu.memref_slice %arg8[%dma_wait3A_46, %dma_wait3A_52] : memref<2x2000xi32, #tpu.memory_space<vmem>> -> memref<1x2000xi32, #tpu.memory_space<vmem>>
      %dma_wait3A_54 = tpu.memref_squeeze %dma_wait3A_53 : memref<1x2000xi32, #tpu.memory_space<vmem>> -> memref<2000xi32, #tpu.memory_space<vmem>>
      %dma_wait3A_55 = arith.constant 0 : i32
      %dma_wait3A_56 = tpu.memref_slice %arg4[%dma_wait3A_55] : memref<800000xi32, #tpu.memory_space<hbm>> -> memref<2000xi32, #tpu.memory_space<hbm>>
      tpu.wait_dma2 semaphore(%arg14 : memref<!tpu.dma_semaphore, #tpu.memory_space<semaphore_mem>>) src(%dma_wait3A_56 : memref<2000xi32, #tpu.memory_space<hbm>>) dst(%dma_wait3A_54 : memref<2000xi32, #tpu.memory_space<vmem>>)
      %add3A_57 = arith.constant 1 : i32
      %add3A_58 = arith.addi %scan3A_33, %add3A_57 : i32
      %lt3A = arith.constant 25 : i32
      %lt3A_59 = arith.cmpi slt, %add3A_58, %lt3A : i32
      %convert_element_type3A = arith.extui %lt3A_59 : i1 to i32
      %cond3A = arith.constant 0 : i32
      %cond3A_60 = arith.cmpi ne, %convert_element_type3A, %cond3A : i32
      scf.if %cond3A_60 {
        %add3A_243 = arith.constant 1 : i32
        %add3A_244 = arith.addi %scan3A_33, %add3A_243 : i32
        %mul3A_245 = arith.constant 50000 : i32
        %mul3A_246 = arith.muli %arg1, %mul3A_245 : i32
        %mul3A_247 = arith.constant 2000 : i32
        %mul3A_248 = arith.muli %add3A_244, %mul3A_247 : i32
        %add3A_249 = arith.addi %mul3A_246, %mul3A_248 : i32
        %multiple_of3A_250 = tpu.assume_multiple %add3A_249, 8 : i32
        %rem3A_251 = arith.constant 2 : i32
        %rem3A_252 = arith.remsi %add3A_244, %rem3A_251 : i32
        %dma_start3A_253 = arith.constant 0 : i32
        %dma_start3A_254 = tpu.memref_slice %arg7[%rem3A_252, %dma_start3A_253] : memref<2x2000xi32, #tpu.memory_space<vmem>> -> memref<1x2000xi32, #tpu.memory_space<vmem>>
        %dma_start3A_255 = tpu.memref_squeeze %dma_start3A_254 : memref<1x2000xi32, #tpu.memory_space<vmem>> -> memref<2000xi32, #tpu.memory_space<vmem>>
        %dma_start3A_256 = tpu.memref_slice %arg3[%multiple_of3A_250] : memref<800000xi32, #tpu.memory_space<hbm>> -> memref<2000xi32, #tpu.memory_space<hbm>>
        %dma_start3A_257 = arith.constant 0 : i32
        %dma_start3A_258 = tpu.memref_slice %arg7[%rem3A_252, %dma_start3A_257] : memref<2x2000xi32, #tpu.memory_space<vmem>> -> memref<1x2000xi32, #tpu.memory_space<vmem>>
        %dma_start3A_259 = tpu.memref_squeeze %dma_start3A_258 : memref<1x2000xi32, #tpu.memory_space<vmem>> -> memref<2000xi32, #tpu.memory_space<vmem>>
        %dma_start3A_260 = tpu.memref_slice %arg3[%multiple_of3A_250] : memref<800000xi32, #tpu.memory_space<hbm>> -> memref<2000xi32, #tpu.memory_space<hbm>>
        tpu.enqueue_dma source(%dma_start3A_260 : memref<2000xi32, #tpu.memory_space<hbm>>) target(%dma_start3A_259 : memref<2000xi32, #tpu.memory_space<vmem>>) target_semaphore(%arg14 : memref<!tpu.dma_semaphore, #tpu.memory_space<semaphore_mem>>)
        %dma_start3A_261 = arith.constant 0 : i32
        %dma_start3A_262 = tpu.memref_slice %arg8[%rem3A_252, %dma_start3A_261] : memref<2x2000xi32, #tpu.memory_space<vmem>> -> memref<1x2000xi32, #tpu.memory_space<vmem>>
        %dma_start3A_263 = tpu.memref_squeeze %dma_start3A_262 : memref<1x2000xi32, #tpu.memory_space<vmem>> -> memref<2000xi32, #tpu.memory_space<vmem>>
        %dma_start3A_264 = tpu.memref_slice %arg4[%multiple_of3A_250] : memref<800000xi32, #tpu.memory_space<hbm>> -> memref<2000xi32, #tpu.memory_space<hbm>>
        %dma_start3A_265 = arith.constant 0 : i32
        %dma_start3A_266 = tpu.memref_slice %arg8[%rem3A_252, %dma_start3A_265] : memref<2x2000xi32, #tpu.memory_space<vmem>> -> memref<1x2000xi32, #tpu.memory_space<vmem>>
        %dma_start3A_267 = tpu.memref_squeeze %dma_start3A_266 : memref<1x2000xi32, #tpu.memory_space<vmem>> -> memref<2000xi32, #tpu.memory_space<vmem>>
        %dma_start3A_268 = tpu.memref_slice %arg4[%multiple_of3A_250] : memref<800000xi32, #tpu.memory_space<hbm>> -> memref<2000xi32, #tpu.memory_space<hbm>>
        tpu.enqueue_dma source(%dma_start3A_268 : memref<2000xi32, #tpu.memory_space<hbm>>) target(%dma_start3A_267 : memref<2000xi32, #tpu.memory_space<vmem>>) target_semaphore(%arg14 : memref<!tpu.dma_semaphore, #tpu.memory_space<semaphore_mem>>)
      } else {
      }
      %mul3A_61 = arith.constant 16 : i32
      %mul3A_62 = arith.muli %arg1, %mul3A_61 : i32
      %add3A_63 = arith.constant 25000 : i32
      %add3A_64 = arith.addi %add3A_63, %mul3A_62 : i32
      %iota3A = tpu.iota {dimensions = array<i32: 0>} : vector<16xi32>
      %get3A = arith.index_cast %rem3A_35 : i32 to index
      %get3A_65 = arith.constant 0 : index
      %get3A_66 = tpu.vector_load %arg8[%get3A, %get3A_65] {strides = array<i32>} : memref<2x2000xi32, #tpu.memory_space<vmem>>, vector<1x16xi32>,
      %get3A_67 = vector.shape_cast %get3A_66 : vector<1x16xi32> to vector<16xi32>
      %sub3A = vector.broadcast %mul3A_0 : i32 to vector<16xi32>
      %sub3A_68 = arith.subi %get3A_67, %sub3A : vector<16xi32>
      %ge3A = arith.constant 0 : i32
      %ge3A_69 = vector.broadcast %ge3A : i32 to vector<16xi32>
      %ge3A_70 = arith.cmpi sge, %sub3A_68, %ge3A_69 : vector<16xi32>
      %lt3A_71 = arith.constant 25000 : i32
      %lt3A_72 = vector.broadcast %lt3A_71 : i32 to vector<16xi32>
      %lt3A_73 = arith.cmpi slt, %sub3A_68, %lt3A_72 : vector<16xi32>
      %and3A = arith.andi %ge3A_70, %lt3A_73 : vector<16xi1>
      %add3A_74 = vector.broadcast %add3A_64 : i32 to vector<16xi32>
      %add3A_75 = arith.addi %add3A_74, %iota3A : vector<16xi32>
      %select_n3A = arith.select %and3A, %sub3A_68, %add3A_75 : vector<16xi1>, vector<16xi32>
      %swap3A = arith.constant 0 : i32
      %swap3A_76 = arith.index_cast %swap3A : i32 to index
      %swap3A_77 = arith.constant 0 : index
      %swap3A_78 = tpu.vector_load %arg9[%swap3A_76, %swap3A_77] {strides = array<i32>} : memref<25x80xi32, #tpu.memory_space<vmem>>, vector<1x16xi32>,
      %swap3A_79 = vector.shape_cast %swap3A_78 : vector<1x16xi32> to vector<16xi32>
      %swap3A_80 = vector.shape_cast %select_n3A : vector<16xi32> to vector<1x16xi32>
      tpu.vector_store %arg9[%swap3A_76, %swap3A_77], %swap3A_80 {strides = array<i32>} : memref<25x80xi32, #tpu.memory_space<vmem>>, vector<1x16xi32>,
      %get3A_81 = arith.index_cast %rem3A_35 : i32 to index
      %get3A_82 = arith.constant 16 : index
      %get3A_83 = tpu.vector_load %arg8[%get3A_81, %get3A_82] {strides = array<i32>} : memref<2x2000xi32, #tpu.memory_space<vmem>>, vector<1x16xi32>,
      %get3A_84 = vector.shape_cast %get3A_83 : vector<1x16xi32> to vector<16xi32>
      %sub3A_85 = vector.broadcast %mul3A_0 : i32 to vector<16xi32>
      %sub3A_86 = arith.subi %get3A_84, %sub3A_85 : vector<16xi32>
      %ge3A_87 = arith.constant 0 : i32
      %ge3A_88 = vector.broadcast %ge3A_87 : i32 to vector<16xi32>
      %ge3A_89 = arith.cmpi sge, %sub3A_86, %ge3A_88 : vector<16xi32>
      %lt3A_90 = arith.constant 25000 : i32
      %lt3A_91 = vector.broadcast %lt3A_90 : i32 to vector<16xi32>
      %lt3A_92 = arith.cmpi slt, %sub3A_86, %lt3A_91 : vector<16xi32>
      %and3A_93 = arith.andi %ge3A_89, %lt3A_92 : vector<16xi1>
      %add3A_94 = vector.broadcast %add3A_64 : i32 to vector<16xi32>
      %add3A_95 = arith.addi %add3A_94, %iota3A : vector<16xi32>
      %select_n3A_96 = arith.select %and3A_93, %sub3A_86, %add3A_95 : vector<16xi1>, vector<16xi32>
      %swap3A_97 = arith.constant 0 : i32
      %swap3A_98 = arith.index_cast %swap3A_97 : i32 to index
      %swap3A_99 = arith.constant 16 : index
      %swap3A_100 = tpu.vector_load %arg9[%swap3A_98, %swap3A_99] {strides = array<i32>} : memref<25x80xi32, #tpu.memory_space<vmem>>, vector<1x16xi32>,
      %swap3A_101 = vector.shape_cast %swap3A_100 : vector<1x16xi32> to vector<16xi32>
      %swap3A_102 = vector.shape_cast %select_n3A_96 : vector<16xi32> to vector<1x16xi32>
      tpu.vector_store %arg9[%swap3A_98, %swap3A_99], %swap3A_102 {strides = array<i32>} : memref<25x80xi32, #tpu.memory_space<vmem>>, vector<1x16xi32>,
      %get3A_103 = arith.index_cast %rem3A_35 : i32 to index
      %get3A_104 = arith.constant 32 : index
      %get3A_105 = tpu.vector_load %arg8[%get3A_103, %get3A_104] {strides = array<i32>} : memref<2x2000xi32, #tpu.memory_space<vmem>>, vector<1x16xi32>,
      %get3A_106 = vector.shape_cast %get3A_105 : vector<1x16xi32> to vector<16xi32>
      %sub3A_107 = vector.broadcast %mul3A_0 : i32 to vector<16xi32>
      %sub3A_108 = arith.subi %get3A_106, %sub3A_107 : vector<16xi32>
      %ge3A_109 = arith.constant 0 : i32
      %ge3A_110 = vector.broadcast %ge3A_109 : i32 to vector<16xi32>
      %ge3A_111 = arith.cmpi sge, %sub3A_108, %ge3A_110 : vector<16xi32>
      %lt3A_112 = arith.constant 25000 : i32
      %lt3A_113 = vector.broadcast %lt3A_112 : i32 to vector<16xi32>
      %lt3A_114 = arith.cmpi slt, %sub3A_108, %lt3A_113 : vector<16xi32>
      %and3A_115 = arith.andi %ge3A_111, %lt3A_114 : vector<16xi1>
      %add3A_116 = vector.broadcast %add3A_64 : i32 to vector<16xi32>
      %add3A_117 = arith.addi %add3A_116, %iota3A : vector<16xi32>
      %select_n3A_118 = arith.select %and3A_115, %sub3A_108, %add3A_117 : vector<16xi1>, vector<16xi32>
      %swap3A_119 = arith.constant 0 : i32
      %swap3A_120 = arith.index_cast %swap3A_119 : i32 to index
      %swap3A_121 = arith.constant 32 : index
      %swap3A_122 = tpu.vector_load %arg9[%swap3A_120, %swap3A_121] {strides = array<i32>} : memref<25x80xi32, #tpu.memory_space<vmem>>, vector<1x16xi32>,
      %swap3A_123 = vector.shape_cast %swap3A_122 : vector<1x16xi32> to vector<16xi32>
      %swap3A_124 = vector.shape_cast %select_n3A_118 : vector<16xi32> to vector<1x16xi32>
      tpu.vector_store %arg9[%swap3A_120, %swap3A_121], %swap3A_124 {strides = array<i32>} : memref<25x80xi32, #tpu.memory_space<vmem>>, vector<1x16xi32>,
      %get3A_125 = arith.index_cast %rem3A_35 : i32 to index
      %get3A_126 = arith.constant 48 : index
      %get3A_127 = tpu.vector_load %arg8[%get3A_125, %get3A_126] {strides = array<i32>} : memref<2x2000xi32, #tpu.memory_space<vmem>>, vector<1x16xi32>,
      %get3A_128 = vector.shape_cast %get3A_127 : vector<1x16xi32> to vector<16xi32>
      %sub3A_129 = vector.broadcast %mul3A_0 : i32 to vector<16xi32>
      %sub3A_130 = arith.subi %get3A_128, %sub3A_129 : vector<16xi32>
      %ge3A_131 = arith.constant 0 : i32
      %ge3A_132 = vector.broadcast %ge3A_131 : i32 to vector<16xi32>
      %ge3A_133 = arith.cmpi sge, %sub3A_130, %ge3A_132 : vector<16xi32>
      %lt3A_134 = arith.constant 25000 : i32
      %lt3A_135 = vector.broadcast %lt3A_134 : i32 to vector<16xi32>
      %lt3A_136 = arith.cmpi slt, %sub3A_130, %lt3A_135 : vector<16xi32>
      %and3A_137 = arith.andi %ge3A_133, %lt3A_136 : vector<16xi1>
      %add3A_138 = vector.broadcast %add3A_64 : i32 to vector<16xi32>
      %add3A_139 = arith.addi %add3A_138, %iota3A : vector<16xi32>
      %select_n3A_140 = arith.select %and3A_137, %sub3A_130, %add3A_139 : vector<16xi1>, vector<16xi32>
      %swap3A_141 = arith.constant 0 : i32
      %swap3A_142 = arith.index_cast %swap3A_141 : i32 to index
      %swap3A_143 = arith.constant 48 : index
      %swap3A_144 = tpu.vector_load %arg9[%swap3A_142, %swap3A_143] {strides = array<i32>} : memref<25x80xi32, #tpu.memory_space<vmem>>, vector<1x16xi32>,
      %swap3A_145 = vector.shape_cast %swap3A_144 : vector<1x16xi32> to vector<16xi32>
      %swap3A_146 = vector.shape_cast %select_n3A_140 : vector<16xi32> to vector<1x16xi32>
      tpu.vector_store %arg9[%swap3A_142, %swap3A_143], %swap3A_146 {strides = array<i32>} : memref<25x80xi32, #tpu.memory_space<vmem>>, vector<1x16xi32>,
      %get3A_147 = arith.index_cast %rem3A_35 : i32 to index
      %get3A_148 = arith.constant 64 : index
      %get3A_149 = tpu.vector_load %arg8[%get3A_147, %get3A_148] {strides = array<i32>} : memref<2x2000xi32, #tpu.memory_space<vmem>>, vector<1x16xi32>,
      %get3A_150 = vector.shape_cast %get3A_149 : vector<1x16xi32> to vector<16xi32>
      %sub3A_151 = vector.broadcast %mul3A_0 : i32 to vector<16xi32>
      %sub3A_152 = arith.subi %get3A_150, %sub3A_151 : vector<16xi32>
      %ge3A_153 = arith.constant 0 : i32
      %ge3A_154 = vector.broadcast %ge3A_153 : i32 to vector<16xi32>
      %ge3A_155 = arith.cmpi sge, %sub3A_152, %ge3A_154 : vector<16xi32>
      %lt3A_156 = arith.constant 25000 : i32
      %lt3A_157 = vector.broadcast %lt3A_156 : i32 to vector<16xi32>
      %lt3A_158 = arith.cmpi slt, %sub3A_152, %lt3A_157 : vector<16xi32>
      %and3A_159 = arith.andi %ge3A_155, %lt3A_158 : vector<16xi1>
      %add3A_160 = vector.broadcast %add3A_64 : i32 to vector<16xi32>
      %add3A_161 = arith.addi %add3A_160, %iota3A : vector<16xi32>
      %select_n3A_162 = arith.select %and3A_159, %sub3A_152, %add3A_161 : vector<16xi1>, vector<16xi32>
      %swap3A_163 = arith.constant 0 : i32
      %swap3A_164 = arith.index_cast %swap3A_163 : i32 to index
      %swap3A_165 = arith.constant 64 : index
      %swap3A_166 = tpu.vector_load %arg9[%swap3A_164, %swap3A_165] {strides = array<i32>} : memref<25x80xi32, #tpu.memory_space<vmem>>, vector<1x16xi32>,
      %swap3A_167 = vector.shape_cast %swap3A_166 : vector<1x16xi32> to vector<16xi32>
      %swap3A_168 = vector.shape_cast %select_n3A_162 : vector<16xi32> to vector<1x16xi32>
      tpu.vector_store %arg9[%swap3A_164, %swap3A_165], %swap3A_168 {strides = array<i32>} : memref<25x80xi32, #tpu.memory_space<vmem>>, vector<1x16xi32>,
      %multiple_of3A_169 = arith.constant 0 : i32
      %multiple_of3A_170 = tpu.assume_multiple %multiple_of3A_169, 8 : i32
      %rem3A_171 = arith.constant 0 : i32
      %rem3A_172 = arith.constant 2 : i32
      %rem3A_173 = arith.remsi %rem3A_171, %rem3A_172 : i32
      %dma_start3A_174 = arith.constant 0 : i32
      %dma_start3A_175 = arith.constant 0 : i32
      %dma_start3A_176 = tpu.memref_slice %arg10[%rem3A_173, %dma_start3A_174, %dma_start3A_175] : memref<2x80x64xf32, #tpu.memory_space<vmem>> -> memref<1x80x64xf32, #tpu.memory_space<vmem>>
      %dma_start3A_177 = tpu.memref_squeeze %dma_start3A_176 : memref<1x80x64xf32, #tpu.memory_space<vmem>> -> memref<80x64xf32, #tpu.memory_space<vmem>>
      %dma_start3A_178 = arith.constant 0 : i32
      %dma_start3A_179 = tpu.memref_slice %arg7[%rem3A_35, %dma_start3A_178] : memref<2x2000xi32, #tpu.memory_space<vmem>> -> memref<1x2000xi32, #tpu.memory_space<vmem>>
      %dma_start3A_180 = tpu.memref_squeeze %dma_start3A_179 : memref<1x2000xi32, #tpu.memory_space<vmem>> -> memref<2000xi32, #tpu.memory_space<vmem>>
      %dma_start3A_181 = tpu.memref_slice %dma_start3A_180[%multiple_of3A_170] : memref<2000xi32, #tpu.memory_space<vmem>> -> memref<80xi32, #tpu.memory_space<vmem>>
      %dma_start3A_182 = arith.constant 0 : i32
      %dma_start3A_183 = arith.constant 0 : i32
      %dma_start3A_184 = tpu.memref_slice %arg2[%dma_start3A_182, %dma_start3A_183] : memref<50000x64xf32, #tpu.memory_space<hbm>> -> memref<50000x64xf32, #tpu.memory_space<hbm>>
      tpu.enqueue_indirect_dma source(%dma_start3A_184 : memref<50000x64xf32, #tpu.memory_space<hbm>>) target(%dma_start3A_177 : memref<80x64xf32, #tpu.memory_space<vmem>>) offsets(%dma_start3A_181 : memref<80xi32, #tpu.memory_space<vmem>>) semaphore(%arg12 : memref<!tpu.dma_semaphore, #tpu.memory_space<semaphore_mem>>)
      %scan3A_185 = arith.constant 0 : i32
      %scan3A_186 = arith.constant 0 : i32
      %scan3A_187 = arith.constant 24 : i32
      %scan3A_188 = arith.addi %scan3A_186, %scan3A_187 : i32
      %scan3A_189 = arith.constant 1 : i32
      scf.for %scan3A_243 = %scan3A_186 to %scan3A_188 step %scan3A_189  : i32 {
        %ge3A_244 = arith.constant 1 : i32
        %ge3A_245 = arith.cmpi sge, %scan3A_243, %ge3A_244 : i32
        %convert_element_type3A_246 = arith.extui %ge3A_245 : i1 to i32
        %cond3A_247 = arith.constant 0 : i32
        %cond3A_248 = arith.cmpi ne, %convert_element_type3A_246, %cond3A_247 : i32
        scf.if %cond3A_248 {
          %dma_wait3A_421 = arith.constant 0 : i32
          %dma_wait3A_422 = arith.constant 0 : i32
          %dma_wait3A_423 = arith.constant 0 : i32
          %dma_wait3A_424 = arith.constant 0 : i32
          %dma_wait3A_425 = tpu.memref_slice %arg10[%dma_wait3A_421, %dma_wait3A_423, %dma_wait3A_424] : memref<2x80x64xf32, #tpu.memory_space<vmem>> -> memref<1x80x64xf32, #tpu.memory_space<vmem>>
          %dma_wait3A_426 = tpu.memref_squeeze %dma_wait3A_425 : memref<1x80x64xf32, #tpu.memory_space<vmem>> -> memref<80x64xf32, #tpu.memory_space<vmem>>
          %dma_wait3A_427 = arith.constant 0 : i32
          %dma_wait3A_428 = tpu.memref_slice %arg9[%dma_wait3A_422, %dma_wait3A_427] : memref<25x80xi32, #tpu.memory_space<vmem>> -> memref<1x80xi32, #tpu.memory_space<vmem>>
          %dma_wait3A_429 = tpu.memref_squeeze %dma_wait3A_428 : memref<1x80xi32, #tpu.memory_space<vmem>> -> memref<80xi32, #tpu.memory_space<vmem>>
          %dma_wait3A_430 = arith.constant 0 : i32
          %dma_wait3A_431 = arith.constant 0 : i32
          %dma_wait3A_432 = tpu.memref_slice %arg11[%dma_wait3A_430, %dma_wait3A_431] : memref<25344x64xf32, #tpu.memory_space<vmem_shared>> -> memref<25344x64xf32, #tpu.memory_space<vmem_shared>>
          tpu.wait_indirect_dma semaphore(%arg13 : memref<!tpu.dma_semaphore, #tpu.memory_space<semaphore_mem>>) src(%dma_wait3A_426 : memref<80x64xf32, #tpu.memory_space<vmem>>) dst(%dma_wait3A_432 : memref<25344x64xf32, #tpu.memory_space<vmem_shared>>)
        } else {
        }
        %add3A_249 = arith.constant 1 : i32
        %add3A_250 = arith.addi %scan3A_243, %add3A_249 : i32
        %mul3A_251 = arith.constant 80 : i32
        %mul3A_252 = arith.muli %add3A_250, %mul3A_251 : i32
        %multiple_of3A_253 = tpu.assume_multiple %mul3A_252, 8 : i32
        %rem3A_254 = arith.constant 2 : i32
        %rem3A_255 = arith.remsi %add3A_250, %rem3A_254 : i32
        %dma_start3A_256 = arith.constant 0 : i32
        %dma_start3A_257 = arith.constant 0 : i32
        %dma_start3A_258 = tpu.memref_slice %arg10[%rem3A_255, %dma_start3A_256, %dma_start3A_257] : memref<2x80x64xf32, #tpu.memory_space<vmem>> -> memref<1x80x64xf32, #tpu.memory_space<vmem>>
        %dma_start3A_259 = tpu.memref_squeeze %dma_start3A_258 : memref<1x80x64xf32, #tpu.memory_space<vmem>> -> memref<80x64xf32, #tpu.memory_space<vmem>>
        %dma_start3A_260 = arith.constant 0 : i32
        %dma_start3A_261 = tpu.memref_slice %arg7[%rem3A_35, %dma_start3A_260] : memref<2x2000xi32, #tpu.memory_space<vmem>> -> memref<1x2000xi32, #tpu.memory_space<vmem>>
        %dma_start3A_262 = tpu.memref_squeeze %dma_start3A_261 : memref<1x2000xi32, #tpu.memory_space<vmem>> -> memref<2000xi32, #tpu.memory_space<vmem>>
        %dma_start3A_263 = tpu.memref_slice %dma_start3A_262[%multiple_of3A_253] : memref<2000xi32, #tpu.memory_space<vmem>> -> memref<80xi32, #tpu.memory_space<vmem>>
        %dma_start3A_264 = arith.constant 0 : i32
        %dma_start3A_265 = arith.constant 0 : i32
        %dma_start3A_266 = tpu.memref_slice %arg2[%dma_start3A_264, %dma_start3A_265] : memref<50000x64xf32, #tpu.memory_space<hbm>> -> memref<50000x64xf32, #tpu.memory_space<hbm>>
        tpu.enqueue_indirect_dma source(%dma_start3A_266 : memref<50000x64xf32, #tpu.memory_space<hbm>>) target(%dma_start3A_259 : memref<80x64xf32, #tpu.memory_space<vmem>>) offsets(%dma_start3A_263 : memref<80xi32, #tpu.memory_space<vmem>>) semaphore(%arg12 : memref<!tpu.dma_semaphore, #tpu.memory_space<semaphore_mem>>)
        %add3A_267 = arith.constant 1 : i32
        %add3A_268 = arith.addi %scan3A_243, %add3A_267 : i32
        %iota3A_269 = tpu.iota {dimensions = array<i32: 0>} : vector<16xi32>
        %mul3A_270 = arith.constant 80 : i32
        %mul3A_271 = arith.muli %add3A_268, %mul3A_270 : i32
        %add3A_272 = arith.constant 0 : i32
        %add3A_273 = arith.addi %mul3A_271, %add3A_272 : i32
        %get3A_274 = arith.index_cast %rem3A_35 : i32 to index
        %get3A_275 = arith.index_cast %add3A_273 : i32 to index
        %get3A_276 = tpu.vector_load %arg8[%get3A_274, %get3A_275] {strides = array<i32>} : memref<2x2000xi32, #tpu.memory_space<vmem>>, vector<1x16xi32>,
        %get3A_277 = vector.shape_cast %get3A_276 : vector<1x16xi32> to vector<16xi32>
        %sub3A_278 = vector.broadcast %mul3A_0 : i32 to vector<16xi32>
        %sub3A_279 = arith.subi %get3A_277, %sub3A_278 : vector<16xi32>
        %ge3A_280 = arith.constant 0 : i32
        %ge3A_281 = vector.broadcast %ge3A_280 : i32 to vector<16xi32>
        %ge3A_282 = arith.cmpi sge, %sub3A_279, %ge3A_281 : vector<16xi32>
        %lt3A_283 = arith.constant 25000 : i32
        %lt3A_284 = vector.broadcast %lt3A_283 : i32 to vector<16xi32>
        %lt3A_285 = arith.cmpi slt, %sub3A_279, %lt3A_284 : vector<16xi32>
        %and3A_286 = arith.andi %ge3A_282, %lt3A_285 : vector<16xi1>
        %add3A_287 = vector.broadcast %add3A_64 : i32 to vector<16xi32>
        %add3A_288 = arith.addi %add3A_287, %iota3A_269 : vector<16xi32>
        %select_n3A_289 = arith.select %and3A_286, %sub3A_279, %add3A_288 : vector<16xi1>, vector<16xi32>
        %swap3A_290 = arith.index_cast %add3A_268 : i32 to index
        %swap3A_291 = arith.constant 0 : index
        %swap3A_292 = tpu.vector_load %arg9[%swap3A_290, %swap3A_291] {strides = array<i32>} : memref<25x80xi32, #tpu.memory_space<vmem>>, vector<1x16xi32>,
        %swap3A_293 = vector.shape_cast %swap3A_292 : vector<1x16xi32> to vector<16xi32>
        %swap3A_294 = vector.shape_cast %select_n3A_289 : vector<16xi32> to vector<1x16xi32>
        tpu.vector_store %arg9[%swap3A_290, %swap3A_291], %swap3A_294 {strides = array<i32>} : memref<25x80xi32, #tpu.memory_space<vmem>>, vector<1x16xi32>,
        %mul3A_295 = arith.constant 80 : i32
        %mul3A_296 = arith.muli %add3A_268, %mul3A_295 : i32
        %add3A_297 = arith.constant 16 : i32
        %add3A_298 = arith.addi %mul3A_296, %add3A_297 : i32
        %get3A_299 = arith.index_cast %rem3A_35 : i32 to index
        %get3A_300 = arith.index_cast %add3A_298 : i32 to index
        %get3A_301 = tpu.vector_load %arg8[%get3A_299, %get3A_300] {strides = array<i32>} : memref<2x2000xi32, #tpu.memory_space<vmem>>, vector<1x16xi32>,
        %get3A_302 = vector.shape_cast %get3A_301 : vector<1x16xi32> to vector<16xi32>
        %sub3A_303 = vector.broadcast %mul3A_0 : i32 to vector<16xi32>
        %sub3A_304 = arith.subi %get3A_302, %sub3A_303 : vector<16xi32>
        %ge3A_305 = arith.constant 0 : i32
        %ge3A_306 = vector.broadcast %ge3A_305 : i32 to vector<16xi32>
        %ge3A_307 = arith.cmpi sge, %sub3A_304, %ge3A_306 : vector<16xi32>
        %lt3A_308 = arith.constant 25000 : i32
        %lt3A_309 = vector.broadcast %lt3A_308 : i32 to vector<16xi32>
        %lt3A_310 = arith.cmpi slt, %sub3A_304, %lt3A_309 : vector<16xi32>
        %and3A_311 = arith.andi %ge3A_307, %lt3A_310 : vector<16xi1>
        %add3A_312 = vector.broadcast %add3A_64 : i32 to vector<16xi32>
        %add3A_313 = arith.addi %add3A_312, %iota3A_269 : vector<16xi32>
        %select_n3A_314 = arith.select %and3A_311, %sub3A_304, %add3A_313 : vector<16xi1>, vector<16xi32>
        %swap3A_315 = arith.index_cast %add3A_268 : i32 to index
        %swap3A_316 = arith.constant 16 : index
        %swap3A_317 = tpu.vector_load %arg9[%swap3A_315, %swap3A_316] {strides = array<i32>} : memref<25x80xi32, #tpu.memory_space<vmem>>, vector<1x16xi32>,
        %swap3A_318 = vector.shape_cast %swap3A_317 : vector<1x16xi32> to vector<16xi32>
        %swap3A_319 = vector.shape_cast %select_n3A_314 : vector<16xi32> to vector<1x16xi32>
        tpu.vector_store %arg9[%swap3A_315, %swap3A_316], %swap3A_319 {strides = array<i32>} : memref<25x80xi32, #tpu.memory_space<vmem>>, vector<1x16xi32>,
        %mul3A_320 = arith.constant 80 : i32
        %mul3A_321 = arith.muli %add3A_268, %mul3A_320 : i32
        %add3A_322 = arith.constant 32 : i32
        %add3A_323 = arith.addi %mul3A_321, %add3A_322 : i32
        %get3A_324 = arith.index_cast %rem3A_35 : i32 to index
        %get3A_325 = arith.index_cast %add3A_323 : i32 to index
        %get3A_326 = tpu.vector_load %arg8[%get3A_324, %get3A_325] {strides = array<i32>} : memref<2x2000xi32, #tpu.memory_space<vmem>>, vector<1x16xi32>,
        %get3A_327 = vector.shape_cast %get3A_326 : vector<1x16xi32> to vector<16xi32>
        %sub3A_328 = vector.broadcast %mul3A_0 : i32 to vector<16xi32>
        %sub3A_329 = arith.subi %get3A_327, %sub3A_328 : vector<16xi32>
        %ge3A_330 = arith.constant 0 : i32
        %ge3A_331 = vector.broadcast %ge3A_330 : i32 to vector<16xi32>
        %ge3A_332 = arith.cmpi sge, %sub3A_329, %ge3A_331 : vector<16xi32>
        %lt3A_333 = arith.constant 25000 : i32
        %lt3A_334 = vector.broadcast %lt3A_333 : i32 to vector<16xi32>
        %lt3A_335 = arith.cmpi slt, %sub3A_329, %lt3A_334 : vector<16xi32>
        %and3A_336 = arith.andi %ge3A_332, %lt3A_335 : vector<16xi1>
        %add3A_337 = vector.broadcast %add3A_64 : i32 to vector<16xi32>
        %add3A_338 = arith.addi %add3A_337, %iota3A_269 : vector<16xi32>
        %select_n3A_339 = arith.select %and3A_336, %sub3A_329, %add3A_338 : vector<16xi1>, vector<16xi32>
        %swap3A_340 = arith.index_cast %add3A_268 : i32 to index
        %swap3A_341 = arith.constant 32 : index
        %swap3A_342 = tpu.vector_load %arg9[%swap3A_340, %swap3A_341] {strides = array<i32>} : memref<25x80xi32, #tpu.memory_space<vmem>>, vector<1x16xi32>,
        %swap3A_343 = vector.shape_cast %swap3A_342 : vector<1x16xi32> to vector<16xi32>
        %swap3A_344 = vector.shape_cast %select_n3A_339 : vector<16xi32> to vector<1x16xi32>
        tpu.vector_store %arg9[%swap3A_340, %swap3A_341], %swap3A_344 {strides = array<i32>} : memref<25x80xi32, #tpu.memory_space<vmem>>, vector<1x16xi32>,
        %mul3A_345 = arith.constant 80 : i32
        %mul3A_346 = arith.muli %add3A_268, %mul3A_345 : i32
        %add3A_347 = arith.constant 48 : i32
        %add3A_348 = arith.addi %mul3A_346, %add3A_347 : i32
        %get3A_349 = arith.index_cast %rem3A_35 : i32 to index
        %get3A_350 = arith.index_cast %add3A_348 : i32 to index
        %get3A_351 = tpu.vector_load %arg8[%get3A_349, %get3A_350] {strides = array<i32>} : memref<2x2000xi32, #tpu.memory_space<vmem>>, vector<1x16xi32>,
        %get3A_352 = vector.shape_cast %get3A_351 : vector<1x16xi32> to vector<16xi32>
        %sub3A_353 = vector.broadcast %mul3A_0 : i32 to vector<16xi32>
        %sub3A_354 = arith.subi %get3A_352, %sub3A_353 : vector<16xi32>
        %ge3A_355 = arith.constant 0 : i32
        %ge3A_356 = vector.broadcast %ge3A_355 : i32 to vector<16xi32>
        %ge3A_357 = arith.cmpi sge, %sub3A_354, %ge3A_356 : vector<16xi32>
        %lt3A_358 = arith.constant 25000 : i32
        %lt3A_359 = vector.broadcast %lt3A_358 : i32 to vector<16xi32>
        %lt3A_360 = arith.cmpi slt, %sub3A_354, %lt3A_359 : vector<16xi32>
        %and3A_361 = arith.andi %ge3A_357, %lt3A_360 : vector<16xi1>
        %add3A_362 = vector.broadcast %add3A_64 : i32 to vector<16xi32>
        %add3A_363 = arith.addi %add3A_362, %iota3A_269 : vector<16xi32>
        %select_n3A_364 = arith.select %and3A_361, %sub3A_354, %add3A_363 : vector<16xi1>, vector<16xi32>
        %swap3A_365 = arith.index_cast %add3A_268 : i32 to index
        %swap3A_366 = arith.constant 48 : index
        %swap3A_367 = tpu.vector_load %arg9[%swap3A_365, %swap3A_366] {strides = array<i32>} : memref<25x80xi32, #tpu.memory_space<vmem>>, vector<1x16xi32>,
        %swap3A_368 = vector.shape_cast %swap3A_367 : vector<1x16xi32> to vector<16xi32>
        %swap3A_369 = vector.shape_cast %select_n3A_364 : vector<16xi32> to vector<1x16xi32>
        tpu.vector_store %arg9[%swap3A_365, %swap3A_366], %swap3A_369 {strides = array<i32>} : memref<25x80xi32, #tpu.memory_space<vmem>>, vector<1x16xi32>,
        %mul3A_370 = arith.constant 80 : i32
        %mul3A_371 = arith.muli %add3A_268, %mul3A_370 : i32
        %add3A_372 = arith.constant 64 : i32
        %add3A_373 = arith.addi %mul3A_371, %add3A_372 : i32
        %get3A_374 = arith.index_cast %rem3A_35 : i32 to index
        %get3A_375 = arith.index_cast %add3A_373 : i32 to index
        %get3A_376 = tpu.vector_load %arg8[%get3A_374, %get3A_375] {strides = array<i32>} : memref<2x2000xi32, #tpu.memory_space<vmem>>, vector<1x16xi32>,
        %get3A_377 = vector.shape_cast %get3A_376 : vector<1x16xi32> to vector<16xi32>
        %sub3A_378 = vector.broadcast %mul3A_0 : i32 to vector<16xi32>
        %sub3A_379 = arith.subi %get3A_377, %sub3A_378 : vector<16xi32>
        %ge3A_380 = arith.constant 0 : i32
        %ge3A_381 = vector.broadcast %ge3A_380 : i32 to vector<16xi32>
        %ge3A_382 = arith.cmpi sge, %sub3A_379, %ge3A_381 : vector<16xi32>
        %lt3A_383 = arith.constant 25000 : i32
        %lt3A_384 = vector.broadcast %lt3A_383 : i32 to vector<16xi32>
        %lt3A_385 = arith.cmpi slt, %sub3A_379, %lt3A_384 : vector<16xi32>
        %and3A_386 = arith.andi %ge3A_382, %lt3A_385 : vector<16xi1>
        %add3A_387 = vector.broadcast %add3A_64 : i32 to vector<16xi32>
        %add3A_388 = arith.addi %add3A_387, %iota3A_269 : vector<16xi32>
        %select_n3A_389 = arith.select %and3A_386, %sub3A_379, %add3A_388 : vector<16xi1>, vector<16xi32>
        %swap3A_390 = arith.index_cast %add3A_268 : i32 to index
        %swap3A_391 = arith.constant 64 : index
        %swap3A_392 = tpu.vector_load %arg9[%swap3A_390, %swap3A_391] {strides = array<i32>} : memref<25x80xi32, #tpu.memory_space<vmem>>, vector<1x16xi32>,
        %swap3A_393 = vector.shape_cast %swap3A_392 : vector<1x16xi32> to vector<16xi32>
        %swap3A_394 = vector.shape_cast %select_n3A_389 : vector<16xi32> to vector<1x16xi32>
        tpu.vector_store %arg9[%swap3A_390, %swap3A_391], %swap3A_394 {strides = array<i32>} : memref<25x80xi32, #tpu.memory_space<vmem>>, vector<1x16xi32>,
        %dma_wait3A_395 = arith.constant 0 : i32
        %dma_wait3A_396 = arith.constant 0 : i32
        %dma_wait3A_397 = arith.constant 0 : i32
        %dma_wait3A_398 = arith.constant 0 : i32
        %dma_wait3A_399 = tpu.memref_slice %arg10[%dma_wait3A_396, %dma_wait3A_397, %dma_wait3A_398] : memref<2x80x64xf32, #tpu.memory_space<vmem>> -> memref<1x80x64xf32, #tpu.memory_space<vmem>>
        %dma_wait3A_400 = tpu.memref_squeeze %dma_wait3A_399 : memref<1x80x64xf32, #tpu.memory_space<vmem>> -> memref<80x64xf32, #tpu.memory_space<vmem>>
        %dma_wait3A_401 = arith.constant 0 : i32
        %dma_wait3A_402 = tpu.memref_slice %arg7[%dma_wait3A_395, %dma_wait3A_401] : memref<2x2000xi32, #tpu.memory_space<vmem>> -> memref<1x2000xi32, #tpu.memory_space<vmem>>
        %dma_wait3A_403 = tpu.memref_squeeze %dma_wait3A_402 : memref<1x2000xi32, #tpu.memory_space<vmem>> -> memref<2000xi32, #tpu.memory_space<vmem>>
        %dma_wait3A_404 = arith.constant 0 : i32
        %dma_wait3A_405 = tpu.memref_slice %dma_wait3A_403[%dma_wait3A_404] : memref<2000xi32, #tpu.memory_space<vmem>> -> memref<80xi32, #tpu.memory_space<vmem>>
        %dma_wait3A_406 = arith.constant 0 : i32
        %dma_wait3A_407 = arith.constant 0 : i32
        %dma_wait3A_408 = tpu.memref_slice %arg2[%dma_wait3A_406, %dma_wait3A_407] : memref<50000x64xf32, #tpu.memory_space<hbm>> -> memref<50000x64xf32, #tpu.memory_space<hbm>>
        tpu.wait_indirect_dma semaphore(%arg12 : memref<!tpu.dma_semaphore, #tpu.memory_space<semaphore_mem>>) src(%dma_wait3A_408 : memref<50000x64xf32, #tpu.memory_space<hbm>>) dst(%dma_wait3A_400 : memref<80x64xf32, #tpu.memory_space<vmem>>)
        %rem3A_409 = arith.constant 2 : i32
        %rem3A_410 = arith.remsi %scan3A_243, %rem3A_409 : i32
        %dma_start3A_411 = arith.constant 0 : i32
        %dma_start3A_412 = arith.constant 0 : i32
        %dma_start3A_413 = tpu.memref_slice %arg10[%rem3A_410, %dma_start3A_411, %dma_start3A_412] : memref<2x80x64xf32, #tpu.memory_space<vmem>> -> memref<1x80x64xf32, #tpu.memory_space<vmem>>
        %dma_start3A_414 = tpu.memref_squeeze %dma_start3A_413 : memref<1x80x64xf32, #tpu.memory_space<vmem>> -> memref<80x64xf32, #tpu.memory_space<vmem>>
        %dma_start3A_415 = arith.constant 0 : i32
        %dma_start3A_416 = tpu.memref_slice %arg9[%scan3A_243, %dma_start3A_415] : memref<25x80xi32, #tpu.memory_space<vmem>> -> memref<1x80xi32, #tpu.memory_space<vmem>>
        %dma_start3A_417 = tpu.memref_squeeze %dma_start3A_416 : memref<1x80xi32, #tpu.memory_space<vmem>> -> memref<80xi32, #tpu.memory_space<vmem>>
        %dma_start3A_418 = arith.constant 0 : i32
        %dma_start3A_419 = arith.constant 0 : i32
        %dma_start3A_420 = tpu.memref_slice %arg11[%dma_start3A_418, %dma_start3A_419] : memref<25344x64xf32, #tpu.memory_space<vmem_shared>> -> memref<25344x64xf32, #tpu.memory_space<vmem_shared>>
        tpu.enqueue_indirect_dma source(%dma_start3A_414 : memref<80x64xf32, #tpu.memory_space<vmem>>) target(%dma_start3A_420 : memref<25344x64xf32, #tpu.memory_space<vmem_shared>>) offsets(%dma_start3A_417 : memref<80xi32, #tpu.memory_space<vmem>>) semaphore(%arg13 : memref<!tpu.dma_semaphore, #tpu.memory_space<semaphore_mem>>) {add = true}
      }
      %scan3A_190 = arith.constant 24 : i32
      %dma_wait3A_191 = arith.constant 0 : i32
      %dma_wait3A_192 = arith.constant 0 : i32
      %dma_wait3A_193 = arith.constant 0 : i32
      %dma_wait3A_194 = arith.constant 0 : i32
      %dma_wait3A_195 = tpu.memref_slice %arg10[%dma_wait3A_192, %dma_wait3A_193, %dma_wait3A_194] : memref<2x80x64xf32, #tpu.memory_space<vmem>> -> memref<1x80x64xf32, #tpu.memory_space<vmem>>
      %dma_wait3A_196 = tpu.memref_squeeze %dma_wait3A_195 : memref<1x80x64xf32, #tpu.memory_space<vmem>> -> memref<80x64xf32, #tpu.memory_space<vmem>>
      %dma_wait3A_197 = arith.constant 0 : i32
      %dma_wait3A_198 = tpu.memref_slice %arg7[%dma_wait3A_191, %dma_wait3A_197] : memref<2x2000xi32, #tpu.memory_space<vmem>> -> memref<1x2000xi32, #tpu.memory_space<vmem>>
      %dma_wait3A_199 = tpu.memref_squeeze %dma_wait3A_198 : memref<1x2000xi32, #tpu.memory_space<vmem>> -> memref<2000xi32, #tpu.memory_space<vmem>>
      %dma_wait3A_200 = arith.constant 0 : i32
      %dma_wait3A_201 = tpu.memref_slice %dma_wait3A_199[%dma_wait3A_200] : memref<2000xi32, #tpu.memory_space<vmem>> -> memref<80xi32, #tpu.memory_space<vmem>>
      %dma_wait3A_202 = arith.constant 0 : i32
      %dma_wait3A_203 = arith.constant 0 : i32
      %dma_wait3A_204 = tpu.memref_slice %arg2[%dma_wait3A_202, %dma_wait3A_203] : memref<50000x64xf32, #tpu.memory_space<hbm>> -> memref<50000x64xf32, #tpu.memory_space<hbm>>
      tpu.wait_indirect_dma semaphore(%arg12 : memref<!tpu.dma_semaphore, #tpu.memory_space<semaphore_mem>>) src(%dma_wait3A_204 : memref<50000x64xf32, #tpu.memory_space<hbm>>) dst(%dma_wait3A_196 : memref<80x64xf32, #tpu.memory_space<vmem>>)
      %rem3A_205 = arith.constant 24 : i32
      %rem3A_206 = arith.constant 2 : i32
      %rem3A_207 = arith.remsi %rem3A_205, %rem3A_206 : i32
      %dma_start3A_208 = arith.constant 24 : i32
      %dma_start3A_209 = arith.constant 0 : i32
      %dma_start3A_210 = arith.constant 0 : i32
      %dma_start3A_211 = tpu.memref_slice %arg10[%rem3A_207, %dma_start3A_209, %dma_start3A_210] : memref<2x80x64xf32, #tpu.memory_space<vmem>> -> memref<1x80x64xf32, #tpu.memory_space<vmem>>
      %dma_start3A_212 = tpu.memref_squeeze %dma_start3A_211 : memref<1x80x64xf32, #tpu.memory_space<vmem>> -> memref<80x64xf32, #tpu.memory_space<vmem>>
      %dma_start3A_213 = arith.constant 0 : i32
      %dma_start3A_214 = tpu.memref_slice %arg9[%dma_start3A_208, %dma_start3A_213] : memref<25x80xi32, #tpu.memory_space<vmem>> -> memref<1x80xi32, #tpu.memory_space<vmem>>
      %dma_start3A_215 = tpu.memref_squeeze %dma_start3A_214 : memref<1x80xi32, #tpu.memory_space<vmem>> -> memref<80xi32, #tpu.memory_space<vmem>>
      %dma_start3A_216 = arith.constant 0 : i32
      %dma_start3A_217 = arith.constant 0 : i32
      %dma_start3A_218 = tpu.memref_slice %arg11[%dma_start3A_216, %dma_start3A_217] : memref<25344x64xf32, #tpu.memory_space<vmem_shared>> -> memref<25344x64xf32, #tpu.memory_space<vmem_shared>>
      tpu.enqueue_indirect_dma source(%dma_start3A_212 : memref<80x64xf32, #tpu.memory_space<vmem>>) target(%dma_start3A_218 : memref<25344x64xf32, #tpu.memory_space<vmem_shared>>) offsets(%dma_start3A_215 : memref<80xi32, #tpu.memory_space<vmem>>) semaphore(%arg13 : memref<!tpu.dma_semaphore, #tpu.memory_space<semaphore_mem>>) {add = true}
      %dma_wait3A_219 = arith.constant 0 : i32
      %dma_wait3A_220 = arith.constant 0 : i32
      %dma_wait3A_221 = arith.constant 0 : i32
      %dma_wait3A_222 = arith.constant 0 : i32
      %dma_wait3A_223 = tpu.memref_slice %arg10[%dma_wait3A_219, %dma_wait3A_221, %dma_wait3A_222] : memref<2x80x64xf32, #tpu.memory_space<vmem>> -> memref<1x80x64xf32, #tpu.memory_space<vmem>>
      %dma_wait3A_224 = tpu.memref_squeeze %dma_wait3A_223 : memref<1x80x64xf32, #tpu.memory_space<vmem>> -> memref<80x64xf32, #tpu.memory_space<vmem>>
      %dma_wait3A_225 = arith.constant 0 : i32
      %dma_wait3A_226 = tpu.memref_slice %arg9[%dma_wait3A_220, %dma_wait3A_225] : memref<25x80xi32, #tpu.memory_space<vmem>> -> memref<1x80xi32, #tpu.memory_space<vmem>>
      %dma_wait3A_227 = tpu.memref_squeeze %dma_wait3A_226 : memref<1x80xi32, #tpu.memory_space<vmem>> -> memref<80xi32, #tpu.memory_space<vmem>>
      %dma_wait3A_228 = arith.constant 0 : i32
      %dma_wait3A_229 = arith.constant 0 : i32
      %dma_wait3A_230 = tpu.memref_slice %arg11[%dma_wait3A_228, %dma_wait3A_229] : memref<25344x64xf32, #tpu.memory_space<vmem_shared>> -> memref<25344x64xf32, #tpu.memory_space<vmem_shared>>
      tpu.wait_indirect_dma semaphore(%arg13 : memref<!tpu.dma_semaphore, #tpu.memory_space<semaphore_mem>>) src(%dma_wait3A_224 : memref<80x64xf32, #tpu.memory_space<vmem>>) dst(%dma_wait3A_230 : memref<25344x64xf32, #tpu.memory_space<vmem_shared>>)
      %dma_wait3A_231 = arith.constant 0 : i32
      %dma_wait3A_232 = arith.constant 0 : i32
      %dma_wait3A_233 = arith.constant 0 : i32
      %dma_wait3A_234 = arith.constant 0 : i32
      %dma_wait3A_235 = tpu.memref_slice %arg10[%dma_wait3A_231, %dma_wait3A_233, %dma_wait3A_234] : memref<2x80x64xf32, #tpu.memory_space<vmem>> -> memref<1x80x64xf32, #tpu.memory_space<vmem>>
      %dma_wait3A_236 = tpu.memref_squeeze %dma_wait3A_235 : memref<1x80x64xf32, #tpu.memory_space<vmem>> -> memref<80x64xf32, #tpu.memory_space<vmem>>
      %dma_wait3A_237 = arith.constant 0 : i32
      %dma_wait3A_238 = tpu.memref_slice %arg9[%dma_wait3A_232, %dma_wait3A_237] : memref<25x80xi32, #tpu.memory_space<vmem>> -> memref<1x80xi32, #tpu.memory_space<vmem>>
      %dma_wait3A_239 = tpu.memref_squeeze %dma_wait3A_238 : memref<1x80xi32, #tpu.memory_space<vmem>> -> memref<80xi32, #tpu.memory_space<vmem>>
      %dma_wait3A_240 = arith.constant 0 : i32
      %dma_wait3A_241 = arith.constant 0 : i32
      %dma_wait3A_242 = tpu.memref_slice %arg11[%dma_wait3A_240, %dma_wait3A_241] : memref<25344x64xf32, #tpu.memory_space<vmem_shared>> -> memref<25344x64xf32, #tpu.memory_space<vmem_shared>>
      tpu.wait_indirect_dma semaphore(%arg13 : memref<!tpu.dma_semaphore, #tpu.memory_space<semaphore_mem>>) src(%dma_wait3A_236 : memref<80x64xf32, #tpu.memory_space<vmem>>) dst(%dma_wait3A_242 : memref<25344x64xf32, #tpu.memory_space<vmem_shared>>)
    }
    %scan3A_27 = arith.constant 25 : i32
    %barrier3A_28 = arith.constant 0 : index
    tpu.barrier barrier_id(%barrier3A_28)
    %mul3A_29 = arith.constant 1584 : i32
    %mul3A_30 = arith.muli %arg1, %mul3A_29 : i32
    %mul3A_31 = arith.constant 1584 : i32
    %mul3A_32 = arith.muli %arg1, %mul3A_31 : i32
    "tpu.region"() ({
      %run_scoped3A = tpu.sem_alloc : memref<!tpu.dma_semaphore, #tpu.memory_space<semaphore_mem>>
      %dma_start3A_33 = arith.constant 0 : i32
      %dma_start3A_34 = arith.constant 0 : i32
      %dma_start3A_35 = tpu.memref_slice %arg6[%arg0, %dma_start3A_33, %dma_start3A_34] : memref<2x25344x64xf32, #tpu.memory_space<hbm>> -> memref<1x25344x64xf32, #tpu.memory_space<hbm>>
      %dma_start3A_36 = tpu.memref_squeeze %dma_start3A_35 : memref<1x25344x64xf32, #tpu.memory_space<hbm>> -> memref<25344x64xf32, #tpu.memory_space<hbm>>
      %dma_start3A_37 = arith.constant 0 : i32
      %dma_start3A_38 = tpu.memref_slice %dma_start3A_36[%mul3A_32, %dma_start3A_37] : memref<25344x64xf32, #tpu.memory_space<hbm>> -> memref<1584x64xf32, #tpu.memory_space<hbm>>
      %dma_start3A_39 = arith.constant 0 : i32
      %dma_start3A_40 = tpu.memref_slice %arg11[%mul3A_30, %dma_start3A_39] : memref<25344x64xf32, #tpu.memory_space<vmem_shared>> -> memref<1584x64xf32, #tpu.memory_space<vmem_shared>>
      tpu.enqueue_dma source(%dma_start3A_40 : memref<1584x64xf32, #tpu.memory_space<vmem_shared>>) target(%dma_start3A_38 : memref<1584x64xf32, #tpu.memory_space<hbm>>) target_semaphore(%run_scoped3A : memref<!tpu.dma_semaphore, #tpu.memory_space<semaphore_mem>>)
      %dma_wait3A = arith.constant 0 : i32
      %dma_wait3A_41 = arith.constant 0 : i32
      %dma_wait3A_42 = tpu.memref_slice %arg6[%arg0, %dma_wait3A, %dma_wait3A_41] : memref<2x25344x64xf32, #tpu.memory_space<hbm>> -> memref<1x25344x64xf32, #tpu.memory_space<hbm>>
      %dma_wait3A_43 = tpu.memref_squeeze %dma_wait3A_42 : memref<1x25344x64xf32, #tpu.memory_space<hbm>> -> memref<25344x64xf32, #tpu.memory_space<hbm>>
      %dma_wait3A_44 = arith.constant 0 : i32
      %dma_wait3A_45 = tpu.memref_slice %dma_wait3A_43[%mul3A_32, %dma_wait3A_44] : memref<25344x64xf32, #tpu.memory_space<hbm>> -> memref<1584x64xf32, #tpu.memory_space<hbm>>
      %dma_wait3A_46 = arith.constant 0 : i32
      %dma_wait3A_47 = tpu.memref_slice %arg11[%mul3A_30, %dma_wait3A_46] : memref<25344x64xf32, #tpu.memory_space<vmem_shared>> -> memref<1584x64xf32, #tpu.memory_space<vmem_shared>>
      tpu.wait_dma2 semaphore(%run_scoped3A : memref<!tpu.dma_semaphore, #tpu.memory_space<semaphore_mem>>) src(%dma_wait3A_47 : memref<1584x64xf32, #tpu.memory_space<vmem_shared>>) dst(%dma_wait3A_45 : memref<1584x64xf32, #tpu.memory_space<hbm>>)
      tpu.yield
    }) : () -> ()
    return
  }
}

#map = affine_map<(d0, d1) -> (0, 0)>
#map1 = affine_map<(d0, d1) -> (0)>
#map2 = affine_map<(d0, d1) -> (0, 0, 0)>
module attributes {stable_mosaic.version = 14 : i64} {
  func.func @_sc_scatter(%arg0: i32, %arg1: i32, %arg2: memref<50000x64xf32, #tpu.memory_space<hbm>>, %arg3: memref<800000xi32, #tpu.memory_space<hbm>>, %arg4: memref<800000xi32, #tpu.memory_space<hbm>>, %arg5: memref<1584x64xf32, #tpu.memory_space<hbm>>, %arg6: memref<2x25344x64xf32, #tpu.memory_space<hbm>>, %arg7: memref<2x2000xi32, #tpu.memory_space<vmem>>, %arg8: memref<2x2000xi32, #tpu.memory_space<vmem>>, %arg9: memref<25x80xi32, #tpu.memory_space<vmem>>, %arg10: memref<2x80x64xf32, #tpu.memory_space<vmem>>, %arg11: memref<25344x64xf32, #tpu.memory_space<vmem_shared>>, %arg12: memref<!tpu.dma_semaphore, #tpu.memory_space<semaphore_mem>>, %arg13: memref<!tpu.dma_semaphore, #tpu.memory_space<semaphore_mem>>, %arg14: memref<!tpu.dma_semaphore, #tpu.memory_space<semaphore_mem>>) attributes {dimension_semantics = [#tpu.dimension_semantics<core_parallel>, #tpu.dimension_semantics<subcore_parallel>], iteration_bounds = array<i64: 2, 16>, scalar_prefetch = 0 : i64, scratch_operands = 8 : i64, tpu.core_type = #tpu.core_type<sc_vector_subcore>, window_params = [{transform_indices = #map}, {transform_indices = #map1}, {transform_indices = #map1}, {transform_indices = #map}, {transform_indices = #map2}]} {
    %mul3A = arith.constant 25000 : i32
    %mul3A_0 = arith.muli %arg0, %mul3A : i32
    %mul3A_1 = arith.constant 50000 : i32
    %mul3A_2 = arith.muli %arg1, %mul3A_1 : i32
    %add3A = arith.constant 0 : i32
    %add3A_3 = arith.addi %mul3A_2, %add3A : i32
    %multiple_of3A = tpu.assume_multiple %add3A_3, 8 : i32
    %rem3A = arith.constant 0 : i32
    %rem3A_4 = arith.constant 2 : i32
    %rem3A_5 = arith.remsi %rem3A, %rem3A_4 : i32
    %dma_start3A = arith.constant 0 : i32
    %dma_start3A_6 = tpu.memref_slice %arg7[%rem3A_5, %dma_start3A] : memref<2x2000xi32, #tpu.memory_space<vmem>> -> memref<1x2000xi32, #tpu.memory_space<vmem>>
    %dma_start3A_7 = tpu.memref_squeeze %dma_start3A_6 : memref<1x2000xi32, #tpu.memory_space<vmem>> -> memref<2000xi32, #tpu.memory_space<vmem>>
    %dma_start3A_8 = tpu.memref_slice %arg3[%multiple_of3A] : memref<800000xi32, #tpu.memory_space<hbm>> -> memref<2000xi32, #tpu.memory_space<hbm>>
    %dma_start3A_9 = arith.constant 0 : i32
    %dma_start3A_10 = tpu.memref_slice %arg7[%rem3A_5, %dma_start3A_9] : memref<2x2000xi32, #tpu.memory_space<vmem>> -> memref<1x2000xi32, #tpu.memory_space<vmem>>
    %dma_start3A_11 = tpu.memref_squeeze %dma_start3A_10 : memref<1x2000xi32, #tpu.memory_space<vmem>> -> memref<2000xi32, #tpu.memory_space<vmem>>
    %dma_start3A_12 = tpu.memref_slice %arg3[%multiple_of3A] : memref<800000xi32, #tpu.memory_space<hbm>> -> memref<2000xi32, #tpu.memory_space<hbm>>
    tpu.enqueue_dma source(%dma_start3A_12 : memref<2000xi32, #tpu.memory_space<hbm>>) target(%dma_start3A_11 : memref<2000xi32, #tpu.memory_space<vmem>>) target_semaphore(%arg14 : memref<!tpu.dma_semaphore, #tpu.memory_space<semaphore_mem>>)
    %dma_start3A_13 = arith.constant 0 : i32
    %dma_start3A_14 = tpu.memref_slice %arg8[%rem3A_5, %dma_start3A_13] : memref<2x2000xi32, #tpu.memory_space<vmem>> -> memref<1x2000xi32, #tpu.memory_space<vmem>>
    %dma_start3A_15 = tpu.memref_squeeze %dma_start3A_14 : memref<1x2000xi32, #tpu.memory_space<vmem>> -> memref<2000xi32, #tpu.memory_space<vmem>>
    %dma_start3A_16 = tpu.memref_slice %arg4[%multiple_of3A] : memref<800000xi32, #tpu.memory_space<hbm>> -> memref<2000xi32, #tpu.memory_space<hbm>>
    %dma_start3A_17 = arith.constant 0 : i32
    %dma_start3A_18 = tpu.memref_slice %arg8[%rem3A_5, %dma_start3A_17] : memref<2x2000xi32, #tpu.memory_space<vmem>> -> memref<1x2000xi32, #tpu.memory_space<vmem>>
    %dma_start3A_19 = tpu.memref_squeeze %dma_start3A_18 : memref<1x2000xi32, #tpu.memory_space<vmem>> -> memref<2000xi32, #tpu.memory_space<vmem>>
    %dma_start3A_20 = tpu.memref_slice %arg4[%multiple_of3A] : memref<800000xi32, #tpu.memory_space<hbm>> -> memref<2000xi32, #tpu.memory_space<hbm>>
    tpu.enqueue_dma source(%dma_start3A_20 : memref<2000xi32, #tpu.memory_space<hbm>>) target(%dma_start3A_19 : memref<2000xi32, #tpu.memory_space<vmem>>) target_semaphore(%arg14 : memref<!tpu.dma_semaphore, #tpu.memory_space<semaphore_mem>>)
    %mul3A_21 = arith.constant 1584 : i32
    %mul3A_22 = arith.muli %arg1, %mul3A_21 : i32
    "tpu.region"() ({
      %run_scoped3A = tpu.sem_alloc : memref<!tpu.dma_semaphore, #tpu.memory_space<semaphore_mem>>
      %dma_start3A_33 = arith.constant 0 : i32
      %dma_start3A_34 = tpu.memref_slice %arg11[%mul3A_22, %dma_start3A_33] : memref<25344x64xf32, #tpu.memory_space<vmem_shared>> -> memref<1584x64xf32, #tpu.memory_space<vmem_shared>>
      tpu.enqueue_dma source(%arg5 : memref<1584x64xf32, #tpu.memory_space<hbm>>) target(%dma_start3A_34 : memref<1584x64xf32, #tpu.memory_space<vmem_shared>>) target_semaphore(%run_scoped3A : memref<!tpu.dma_semaphore, #tpu.memory_space<semaphore_mem>>)
      %dma_wait3A = arith.constant 0 : i32
      %dma_wait3A_35 = tpu.memref_slice %arg11[%mul3A_22, %dma_wait3A] : memref<25344x64xf32, #tpu.memory_space<vmem_shared>> -> memref<1584x64xf32, #tpu.memory_space<vmem_shared>>
      tpu.wait_dma2 semaphore(%run_scoped3A : memref<!tpu.dma_semaphore, #tpu.memory_space<semaphore_mem>>) src(%arg5 : memref<1584x64xf32, #tpu.memory_space<hbm>>) dst(%dma_wait3A_35 : memref<1584x64xf32, #tpu.memory_space<vmem_shared>>)
      tpu.yield
    }) : () -> ()
    %barrier3A = arith.constant 0 : index
    tpu.barrier barrier_id(%barrier3A)
    %scan3A = arith.constant 0 : i32
    %scan3A_23 = arith.constant 0 : i32
    %scan3A_24 = arith.constant 25 : i32
    %scan3A_25 = arith.addi %scan3A_23, %scan3A_24 : i32
    %scan3A_26 = arith.constant 1 : i32
    scf.for %scan3A_33 = %scan3A_23 to %scan3A_25 step %scan3A_26  : i32 {
      %rem3A_34 = arith.constant 2 : i32
      %rem3A_35 = arith.remsi %scan3A_33, %rem3A_34 : i32
      %dma_wait3A = arith.constant 0 : i32
      %dma_wait3A_36 = arith.constant 0 : i32
      %dma_wait3A_37 = tpu.memref_slice %arg7[%dma_wait3A, %dma_wait3A_36] : memref<2x2000xi32, #tpu.memory_space<vmem>> -> memref<1x2000xi32, #tpu.memory_space<vmem>>
      %dma_wait3A_38 = tpu.memref_squeeze %dma_wait3A_37 : memref<1x2000xi32, #tpu.memory_space<vmem>> -> memref<2000xi32, #tpu.memory_space<vmem>>
      %dma_wait3A_39 = arith.constant 0 : i32
      %dma_wait3A_40 = tpu.memref_slice %arg3[%dma_wait3A_39] : memref<800000xi32, #tpu.memory_space<hbm>> -> memref<2000xi32, #tpu.memory_space<hbm>>
      %dma_wait3A_41 = arith.constant 0 : i32
      %dma_wait3A_42 = tpu.memref_slice %arg7[%dma_wait3A, %dma_wait3A_41] : memref<2x2000xi32, #tpu.memory_space<vmem>> -> memref<1x2000xi32, #tpu.memory_space<vmem>>
      %dma_wait3A_43 = tpu.memref_squeeze %dma_wait3A_42 : memref<1x2000xi32, #tpu.memory_space<vmem>> -> memref<2000xi32, #tpu.memory_space<vmem>>
      %dma_wait3A_44 = arith.constant 0 : i32
      %dma_wait3A_45 = tpu.memref_slice %arg3[%dma_wait3A_44] : memref<800000xi32, #tpu.memory_space<hbm>> -> memref<2000xi32, #tpu.memory_space<hbm>>
      tpu.wait_dma2 semaphore(%arg14 : memref<!tpu.dma_semaphore, #tpu.memory_space<semaphore_mem>>) src(%dma_wait3A_45 : memref<2000xi32, #tpu.memory_space<hbm>>) dst(%dma_wait3A_43 : memref<2000xi32, #tpu.memory_space<vmem>>)
      %dma_wait3A_46 = arith.constant 0 : i32
      %dma_wait3A_47 = arith.constant 0 : i32
      %dma_wait3A_48 = tpu.memref_slice %arg8[%dma_wait3A_46, %dma_wait3A_47] : memref<2x2000xi32, #tpu.memory_space<vmem>> -> memref<1x2000xi32, #tpu.memory_space<vmem>>
      %dma_wait3A_49 = tpu.memref_squeeze %dma_wait3A_48 : memref<1x2000xi32, #tpu.memory_space<vmem>> -> memref<2000xi32, #tpu.memory_space<vmem>>
      %dma_wait3A_50 = arith.constant 0 : i32
      %dma_wait3A_51 = tpu.memref_slice %arg4[%dma_wait3A_50] : memref<800000xi32, #tpu.memory_space<hbm>> -> memref<2000xi32, #tpu.memory_space<hbm>>
      %dma_wait3A_52 = arith.constant 0 : i32
      %dma_wait3A_53 = tpu.memref_slice %arg8[%dma_wait3A_46, %dma_wait3A_52] : memref<2x2000xi32, #tpu.memory_space<vmem>> -> memref<1x2000xi32, #tpu.memory_space<vmem>>
      %dma_wait3A_54 = tpu.memref_squeeze %dma_wait3A_53 : memref<1x2000xi32, #tpu.memory_space<vmem>> -> memref<2000xi32, #tpu.memory_space<vmem>>
      %dma_wait3A_55 = arith.constant 0 : i32
      %dma_wait3A_56 = tpu.memref_slice %arg4[%dma_wait3A_55] : memref<800000xi32, #tpu.memory_space<hbm>> -> memref<2000xi32, #tpu.memory_space<hbm>>
      tpu.wait_dma2 semaphore(%arg14 : memref<!tpu.dma_semaphore, #tpu.memory_space<semaphore_mem>>) src(%dma_wait3A_56 : memref<2000xi32, #tpu.memory_space<hbm>>) dst(%dma_wait3A_54 : memref<2000xi32, #tpu.memory_space<vmem>>)
      %add3A_57 = arith.constant 1 : i32
      %add3A_58 = arith.addi %scan3A_33, %add3A_57 : i32
      %lt3A = arith.constant 25 : i32
      %lt3A_59 = arith.cmpi slt, %add3A_58, %lt3A : i32
      %convert_element_type3A = arith.extui %lt3A_59 : i1 to i32
      %cond3A = arith.constant 0 : i32
      %cond3A_60 = arith.cmpi ne, %convert_element_type3A, %cond3A : i32
      scf.if %cond3A_60 {
        %add3A_243 = arith.constant 1 : i32
        %add3A_244 = arith.addi %scan3A_33, %add3A_243 : i32
        %mul3A_245 = arith.constant 50000 : i32
        %mul3A_246 = arith.muli %arg1, %mul3A_245 : i32
        %mul3A_247 = arith.constant 2000 : i32
        %mul3A_248 = arith.muli %add3A_244, %mul3A_247 : i32
        %add3A_249 = arith.addi %mul3A_246, %mul3A_248 : i32
        %multiple_of3A_250 = tpu.assume_multiple %add3A_249, 8 : i32
        %rem3A_251 = arith.constant 2 : i32
        %rem3A_252 = arith.remsi %add3A_244, %rem3A_251 : i32
        %dma_start3A_253 = arith.constant 0 : i32
        %dma_start3A_254 = tpu.memref_slice %arg7[%rem3A_252, %dma_start3A_253] : memref<2x2000xi32, #tpu.memory_space<vmem>> -> memref<1x2000xi32, #tpu.memory_space<vmem>>
        %dma_start3A_255 = tpu.memref_squeeze %dma_start3A_254 : memref<1x2000xi32, #tpu.memory_space<vmem>> -> memref<2000xi32, #tpu.memory_space<vmem>>
        %dma_start3A_256 = tpu.memref_slice %arg3[%multiple_of3A_250] : memref<800000xi32, #tpu.memory_space<hbm>> -> memref<2000xi32, #tpu.memory_space<hbm>>
        %dma_start3A_257 = arith.constant 0 : i32
        %dma_start3A_258 = tpu.memref_slice %arg7[%rem3A_252, %dma_start3A_257] : memref<2x2000xi32, #tpu.memory_space<vmem>> -> memref<1x2000xi32, #tpu.memory_space<vmem>>
        %dma_start3A_259 = tpu.memref_squeeze %dma_start3A_258 : memref<1x2000xi32, #tpu.memory_space<vmem>> -> memref<2000xi32, #tpu.memory_space<vmem>>
        %dma_start3A_260 = tpu.memref_slice %arg3[%multiple_of3A_250] : memref<800000xi32, #tpu.memory_space<hbm>> -> memref<2000xi32, #tpu.memory_space<hbm>>
        tpu.enqueue_dma source(%dma_start3A_260 : memref<2000xi32, #tpu.memory_space<hbm>>) target(%dma_start3A_259 : memref<2000xi32, #tpu.memory_space<vmem>>) target_semaphore(%arg14 : memref<!tpu.dma_semaphore, #tpu.memory_space<semaphore_mem>>)
        %dma_start3A_261 = arith.constant 0 : i32
        %dma_start3A_262 = tpu.memref_slice %arg8[%rem3A_252, %dma_start3A_261] : memref<2x2000xi32, #tpu.memory_space<vmem>> -> memref<1x2000xi32, #tpu.memory_space<vmem>>
        %dma_start3A_263 = tpu.memref_squeeze %dma_start3A_262 : memref<1x2000xi32, #tpu.memory_space<vmem>> -> memref<2000xi32, #tpu.memory_space<vmem>>
        %dma_start3A_264 = tpu.memref_slice %arg4[%multiple_of3A_250] : memref<800000xi32, #tpu.memory_space<hbm>> -> memref<2000xi32, #tpu.memory_space<hbm>>
        %dma_start3A_265 = arith.constant 0 : i32
        %dma_start3A_266 = tpu.memref_slice %arg8[%rem3A_252, %dma_start3A_265] : memref<2x2000xi32, #tpu.memory_space<vmem>> -> memref<1x2000xi32, #tpu.memory_space<vmem>>
        %dma_start3A_267 = tpu.memref_squeeze %dma_start3A_266 : memref<1x2000xi32, #tpu.memory_space<vmem>> -> memref<2000xi32, #tpu.memory_space<vmem>>
        %dma_start3A_268 = tpu.memref_slice %arg4[%multiple_of3A_250] : memref<800000xi32, #tpu.memory_space<hbm>> -> memref<2000xi32, #tpu.memory_space<hbm>>
        tpu.enqueue_dma source(%dma_start3A_268 : memref<2000xi32, #tpu.memory_space<hbm>>) target(%dma_start3A_267 : memref<2000xi32, #tpu.memory_space<vmem>>) target_semaphore(%arg14 : memref<!tpu.dma_semaphore, #tpu.memory_space<semaphore_mem>>)
      } else {
      }
      %mul3A_61 = arith.constant 16 : i32
      %mul3A_62 = arith.muli %arg1, %mul3A_61 : i32
      %add3A_63 = arith.constant 25000 : i32
      %add3A_64 = arith.addi %add3A_63, %mul3A_62 : i32
      %iota3A = tpu.iota {dimensions = array<i32: 0>} : vector<16xi32>
      %get3A = arith.index_cast %rem3A_35 : i32 to index
      %get3A_65 = arith.constant 0 : index
      %get3A_66 = tpu.vector_load %arg8[%get3A, %get3A_65] {strides = array<i32>} : memref<2x2000xi32, #tpu.memory_space<vmem>>, vector<1x16xi32>,
      %get3A_67 = vector.shape_cast %get3A_66 : vector<1x16xi32> to vector<16xi32>
      %sub3A = vector.broadcast %mul3A_0 : i32 to vector<16xi32>
      %sub3A_68 = arith.subi %get3A_67, %sub3A : vector<16xi32>
      %ge3A = arith.constant 0 : i32
      %ge3A_69 = vector.broadcast %ge3A : i32 to vector<16xi32>
      %ge3A_70 = arith.cmpi sge, %sub3A_68, %ge3A_69 : vector<16xi32>
      %lt3A_71 = arith.constant 25000 : i32
      %lt3A_72 = vector.broadcast %lt3A_71 : i32 to vector<16xi32>
      %lt3A_73 = arith.cmpi slt, %sub3A_68, %lt3A_72 : vector<16xi32>
      %and3A = arith.andi %ge3A_70, %lt3A_73 : vector<16xi1>
      %add3A_74 = vector.broadcast %add3A_64 : i32 to vector<16xi32>
      %add3A_75 = arith.addi %add3A_74, %iota3A : vector<16xi32>
      %select_n3A = arith.select %and3A, %sub3A_68, %add3A_75 : vector<16xi1>, vector<16xi32>
      %swap3A = arith.constant 0 : i32
      %swap3A_76 = arith.index_cast %swap3A : i32 to index
      %swap3A_77 = arith.constant 0 : index
      %swap3A_78 = tpu.vector_load %arg9[%swap3A_76, %swap3A_77] {strides = array<i32>} : memref<25x80xi32, #tpu.memory_space<vmem>>, vector<1x16xi32>,
      %swap3A_79 = vector.shape_cast %swap3A_78 : vector<1x16xi32> to vector<16xi32>
      %swap3A_80 = vector.shape_cast %select_n3A : vector<16xi32> to vector<1x16xi32>
      tpu.vector_store %arg9[%swap3A_76, %swap3A_77], %swap3A_80 {strides = array<i32>} : memref<25x80xi32, #tpu.memory_space<vmem>>, vector<1x16xi32>,
      %get3A_81 = arith.index_cast %rem3A_35 : i32 to index
      %get3A_82 = arith.constant 16 : index
      %get3A_83 = tpu.vector_load %arg8[%get3A_81, %get3A_82] {strides = array<i32>} : memref<2x2000xi32, #tpu.memory_space<vmem>>, vector<1x16xi32>,
      %get3A_84 = vector.shape_cast %get3A_83 : vector<1x16xi32> to vector<16xi32>
      %sub3A_85 = vector.broadcast %mul3A_0 : i32 to vector<16xi32>
      %sub3A_86 = arith.subi %get3A_84, %sub3A_85 : vector<16xi32>
      %ge3A_87 = arith.constant 0 : i32
      %ge3A_88 = vector.broadcast %ge3A_87 : i32 to vector<16xi32>
      %ge3A_89 = arith.cmpi sge, %sub3A_86, %ge3A_88 : vector<16xi32>
      %lt3A_90 = arith.constant 25000 : i32
      %lt3A_91 = vector.broadcast %lt3A_90 : i32 to vector<16xi32>
      %lt3A_92 = arith.cmpi slt, %sub3A_86, %lt3A_91 : vector<16xi32>
      %and3A_93 = arith.andi %ge3A_89, %lt3A_92 : vector<16xi1>
      %add3A_94 = vector.broadcast %add3A_64 : i32 to vector<16xi32>
      %add3A_95 = arith.addi %add3A_94, %iota3A : vector<16xi32>
      %select_n3A_96 = arith.select %and3A_93, %sub3A_86, %add3A_95 : vector<16xi1>, vector<16xi32>
      %swap3A_97 = arith.constant 0 : i32
      %swap3A_98 = arith.index_cast %swap3A_97 : i32 to index
      %swap3A_99 = arith.constant 16 : index
      %swap3A_100 = tpu.vector_load %arg9[%swap3A_98, %swap3A_99] {strides = array<i32>} : memref<25x80xi32, #tpu.memory_space<vmem>>, vector<1x16xi32>,
      %swap3A_101 = vector.shape_cast %swap3A_100 : vector<1x16xi32> to vector<16xi32>
      %swap3A_102 = vector.shape_cast %select_n3A_96 : vector<16xi32> to vector<1x16xi32>
      tpu.vector_store %arg9[%swap3A_98, %swap3A_99], %swap3A_102 {strides = array<i32>} : memref<25x80xi32, #tpu.memory_space<vmem>>, vector<1x16xi32>,
      %get3A_103 = arith.index_cast %rem3A_35 : i32 to index
      %get3A_104 = arith.constant 32 : index
      %get3A_105 = tpu.vector_load %arg8[%get3A_103, %get3A_104] {strides = array<i32>} : memref<2x2000xi32, #tpu.memory_space<vmem>>, vector<1x16xi32>,
      %get3A_106 = vector.shape_cast %get3A_105 : vector<1x16xi32> to vector<16xi32>
      %sub3A_107 = vector.broadcast %mul3A_0 : i32 to vector<16xi32>
      %sub3A_108 = arith.subi %get3A_106, %sub3A_107 : vector<16xi32>
      %ge3A_109 = arith.constant 0 : i32
      %ge3A_110 = vector.broadcast %ge3A_109 : i32 to vector<16xi32>
      %ge3A_111 = arith.cmpi sge, %sub3A_108, %ge3A_110 : vector<16xi32>
      %lt3A_112 = arith.constant 25000 : i32
      %lt3A_113 = vector.broadcast %lt3A_112 : i32 to vector<16xi32>
      %lt3A_114 = arith.cmpi slt, %sub3A_108, %lt3A_113 : vector<16xi32>
      %and3A_115 = arith.andi %ge3A_111, %lt3A_114 : vector<16xi1>
      %add3A_116 = vector.broadcast %add3A_64 : i32 to vector<16xi32>
      %add3A_117 = arith.addi %add3A_116, %iota3A : vector<16xi32>
      %select_n3A_118 = arith.select %and3A_115, %sub3A_108, %add3A_117 : vector<16xi1>, vector<16xi32>
      %swap3A_119 = arith.constant 0 : i32
      %swap3A_120 = arith.index_cast %swap3A_119 : i32 to index
      %swap3A_121 = arith.constant 32 : index
      %swap3A_122 = tpu.vector_load %arg9[%swap3A_120, %swap3A_121] {strides = array<i32>} : memref<25x80xi32, #tpu.memory_space<vmem>>, vector<1x16xi32>,
      %swap3A_123 = vector.shape_cast %swap3A_122 : vector<1x16xi32> to vector<16xi32>
      %swap3A_124 = vector.shape_cast %select_n3A_118 : vector<16xi32> to vector<1x16xi32>
      tpu.vector_store %arg9[%swap3A_120, %swap3A_121], %swap3A_124 {strides = array<i32>} : memref<25x80xi32, #tpu.memory_space<vmem>>, vector<1x16xi32>,
      %get3A_125 = arith.index_cast %rem3A_35 : i32 to index
      %get3A_126 = arith.constant 48 : index
      %get3A_127 = tpu.vector_load %arg8[%get3A_125, %get3A_126] {strides = array<i32>} : memref<2x2000xi32, #tpu.memory_space<vmem>>, vector<1x16xi32>,
      %get3A_128 = vector.shape_cast %get3A_127 : vector<1x16xi32> to vector<16xi32>
      %sub3A_129 = vector.broadcast %mul3A_0 : i32 to vector<16xi32>
      %sub3A_130 = arith.subi %get3A_128, %sub3A_129 : vector<16xi32>
      %ge3A_131 = arith.constant 0 : i32
      %ge3A_132 = vector.broadcast %ge3A_131 : i32 to vector<16xi32>
      %ge3A_133 = arith.cmpi sge, %sub3A_130, %ge3A_132 : vector<16xi32>
      %lt3A_134 = arith.constant 25000 : i32
      %lt3A_135 = vector.broadcast %lt3A_134 : i32 to vector<16xi32>
      %lt3A_136 = arith.cmpi slt, %sub3A_130, %lt3A_135 : vector<16xi32>
      %and3A_137 = arith.andi %ge3A_133, %lt3A_136 : vector<16xi1>
      %add3A_138 = vector.broadcast %add3A_64 : i32 to vector<16xi32>
      %add3A_139 = arith.addi %add3A_138, %iota3A : vector<16xi32>
      %select_n3A_140 = arith.select %and3A_137, %sub3A_130, %add3A_139 : vector<16xi1>, vector<16xi32>
      %swap3A_141 = arith.constant 0 : i32
      %swap3A_142 = arith.index_cast %swap3A_141 : i32 to index
      %swap3A_143 = arith.constant 48 : index
      %swap3A_144 = tpu.vector_load %arg9[%swap3A_142, %swap3A_143] {strides = array<i32>} : memref<25x80xi32, #tpu.memory_space<vmem>>, vector<1x16xi32>,
      %swap3A_145 = vector.shape_cast %swap3A_144 : vector<1x16xi32> to vector<16xi32>
      %swap3A_146 = vector.shape_cast %select_n3A_140 : vector<16xi32> to vector<1x16xi32>
      tpu.vector_store %arg9[%swap3A_142, %swap3A_143], %swap3A_146 {strides = array<i32>} : memref<25x80xi32, #tpu.memory_space<vmem>>, vector<1x16xi32>,
      %get3A_147 = arith.index_cast %rem3A_35 : i32 to index
      %get3A_148 = arith.constant 64 : index
      %get3A_149 = tpu.vector_load %arg8[%get3A_147, %get3A_148] {strides = array<i32>} : memref<2x2000xi32, #tpu.memory_space<vmem>>, vector<1x16xi32>,
      %get3A_150 = vector.shape_cast %get3A_149 : vector<1x16xi32> to vector<16xi32>
      %sub3A_151 = vector.broadcast %mul3A_0 : i32 to vector<16xi32>
      %sub3A_152 = arith.subi %get3A_150, %sub3A_151 : vector<16xi32>
      %ge3A_153 = arith.constant 0 : i32
      %ge3A_154 = vector.broadcast %ge3A_153 : i32 to vector<16xi32>
      %ge3A_155 = arith.cmpi sge, %sub3A_152, %ge3A_154 : vector<16xi32>
      %lt3A_156 = arith.constant 25000 : i32
      %lt3A_157 = vector.broadcast %lt3A_156 : i32 to vector<16xi32>
      %lt3A_158 = arith.cmpi slt, %sub3A_152, %lt3A_157 : vector<16xi32>
      %and3A_159 = arith.andi %ge3A_155, %lt3A_158 : vector<16xi1>
      %add3A_160 = vector.broadcast %add3A_64 : i32 to vector<16xi32>
      %add3A_161 = arith.addi %add3A_160, %iota3A : vector<16xi32>
      %select_n3A_162 = arith.select %and3A_159, %sub3A_152, %add3A_161 : vector<16xi1>, vector<16xi32>
      %swap3A_163 = arith.constant 0 : i32
      %swap3A_164 = arith.index_cast %swap3A_163 : i32 to index
      %swap3A_165 = arith.constant 64 : index
      %swap3A_166 = tpu.vector_load %arg9[%swap3A_164, %swap3A_165] {strides = array<i32>} : memref<25x80xi32, #tpu.memory_space<vmem>>, vector<1x16xi32>,
      %swap3A_167 = vector.shape_cast %swap3A_166 : vector<1x16xi32> to vector<16xi32>
      %swap3A_168 = vector.shape_cast %select_n3A_162 : vector<16xi32> to vector<1x16xi32>
      tpu.vector_store %arg9[%swap3A_164, %swap3A_165], %swap3A_168 {strides = array<i32>} : memref<25x80xi32, #tpu.memory_space<vmem>>, vector<1x16xi32>,
      %multiple_of3A_169 = arith.constant 0 : i32
      %multiple_of3A_170 = tpu.assume_multiple %multiple_of3A_169, 8 : i32
      %rem3A_171 = arith.constant 0 : i32
      %rem3A_172 = arith.constant 2 : i32
      %rem3A_173 = arith.remsi %rem3A_171, %rem3A_172 : i32
      %dma_start3A_174 = arith.constant 0 : i32
      %dma_start3A_175 = arith.constant 0 : i32
      %dma_start3A_176 = tpu.memref_slice %arg10[%rem3A_173, %dma_start3A_174, %dma_start3A_175] : memref<2x80x64xf32, #tpu.memory_space<vmem>> -> memref<1x80x64xf32, #tpu.memory_space<vmem>>
      %dma_start3A_177 = tpu.memref_squeeze %dma_start3A_176 : memref<1x80x64xf32, #tpu.memory_space<vmem>> -> memref<80x64xf32, #tpu.memory_space<vmem>>
      %dma_start3A_178 = arith.constant 0 : i32
      %dma_start3A_179 = tpu.memref_slice %arg7[%rem3A_35, %dma_start3A_178] : memref<2x2000xi32, #tpu.memory_space<vmem>> -> memref<1x2000xi32, #tpu.memory_space<vmem>>
      %dma_start3A_180 = tpu.memref_squeeze %dma_start3A_179 : memref<1x2000xi32, #tpu.memory_space<vmem>> -> memref<2000xi32, #tpu.memory_space<vmem>>
      %dma_start3A_181 = tpu.memref_slice %dma_start3A_180[%multiple_of3A_170] : memref<2000xi32, #tpu.memory_space<vmem>> -> memref<80xi32, #tpu.memory_space<vmem>>
      %dma_start3A_182 = arith.constant 0 : i32
      %dma_start3A_183 = arith.constant 0 : i32
      %dma_start3A_184 = tpu.memref_slice %arg2[%dma_start3A_182, %dma_start3A_183] : memref<50000x64xf32, #tpu.memory_space<hbm>> -> memref<50000x64xf32, #tpu.memory_space<hbm>>
      tpu.enqueue_indirect_dma source(%dma_start3A_184 : memref<50000x64xf32, #tpu.memory_space<hbm>>) target(%dma_start3A_177 : memref<80x64xf32, #tpu.memory_space<vmem>>) offsets(%dma_start3A_181 : memref<80xi32, #tpu.memory_space<vmem>>) semaphore(%arg12 : memref<!tpu.dma_semaphore, #tpu.memory_space<semaphore_mem>>)
      %scan3A_185 = arith.constant 0 : i32
      %scan3A_186 = arith.constant 0 : i32
      %scan3A_187 = arith.constant 24 : i32
      %scan3A_188 = arith.addi %scan3A_186, %scan3A_187 : i32
      %scan3A_189 = arith.constant 1 : i32
      scf.for %scan3A_243 = %scan3A_186 to %scan3A_188 step %scan3A_189  : i32 {
        %ge3A_244 = arith.constant 1 : i32
        %ge3A_245 = arith.cmpi sge, %scan3A_243, %ge3A_244 : i32
        %convert_element_type3A_246 = arith.extui %ge3A_245 : i1 to i32
        %cond3A_247 = arith.constant 0 : i32
        %cond3A_248 = arith.cmpi ne, %convert_element_type3A_246, %cond3A_247 : i32
        scf.if %cond3A_248 {
          %dma_wait3A_421 = arith.constant 0 : i32
          %dma_wait3A_422 = arith.constant 0 : i32
          %dma_wait3A_423 = arith.constant 0 : i32
          %dma_wait3A_424 = arith.constant 0 : i32
          %dma_wait3A_425 = tpu.memref_slice %arg10[%dma_wait3A_421, %dma_wait3A_423, %dma_wait3A_424] : memref<2x80x64xf32, #tpu.memory_space<vmem>> -> memref<1x80x64xf32, #tpu.memory_space<vmem>>
          %dma_wait3A_426 = tpu.memref_squeeze %dma_wait3A_425 : memref<1x80x64xf32, #tpu.memory_space<vmem>> -> memref<80x64xf32, #tpu.memory_space<vmem>>
          %dma_wait3A_427 = arith.constant 0 : i32
          %dma_wait3A_428 = tpu.memref_slice %arg9[%dma_wait3A_422, %dma_wait3A_427] : memref<25x80xi32, #tpu.memory_space<vmem>> -> memref<1x80xi32, #tpu.memory_space<vmem>>
          %dma_wait3A_429 = tpu.memref_squeeze %dma_wait3A_428 : memref<1x80xi32, #tpu.memory_space<vmem>> -> memref<80xi32, #tpu.memory_space<vmem>>
          %dma_wait3A_430 = arith.constant 0 : i32
          %dma_wait3A_431 = arith.constant 0 : i32
          %dma_wait3A_432 = tpu.memref_slice %arg11[%dma_wait3A_430, %dma_wait3A_431] : memref<25344x64xf32, #tpu.memory_space<vmem_shared>> -> memref<25344x64xf32, #tpu.memory_space<vmem_shared>>
          tpu.wait_indirect_dma semaphore(%arg13 : memref<!tpu.dma_semaphore, #tpu.memory_space<semaphore_mem>>) src(%dma_wait3A_426 : memref<80x64xf32, #tpu.memory_space<vmem>>) dst(%dma_wait3A_432 : memref<25344x64xf32, #tpu.memory_space<vmem_shared>>)
        } else {
        }
        %add3A_249 = arith.constant 1 : i32
        %add3A_250 = arith.addi %scan3A_243, %add3A_249 : i32
        %mul3A_251 = arith.constant 80 : i32
        %mul3A_252 = arith.muli %add3A_250, %mul3A_251 : i32
        %multiple_of3A_253 = tpu.assume_multiple %mul3A_252, 8 : i32
        %rem3A_254 = arith.constant 2 : i32
        %rem3A_255 = arith.remsi %add3A_250, %rem3A_254 : i32
        %dma_start3A_256 = arith.constant 0 : i32
        %dma_start3A_257 = arith.constant 0 : i32
        %dma_start3A_258 = tpu.memref_slice %arg10[%rem3A_255, %dma_start3A_256, %dma_start3A_257] : memref<2x80x64xf32, #tpu.memory_space<vmem>> -> memref<1x80x64xf32, #tpu.memory_space<vmem>>
        %dma_start3A_259 = tpu.memref_squeeze %dma_start3A_258 : memref<1x80x64xf32, #tpu.memory_space<vmem>> -> memref<80x64xf32, #tpu.memory_space<vmem>>
        %dma_start3A_260 = arith.constant 0 : i32
        %dma_start3A_261 = tpu.memref_slice %arg7[%rem3A_35, %dma_start3A_260] : memref<2x2000xi32, #tpu.memory_space<vmem>> -> memref<1x2000xi32, #tpu.memory_space<vmem>>
        %dma_start3A_262 = tpu.memref_squeeze %dma_start3A_261 : memref<1x2000xi32, #tpu.memory_space<vmem>> -> memref<2000xi32, #tpu.memory_space<vmem>>
        %dma_start3A_263 = tpu.memref_slice %dma_start3A_262[%multiple_of3A_253] : memref<2000xi32, #tpu.memory_space<vmem>> -> memref<80xi32, #tpu.memory_space<vmem>>
        %dma_start3A_264 = arith.constant 0 : i32
        %dma_start3A_265 = arith.constant 0 : i32
        %dma_start3A_266 = tpu.memref_slice %arg2[%dma_start3A_264, %dma_start3A_265] : memref<50000x64xf32, #tpu.memory_space<hbm>> -> memref<50000x64xf32, #tpu.memory_space<hbm>>
        tpu.enqueue_indirect_dma source(%dma_start3A_266 : memref<50000x64xf32, #tpu.memory_space<hbm>>) target(%dma_start3A_259 : memref<80x64xf32, #tpu.memory_space<vmem>>) offsets(%dma_start3A_263 : memref<80xi32, #tpu.memory_space<vmem>>) semaphore(%arg12 : memref<!tpu.dma_semaphore, #tpu.memory_space<semaphore_mem>>)
        %add3A_267 = arith.constant 1 : i32
        %add3A_268 = arith.addi %scan3A_243, %add3A_267 : i32
        %iota3A_269 = tpu.iota {dimensions = array<i32: 0>} : vector<16xi32>
        %mul3A_270 = arith.constant 80 : i32
        %mul3A_271 = arith.muli %add3A_268, %mul3A_270 : i32
        %add3A_272 = arith.constant 0 : i32
        %add3A_273 = arith.addi %mul3A_271, %add3A_272 : i32
        %get3A_274 = arith.index_cast %rem3A_35 : i32 to index
        %get3A_275 = arith.index_cast %add3A_273 : i32 to index
        %get3A_276 = tpu.vector_load %arg8[%get3A_274, %get3A_275] {strides = array<i32>} : memref<2x2000xi32, #tpu.memory_space<vmem>>, vector<1x16xi32>,
        %get3A_277 = vector.shape_cast %get3A_276 : vector<1x16xi32> to vector<16xi32>
        %sub3A_278 = vector.broadcast %mul3A_0 : i32 to vector<16xi32>
        %sub3A_279 = arith.subi %get3A_277, %sub3A_278 : vector<16xi32>
        %ge3A_280 = arith.constant 0 : i32
        %ge3A_281 = vector.broadcast %ge3A_280 : i32 to vector<16xi32>
        %ge3A_282 = arith.cmpi sge, %sub3A_279, %ge3A_281 : vector<16xi32>
        %lt3A_283 = arith.constant 25000 : i32
        %lt3A_284 = vector.broadcast %lt3A_283 : i32 to vector<16xi32>
        %lt3A_285 = arith.cmpi slt, %sub3A_279, %lt3A_284 : vector<16xi32>
        %and3A_286 = arith.andi %ge3A_282, %lt3A_285 : vector<16xi1>
        %add3A_287 = vector.broadcast %add3A_64 : i32 to vector<16xi32>
        %add3A_288 = arith.addi %add3A_287, %iota3A_269 : vector<16xi32>
        %select_n3A_289 = arith.select %and3A_286, %sub3A_279, %add3A_288 : vector<16xi1>, vector<16xi32>
        %swap3A_290 = arith.index_cast %add3A_268 : i32 to index
        %swap3A_291 = arith.constant 0 : index
        %swap3A_292 = tpu.vector_load %arg9[%swap3A_290, %swap3A_291] {strides = array<i32>} : memref<25x80xi32, #tpu.memory_space<vmem>>, vector<1x16xi32>,
        %swap3A_293 = vector.shape_cast %swap3A_292 : vector<1x16xi32> to vector<16xi32>
        %swap3A_294 = vector.shape_cast %select_n3A_289 : vector<16xi32> to vector<1x16xi32>
        tpu.vector_store %arg9[%swap3A_290, %swap3A_291], %swap3A_294 {strides = array<i32>} : memref<25x80xi32, #tpu.memory_space<vmem>>, vector<1x16xi32>,
        %mul3A_295 = arith.constant 80 : i32
        %mul3A_296 = arith.muli %add3A_268, %mul3A_295 : i32
        %add3A_297 = arith.constant 16 : i32
        %add3A_298 = arith.addi %mul3A_296, %add3A_297 : i32
        %get3A_299 = arith.index_cast %rem3A_35 : i32 to index
        %get3A_300 = arith.index_cast %add3A_298 : i32 to index
        %get3A_301 = tpu.vector_load %arg8[%get3A_299, %get3A_300] {strides = array<i32>} : memref<2x2000xi32, #tpu.memory_space<vmem>>, vector<1x16xi32>,
        %get3A_302 = vector.shape_cast %get3A_301 : vector<1x16xi32> to vector<16xi32>
        %sub3A_303 = vector.broadcast %mul3A_0 : i32 to vector<16xi32>
        %sub3A_304 = arith.subi %get3A_302, %sub3A_303 : vector<16xi32>
        %ge3A_305 = arith.constant 0 : i32
        %ge3A_306 = vector.broadcast %ge3A_305 : i32 to vector<16xi32>
        %ge3A_307 = arith.cmpi sge, %sub3A_304, %ge3A_306 : vector<16xi32>
        %lt3A_308 = arith.constant 25000 : i32
        %lt3A_309 = vector.broadcast %lt3A_308 : i32 to vector<16xi32>
        %lt3A_310 = arith.cmpi slt, %sub3A_304, %lt3A_309 : vector<16xi32>
        %and3A_311 = arith.andi %ge3A_307, %lt3A_310 : vector<16xi1>
        %add3A_312 = vector.broadcast %add3A_64 : i32 to vector<16xi32>
        %add3A_313 = arith.addi %add3A_312, %iota3A_269 : vector<16xi32>
        %select_n3A_314 = arith.select %and3A_311, %sub3A_304, %add3A_313 : vector<16xi1>, vector<16xi32>
        %swap3A_315 = arith.index_cast %add3A_268 : i32 to index
        %swap3A_316 = arith.constant 16 : index
        %swap3A_317 = tpu.vector_load %arg9[%swap3A_315, %swap3A_316] {strides = array<i32>} : memref<25x80xi32, #tpu.memory_space<vmem>>, vector<1x16xi32>,
        %swap3A_318 = vector.shape_cast %swap3A_317 : vector<1x16xi32> to vector<16xi32>
        %swap3A_319 = vector.shape_cast %select_n3A_314 : vector<16xi32> to vector<1x16xi32>
        tpu.vector_store %arg9[%swap3A_315, %swap3A_316], %swap3A_319 {strides = array<i32>} : memref<25x80xi32, #tpu.memory_space<vmem>>, vector<1x16xi32>,
        %mul3A_320 = arith.constant 80 : i32
        %mul3A_321 = arith.muli %add3A_268, %mul3A_320 : i32
        %add3A_322 = arith.constant 32 : i32
        %add3A_323 = arith.addi %mul3A_321, %add3A_322 : i32
        %get3A_324 = arith.index_cast %rem3A_35 : i32 to index
        %get3A_325 = arith.index_cast %add3A_323 : i32 to index
        %get3A_326 = tpu.vector_load %arg8[%get3A_324, %get3A_325] {strides = array<i32>} : memref<2x2000xi32, #tpu.memory_space<vmem>>, vector<1x16xi32>,
        %get3A_327 = vector.shape_cast %get3A_326 : vector<1x16xi32> to vector<16xi32>
        %sub3A_328 = vector.broadcast %mul3A_0 : i32 to vector<16xi32>
        %sub3A_329 = arith.subi %get3A_327, %sub3A_328 : vector<16xi32>
        %ge3A_330 = arith.constant 0 : i32
        %ge3A_331 = vector.broadcast %ge3A_330 : i32 to vector<16xi32>
        %ge3A_332 = arith.cmpi sge, %sub3A_329, %ge3A_331 : vector<16xi32>
        %lt3A_333 = arith.constant 25000 : i32
        %lt3A_334 = vector.broadcast %lt3A_333 : i32 to vector<16xi32>
        %lt3A_335 = arith.cmpi slt, %sub3A_329, %lt3A_334 : vector<16xi32>
        %and3A_336 = arith.andi %ge3A_332, %lt3A_335 : vector<16xi1>
        %add3A_337 = vector.broadcast %add3A_64 : i32 to vector<16xi32>
        %add3A_338 = arith.addi %add3A_337, %iota3A_269 : vector<16xi32>
        %select_n3A_339 = arith.select %and3A_336, %sub3A_329, %add3A_338 : vector<16xi1>, vector<16xi32>
        %swap3A_340 = arith.index_cast %add3A_268 : i32 to index
        %swap3A_341 = arith.constant 32 : index
        %swap3A_342 = tpu.vector_load %arg9[%swap3A_340, %swap3A_341] {strides = array<i32>} : memref<25x80xi32, #tpu.memory_space<vmem>>, vector<1x16xi32>,
        %swap3A_343 = vector.shape_cast %swap3A_342 : vector<1x16xi32> to vector<16xi32>
        %swap3A_344 = vector.shape_cast %select_n3A_339 : vector<16xi32> to vector<1x16xi32>
        tpu.vector_store %arg9[%swap3A_340, %swap3A_341], %swap3A_344 {strides = array<i32>} : memref<25x80xi32, #tpu.memory_space<vmem>>, vector<1x16xi32>,
        %mul3A_345 = arith.constant 80 : i32
        %mul3A_346 = arith.muli %add3A_268, %mul3A_345 : i32
        %add3A_347 = arith.constant 48 : i32
        %add3A_348 = arith.addi %mul3A_346, %add3A_347 : i32
        %get3A_349 = arith.index_cast %rem3A_35 : i32 to index
        %get3A_350 = arith.index_cast %add3A_348 : i32 to index
        %get3A_351 = tpu.vector_load %arg8[%get3A_349, %get3A_350] {strides = array<i32>} : memref<2x2000xi32, #tpu.memory_space<vmem>>, vector<1x16xi32>,
        %get3A_352 = vector.shape_cast %get3A_351 : vector<1x16xi32> to vector<16xi32>
        %sub3A_353 = vector.broadcast %mul3A_0 : i32 to vector<16xi32>
        %sub3A_354 = arith.subi %get3A_352, %sub3A_353 : vector<16xi32>
        %ge3A_355 = arith.constant 0 : i32
        %ge3A_356 = vector.broadcast %ge3A_355 : i32 to vector<16xi32>
        %ge3A_357 = arith.cmpi sge, %sub3A_354, %ge3A_356 : vector<16xi32>
        %lt3A_358 = arith.constant 25000 : i32
        %lt3A_359 = vector.broadcast %lt3A_358 : i32 to vector<16xi32>
        %lt3A_360 = arith.cmpi slt, %sub3A_354, %lt3A_359 : vector<16xi32>
        %and3A_361 = arith.andi %ge3A_357, %lt3A_360 : vector<16xi1>
        %add3A_362 = vector.broadcast %add3A_64 : i32 to vector<16xi32>
        %add3A_363 = arith.addi %add3A_362, %iota3A_269 : vector<16xi32>
        %select_n3A_364 = arith.select %and3A_361, %sub3A_354, %add3A_363 : vector<16xi1>, vector<16xi32>
        %swap3A_365 = arith.index_cast %add3A_268 : i32 to index
        %swap3A_366 = arith.constant 48 : index
        %swap3A_367 = tpu.vector_load %arg9[%swap3A_365, %swap3A_366] {strides = array<i32>} : memref<25x80xi32, #tpu.memory_space<vmem>>, vector<1x16xi32>,
        %swap3A_368 = vector.shape_cast %swap3A_367 : vector<1x16xi32> to vector<16xi32>
        %swap3A_369 = vector.shape_cast %select_n3A_364 : vector<16xi32> to vector<1x16xi32>
        tpu.vector_store %arg9[%swap3A_365, %swap3A_366], %swap3A_369 {strides = array<i32>} : memref<25x80xi32, #tpu.memory_space<vmem>>, vector<1x16xi32>,
        %mul3A_370 = arith.constant 80 : i32
        %mul3A_371 = arith.muli %add3A_268, %mul3A_370 : i32
        %add3A_372 = arith.constant 64 : i32
        %add3A_373 = arith.addi %mul3A_371, %add3A_372 : i32
        %get3A_374 = arith.index_cast %rem3A_35 : i32 to index
        %get3A_375 = arith.index_cast %add3A_373 : i32 to index
        %get3A_376 = tpu.vector_load %arg8[%get3A_374, %get3A_375] {strides = array<i32>} : memref<2x2000xi32, #tpu.memory_space<vmem>>, vector<1x16xi32>,
        %get3A_377 = vector.shape_cast %get3A_376 : vector<1x16xi32> to vector<16xi32>
        %sub3A_378 = vector.broadcast %mul3A_0 : i32 to vector<16xi32>
        %sub3A_379 = arith.subi %get3A_377, %sub3A_378 : vector<16xi32>
        %ge3A_380 = arith.constant 0 : i32
        %ge3A_381 = vector.broadcast %ge3A_380 : i32 to vector<16xi32>
        %ge3A_382 = arith.cmpi sge, %sub3A_379, %ge3A_381 : vector<16xi32>
        %lt3A_383 = arith.constant 25000 : i32
        %lt3A_384 = vector.broadcast %lt3A_383 : i32 to vector<16xi32>
        %lt3A_385 = arith.cmpi slt, %sub3A_379, %lt3A_384 : vector<16xi32>
        %and3A_386 = arith.andi %ge3A_382, %lt3A_385 : vector<16xi1>
        %add3A_387 = vector.broadcast %add3A_64 : i32 to vector<16xi32>
        %add3A_388 = arith.addi %add3A_387, %iota3A_269 : vector<16xi32>
        %select_n3A_389 = arith.select %and3A_386, %sub3A_379, %add3A_388 : vector<16xi1>, vector<16xi32>
        %swap3A_390 = arith.index_cast %add3A_268 : i32 to index
        %swap3A_391 = arith.constant 64 : index
        %swap3A_392 = tpu.vector_load %arg9[%swap3A_390, %swap3A_391] {strides = array<i32>} : memref<25x80xi32, #tpu.memory_space<vmem>>, vector<1x16xi32>,
        %swap3A_393 = vector.shape_cast %swap3A_392 : vector<1x16xi32> to vector<16xi32>
        %swap3A_394 = vector.shape_cast %select_n3A_389 : vector<16xi32> to vector<1x16xi32>
        tpu.vector_store %arg9[%swap3A_390, %swap3A_391], %swap3A_394 {strides = array<i32>} : memref<25x80xi32, #tpu.memory_space<vmem>>, vector<1x16xi32>,
        %dma_wait3A_395 = arith.constant 0 : i32
        %dma_wait3A_396 = arith.constant 0 : i32
        %dma_wait3A_397 = arith.constant 0 : i32
        %dma_wait3A_398 = arith.constant 0 : i32
        %dma_wait3A_399 = tpu.memref_slice %arg10[%dma_wait3A_396, %dma_wait3A_397, %dma_wait3A_398] : memref<2x80x64xf32, #tpu.memory_space<vmem>> -> memref<1x80x64xf32, #tpu.memory_space<vmem>>
        %dma_wait3A_400 = tpu.memref_squeeze %dma_wait3A_399 : memref<1x80x64xf32, #tpu.memory_space<vmem>> -> memref<80x64xf32, #tpu.memory_space<vmem>>
        %dma_wait3A_401 = arith.constant 0 : i32
        %dma_wait3A_402 = tpu.memref_slice %arg7[%dma_wait3A_395, %dma_wait3A_401] : memref<2x2000xi32, #tpu.memory_space<vmem>> -> memref<1x2000xi32, #tpu.memory_space<vmem>>
        %dma_wait3A_403 = tpu.memref_squeeze %dma_wait3A_402 : memref<1x2000xi32, #tpu.memory_space<vmem>> -> memref<2000xi32, #tpu.memory_space<vmem>>
        %dma_wait3A_404 = arith.constant 0 : i32
        %dma_wait3A_405 = tpu.memref_slice %dma_wait3A_403[%dma_wait3A_404] : memref<2000xi32, #tpu.memory_space<vmem>> -> memref<80xi32, #tpu.memory_space<vmem>>
        %dma_wait3A_406 = arith.constant 0 : i32
        %dma_wait3A_407 = arith.constant 0 : i32
        %dma_wait3A_408 = tpu.memref_slice %arg2[%dma_wait3A_406, %dma_wait3A_407] : memref<50000x64xf32, #tpu.memory_space<hbm>> -> memref<50000x64xf32, #tpu.memory_space<hbm>>
        tpu.wait_indirect_dma semaphore(%arg12 : memref<!tpu.dma_semaphore, #tpu.memory_space<semaphore_mem>>) src(%dma_wait3A_408 : memref<50000x64xf32, #tpu.memory_space<hbm>>) dst(%dma_wait3A_400 : memref<80x64xf32, #tpu.memory_space<vmem>>)
        %rem3A_409 = arith.constant 2 : i32
        %rem3A_410 = arith.remsi %scan3A_243, %rem3A_409 : i32
        %dma_start3A_411 = arith.constant 0 : i32
        %dma_start3A_412 = arith.constant 0 : i32
        %dma_start3A_413 = tpu.memref_slice %arg10[%rem3A_410, %dma_start3A_411, %dma_start3A_412] : memref<2x80x64xf32, #tpu.memory_space<vmem>> -> memref<1x80x64xf32, #tpu.memory_space<vmem>>
        %dma_start3A_414 = tpu.memref_squeeze %dma_start3A_413 : memref<1x80x64xf32, #tpu.memory_space<vmem>> -> memref<80x64xf32, #tpu.memory_space<vmem>>
        %dma_start3A_415 = arith.constant 0 : i32
        %dma_start3A_416 = tpu.memref_slice %arg9[%scan3A_243, %dma_start3A_415] : memref<25x80xi32, #tpu.memory_space<vmem>> -> memref<1x80xi32, #tpu.memory_space<vmem>>
        %dma_start3A_417 = tpu.memref_squeeze %dma_start3A_416 : memref<1x80xi32, #tpu.memory_space<vmem>> -> memref<80xi32, #tpu.memory_space<vmem>>
        %dma_start3A_418 = arith.constant 0 : i32
        %dma_start3A_419 = arith.constant 0 : i32
        %dma_start3A_420 = tpu.memref_slice %arg11[%dma_start3A_418, %dma_start3A_419] : memref<25344x64xf32, #tpu.memory_space<vmem_shared>> -> memref<25344x64xf32, #tpu.memory_space<vmem_shared>>
        tpu.enqueue_indirect_dma source(%dma_start3A_414 : memref<80x64xf32, #tpu.memory_space<vmem>>) target(%dma_start3A_420 : memref<25344x64xf32, #tpu.memory_space<vmem_shared>>) offsets(%dma_start3A_417 : memref<80xi32, #tpu.memory_space<vmem>>) semaphore(%arg13 : memref<!tpu.dma_semaphore, #tpu.memory_space<semaphore_mem>>) {add = true}
      }
      %scan3A_190 = arith.constant 24 : i32
      %dma_wait3A_191 = arith.constant 0 : i32
      %dma_wait3A_192 = arith.constant 0 : i32
      %dma_wait3A_193 = arith.constant 0 : i32
      %dma_wait3A_194 = arith.constant 0 : i32
      %dma_wait3A_195 = tpu.memref_slice %arg10[%dma_wait3A_192, %dma_wait3A_193, %dma_wait3A_194] : memref<2x80x64xf32, #tpu.memory_space<vmem>> -> memref<1x80x64xf32, #tpu.memory_space<vmem>>
      %dma_wait3A_196 = tpu.memref_squeeze %dma_wait3A_195 : memref<1x80x64xf32, #tpu.memory_space<vmem>> -> memref<80x64xf32, #tpu.memory_space<vmem>>
      %dma_wait3A_197 = arith.constant 0 : i32
      %dma_wait3A_198 = tpu.memref_slice %arg7[%dma_wait3A_191, %dma_wait3A_197] : memref<2x2000xi32, #tpu.memory_space<vmem>> -> memref<1x2000xi32, #tpu.memory_space<vmem>>
      %dma_wait3A_199 = tpu.memref_squeeze %dma_wait3A_198 : memref<1x2000xi32, #tpu.memory_space<vmem>> -> memref<2000xi32, #tpu.memory_space<vmem>>
      %dma_wait3A_200 = arith.constant 0 : i32
      %dma_wait3A_201 = tpu.memref_slice %dma_wait3A_199[%dma_wait3A_200] : memref<2000xi32, #tpu.memory_space<vmem>> -> memref<80xi32, #tpu.memory_space<vmem>>
      %dma_wait3A_202 = arith.constant 0 : i32
      %dma_wait3A_203 = arith.constant 0 : i32
      %dma_wait3A_204 = tpu.memref_slice %arg2[%dma_wait3A_202, %dma_wait3A_203] : memref<50000x64xf32, #tpu.memory_space<hbm>> -> memref<50000x64xf32, #tpu.memory_space<hbm>>
      tpu.wait_indirect_dma semaphore(%arg12 : memref<!tpu.dma_semaphore, #tpu.memory_space<semaphore_mem>>) src(%dma_wait3A_204 : memref<50000x64xf32, #tpu.memory_space<hbm>>) dst(%dma_wait3A_196 : memref<80x64xf32, #tpu.memory_space<vmem>>)
      %rem3A_205 = arith.constant 24 : i32
      %rem3A_206 = arith.constant 2 : i32
      %rem3A_207 = arith.remsi %rem3A_205, %rem3A_206 : i32
      %dma_start3A_208 = arith.constant 24 : i32
      %dma_start3A_209 = arith.constant 0 : i32
      %dma_start3A_210 = arith.constant 0 : i32
      %dma_start3A_211 = tpu.memref_slice %arg10[%rem3A_207, %dma_start3A_209, %dma_start3A_210] : memref<2x80x64xf32, #tpu.memory_space<vmem>> -> memref<1x80x64xf32, #tpu.memory_space<vmem>>
      %dma_start3A_212 = tpu.memref_squeeze %dma_start3A_211 : memref<1x80x64xf32, #tpu.memory_space<vmem>> -> memref<80x64xf32, #tpu.memory_space<vmem>>
      %dma_start3A_213 = arith.constant 0 : i32
      %dma_start3A_214 = tpu.memref_slice %arg9[%dma_start3A_208, %dma_start3A_213] : memref<25x80xi32, #tpu.memory_space<vmem>> -> memref<1x80xi32, #tpu.memory_space<vmem>>
      %dma_start3A_215 = tpu.memref_squeeze %dma_start3A_214 : memref<1x80xi32, #tpu.memory_space<vmem>> -> memref<80xi32, #tpu.memory_space<vmem>>
      %dma_start3A_216 = arith.constant 0 : i32
      %dma_start3A_217 = arith.constant 0 : i32
      %dma_start3A_218 = tpu.memref_slice %arg11[%dma_start3A_216, %dma_start3A_217] : memref<25344x64xf32, #tpu.memory_space<vmem_shared>> -> memref<25344x64xf32, #tpu.memory_space<vmem_shared>>
      tpu.enqueue_indirect_dma source(%dma_start3A_212 : memref<80x64xf32, #tpu.memory_space<vmem>>) target(%dma_start3A_218 : memref<25344x64xf32, #tpu.memory_space<vmem_shared>>) offsets(%dma_start3A_215 : memref<80xi32, #tpu.memory_space<vmem>>) semaphore(%arg13 : memref<!tpu.dma_semaphore, #tpu.memory_space<semaphore_mem>>) {add = true}
      %dma_wait3A_219 = arith.constant 0 : i32
      %dma_wait3A_220 = arith.constant 0 : i32
      %dma_wait3A_221 = arith.constant 0 : i32
      %dma_wait3A_222 = arith.constant 0 : i32
      %dma_wait3A_223 = tpu.memref_slice %arg10[%dma_wait3A_219, %dma_wait3A_221, %dma_wait3A_222] : memref<2x80x64xf32, #tpu.memory_space<vmem>> -> memref<1x80x64xf32, #tpu.memory_space<vmem>>
      %dma_wait3A_224 = tpu.memref_squeeze %dma_wait3A_223 : memref<1x80x64xf32, #tpu.memory_space<vmem>> -> memref<80x64xf32, #tpu.memory_space<vmem>>
      %dma_wait3A_225 = arith.constant 0 : i32
      %dma_wait3A_226 = tpu.memref_slice %arg9[%dma_wait3A_220, %dma_wait3A_225] : memref<25x80xi32, #tpu.memory_space<vmem>> -> memref<1x80xi32, #tpu.memory_space<vmem>>
      %dma_wait3A_227 = tpu.memref_squeeze %dma_wait3A_226 : memref<1x80xi32, #tpu.memory_space<vmem>> -> memref<80xi32, #tpu.memory_space<vmem>>
      %dma_wait3A_228 = arith.constant 0 : i32
      %dma_wait3A_229 = arith.constant 0 : i32
      %dma_wait3A_230 = tpu.memref_slice %arg11[%dma_wait3A_228, %dma_wait3A_229] : memref<25344x64xf32, #tpu.memory_space<vmem_shared>> -> memref<25344x64xf32, #tpu.memory_space<vmem_shared>>
      tpu.wait_indirect_dma semaphore(%arg13 : memref<!tpu.dma_semaphore, #tpu.memory_space<semaphore_mem>>) src(%dma_wait3A_224 : memref<80x64xf32, #tpu.memory_space<vmem>>) dst(%dma_wait3A_230 : memref<25344x64xf32, #tpu.memory_space<vmem_shared>>)
      %dma_wait3A_231 = arith.constant 0 : i32
      %dma_wait3A_232 = arith.constant 0 : i32
      %dma_wait3A_233 = arith.constant 0 : i32
      %dma_wait3A_234 = arith.constant 0 : i32
      %dma_wait3A_235 = tpu.memref_slice %arg10[%dma_wait3A_231, %dma_wait3A_233, %dma_wait3A_234] : memref<2x80x64xf32, #tpu.memory_space<vmem>> -> memref<1x80x64xf32, #tpu.memory_space<vmem>>
      %dma_wait3A_236 = tpu.memref_squeeze %dma_wait3A_235 : memref<1x80x64xf32, #tpu.memory_space<vmem>> -> memref<80x64xf32, #tpu.memory_space<vmem>>
      %dma_wait3A_237 = arith.constant 0 : i32
      %dma_wait3A_238 = tpu.memref_slice %arg9[%dma_wait3A_232, %dma_wait3A_237] : memref<25x80xi32, #tpu.memory_space<vmem>> -> memref<1x80xi32, #tpu.memory_space<vmem>>
      %dma_wait3A_239 = tpu.memref_squeeze %dma_wait3A_238 : memref<1x80xi32, #tpu.memory_space<vmem>> -> memref<80xi32, #tpu.memory_space<vmem>>
      %dma_wait3A_240 = arith.constant 0 : i32
      %dma_wait3A_241 = arith.constant 0 : i32
      %dma_wait3A_242 = tpu.memref_slice %arg11[%dma_wait3A_240, %dma_wait3A_241] : memref<25344x64xf32, #tpu.memory_space<vmem_shared>> -> memref<25344x64xf32, #tpu.memory_space<vmem_shared>>
      tpu.wait_indirect_dma semaphore(%arg13 : memref<!tpu.dma_semaphore, #tpu.memory_space<semaphore_mem>>) src(%dma_wait3A_236 : memref<80x64xf32, #tpu.memory_space<vmem>>) dst(%dma_wait3A_242 : memref<25344x64xf32, #tpu.memory_space<vmem_shared>>)
    }
    %scan3A_27 = arith.constant 25 : i32
    %barrier3A_28 = arith.constant 0 : index
    tpu.barrier barrier_id(%barrier3A_28)
    %mul3A_29 = arith.constant 1584 : i32
    %mul3A_30 = arith.muli %arg1, %mul3A_29 : i32
    %mul3A_31 = arith.constant 1584 : i32
    %mul3A_32 = arith.muli %arg1, %mul3A_31 : i32
    "tpu.region"() ({
      %run_scoped3A = tpu.sem_alloc : memref<!tpu.dma_semaphore, #tpu.memory_space<semaphore_mem>>
      %dma_start3A_33 = arith.constant 0 : i32
      %dma_start3A_34 = arith.constant 0 : i32
      %dma_start3A_35 = tpu.memref_slice %arg6[%arg0, %dma_start3A_33, %dma_start3A_34] : memref<2x25344x64xf32, #tpu.memory_space<hbm>> -> memref<1x25344x64xf32, #tpu.memory_space<hbm>>
      %dma_start3A_36 = tpu.memref_squeeze %dma_start3A_35 : memref<1x25344x64xf32, #tpu.memory_space<hbm>> -> memref<25344x64xf32, #tpu.memory_space<hbm>>
      %dma_start3A_37 = arith.constant 0 : i32
      %dma_start3A_38 = tpu.memref_slice %dma_start3A_36[%mul3A_32, %dma_start3A_37] : memref<25344x64xf32, #tpu.memory_space<hbm>> -> memref<1584x64xf32, #tpu.memory_space<hbm>>
      %dma_start3A_39 = arith.constant 0 : i32
      %dma_start3A_40 = tpu.memref_slice %arg11[%mul3A_30, %dma_start3A_39] : memref<25344x64xf32, #tpu.memory_space<vmem_shared>> -> memref<1584x64xf32, #tpu.memory_space<vmem_shared>>
      tpu.enqueue_dma source(%dma_start3A_40 : memref<1584x64xf32, #tpu.memory_space<vmem_shared>>) target(%dma_start3A_38 : memref<1584x64xf32, #tpu.memory_space<hbm>>) target_semaphore(%run_scoped3A : memref<!tpu.dma_semaphore, #tpu.memory_space<semaphore_mem>>)
      %dma_wait3A = arith.constant 0 : i32
      %dma_wait3A_41 = arith.constant 0 : i32
      %dma_wait3A_42 = tpu.memref_slice %arg6[%arg0, %dma_wait3A, %dma_wait3A_41] : memref<2x25344x64xf32, #tpu.memory_space<hbm>> -> memref<1x25344x64xf32, #tpu.memory_space<hbm>>
      %dma_wait3A_43 = tpu.memref_squeeze %dma_wait3A_42 : memref<1x25344x64xf32, #tpu.memory_space<hbm>> -> memref<25344x64xf32, #tpu.memory_space<hbm>>
      %dma_wait3A_44 = arith.constant 0 : i32
      %dma_wait3A_45 = tpu.memref_slice %dma_wait3A_43[%mul3A_32, %dma_wait3A_44] : memref<25344x64xf32, #tpu.memory_space<hbm>> -> memref<1584x64xf32, #tpu.memory_space<hbm>>
      %dma_wait3A_46 = arith.constant 0 : i32
      %dma_wait3A_47 = tpu.memref_slice %arg11[%mul3A_30, %dma_wait3A_46] : memref<25344x64xf32, #tpu.memory_space<vmem_shared>> -> memref<1584x64xf32, #tpu.memory_space<vmem_shared>>
      tpu.wait_dma2 semaphore(%run_scoped3A : memref<!tpu.dma_semaphore, #tpu.memory_space<semaphore_mem>>) src(%dma_wait3A_47 : memref<1584x64xf32, #tpu.memory_space<vmem_shared>>) dst(%dma_wait3A_45 : memref<1584x64xf32, #tpu.memory_space<hbm>>)
      tpu.yield
    }) : () -> ()
    return
  }
}

#map = affine_map<(d0, d1) -> (0, 0)>
#map1 = affine_map<(d0, d1) -> (0)>
#map2 = affine_map<(d0, d1) -> (0, 0, 0)>
module attributes {stable_mosaic.version = 14 : i64} {
  func.func @_sc_scatter(%arg0: i32, %arg1: i32, %arg2: memref<50000x64xf32, #tpu.memory_space<hbm>>, %arg3: memref<800000xi32, #tpu.memory_space<hbm>>, %arg4: memref<800000xi32, #tpu.memory_space<hbm>>, %arg5: memref<1584x64xf32, #tpu.memory_space<hbm>>, %arg6: memref<2x25344x64xf32, #tpu.memory_space<hbm>>, %arg7: memref<2x2000xi32, #tpu.memory_space<vmem>>, %arg8: memref<2x2000xi32, #tpu.memory_space<vmem>>, %arg9: memref<25x80xi32, #tpu.memory_space<vmem>>, %arg10: memref<2x80x64xf32, #tpu.memory_space<vmem>>, %arg11: memref<25344x64xf32, #tpu.memory_space<vmem_shared>>, %arg12: memref<!tpu.dma_semaphore, #tpu.memory_space<semaphore_mem>>, %arg13: memref<!tpu.dma_semaphore, #tpu.memory_space<semaphore_mem>>, %arg14: memref<!tpu.dma_semaphore, #tpu.memory_space<semaphore_mem>>) attributes {dimension_semantics = [#tpu.dimension_semantics<core_parallel>, #tpu.dimension_semantics<subcore_parallel>], iteration_bounds = array<i64: 2, 16>, scalar_prefetch = 0 : i64, scratch_operands = 8 : i64, tpu.core_type = #tpu.core_type<sc_vector_subcore>, window_params = [{transform_indices = #map}, {transform_indices = #map1}, {transform_indices = #map1}, {transform_indices = #map}, {transform_indices = #map2}]} {
    %mul3A = arith.constant 25000 : i32
    %mul3A_0 = arith.muli %arg0, %mul3A : i32
    %mul3A_1 = arith.constant 50000 : i32
    %mul3A_2 = arith.muli %arg1, %mul3A_1 : i32
    %add3A = arith.constant 0 : i32
    %add3A_3 = arith.addi %mul3A_2, %add3A : i32
    %multiple_of3A = tpu.assume_multiple %add3A_3, 8 : i32
    %rem3A = arith.constant 0 : i32
    %rem3A_4 = arith.constant 2 : i32
    %rem3A_5 = arith.remsi %rem3A, %rem3A_4 : i32
    %dma_start3A = arith.constant 0 : i32
    %dma_start3A_6 = tpu.memref_slice %arg7[%rem3A_5, %dma_start3A] : memref<2x2000xi32, #tpu.memory_space<vmem>> -> memref<1x2000xi32, #tpu.memory_space<vmem>>
    %dma_start3A_7 = tpu.memref_squeeze %dma_start3A_6 : memref<1x2000xi32, #tpu.memory_space<vmem>> -> memref<2000xi32, #tpu.memory_space<vmem>>
    %dma_start3A_8 = tpu.memref_slice %arg3[%multiple_of3A] : memref<800000xi32, #tpu.memory_space<hbm>> -> memref<2000xi32, #tpu.memory_space<hbm>>
    %dma_start3A_9 = arith.constant 0 : i32
    %dma_start3A_10 = tpu.memref_slice %arg7[%rem3A_5, %dma_start3A_9] : memref<2x2000xi32, #tpu.memory_space<vmem>> -> memref<1x2000xi32, #tpu.memory_space<vmem>>
    %dma_start3A_11 = tpu.memref_squeeze %dma_start3A_10 : memref<1x2000xi32, #tpu.memory_space<vmem>> -> memref<2000xi32, #tpu.memory_space<vmem>>
    %dma_start3A_12 = tpu.memref_slice %arg3[%multiple_of3A] : memref<800000xi32, #tpu.memory_space<hbm>> -> memref<2000xi32, #tpu.memory_space<hbm>>
    tpu.enqueue_dma source(%dma_start3A_12 : memref<2000xi32, #tpu.memory_space<hbm>>) target(%dma_start3A_11 : memref<2000xi32, #tpu.memory_space<vmem>>) target_semaphore(%arg14 : memref<!tpu.dma_semaphore, #tpu.memory_space<semaphore_mem>>)
    %dma_start3A_13 = arith.constant 0 : i32
    %dma_start3A_14 = tpu.memref_slice %arg8[%rem3A_5, %dma_start3A_13] : memref<2x2000xi32, #tpu.memory_space<vmem>> -> memref<1x2000xi32, #tpu.memory_space<vmem>>
    %dma_start3A_15 = tpu.memref_squeeze %dma_start3A_14 : memref<1x2000xi32, #tpu.memory_space<vmem>> -> memref<2000xi32, #tpu.memory_space<vmem>>
    %dma_start3A_16 = tpu.memref_slice %arg4[%multiple_of3A] : memref<800000xi32, #tpu.memory_space<hbm>> -> memref<2000xi32, #tpu.memory_space<hbm>>
    %dma_start3A_17 = arith.constant 0 : i32
    %dma_start3A_18 = tpu.memref_slice %arg8[%rem3A_5, %dma_start3A_17] : memref<2x2000xi32, #tpu.memory_space<vmem>> -> memref<1x2000xi32, #tpu.memory_space<vmem>>
    %dma_start3A_19 = tpu.memref_squeeze %dma_start3A_18 : memref<1x2000xi32, #tpu.memory_space<vmem>> -> memref<2000xi32, #tpu.memory_space<vmem>>
    %dma_start3A_20 = tpu.memref_slice %arg4[%multiple_of3A] : memref<800000xi32, #tpu.memory_space<hbm>> -> memref<2000xi32, #tpu.memory_space<hbm>>
    tpu.enqueue_dma source(%dma_start3A_20 : memref<2000xi32, #tpu.memory_space<hbm>>) target(%dma_start3A_19 : memref<2000xi32, #tpu.memory_space<vmem>>) target_semaphore(%arg14 : memref<!tpu.dma_semaphore, #tpu.memory_space<semaphore_mem>>)
    %mul3A_21 = arith.constant 1584 : i32
    %mul3A_22 = arith.muli %arg1, %mul3A_21 : i32
    "tpu.region"() ({
      %run_scoped3A = tpu.sem_alloc : memref<!tpu.dma_semaphore, #tpu.memory_space<semaphore_mem>>
      %dma_start3A_33 = arith.constant 0 : i32
      %dma_start3A_34 = tpu.memref_slice %arg11[%mul3A_22, %dma_start3A_33] : memref<25344x64xf32, #tpu.memory_space<vmem_shared>> -> memref<1584x64xf32, #tpu.memory_space<vmem_shared>>
      tpu.enqueue_dma source(%arg5 : memref<1584x64xf32, #tpu.memory_space<hbm>>) target(%dma_start3A_34 : memref<1584x64xf32, #tpu.memory_space<vmem_shared>>) target_semaphore(%run_scoped3A : memref<!tpu.dma_semaphore, #tpu.memory_space<semaphore_mem>>)
      %dma_wait3A = arith.constant 0 : i32
      %dma_wait3A_35 = tpu.memref_slice %arg11[%mul3A_22, %dma_wait3A] : memref<25344x64xf32, #tpu.memory_space<vmem_shared>> -> memref<1584x64xf32, #tpu.memory_space<vmem_shared>>
      tpu.wait_dma2 semaphore(%run_scoped3A : memref<!tpu.dma_semaphore, #tpu.memory_space<semaphore_mem>>) src(%arg5 : memref<1584x64xf32, #tpu.memory_space<hbm>>) dst(%dma_wait3A_35 : memref<1584x64xf32, #tpu.memory_space<vmem_shared>>)
      tpu.yield
    }) : () -> ()
    %barrier3A = arith.constant 0 : index
    tpu.barrier barrier_id(%barrier3A)
    %scan3A = arith.constant 0 : i32
    %scan3A_23 = arith.constant 0 : i32
    %scan3A_24 = arith.constant 25 : i32
    %scan3A_25 = arith.addi %scan3A_23, %scan3A_24 : i32
    %scan3A_26 = arith.constant 1 : i32
    scf.for %scan3A_33 = %scan3A_23 to %scan3A_25 step %scan3A_26  : i32 {
      %rem3A_34 = arith.constant 2 : i32
      %rem3A_35 = arith.remsi %scan3A_33, %rem3A_34 : i32
      %dma_wait3A = arith.constant 0 : i32
      %dma_wait3A_36 = arith.constant 0 : i32
      %dma_wait3A_37 = tpu.memref_slice %arg7[%dma_wait3A, %dma_wait3A_36] : memref<2x2000xi32, #tpu.memory_space<vmem>> -> memref<1x2000xi32, #tpu.memory_space<vmem>>
      %dma_wait3A_38 = tpu.memref_squeeze %dma_wait3A_37 : memref<1x2000xi32, #tpu.memory_space<vmem>> -> memref<2000xi32, #tpu.memory_space<vmem>>
      %dma_wait3A_39 = arith.constant 0 : i32
      %dma_wait3A_40 = tpu.memref_slice %arg3[%dma_wait3A_39] : memref<800000xi32, #tpu.memory_space<hbm>> -> memref<2000xi32, #tpu.memory_space<hbm>>
      %dma_wait3A_41 = arith.constant 0 : i32
      %dma_wait3A_42 = tpu.memref_slice %arg7[%dma_wait3A, %dma_wait3A_41] : memref<2x2000xi32, #tpu.memory_space<vmem>> -> memref<1x2000xi32, #tpu.memory_space<vmem>>
      %dma_wait3A_43 = tpu.memref_squeeze %dma_wait3A_42 : memref<1x2000xi32, #tpu.memory_space<vmem>> -> memref<2000xi32, #tpu.memory_space<vmem>>
      %dma_wait3A_44 = arith.constant 0 : i32
      %dma_wait3A_45 = tpu.memref_slice %arg3[%dma_wait3A_44] : memref<800000xi32, #tpu.memory_space<hbm>> -> memref<2000xi32, #tpu.memory_space<hbm>>
      tpu.wait_dma2 semaphore(%arg14 : memref<!tpu.dma_semaphore, #tpu.memory_space<semaphore_mem>>) src(%dma_wait3A_45 : memref<2000xi32, #tpu.memory_space<hbm>>) dst(%dma_wait3A_43 : memref<2000xi32, #tpu.memory_space<vmem>>)
      %dma_wait3A_46 = arith.constant 0 : i32
      %dma_wait3A_47 = arith.constant 0 : i32
      %dma_wait3A_48 = tpu.memref_slice %arg8[%dma_wait3A_46, %dma_wait3A_47] : memref<2x2000xi32, #tpu.memory_space<vmem>> -> memref<1x2000xi32, #tpu.memory_space<vmem>>
      %dma_wait3A_49 = tpu.memref_squeeze %dma_wait3A_48 : memref<1x2000xi32, #tpu.memory_space<vmem>> -> memref<2000xi32, #tpu.memory_space<vmem>>
      %dma_wait3A_50 = arith.constant 0 : i32
      %dma_wait3A_51 = tpu.memref_slice %arg4[%dma_wait3A_50] : memref<800000xi32, #tpu.memory_space<hbm>> -> memref<2000xi32, #tpu.memory_space<hbm>>
      %dma_wait3A_52 = arith.constant 0 : i32
      %dma_wait3A_53 = tpu.memref_slice %arg8[%dma_wait3A_46, %dma_wait3A_52] : memref<2x2000xi32, #tpu.memory_space<vmem>> -> memref<1x2000xi32, #tpu.memory_space<vmem>>
      %dma_wait3A_54 = tpu.memref_squeeze %dma_wait3A_53 : memref<1x2000xi32, #tpu.memory_space<vmem>> -> memref<2000xi32, #tpu.memory_space<vmem>>
      %dma_wait3A_55 = arith.constant 0 : i32
      %dma_wait3A_56 = tpu.memref_slice %arg4[%dma_wait3A_55] : memref<800000xi32, #tpu.memory_space<hbm>> -> memref<2000xi32, #tpu.memory_space<hbm>>
      tpu.wait_dma2 semaphore(%arg14 : memref<!tpu.dma_semaphore, #tpu.memory_space<semaphore_mem>>) src(%dma_wait3A_56 : memref<2000xi32, #tpu.memory_space<hbm>>) dst(%dma_wait3A_54 : memref<2000xi32, #tpu.memory_space<vmem>>)
      %add3A_57 = arith.constant 1 : i32
      %add3A_58 = arith.addi %scan3A_33, %add3A_57 : i32
      %lt3A = arith.constant 25 : i32
      %lt3A_59 = arith.cmpi slt, %add3A_58, %lt3A : i32
      %convert_element_type3A = arith.extui %lt3A_59 : i1 to i32
      %cond3A = arith.constant 0 : i32
      %cond3A_60 = arith.cmpi ne, %convert_element_type3A, %cond3A : i32
      scf.if %cond3A_60 {
        %add3A_243 = arith.constant 1 : i32
        %add3A_244 = arith.addi %scan3A_33, %add3A_243 : i32
        %mul3A_245 = arith.constant 50000 : i32
        %mul3A_246 = arith.muli %arg1, %mul3A_245 : i32
        %mul3A_247 = arith.constant 2000 : i32
        %mul3A_248 = arith.muli %add3A_244, %mul3A_247 : i32
        %add3A_249 = arith.addi %mul3A_246, %mul3A_248 : i32
        %multiple_of3A_250 = tpu.assume_multiple %add3A_249, 8 : i32
        %rem3A_251 = arith.constant 2 : i32
        %rem3A_252 = arith.remsi %add3A_244, %rem3A_251 : i32
        %dma_start3A_253 = arith.constant 0 : i32
        %dma_start3A_254 = tpu.memref_slice %arg7[%rem3A_252, %dma_start3A_253] : memref<2x2000xi32, #tpu.memory_space<vmem>> -> memref<1x2000xi32, #tpu.memory_space<vmem>>
        %dma_start3A_255 = tpu.memref_squeeze %dma_start3A_254 : memref<1x2000xi32, #tpu.memory_space<vmem>> -> memref<2000xi32, #tpu.memory_space<vmem>>
        %dma_start3A_256 = tpu.memref_slice %arg3[%multiple_of3A_250] : memref<800000xi32, #tpu.memory_space<hbm>> -> memref<2000xi32, #tpu.memory_space<hbm>>
        %dma_start3A_257 = arith.constant 0 : i32
        %dma_start3A_258 = tpu.memref_slice %arg7[%rem3A_252, %dma_start3A_257] : memref<2x2000xi32, #tpu.memory_space<vmem>> -> memref<1x2000xi32, #tpu.memory_space<vmem>>
        %dma_start3A_259 = tpu.memref_squeeze %dma_start3A_258 : memref<1x2000xi32, #tpu.memory_space<vmem>> -> memref<2000xi32, #tpu.memory_space<vmem>>
        %dma_start3A_260 = tpu.memref_slice %arg3[%multiple_of3A_250] : memref<800000xi32, #tpu.memory_space<hbm>> -> memref<2000xi32, #tpu.memory_space<hbm>>
        tpu.enqueue_dma source(%dma_start3A_260 : memref<2000xi32, #tpu.memory_space<hbm>>) target(%dma_start3A_259 : memref<2000xi32, #tpu.memory_space<vmem>>) target_semaphore(%arg14 : memref<!tpu.dma_semaphore, #tpu.memory_space<semaphore_mem>>)
        %dma_start3A_261 = arith.constant 0 : i32
        %dma_start3A_262 = tpu.memref_slice %arg8[%rem3A_252, %dma_start3A_261] : memref<2x2000xi32, #tpu.memory_space<vmem>> -> memref<1x2000xi32, #tpu.memory_space<vmem>>
        %dma_start3A_263 = tpu.memref_squeeze %dma_start3A_262 : memref<1x2000xi32, #tpu.memory_space<vmem>> -> memref<2000xi32, #tpu.memory_space<vmem>>
        %dma_start3A_264 = tpu.memref_slice %arg4[%multiple_of3A_250] : memref<800000xi32, #tpu.memory_space<hbm>> -> memref<2000xi32, #tpu.memory_space<hbm>>
        %dma_start3A_265 = arith.constant 0 : i32
        %dma_start3A_266 = tpu.memref_slice %arg8[%rem3A_252, %dma_start3A_265] : memref<2x2000xi32, #tpu.memory_space<vmem>> -> memref<1x2000xi32, #tpu.memory_space<vmem>>
        %dma_start3A_267 = tpu.memref_squeeze %dma_start3A_266 : memref<1x2000xi32, #tpu.memory_space<vmem>> -> memref<2000xi32, #tpu.memory_space<vmem>>
        %dma_start3A_268 = tpu.memref_slice %arg4[%multiple_of3A_250] : memref<800000xi32, #tpu.memory_space<hbm>> -> memref<2000xi32, #tpu.memory_space<hbm>>
        tpu.enqueue_dma source(%dma_start3A_268 : memref<2000xi32, #tpu.memory_space<hbm>>) target(%dma_start3A_267 : memref<2000xi32, #tpu.memory_space<vmem>>) target_semaphore(%arg14 : memref<!tpu.dma_semaphore, #tpu.memory_space<semaphore_mem>>)
      } else {
      }
      %mul3A_61 = arith.constant 16 : i32
      %mul3A_62 = arith.muli %arg1, %mul3A_61 : i32
      %add3A_63 = arith.constant 25000 : i32
      %add3A_64 = arith.addi %add3A_63, %mul3A_62 : i32
      %iota3A = tpu.iota {dimensions = array<i32: 0>} : vector<16xi32>
      %get3A = arith.index_cast %rem3A_35 : i32 to index
      %get3A_65 = arith.constant 0 : index
      %get3A_66 = tpu.vector_load %arg8[%get3A, %get3A_65] {strides = array<i32>} : memref<2x2000xi32, #tpu.memory_space<vmem>>, vector<1x16xi32>,
      %get3A_67 = vector.shape_cast %get3A_66 : vector<1x16xi32> to vector<16xi32>
      %sub3A = vector.broadcast %mul3A_0 : i32 to vector<16xi32>
      %sub3A_68 = arith.subi %get3A_67, %sub3A : vector<16xi32>
      %ge3A = arith.constant 0 : i32
      %ge3A_69 = vector.broadcast %ge3A : i32 to vector<16xi32>
      %ge3A_70 = arith.cmpi sge, %sub3A_68, %ge3A_69 : vector<16xi32>
      %lt3A_71 = arith.constant 25000 : i32
      %lt3A_72 = vector.broadcast %lt3A_71 : i32 to vector<16xi32>
      %lt3A_73 = arith.cmpi slt, %sub3A_68, %lt3A_72 : vector<16xi32>
      %and3A = arith.andi %ge3A_70, %lt3A_73 : vector<16xi1>
      %add3A_74 = vector.broadcast %add3A_64 : i32 to vector<16xi32>
      %add3A_75 = arith.addi %add3A_74, %iota3A : vector<16xi32>
      %select_n3A = arith.select %and3A, %sub3A_68, %add3A_75 : vector<16xi1>, vector<16xi32>
      %swap3A = arith.constant 0 : i32
      %swap3A_76 = arith.index_cast %swap3A : i32 to index
      %swap3A_77 = arith.constant 0 : index
      %swap3A_78 = tpu.vector_load %arg9[%swap3A_76, %swap3A_77] {strides = array<i32>} : memref<25x80xi32, #tpu.memory_space<vmem>>, vector<1x16xi32>,
      %swap3A_79 = vector.shape_cast %swap3A_78 : vector<1x16xi32> to vector<16xi32>
      %swap3A_80 = vector.shape_cast %select_n3A : vector<16xi32> to vector<1x16xi32>
      tpu.vector_store %arg9[%swap3A_76, %swap3A_77], %swap3A_80 {strides = array<i32>} : memref<25x80xi32, #tpu.memory_space<vmem>>, vector<1x16xi32>,
      %get3A_81 = arith.index_cast %rem3A_35 : i32 to index
      %get3A_82 = arith.constant 16 : index
      %get3A_83 = tpu.vector_load %arg8[%get3A_81, %get3A_82] {strides = array<i32>} : memref<2x2000xi32, #tpu.memory_space<vmem>>, vector<1x16xi32>,
      %get3A_84 = vector.shape_cast %get3A_83 : vector<1x16xi32> to vector<16xi32>
      %sub3A_85 = vector.broadcast %mul3A_0 : i32 to vector<16xi32>
      %sub3A_86 = arith.subi %get3A_84, %sub3A_85 : vector<16xi32>
      %ge3A_87 = arith.constant 0 : i32
      %ge3A_88 = vector.broadcast %ge3A_87 : i32 to vector<16xi32>
      %ge3A_89 = arith.cmpi sge, %sub3A_86, %ge3A_88 : vector<16xi32>
      %lt3A_90 = arith.constant 25000 : i32
      %lt3A_91 = vector.broadcast %lt3A_90 : i32 to vector<16xi32>
      %lt3A_92 = arith.cmpi slt, %sub3A_86, %lt3A_91 : vector<16xi32>
      %and3A_93 = arith.andi %ge3A_89, %lt3A_92 : vector<16xi1>
      %add3A_94 = vector.broadcast %add3A_64 : i32 to vector<16xi32>
      %add3A_95 = arith.addi %add3A_94, %iota3A : vector<16xi32>
      %select_n3A_96 = arith.select %and3A_93, %sub3A_86, %add3A_95 : vector<16xi1>, vector<16xi32>
      %swap3A_97 = arith.constant 0 : i32
      %swap3A_98 = arith.index_cast %swap3A_97 : i32 to index
      %swap3A_99 = arith.constant 16 : index
      %swap3A_100 = tpu.vector_load %arg9[%swap3A_98, %swap3A_99] {strides = array<i32>} : memref<25x80xi32, #tpu.memory_space<vmem>>, vector<1x16xi32>,
      %swap3A_101 = vector.shape_cast %swap3A_100 : vector<1x16xi32> to vector<16xi32>
      %swap3A_102 = vector.shape_cast %select_n3A_96 : vector<16xi32> to vector<1x16xi32>
      tpu.vector_store %arg9[%swap3A_98, %swap3A_99], %swap3A_102 {strides = array<i32>} : memref<25x80xi32, #tpu.memory_space<vmem>>, vector<1x16xi32>,
      %get3A_103 = arith.index_cast %rem3A_35 : i32 to index
      %get3A_104 = arith.constant 32 : index
      %get3A_105 = tpu.vector_load %arg8[%get3A_103, %get3A_104] {strides = array<i32>} : memref<2x2000xi32, #tpu.memory_space<vmem>>, vector<1x16xi32>,
      %get3A_106 = vector.shape_cast %get3A_105 : vector<1x16xi32> to vector<16xi32>
      %sub3A_107 = vector.broadcast %mul3A_0 : i32 to vector<16xi32>
      %sub3A_108 = arith.subi %get3A_106, %sub3A_107 : vector<16xi32>
      %ge3A_109 = arith.constant 0 : i32
      %ge3A_110 = vector.broadcast %ge3A_109 : i32 to vector<16xi32>
      %ge3A_111 = arith.cmpi sge, %sub3A_108, %ge3A_110 : vector<16xi32>
      %lt3A_112 = arith.constant 25000 : i32
      %lt3A_113 = vector.broadcast %lt3A_112 : i32 to vector<16xi32>
      %lt3A_114 = arith.cmpi slt, %sub3A_108, %lt3A_113 : vector<16xi32>
      %and3A_115 = arith.andi %ge3A_111, %lt3A_114 : vector<16xi1>
      %add3A_116 = vector.broadcast %add3A_64 : i32 to vector<16xi32>
      %add3A_117 = arith.addi %add3A_116, %iota3A : vector<16xi32>
      %select_n3A_118 = arith.select %and3A_115, %sub3A_108, %add3A_117 : vector<16xi1>, vector<16xi32>
      %swap3A_119 = arith.constant 0 : i32
      %swap3A_120 = arith.index_cast %swap3A_119 : i32 to index
      %swap3A_121 = arith.constant 32 : index
      %swap3A_122 = tpu.vector_load %arg9[%swap3A_120, %swap3A_121] {strides = array<i32>} : memref<25x80xi32, #tpu.memory_space<vmem>>, vector<1x16xi32>,
      %swap3A_123 = vector.shape_cast %swap3A_122 : vector<1x16xi32> to vector<16xi32>
      %swap3A_124 = vector.shape_cast %select_n3A_118 : vector<16xi32> to vector<1x16xi32>
      tpu.vector_store %arg9[%swap3A_120, %swap3A_121], %swap3A_124 {strides = array<i32>} : memref<25x80xi32, #tpu.memory_space<vmem>>, vector<1x16xi32>,
      %get3A_125 = arith.index_cast %rem3A_35 : i32 to index
      %get3A_126 = arith.constant 48 : index
      %get3A_127 = tpu.vector_load %arg8[%get3A_125, %get3A_126] {strides = array<i32>} : memref<2x2000xi32, #tpu.memory_space<vmem>>, vector<1x16xi32>,
      %get3A_128 = vector.shape_cast %get3A_127 : vector<1x16xi32> to vector<16xi32>
      %sub3A_129 = vector.broadcast %mul3A_0 : i32 to vector<16xi32>
      %sub3A_130 = arith.subi %get3A_128, %sub3A_129 : vector<16xi32>
      %ge3A_131 = arith.constant 0 : i32
      %ge3A_132 = vector.broadcast %ge3A_131 : i32 to vector<16xi32>
      %ge3A_133 = arith.cmpi sge, %sub3A_130, %ge3A_132 : vector<16xi32>
      %lt3A_134 = arith.constant 25000 : i32
      %lt3A_135 = vector.broadcast %lt3A_134 : i32 to vector<16xi32>
      %lt3A_136 = arith.cmpi slt, %sub3A_130, %lt3A_135 : vector<16xi32>
      %and3A_137 = arith.andi %ge3A_133, %lt3A_136 : vector<16xi1>
      %add3A_138 = vector.broadcast %add3A_64 : i32 to vector<16xi32>
      %add3A_139 = arith.addi %add3A_138, %iota3A : vector<16xi32>
      %select_n3A_140 = arith.select %and3A_137, %sub3A_130, %add3A_139 : vector<16xi1>, vector<16xi32>
      %swap3A_141 = arith.constant 0 : i32
      %swap3A_142 = arith.index_cast %swap3A_141 : i32 to index
      %swap3A_143 = arith.constant 48 : index
      %swap3A_144 = tpu.vector_load %arg9[%swap3A_142, %swap3A_143] {strides = array<i32>} : memref<25x80xi32, #tpu.memory_space<vmem>>, vector<1x16xi32>,
      %swap3A_145 = vector.shape_cast %swap3A_144 : vector<1x16xi32> to vector<16xi32>
      %swap3A_146 = vector.shape_cast %select_n3A_140 : vector<16xi32> to vector<1x16xi32>
      tpu.vector_store %arg9[%swap3A_142, %swap3A_143], %swap3A_146 {strides = array<i32>} : memref<25x80xi32, #tpu.memory_space<vmem>>, vector<1x16xi32>,
      %get3A_147 = arith.index_cast %rem3A_35 : i32 to index
      %get3A_148 = arith.constant 64 : index
      %get3A_149 = tpu.vector_load %arg8[%get3A_147, %get3A_148] {strides = array<i32>} : memref<2x2000xi32, #tpu.memory_space<vmem>>, vector<1x16xi32>,
      %get3A_150 = vector.shape_cast %get3A_149 : vector<1x16xi32> to vector<16xi32>
      %sub3A_151 = vector.broadcast %mul3A_0 : i32 to vector<16xi32>
      %sub3A_152 = arith.subi %get3A_150, %sub3A_151 : vector<16xi32>
      %ge3A_153 = arith.constant 0 : i32
      %ge3A_154 = vector.broadcast %ge3A_153 : i32 to vector<16xi32>
      %ge3A_155 = arith.cmpi sge, %sub3A_152, %ge3A_154 : vector<16xi32>
      %lt3A_156 = arith.constant 25000 : i32
      %lt3A_157 = vector.broadcast %lt3A_156 : i32 to vector<16xi32>
      %lt3A_158 = arith.cmpi slt, %sub3A_152, %lt3A_157 : vector<16xi32>
      %and3A_159 = arith.andi %ge3A_155, %lt3A_158 : vector<16xi1>
      %add3A_160 = vector.broadcast %add3A_64 : i32 to vector<16xi32>
      %add3A_161 = arith.addi %add3A_160, %iota3A : vector<16xi32>
      %select_n3A_162 = arith.select %and3A_159, %sub3A_152, %add3A_161 : vector<16xi1>, vector<16xi32>
      %swap3A_163 = arith.constant 0 : i32
      %swap3A_164 = arith.index_cast %swap3A_163 : i32 to index
      %swap3A_165 = arith.constant 64 : index
      %swap3A_166 = tpu.vector_load %arg9[%swap3A_164, %swap3A_165] {strides = array<i32>} : memref<25x80xi32, #tpu.memory_space<vmem>>, vector<1x16xi32>,
      %swap3A_167 = vector.shape_cast %swap3A_166 : vector<1x16xi32> to vector<16xi32>
      %swap3A_168 = vector.shape_cast %select_n3A_162 : vector<16xi32> to vector<1x16xi32>
      tpu.vector_store %arg9[%swap3A_164, %swap3A_165], %swap3A_168 {strides = array<i32>} : memref<25x80xi32, #tpu.memory_space<vmem>>, vector<1x16xi32>,
      %multiple_of3A_169 = arith.constant 0 : i32
      %multiple_of3A_170 = tpu.assume_multiple %multiple_of3A_169, 8 : i32
      %rem3A_171 = arith.constant 0 : i32
      %rem3A_172 = arith.constant 2 : i32
      %rem3A_173 = arith.remsi %rem3A_171, %rem3A_172 : i32
      %dma_start3A_174 = arith.constant 0 : i32
      %dma_start3A_175 = arith.constant 0 : i32
      %dma_start3A_176 = tpu.memref_slice %arg10[%rem3A_173, %dma_start3A_174, %dma_start3A_175] : memref<2x80x64xf32, #tpu.memory_space<vmem>> -> memref<1x80x64xf32, #tpu.memory_space<vmem>>
      %dma_start3A_177 = tpu.memref_squeeze %dma_start3A_176 : memref<1x80x64xf32, #tpu.memory_space<vmem>> -> memref<80x64xf32, #tpu.memory_space<vmem>>
      %dma_start3A_178 = arith.constant 0 : i32
      %dma_start3A_179 = tpu.memref_slice %arg7[%rem3A_35, %dma_start3A_178] : memref<2x2000xi32, #tpu.memory_space<vmem>> -> memref<1x2000xi32, #tpu.memory_space<vmem>>
      %dma_start3A_180 = tpu.memref_squeeze %dma_start3A_179 : memref<1x2000xi32, #tpu.memory_space<vmem>> -> memref<2000xi32, #tpu.memory_space<vmem>>
      %dma_start3A_181 = tpu.memref_slice %dma_start3A_180[%multiple_of3A_170] : memref<2000xi32, #tpu.memory_space<vmem>> -> memref<80xi32, #tpu.memory_space<vmem>>
      %dma_start3A_182 = arith.constant 0 : i32
      %dma_start3A_183 = arith.constant 0 : i32
      %dma_start3A_184 = tpu.memref_slice %arg2[%dma_start3A_182, %dma_start3A_183] : memref<50000x64xf32, #tpu.memory_space<hbm>> -> memref<50000x64xf32, #tpu.memory_space<hbm>>
      tpu.enqueue_indirect_dma source(%dma_start3A_184 : memref<50000x64xf32, #tpu.memory_space<hbm>>) target(%dma_start3A_177 : memref<80x64xf32, #tpu.memory_space<vmem>>) offsets(%dma_start3A_181 : memref<80xi32, #tpu.memory_space<vmem>>) semaphore(%arg12 : memref<!tpu.dma_semaphore, #tpu.memory_space<semaphore_mem>>)
      %scan3A_185 = arith.constant 0 : i32
      %scan3A_186 = arith.constant 0 : i32
      %scan3A_187 = arith.constant 24 : i32
      %scan3A_188 = arith.addi %scan3A_186, %scan3A_187 : i32
      %scan3A_189 = arith.constant 1 : i32
      scf.for %scan3A_243 = %scan3A_186 to %scan3A_188 step %scan3A_189  : i32 {
        %ge3A_244 = arith.constant 1 : i32
        %ge3A_245 = arith.cmpi sge, %scan3A_243, %ge3A_244 : i32
        %convert_element_type3A_246 = arith.extui %ge3A_245 : i1 to i32
        %cond3A_247 = arith.constant 0 : i32
        %cond3A_248 = arith.cmpi ne, %convert_element_type3A_246, %cond3A_247 : i32
        scf.if %cond3A_248 {
          %dma_wait3A_421 = arith.constant 0 : i32
          %dma_wait3A_422 = arith.constant 0 : i32
          %dma_wait3A_423 = arith.constant 0 : i32
          %dma_wait3A_424 = arith.constant 0 : i32
          %dma_wait3A_425 = tpu.memref_slice %arg10[%dma_wait3A_421, %dma_wait3A_423, %dma_wait3A_424] : memref<2x80x64xf32, #tpu.memory_space<vmem>> -> memref<1x80x64xf32, #tpu.memory_space<vmem>>
          %dma_wait3A_426 = tpu.memref_squeeze %dma_wait3A_425 : memref<1x80x64xf32, #tpu.memory_space<vmem>> -> memref<80x64xf32, #tpu.memory_space<vmem>>
          %dma_wait3A_427 = arith.constant 0 : i32
          %dma_wait3A_428 = tpu.memref_slice %arg9[%dma_wait3A_422, %dma_wait3A_427] : memref<25x80xi32, #tpu.memory_space<vmem>> -> memref<1x80xi32, #tpu.memory_space<vmem>>
          %dma_wait3A_429 = tpu.memref_squeeze %dma_wait3A_428 : memref<1x80xi32, #tpu.memory_space<vmem>> -> memref<80xi32, #tpu.memory_space<vmem>>
          %dma_wait3A_430 = arith.constant 0 : i32
          %dma_wait3A_431 = arith.constant 0 : i32
          %dma_wait3A_432 = tpu.memref_slice %arg11[%dma_wait3A_430, %dma_wait3A_431] : memref<25344x64xf32, #tpu.memory_space<vmem_shared>> -> memref<25344x64xf32, #tpu.memory_space<vmem_shared>>
          tpu.wait_indirect_dma semaphore(%arg13 : memref<!tpu.dma_semaphore, #tpu.memory_space<semaphore_mem>>) src(%dma_wait3A_426 : memref<80x64xf32, #tpu.memory_space<vmem>>) dst(%dma_wait3A_432 : memref<25344x64xf32, #tpu.memory_space<vmem_shared>>)
        } else {
        }
        %add3A_249 = arith.constant 1 : i32
        %add3A_250 = arith.addi %scan3A_243, %add3A_249 : i32
        %mul3A_251 = arith.constant 80 : i32
        %mul3A_252 = arith.muli %add3A_250, %mul3A_251 : i32
        %multiple_of3A_253 = tpu.assume_multiple %mul3A_252, 8 : i32
        %rem3A_254 = arith.constant 2 : i32
        %rem3A_255 = arith.remsi %add3A_250, %rem3A_254 : i32
        %dma_start3A_256 = arith.constant 0 : i32
        %dma_start3A_257 = arith.constant 0 : i32
        %dma_start3A_258 = tpu.memref_slice %arg10[%rem3A_255, %dma_start3A_256, %dma_start3A_257] : memref<2x80x64xf32, #tpu.memory_space<vmem>> -> memref<1x80x64xf32, #tpu.memory_space<vmem>>
        %dma_start3A_259 = tpu.memref_squeeze %dma_start3A_258 : memref<1x80x64xf32, #tpu.memory_space<vmem>> -> memref<80x64xf32, #tpu.memory_space<vmem>>
        %dma_start3A_260 = arith.constant 0 : i32
        %dma_start3A_261 = tpu.memref_slice %arg7[%rem3A_35, %dma_start3A_260] : memref<2x2000xi32, #tpu.memory_space<vmem>> -> memref<1x2000xi32, #tpu.memory_space<vmem>>
        %dma_start3A_262 = tpu.memref_squeeze %dma_start3A_261 : memref<1x2000xi32, #tpu.memory_space<vmem>> -> memref<2000xi32, #tpu.memory_space<vmem>>
        %dma_start3A_263 = tpu.memref_slice %dma_start3A_262[%multiple_of3A_253] : memref<2000xi32, #tpu.memory_space<vmem>> -> memref<80xi32, #tpu.memory_space<vmem>>
        %dma_start3A_264 = arith.constant 0 : i32
        %dma_start3A_265 = arith.constant 0 : i32
        %dma_start3A_266 = tpu.memref_slice %arg2[%dma_start3A_264, %dma_start3A_265] : memref<50000x64xf32, #tpu.memory_space<hbm>> -> memref<50000x64xf32, #tpu.memory_space<hbm>>
        tpu.enqueue_indirect_dma source(%dma_start3A_266 : memref<50000x64xf32, #tpu.memory_space<hbm>>) target(%dma_start3A_259 : memref<80x64xf32, #tpu.memory_space<vmem>>) offsets(%dma_start3A_263 : memref<80xi32, #tpu.memory_space<vmem>>) semaphore(%arg12 : memref<!tpu.dma_semaphore, #tpu.memory_space<semaphore_mem>>)
        %add3A_267 = arith.constant 1 : i32
        %add3A_268 = arith.addi %scan3A_243, %add3A_267 : i32
        %iota3A_269 = tpu.iota {dimensions = array<i32: 0>} : vector<16xi32>
        %mul3A_270 = arith.constant 80 : i32
        %mul3A_271 = arith.muli %add3A_268, %mul3A_270 : i32
        %add3A_272 = arith.constant 0 : i32
        %add3A_273 = arith.addi %mul3A_271, %add3A_272 : i32
        %get3A_274 = arith.index_cast %rem3A_35 : i32 to index
        %get3A_275 = arith.index_cast %add3A_273 : i32 to index
        %get3A_276 = tpu.vector_load %arg8[%get3A_274, %get3A_275] {strides = array<i32>} : memref<2x2000xi32, #tpu.memory_space<vmem>>, vector<1x16xi32>,
        %get3A_277 = vector.shape_cast %get3A_276 : vector<1x16xi32> to vector<16xi32>
        %sub3A_278 = vector.broadcast %mul3A_0 : i32 to vector<16xi32>
        %sub3A_279 = arith.subi %get3A_277, %sub3A_278 : vector<16xi32>
        %ge3A_280 = arith.constant 0 : i32
        %ge3A_281 = vector.broadcast %ge3A_280 : i32 to vector<16xi32>
        %ge3A_282 = arith.cmpi sge, %sub3A_279, %ge3A_281 : vector<16xi32>
        %lt3A_283 = arith.constant 25000 : i32
        %lt3A_284 = vector.broadcast %lt3A_283 : i32 to vector<16xi32>
        %lt3A_285 = arith.cmpi slt, %sub3A_279, %lt3A_284 : vector<16xi32>
        %and3A_286 = arith.andi %ge3A_282, %lt3A_285 : vector<16xi1>
        %add3A_287 = vector.broadcast %add3A_64 : i32 to vector<16xi32>
        %add3A_288 = arith.addi %add3A_287, %iota3A_269 : vector<16xi32>
        %select_n3A_289 = arith.select %and3A_286, %sub3A_279, %add3A_288 : vector<16xi1>, vector<16xi32>
        %swap3A_290 = arith.index_cast %add3A_268 : i32 to index
        %swap3A_291 = arith.constant 0 : index
        %swap3A_292 = tpu.vector_load %arg9[%swap3A_290, %swap3A_291] {strides = array<i32>} : memref<25x80xi32, #tpu.memory_space<vmem>>, vector<1x16xi32>,
        %swap3A_293 = vector.shape_cast %swap3A_292 : vector<1x16xi32> to vector<16xi32>
        %swap3A_294 = vector.shape_cast %select_n3A_289 : vector<16xi32> to vector<1x16xi32>
        tpu.vector_store %arg9[%swap3A_290, %swap3A_291], %swap3A_294 {strides = array<i32>} : memref<25x80xi32, #tpu.memory_space<vmem>>, vector<1x16xi32>,
        %mul3A_295 = arith.constant 80 : i32
        %mul3A_296 = arith.muli %add3A_268, %mul3A_295 : i32
        %add3A_297 = arith.constant 16 : i32
        %add3A_298 = arith.addi %mul3A_296, %add3A_297 : i32
        %get3A_299 = arith.index_cast %rem3A_35 : i32 to index
        %get3A_300 = arith.index_cast %add3A_298 : i32 to index
        %get3A_301 = tpu.vector_load %arg8[%get3A_299, %get3A_300] {strides = array<i32>} : memref<2x2000xi32, #tpu.memory_space<vmem>>, vector<1x16xi32>,
        %get3A_302 = vector.shape_cast %get3A_301 : vector<1x16xi32> to vector<16xi32>
        %sub3A_303 = vector.broadcast %mul3A_0 : i32 to vector<16xi32>
        %sub3A_304 = arith.subi %get3A_302, %sub3A_303 : vector<16xi32>
        %ge3A_305 = arith.constant 0 : i32
        %ge3A_306 = vector.broadcast %ge3A_305 : i32 to vector<16xi32>
        %ge3A_307 = arith.cmpi sge, %sub3A_304, %ge3A_306 : vector<16xi32>
        %lt3A_308 = arith.constant 25000 : i32
        %lt3A_309 = vector.broadcast %lt3A_308 : i32 to vector<16xi32>
        %lt3A_310 = arith.cmpi slt, %sub3A_304, %lt3A_309 : vector<16xi32>
        %and3A_311 = arith.andi %ge3A_307, %lt3A_310 : vector<16xi1>
        %add3A_312 = vector.broadcast %add3A_64 : i32 to vector<16xi32>
        %add3A_313 = arith.addi %add3A_312, %iota3A_269 : vector<16xi32>
        %select_n3A_314 = arith.select %and3A_311, %sub3A_304, %add3A_313 : vector<16xi1>, vector<16xi32>
        %swap3A_315 = arith.index_cast %add3A_268 : i32 to index
        %swap3A_316 = arith.constant 16 : index
        %swap3A_317 = tpu.vector_load %arg9[%swap3A_315, %swap3A_316] {strides = array<i32>} : memref<25x80xi32, #tpu.memory_space<vmem>>, vector<1x16xi32>,
        %swap3A_318 = vector.shape_cast %swap3A_317 : vector<1x16xi32> to vector<16xi32>
        %swap3A_319 = vector.shape_cast %select_n3A_314 : vector<16xi32> to vector<1x16xi32>
        tpu.vector_store %arg9[%swap3A_315, %swap3A_316], %swap3A_319 {strides = array<i32>} : memref<25x80xi32, #tpu.memory_space<vmem>>, vector<1x16xi32>,
        %mul3A_320 = arith.constant 80 : i32
        %mul3A_321 = arith.muli %add3A_268, %mul3A_320 : i32
        %add3A_322 = arith.constant 32 : i32
        %add3A_323 = arith.addi %mul3A_321, %add3A_322 : i32
        %get3A_324 = arith.index_cast %rem3A_35 : i32 to index
        %get3A_325 = arith.index_cast %add3A_323 : i32 to index
        %get3A_326 = tpu.vector_load %arg8[%get3A_324, %get3A_325] {strides = array<i32>} : memref<2x2000xi32, #tpu.memory_space<vmem>>, vector<1x16xi32>,
        %get3A_327 = vector.shape_cast %get3A_326 : vector<1x16xi32> to vector<16xi32>
        %sub3A_328 = vector.broadcast %mul3A_0 : i32 to vector<16xi32>
        %sub3A_329 = arith.subi %get3A_327, %sub3A_328 : vector<16xi32>
        %ge3A_330 = arith.constant 0 : i32
        %ge3A_331 = vector.broadcast %ge3A_330 : i32 to vector<16xi32>
        %ge3A_332 = arith.cmpi sge, %sub3A_329, %ge3A_331 : vector<16xi32>
        %lt3A_333 = arith.constant 25000 : i32
        %lt3A_334 = vector.broadcast %lt3A_333 : i32 to vector<16xi32>
        %lt3A_335 = arith.cmpi slt, %sub3A_329, %lt3A_334 : vector<16xi32>
        %and3A_336 = arith.andi %ge3A_332, %lt3A_335 : vector<16xi1>
        %add3A_337 = vector.broadcast %add3A_64 : i32 to vector<16xi32>
        %add3A_338 = arith.addi %add3A_337, %iota3A_269 : vector<16xi32>
        %select_n3A_339 = arith.select %and3A_336, %sub3A_329, %add3A_338 : vector<16xi1>, vector<16xi32>
        %swap3A_340 = arith.index_cast %add3A_268 : i32 to index
        %swap3A_341 = arith.constant 32 : index
        %swap3A_342 = tpu.vector_load %arg9[%swap3A_340, %swap3A_341] {strides = array<i32>} : memref<25x80xi32, #tpu.memory_space<vmem>>, vector<1x16xi32>,
        %swap3A_343 = vector.shape_cast %swap3A_342 : vector<1x16xi32> to vector<16xi32>
        %swap3A_344 = vector.shape_cast %select_n3A_339 : vector<16xi32> to vector<1x16xi32>
        tpu.vector_store %arg9[%swap3A_340, %swap3A_341], %swap3A_344 {strides = array<i32>} : memref<25x80xi32, #tpu.memory_space<vmem>>, vector<1x16xi32>,
        %mul3A_345 = arith.constant 80 : i32
        %mul3A_346 = arith.muli %add3A_268, %mul3A_345 : i32
        %add3A_347 = arith.constant 48 : i32
        %add3A_348 = arith.addi %mul3A_346, %add3A_347 : i32
        %get3A_349 = arith.index_cast %rem3A_35 : i32 to index
        %get3A_350 = arith.index_cast %add3A_348 : i32 to index
        %get3A_351 = tpu.vector_load %arg8[%get3A_349, %get3A_350] {strides = array<i32>} : memref<2x2000xi32, #tpu.memory_space<vmem>>, vector<1x16xi32>,
        %get3A_352 = vector.shape_cast %get3A_351 : vector<1x16xi32> to vector<16xi32>
        %sub3A_353 = vector.broadcast %mul3A_0 : i32 to vector<16xi32>
        %sub3A_354 = arith.subi %get3A_352, %sub3A_353 : vector<16xi32>
        %ge3A_355 = arith.constant 0 : i32
        %ge3A_356 = vector.broadcast %ge3A_355 : i32 to vector<16xi32>
        %ge3A_357 = arith.cmpi sge, %sub3A_354, %ge3A_356 : vector<16xi32>
        %lt3A_358 = arith.constant 25000 : i32
        %lt3A_359 = vector.broadcast %lt3A_358 : i32 to vector<16xi32>
        %lt3A_360 = arith.cmpi slt, %sub3A_354, %lt3A_359 : vector<16xi32>
        %and3A_361 = arith.andi %ge3A_357, %lt3A_360 : vector<16xi1>
        %add3A_362 = vector.broadcast %add3A_64 : i32 to vector<16xi32>
        %add3A_363 = arith.addi %add3A_362, %iota3A_269 : vector<16xi32>
        %select_n3A_364 = arith.select %and3A_361, %sub3A_354, %add3A_363 : vector<16xi1>, vector<16xi32>
        %swap3A_365 = arith.index_cast %add3A_268 : i32 to index
        %swap3A_366 = arith.constant 48 : index
        %swap3A_367 = tpu.vector_load %arg9[%swap3A_365, %swap3A_366] {strides = array<i32>} : memref<25x80xi32, #tpu.memory_space<vmem>>, vector<1x16xi32>,
        %swap3A_368 = vector.shape_cast %swap3A_367 : vector<1x16xi32> to vector<16xi32>
        %swap3A_369 = vector.shape_cast %select_n3A_364 : vector<16xi32> to vector<1x16xi32>
        tpu.vector_store %arg9[%swap3A_365, %swap3A_366], %swap3A_369 {strides = array<i32>} : memref<25x80xi32, #tpu.memory_space<vmem>>, vector<1x16xi32>,
        %mul3A_370 = arith.constant 80 : i32
        %mul3A_371 = arith.muli %add3A_268, %mul3A_370 : i32
        %add3A_372 = arith.constant 64 : i32
        %add3A_373 = arith.addi %mul3A_371, %add3A_372 : i32
        %get3A_374 = arith.index_cast %rem3A_35 : i32 to index
        %get3A_375 = arith.index_cast %add3A_373 : i32 to index
        %get3A_376 = tpu.vector_load %arg8[%get3A_374, %get3A_375] {strides = array<i32>} : memref<2x2000xi32, #tpu.memory_space<vmem>>, vector<1x16xi32>,
        %get3A_377 = vector.shape_cast %get3A_376 : vector<1x16xi32> to vector<16xi32>
        %sub3A_378 = vector.broadcast %mul3A_0 : i32 to vector<16xi32>
        %sub3A_379 = arith.subi %get3A_377, %sub3A_378 : vector<16xi32>
        %ge3A_380 = arith.constant 0 : i32
        %ge3A_381 = vector.broadcast %ge3A_380 : i32 to vector<16xi32>
        %ge3A_382 = arith.cmpi sge, %sub3A_379, %ge3A_381 : vector<16xi32>
        %lt3A_383 = arith.constant 25000 : i32
        %lt3A_384 = vector.broadcast %lt3A_383 : i32 to vector<16xi32>
        %lt3A_385 = arith.cmpi slt, %sub3A_379, %lt3A_384 : vector<16xi32>
        %and3A_386 = arith.andi %ge3A_382, %lt3A_385 : vector<16xi1>
        %add3A_387 = vector.broadcast %add3A_64 : i32 to vector<16xi32>
        %add3A_388 = arith.addi %add3A_387, %iota3A_269 : vector<16xi32>
        %select_n3A_389 = arith.select %and3A_386, %sub3A_379, %add3A_388 : vector<16xi1>, vector<16xi32>
        %swap3A_390 = arith.index_cast %add3A_268 : i32 to index
        %swap3A_391 = arith.constant 64 : index
        %swap3A_392 = tpu.vector_load %arg9[%swap3A_390, %swap3A_391] {strides = array<i32>} : memref<25x80xi32, #tpu.memory_space<vmem>>, vector<1x16xi32>,
        %swap3A_393 = vector.shape_cast %swap3A_392 : vector<1x16xi32> to vector<16xi32>
        %swap3A_394 = vector.shape_cast %select_n3A_389 : vector<16xi32> to vector<1x16xi32>
        tpu.vector_store %arg9[%swap3A_390, %swap3A_391], %swap3A_394 {strides = array<i32>} : memref<25x80xi32, #tpu.memory_space<vmem>>, vector<1x16xi32>,
        %dma_wait3A_395 = arith.constant 0 : i32
        %dma_wait3A_396 = arith.constant 0 : i32
        %dma_wait3A_397 = arith.constant 0 : i32
        %dma_wait3A_398 = arith.constant 0 : i32
        %dma_wait3A_399 = tpu.memref_slice %arg10[%dma_wait3A_396, %dma_wait3A_397, %dma_wait3A_398] : memref<2x80x64xf32, #tpu.memory_space<vmem>> -> memref<1x80x64xf32, #tpu.memory_space<vmem>>
        %dma_wait3A_400 = tpu.memref_squeeze %dma_wait3A_399 : memref<1x80x64xf32, #tpu.memory_space<vmem>> -> memref<80x64xf32, #tpu.memory_space<vmem>>
        %dma_wait3A_401 = arith.constant 0 : i32
        %dma_wait3A_402 = tpu.memref_slice %arg7[%dma_wait3A_395, %dma_wait3A_401] : memref<2x2000xi32, #tpu.memory_space<vmem>> -> memref<1x2000xi32, #tpu.memory_space<vmem>>
        %dma_wait3A_403 = tpu.memref_squeeze %dma_wait3A_402 : memref<1x2000xi32, #tpu.memory_space<vmem>> -> memref<2000xi32, #tpu.memory_space<vmem>>
        %dma_wait3A_404 = arith.constant 0 : i32
        %dma_wait3A_405 = tpu.memref_slice %dma_wait3A_403[%dma_wait3A_404] : memref<2000xi32, #tpu.memory_space<vmem>> -> memref<80xi32, #tpu.memory_space<vmem>>
        %dma_wait3A_406 = arith.constant 0 : i32
        %dma_wait3A_407 = arith.constant 0 : i32
        %dma_wait3A_408 = tpu.memref_slice %arg2[%dma_wait3A_406, %dma_wait3A_407] : memref<50000x64xf32, #tpu.memory_space<hbm>> -> memref<50000x64xf32, #tpu.memory_space<hbm>>
        tpu.wait_indirect_dma semaphore(%arg12 : memref<!tpu.dma_semaphore, #tpu.memory_space<semaphore_mem>>) src(%dma_wait3A_408 : memref<50000x64xf32, #tpu.memory_space<hbm>>) dst(%dma_wait3A_400 : memref<80x64xf32, #tpu.memory_space<vmem>>)
        %rem3A_409 = arith.constant 2 : i32
        %rem3A_410 = arith.remsi %scan3A_243, %rem3A_409 : i32
        %dma_start3A_411 = arith.constant 0 : i32
        %dma_start3A_412 = arith.constant 0 : i32
        %dma_start3A_413 = tpu.memref_slice %arg10[%rem3A_410, %dma_start3A_411, %dma_start3A_412] : memref<2x80x64xf32, #tpu.memory_space<vmem>> -> memref<1x80x64xf32, #tpu.memory_space<vmem>>
        %dma_start3A_414 = tpu.memref_squeeze %dma_start3A_413 : memref<1x80x64xf32, #tpu.memory_space<vmem>> -> memref<80x64xf32, #tpu.memory_space<vmem>>
        %dma_start3A_415 = arith.constant 0 : i32
        %dma_start3A_416 = tpu.memref_slice %arg9[%scan3A_243, %dma_start3A_415] : memref<25x80xi32, #tpu.memory_space<vmem>> -> memref<1x80xi32, #tpu.memory_space<vmem>>
        %dma_start3A_417 = tpu.memref_squeeze %dma_start3A_416 : memref<1x80xi32, #tpu.memory_space<vmem>> -> memref<80xi32, #tpu.memory_space<vmem>>
        %dma_start3A_418 = arith.constant 0 : i32
        %dma_start3A_419 = arith.constant 0 : i32
        %dma_start3A_420 = tpu.memref_slice %arg11[%dma_start3A_418, %dma_start3A_419] : memref<25344x64xf32, #tpu.memory_space<vmem_shared>> -> memref<25344x64xf32, #tpu.memory_space<vmem_shared>>
        tpu.enqueue_indirect_dma source(%dma_start3A_414 : memref<80x64xf32, #tpu.memory_space<vmem>>) target(%dma_start3A_420 : memref<25344x64xf32, #tpu.memory_space<vmem_shared>>) offsets(%dma_start3A_417 : memref<80xi32, #tpu.memory_space<vmem>>) semaphore(%arg13 : memref<!tpu.dma_semaphore, #tpu.memory_space<semaphore_mem>>) {add = true}
      }
      %scan3A_190 = arith.constant 24 : i32
      %dma_wait3A_191 = arith.constant 0 : i32
      %dma_wait3A_192 = arith.constant 0 : i32
      %dma_wait3A_193 = arith.constant 0 : i32
      %dma_wait3A_194 = arith.constant 0 : i32
      %dma_wait3A_195 = tpu.memref_slice %arg10[%dma_wait3A_192, %dma_wait3A_193, %dma_wait3A_194] : memref<2x80x64xf32, #tpu.memory_space<vmem>> -> memref<1x80x64xf32, #tpu.memory_space<vmem>>
      %dma_wait3A_196 = tpu.memref_squeeze %dma_wait3A_195 : memref<1x80x64xf32, #tpu.memory_space<vmem>> -> memref<80x64xf32, #tpu.memory_space<vmem>>
      %dma_wait3A_197 = arith.constant 0 : i32
      %dma_wait3A_198 = tpu.memref_slice %arg7[%dma_wait3A_191, %dma_wait3A_197] : memref<2x2000xi32, #tpu.memory_space<vmem>> -> memref<1x2000xi32, #tpu.memory_space<vmem>>
      %dma_wait3A_199 = tpu.memref_squeeze %dma_wait3A_198 : memref<1x2000xi32, #tpu.memory_space<vmem>> -> memref<2000xi32, #tpu.memory_space<vmem>>
      %dma_wait3A_200 = arith.constant 0 : i32
      %dma_wait3A_201 = tpu.memref_slice %dma_wait3A_199[%dma_wait3A_200] : memref<2000xi32, #tpu.memory_space<vmem>> -> memref<80xi32, #tpu.memory_space<vmem>>
      %dma_wait3A_202 = arith.constant 0 : i32
      %dma_wait3A_203 = arith.constant 0 : i32
      %dma_wait3A_204 = tpu.memref_slice %arg2[%dma_wait3A_202, %dma_wait3A_203] : memref<50000x64xf32, #tpu.memory_space<hbm>> -> memref<50000x64xf32, #tpu.memory_space<hbm>>
      tpu.wait_indirect_dma semaphore(%arg12 : memref<!tpu.dma_semaphore, #tpu.memory_space<semaphore_mem>>) src(%dma_wait3A_204 : memref<50000x64xf32, #tpu.memory_space<hbm>>) dst(%dma_wait3A_196 : memref<80x64xf32, #tpu.memory_space<vmem>>)
      %rem3A_205 = arith.constant 24 : i32
      %rem3A_206 = arith.constant 2 : i32
      %rem3A_207 = arith.remsi %rem3A_205, %rem3A_206 : i32
      %dma_start3A_208 = arith.constant 24 : i32
      %dma_start3A_209 = arith.constant 0 : i32
      %dma_start3A_210 = arith.constant 0 : i32
      %dma_start3A_211 = tpu.memref_slice %arg10[%rem3A_207, %dma_start3A_209, %dma_start3A_210] : memref<2x80x64xf32, #tpu.memory_space<vmem>> -> memref<1x80x64xf32, #tpu.memory_space<vmem>>
      %dma_start3A_212 = tpu.memref_squeeze %dma_start3A_211 : memref<1x80x64xf32, #tpu.memory_space<vmem>> -> memref<80x64xf32, #tpu.memory_space<vmem>>
      %dma_start3A_213 = arith.constant 0 : i32
      %dma_start3A_214 = tpu.memref_slice %arg9[%dma_start3A_208, %dma_start3A_213] : memref<25x80xi32, #tpu.memory_space<vmem>> -> memref<1x80xi32, #tpu.memory_space<vmem>>
      %dma_start3A_215 = tpu.memref_squeeze %dma_start3A_214 : memref<1x80xi32, #tpu.memory_space<vmem>> -> memref<80xi32, #tpu.memory_space<vmem>>
      %dma_start3A_216 = arith.constant 0 : i32
      %dma_start3A_217 = arith.constant 0 : i32
      %dma_start3A_218 = tpu.memref_slice %arg11[%dma_start3A_216, %dma_start3A_217] : memref<25344x64xf32, #tpu.memory_space<vmem_shared>> -> memref<25344x64xf32, #tpu.memory_space<vmem_shared>>
      tpu.enqueue_indirect_dma source(%dma_start3A_212 : memref<80x64xf32, #tpu.memory_space<vmem>>) target(%dma_start3A_218 : memref<25344x64xf32, #tpu.memory_space<vmem_shared>>) offsets(%dma_start3A_215 : memref<80xi32, #tpu.memory_space<vmem>>) semaphore(%arg13 : memref<!tpu.dma_semaphore, #tpu.memory_space<semaphore_mem>>) {add = true}
      %dma_wait3A_219 = arith.constant 0 : i32
      %dma_wait3A_220 = arith.constant 0 : i32
      %dma_wait3A_221 = arith.constant 0 : i32
      %dma_wait3A_222 = arith.constant 0 : i32
      %dma_wait3A_223 = tpu.memref_slice %arg10[%dma_wait3A_219, %dma_wait3A_221, %dma_wait3A_222] : memref<2x80x64xf32, #tpu.memory_space<vmem>> -> memref<1x80x64xf32, #tpu.memory_space<vmem>>
      %dma_wait3A_224 = tpu.memref_squeeze %dma_wait3A_223 : memref<1x80x64xf32, #tpu.memory_space<vmem>> -> memref<80x64xf32, #tpu.memory_space<vmem>>
      %dma_wait3A_225 = arith.constant 0 : i32
      %dma_wait3A_226 = tpu.memref_slice %arg9[%dma_wait3A_220, %dma_wait3A_225] : memref<25x80xi32, #tpu.memory_space<vmem>> -> memref<1x80xi32, #tpu.memory_space<vmem>>
      %dma_wait3A_227 = tpu.memref_squeeze %dma_wait3A_226 : memref<1x80xi32, #tpu.memory_space<vmem>> -> memref<80xi32, #tpu.memory_space<vmem>>
      %dma_wait3A_228 = arith.constant 0 : i32
      %dma_wait3A_229 = arith.constant 0 : i32
      %dma_wait3A_230 = tpu.memref_slice %arg11[%dma_wait3A_228, %dma_wait3A_229] : memref<25344x64xf32, #tpu.memory_space<vmem_shared>> -> memref<25344x64xf32, #tpu.memory_space<vmem_shared>>
      tpu.wait_indirect_dma semaphore(%arg13 : memref<!tpu.dma_semaphore, #tpu.memory_space<semaphore_mem>>) src(%dma_wait3A_224 : memref<80x64xf32, #tpu.memory_space<vmem>>) dst(%dma_wait3A_230 : memref<25344x64xf32, #tpu.memory_space<vmem_shared>>)
      %dma_wait3A_231 = arith.constant 0 : i32
      %dma_wait3A_232 = arith.constant 0 : i32
      %dma_wait3A_233 = arith.constant 0 : i32
      %dma_wait3A_234 = arith.constant 0 : i32
      %dma_wait3A_235 = tpu.memref_slice %arg10[%dma_wait3A_231, %dma_wait3A_233, %dma_wait3A_234] : memref<2x80x64xf32, #tpu.memory_space<vmem>> -> memref<1x80x64xf32, #tpu.memory_space<vmem>>
      %dma_wait3A_236 = tpu.memref_squeeze %dma_wait3A_235 : memref<1x80x64xf32, #tpu.memory_space<vmem>> -> memref<80x64xf32, #tpu.memory_space<vmem>>
      %dma_wait3A_237 = arith.constant 0 : i32
      %dma_wait3A_238 = tpu.memref_slice %arg9[%dma_wait3A_232, %dma_wait3A_237] : memref<25x80xi32, #tpu.memory_space<vmem>> -> memref<1x80xi32, #tpu.memory_space<vmem>>
      %dma_wait3A_239 = tpu.memref_squeeze %dma_wait3A_238 : memref<1x80xi32, #tpu.memory_space<vmem>> -> memref<80xi32, #tpu.memory_space<vmem>>
      %dma_wait3A_240 = arith.constant 0 : i32
      %dma_wait3A_241 = arith.constant 0 : i32
      %dma_wait3A_242 = tpu.memref_slice %arg11[%dma_wait3A_240, %dma_wait3A_241] : memref<25344x64xf32, #tpu.memory_space<vmem_shared>> -> memref<25344x64xf32, #tpu.memory_space<vmem_shared>>
      tpu.wait_indirect_dma semaphore(%arg13 : memref<!tpu.dma_semaphore, #tpu.memory_space<semaphore_mem>>) src(%dma_wait3A_236 : memref<80x64xf32, #tpu.memory_space<vmem>>) dst(%dma_wait3A_242 : memref<25344x64xf32, #tpu.memory_space<vmem_shared>>)
    }
    %scan3A_27 = arith.constant 25 : i32
    %barrier3A_28 = arith.constant 0 : index
    tpu.barrier barrier_id(%barrier3A_28)
    %mul3A_29 = arith.constant 1584 : i32
    %mul3A_30 = arith.muli %arg1, %mul3A_29 : i32
    %mul3A_31 = arith.constant 1584 : i32
    %mul3A_32 = arith.muli %arg1, %mul3A_31 : i32
    "tpu.region"() ({
      %run_scoped3A = tpu.sem_alloc : memref<!tpu.dma_semaphore, #tpu.memory_space<semaphore_mem>>
      %dma_start3A_33 = arith.constant 0 : i32
      %dma_start3A_34 = arith.constant 0 : i32
      %dma_start3A_35 = tpu.memref_slice %arg6[%arg0, %dma_start3A_33, %dma_start3A_34] : memref<2x25344x64xf32, #tpu.memory_space<hbm>> -> memref<1x25344x64xf32, #tpu.memory_space<hbm>>
      %dma_start3A_36 = tpu.memref_squeeze %dma_start3A_35 : memref<1x25344x64xf32, #tpu.memory_space<hbm>> -> memref<25344x64xf32, #tpu.memory_space<hbm>>
      %dma_start3A_37 = arith.constant 0 : i32
      %dma_start3A_38 = tpu.memref_slice %dma_start3A_36[%mul3A_32, %dma_start3A_37] : memref<25344x64xf32, #tpu.memory_space<hbm>> -> memref<1584x64xf32, #tpu.memory_space<hbm>>
      %dma_start3A_39 = arith.constant 0 : i32
      %dma_start3A_40 = tpu.memref_slice %arg11[%mul3A_30, %dma_start3A_39] : memref<25344x64xf32, #tpu.memory_space<vmem_shared>> -> memref<1584x64xf32, #tpu.memory_space<vmem_shared>>
      tpu.enqueue_dma source(%dma_start3A_40 : memref<1584x64xf32, #tpu.memory_space<vmem_shared>>) target(%dma_start3A_38 : memref<1584x64xf32, #tpu.memory_space<hbm>>) target_semaphore(%run_scoped3A : memref<!tpu.dma_semaphore, #tpu.memory_space<semaphore_mem>>)
      %dma_wait3A = arith.constant 0 : i32
      %dma_wait3A_41 = arith.constant 0 : i32
      %dma_wait3A_42 = tpu.memref_slice %arg6[%arg0, %dma_wait3A, %dma_wait3A_41] : memref<2x25344x64xf32, #tpu.memory_space<hbm>> -> memref<1x25344x64xf32, #tpu.memory_space<hbm>>
      %dma_wait3A_43 = tpu.memref_squeeze %dma_wait3A_42 : memref<1x25344x64xf32, #tpu.memory_space<hbm>> -> memref<25344x64xf32, #tpu.memory_space<hbm>>
      %dma_wait3A_44 = arith.constant 0 : i32
      %dma_wait3A_45 = tpu.memref_slice %dma_wait3A_43[%mul3A_32, %dma_wait3A_44] : memref<25344x64xf32, #tpu.memory_space<hbm>> -> memref<1584x64xf32, #tpu.memory_space<hbm>>
      %dma_wait3A_46 = arith.constant 0 : i32
      %dma_wait3A_47 = tpu.memref_slice %arg11[%mul3A_30, %dma_wait3A_46] : memref<25344x64xf32, #tpu.memory_space<vmem_shared>> -> memref<1584x64xf32, #tpu.memory_space<vmem_shared>>
      tpu.wait_dma2 semaphore(%run_scoped3A : memref<!tpu.dma_semaphore, #tpu.memory_space<semaphore_mem>>) src(%dma_wait3A_47 : memref<1584x64xf32, #tpu.memory_space<vmem_shared>>) dst(%dma_wait3A_45 : memref<1584x64xf32, #tpu.memory_space<hbm>>)
      tpu.yield
    }) : () -> ()
    return
  }
}

module attributes {stable_mosaic.version = 14 : i64} {
  func.func @body(%arg0: i32, %arg1: memref<1000x2xf32, #tpu.memory_space<vmem>>, %arg2: memref<2x64xf32, #tpu.memory_space<vmem>>, %arg3: memref<1x64xf32, #tpu.memory_space<vmem>>, %arg4: memref<1x64xf32, #tpu.memory_space<vmem>>, %arg5: memref<1x64xf32, #tpu.memory_space<vmem>>, %arg6: memref<1x1000x16xf32, #tpu.memory_space<vmem>>, %arg7: memref<64x64xf32, #tpu.memory_space<vmem>>, %arg8: memref<1000x64xf32, #tpu.memory_space<vmem>>, %arg9: memref<1000x64xf32, #tpu.memory_space<vmem>>) attributes {dimension_semantics = [#tpu.dimension_semantics<arbitrary>], iteration_bounds = array<i64: 50>, scalar_prefetch = 0 : i64, scratch_operands = 0 : i64, tpu.core_type = #tpu.core_type<tc>, window_params = [{transform_indices = @transform_0, window_bounds = array<i64: 1000, 2>}, {pipeline_mode = #tpu.pipeline_mode<synchronous>, transform_indices = @transform_1, window_bounds = array<i64: 2, 64>}, {pipeline_mode = #tpu.pipeline_mode<synchronous>, transform_indices = @transform_2, window_bounds = array<i64: 1, 64>}, {pipeline_mode = #tpu.pipeline_mode<synchronous>, transform_indices = @transform_3, window_bounds = array<i64: 1, 64>}, {pipeline_mode = #tpu.pipeline_mode<synchronous>, transform_indices = @transform_4, window_bounds = array<i64: 1, 64>}, {transform_indices = @transform_5, window_bounds = array<i64: 1, 1000, 16>}, {pipeline_mode = #tpu.pipeline_mode<synchronous>, transform_indices = @transform_6, window_bounds = array<i64: 64, 64>}, {transform_indices = @transform_7, window_bounds = array<i64: 1000, 64>}, {transform_indices = @transform_8, window_bounds = array<i64: 1000, 64>}]} {
    %get3A = arith.constant 0 : index
    %get3A_0 = arith.constant 0 : index
    %get3A_1 = vector.load %arg1[%get3A, %get3A_0] : memref<1000x2xf32, #tpu.memory_space<vmem>>, vector<1000x2xf32>
    %get3A_2 = arith.constant 0 : index
    %get3A_3 = arith.constant 0 : index
    %get3A_4 = vector.load %arg2[%get3A_2, %get3A_3] : memref<2x64xf32, #tpu.memory_space<vmem>>, vector<2x64xf32>
    %dot_general3A = arith.constant dense<0.000000e+00> : vector<1000x64xf32>
    %dot_general3A_5 = tpu.matmul %get3A_1, %get3A_4, %dot_general3A {dimension_numbers = #tpu.dot_dimension_numbers<[1], [0], [0], [1], [0, 0, 1, 1], [], []>, transpose_lhs_hint = false} : vector<1000x2xf32>, vector<2x64xf32>, vector<1000x64xf32> -> vector<1000x64xf32>
    %get3A_6 = arith.constant 0 : index
    %get3A_7 = arith.constant 0 : index
    %get3A_8 = vector.load %arg3[%get3A_6, %get3A_7] : memref<1x64xf32, #tpu.memory_space<vmem>>, vector<1x64xf32>
    %add3A = vector.broadcast %get3A_8 : vector<1x64xf32> to vector<1000x64xf32>
    %add3A_9 = arith.addf %dot_general3A_5, %add3A : vector<1000x64xf32>
    %max3A = arith.constant 0.000000e+00 : f32
    %max3A_10 = vector.broadcast %max3A : f32 to vector<1000x64xf32>
    %max3A_11 = arith.maximumf %add3A_9, %max3A_10 : vector<1000x64xf32>
    %get3A_12 = arith.constant 0 : index
    %get3A_13 = arith.constant 0 : index
    %get3A_14 = vector.load %arg4[%get3A_12, %get3A_13] : memref<1x64xf32, #tpu.memory_space<vmem>>, vector<1x64xf32>
    %get3A_15 = arith.constant 0 : index
    %get3A_16 = arith.constant 0 : index
    %get3A_17 = vector.load %arg5[%get3A_15, %get3A_16] : memref<1x64xf32, #tpu.memory_space<vmem>>, vector<1x64xf32>
    %reduce_sum3A = arith.constant dense<0.000000e+00> : vector<1000xf32>
    %reduce_sum3A_18 = vector.multi_reduction <add>, %max3A_11, %reduce_sum3A [1] : vector<1000x64xf32> to vector<1000xf32>
    %broadcast_in_dim3A = vector.shape_cast %reduce_sum3A_18 : vector<1000xf32> to vector<1000x1xf32>
    %div3A = arith.constant 6.400000e+01 : f32
    %div3A_19 = vector.broadcast %div3A : f32 to vector<1000x1xf32>
    %div3A_20 = arith.divf %broadcast_in_dim3A, %div3A_19 : vector<1000x1xf32>
    %sub3A = vector.broadcast %div3A_20 : vector<1000x1xf32> to vector<1000x64xf32>
    %sub3A_21 = arith.subf %max3A_11, %sub3A : vector<1000x64xf32>
    %integer_pow3A = arith.mulf %sub3A_21, %sub3A_21 : vector<1000x64xf32>
    %reduce_sum3A_22 = arith.constant dense<0.000000e+00> : vector<1000xf32>
    %reduce_sum3A_23 = vector.multi_reduction <add>, %integer_pow3A, %reduce_sum3A_22 [1] : vector<1000x64xf32> to vector<1000xf32>
    %broadcast_in_dim3A_24 = vector.shape_cast %reduce_sum3A_23 : vector<1000xf32> to vector<1000x1xf32>
    %div3A_25 = arith.constant 6.400000e+01 : f32
    %div3A_26 = vector.broadcast %div3A_25 : f32 to vector<1000x1xf32>
    %div3A_27 = arith.divf %broadcast_in_dim3A_24, %div3A_26 : vector<1000x1xf32>
    %sub3A_28 = vector.broadcast %div3A_20 : vector<1000x1xf32> to vector<1000x64xf32>
    %sub3A_29 = arith.subf %max3A_11, %sub3A_28 : vector<1000x64xf32>
    %add3A_30 = arith.constant 9.99999974E-6 : f32
    %add3A_31 = vector.broadcast %add3A_30 : f32 to vector<1000x1xf32>
    %add3A_32 = arith.addf %div3A_27, %add3A_31 : vector<1000x1xf32>
    %rsqrt3A = math.rsqrt %add3A_32 : vector<1000x1xf32>
    %mul3A = vector.broadcast %rsqrt3A : vector<1000x1xf32> to vector<1000x64xf32>
    %mul3A_33 = arith.mulf %sub3A_29, %mul3A : vector<1000x64xf32>
    %mul3A_34 = vector.broadcast %get3A_14 : vector<1x64xf32> to vector<1000x64xf32>
    %mul3A_35 = arith.mulf %mul3A_33, %mul3A_34 : vector<1000x64xf32>
    %add3A_36 = vector.broadcast %get3A_17 : vector<1x64xf32> to vector<1000x64xf32>
    %add3A_37 = arith.addf %mul3A_35, %add3A_36 : vector<1000x64xf32>
    %swap3A = arith.constant 0 : index
    %swap3A_38 = arith.constant 0 : index
    %swap3A_39 = vector.load %arg8[%swap3A, %swap3A_38] : memref<1000x64xf32, #tpu.memory_space<vmem>>, vector<1000x64xf32>
    tpu.vector_store %arg8[%swap3A, %swap3A_38], %add3A_37 {strides = array<i32>} : memref<1000x64xf32, #tpu.memory_space<vmem>>, vector<1000x64xf32>,
    %get3A_40 = arith.constant 0 : index
    %get3A_41 = arith.constant 0 : index
    %get3A_42 = arith.constant 0 : index
    %get3A_43 = vector.load %arg6[%get3A_40, %get3A_41, %get3A_42] : memref<1x1000x16xf32, #tpu.memory_space<vmem>>, vector<1x1000x16xf32>
    %get3A_44 = vector.shape_cast %get3A_43 : vector<1x1000x16xf32> to vector<1000x16xf32>
    %slice3A = vector.extract_strided_slice %get3A_44 {offsets = [0, 0], sizes = [1000, 1], strides = [1, 1]} : vector<1000x16xf32> to vector<1000x1xf32>
    %add3A_45 = arith.constant 1.000000e+00 : f32
    %add3A_46 = vector.broadcast %add3A_45 : f32 to vector<1000x1xf32>
    %add3A_47 = arith.addf %slice3A, %add3A_46 : vector<1000x1xf32>
    %max3A_48 = arith.constant 9.99999996E-13 : f32
    %max3A_49 = vector.broadcast %max3A_48 : f32 to vector<1000x1xf32>
    %max3A_50 = arith.maximumf %add3A_47, %max3A_49 : vector<1000x1xf32>
    %rsqrt3A_51 = math.rsqrt %max3A_50 : vector<1000x1xf32>
    %get3A_52 = arith.constant 0 : index
    %get3A_53 = arith.constant 0 : index
    %get3A_54 = vector.load %arg7[%get3A_52, %get3A_53] : memref<64x64xf32, #tpu.memory_space<vmem>>, vector<64x64xf32>
    %dot_general3A_55 = arith.constant dense<0.000000e+00> : vector<1000x64xf32>
    %dot_general3A_56 = tpu.matmul %add3A_37, %get3A_54, %dot_general3A_55 {dimension_numbers = #tpu.dot_dimension_numbers<[1], [0], [0], [1], [0, 0, 1, 1], [], []>, transpose_lhs_hint = false} : vector<1000x64xf32>, vector<64x64xf32>, vector<1000x64xf32> -> vector<1000x64xf32>
    %mul3A_57 = vector.broadcast %rsqrt3A_51 : vector<1000x1xf32> to vector<1000x64xf32>
    %mul3A_58 = arith.mulf %mul3A_57, %dot_general3A_56 : vector<1000x64xf32>
    %swap3A_59 = arith.constant 0 : index
    %swap3A_60 = arith.constant 0 : index
    %swap3A_61 = vector.load %arg9[%swap3A_59, %swap3A_60] : memref<1000x64xf32, #tpu.memory_space<vmem>>, vector<1000x64xf32>
    tpu.vector_store %arg9[%swap3A_59, %swap3A_60], %mul3A_58 {strides = array<i32>} : memref<1000x64xf32, #tpu.memory_space<vmem>>, vector<1000x64xf32>,
    return
  }
  func.func @transform_0(%arg0: i32) -> (i32, i32) {
    %c0_i32 = arith.constant 0 : i32
    %c0_i32_0 = arith.constant 0 : i32
    return %arg0, %c0_i32 : i32, i32
  }
  func.func @transform_1(%arg0: i32) -> (i32, i32) {
    %c0_i32 = arith.constant 0 : i32
    %c0_i32_0 = arith.constant 0 : i32
    %c0_i32_1 = arith.constant 0 : i32
    return %c0_i32, %c0_i32_0 : i32, i32
  }
  func.func @transform_2(%arg0: i32) -> (i32, i32) {
    %c0_i32 = arith.constant 0 : i32
    %c0_i32_0 = arith.constant 0 : i32
    %c0_i32_1 = arith.constant 0 : i32
    return %c0_i32, %c0_i32_0 : i32, i32
  }
  func.func @transform_3(%arg0: i32) -> (i32, i32) {
    %c0_i32 = arith.constant 0 : i32
    %c0_i32_0 = arith.constant 0 : i32
    %c0_i32_1 = arith.constant 0 : i32
    return %c0_i32, %c0_i32_0 : i32, i32
  }
  func.func @transform_4(%arg0: i32) -> (i32, i32) {
    %c0_i32 = arith.constant 0 : i32
    %c0_i32_0 = arith.constant 0 : i32
    %c0_i32_1 = arith.constant 0 : i32
    return %c0_i32, %c0_i32_0 : i32, i32
  }
  func.func @transform_5(%arg0: i32) -> (i32, i32, i32) {
    %jit3A = arith.constant 25 : i32
    %div3A = arith.divsi %arg0, %jit3A : i32
    %sign3A = arith.constant 0 : i32
    %sign3A_0 = arith.cmpi sgt, %arg0, %sign3A : i32
    %sign3A_1 = arith.extui %sign3A_0 : i1 to i32
    %sign3A_2 = arith.constant 0 : i32
    %sign3A_3 = arith.cmpi slt, %arg0, %sign3A_2 : i32
    %sign3A_4 = arith.extui %sign3A_3 : i1 to i32
    %sign3A_5 = arith.subi %sign3A_1, %sign3A_4 : i32
    %sign3A_6 = arith.constant 0 : i32
    %sign3A_7 = arith.cmpi sgt, %jit3A, %sign3A_6 : i32
    %sign3A_8 = arith.extui %sign3A_7 : i1 to i32
    %sign3A_9 = arith.constant 0 : i32
    %sign3A_10 = arith.cmpi slt, %jit3A, %sign3A_9 : i32
    %sign3A_11 = arith.extui %sign3A_10 : i1 to i32
    %sign3A_12 = arith.subi %sign3A_8, %sign3A_11 : i32
    %ne3A = arith.cmpi ne, %sign3A_5, %sign3A_12 : i32
    %rem3A = arith.remsi %arg0, %jit3A : i32
    %ne3A_13 = arith.constant 0 : i32
    %ne3A_14 = arith.cmpi ne, %rem3A, %ne3A_13 : i32
    %and3A = arith.andi %ne3A, %ne3A_14 : i1
    %sub3A = arith.constant 1 : i32
    %sub3A_15 = arith.subi %div3A, %sub3A : i32
    %select_n3A = arith.select %and3A, %sub3A_15, %div3A : i32
    %jit3A_16 = arith.constant 25 : i32
    %eq3A = arith.constant 0 : i32
    %eq3A_17 = arith.cmpi eq, %jit3A_16, %eq3A : i32
    %jit3A_18 = arith.constant 1 : i32
    %select_n3A_19 = arith.select %eq3A_17, %jit3A_18, %jit3A_16 : i32
    %rem3A_20 = arith.remsi %arg0, %select_n3A_19 : i32
    %ne3A_21 = arith.constant 0 : i32
    %ne3A_22 = arith.cmpi ne, %rem3A_20, %ne3A_21 : i32
    %lt3A = arith.constant 0 : i32
    %lt3A_23 = arith.cmpi slt, %rem3A_20, %lt3A : i32
    %lt3A_24 = arith.constant 0 : i32
    %lt3A_25 = arith.cmpi slt, %select_n3A_19, %lt3A_24 : i32
    %ne3A_26 = arith.xori %lt3A_23, %lt3A_25 : i1
    %and3A_27 = arith.andi %ne3A_26, %ne3A_22 : i1
    %add3A = arith.addi %rem3A_20, %select_n3A_19 : i32
    %select_n3A_28 = arith.select %and3A_27, %add3A, %rem3A_20 : i32
    %c0_i32 = arith.constant 0 : i32
    %c0_i32_29 = arith.constant 0 : i32
    return %select_n3A, %select_n3A_28, %c0_i32 : i32, i32, i32
  }
  func.func @transform_6(%arg0: i32) -> (i32, i32) {
    %c0_i32 = arith.constant 0 : i32
    %c0_i32_0 = arith.constant 0 : i32
    %c0_i32_1 = arith.constant 0 : i32
    return %c0_i32, %c0_i32_0 : i32, i32
  }
  func.func @transform_7(%arg0: i32) -> (i32, i32) {
    %c0_i32 = arith.constant 0 : i32
    %c0_i32_0 = arith.constant 0 : i32
    return %arg0, %c0_i32 : i32, i32
  }
  func.func @transform_8(%arg0: i32) -> (i32, i32) {
    %c0_i32 = arith.constant 0 : i32
    %c0_i32_0 = arith.constant 0 : i32
    return %arg0, %c0_i32 : i32, i32
  }
}

module attributes {stable_mosaic.version = 14 : i64} {
  func.func @body(%arg0: i32, %arg1: memref<1x1000x64xf32, #tpu.memory_space<vmem>>, %arg2: memref<1000x64xf32, #tpu.memory_space<vmem>>, %arg3: memref<1000x64xf32, #tpu.memory_space<vmem>>, %arg4: memref<1x1000x16xf32, #tpu.memory_space<vmem>>, %arg5: memref<1x64xf32, #tpu.memory_space<vmem>>, %arg6: memref<1x64xf32, #tpu.memory_space<vmem>>, %arg7: memref<1x64xf32, #tpu.memory_space<vmem>>, %arg8: memref<64x64xf32, #tpu.memory_space<vmem>>, %arg9: memref<1000x64xf32, #tpu.memory_space<vmem>>, %arg10: memref<1000x64xf32, #tpu.memory_space<vmem>>) attributes {dimension_semantics = [#tpu.dimension_semantics<arbitrary>], iteration_bounds = array<i64: 50>, scalar_prefetch = 0 : i64, scratch_operands = 0 : i64, tpu.core_type = #tpu.core_type<tc>, window_params = [{transform_indices = @transform_0, window_bounds = array<i64: 1, 1000, 64>}, {transform_indices = @transform_1, window_bounds = array<i64: 1000, 64>}, {transform_indices = @transform_2, window_bounds = array<i64: 1000, 64>}, {transform_indices = @transform_3, window_bounds = array<i64: 1, 1000, 16>}, {pipeline_mode = #tpu.pipeline_mode<synchronous>, transform_indices = @transform_4, window_bounds = array<i64: 1, 64>}, {pipeline_mode = #tpu.pipeline_mode<synchronous>, transform_indices = @transform_5, window_bounds = array<i64: 1, 64>}, {pipeline_mode = #tpu.pipeline_mode<synchronous>, transform_indices = @transform_6, window_bounds = array<i64: 1, 64>}, {pipeline_mode = #tpu.pipeline_mode<synchronous>, transform_indices = @transform_7, window_bounds = array<i64: 64, 64>}, {transform_indices = @transform_8, window_bounds = array<i64: 1000, 64>}, {transform_indices = @transform_9, window_bounds = array<i64: 1000, 64>}]} {
    %get3A = arith.constant 0 : index
    %get3A_0 = arith.constant 0 : index
    %get3A_1 = arith.constant 0 : index
    %get3A_2 = vector.load %arg4[%get3A, %get3A_0, %get3A_1] : memref<1x1000x16xf32, #tpu.memory_space<vmem>>, vector<1x1000x16xf32>
    %get3A_3 = vector.shape_cast %get3A_2 : vector<1x1000x16xf32> to vector<1000x16xf32>
    %slice3A = vector.extract_strided_slice %get3A_3 {offsets = [0, 0], sizes = [1000, 1], strides = [1, 1]} : vector<1000x16xf32> to vector<1000x1xf32>
    %add3A = arith.constant 1.000000e+00 : f32
    %add3A_4 = vector.broadcast %add3A : f32 to vector<1000x1xf32>
    %add3A_5 = arith.addf %slice3A, %add3A_4 : vector<1000x1xf32>
    %max3A = arith.constant 9.99999996E-13 : f32
    %max3A_6 = vector.broadcast %max3A : f32 to vector<1000x1xf32>
    %max3A_7 = arith.maximumf %add3A_5, %max3A_6 : vector<1000x1xf32>
    %rsqrt3A = math.rsqrt %max3A_7 : vector<1000x1xf32>
    %get3A_8 = arith.constant 0 : index
    %get3A_9 = arith.constant 0 : index
    %get3A_10 = arith.constant 0 : index
    %get3A_11 = vector.load %arg1[%get3A_8, %get3A_9, %get3A_10] : memref<1x1000x64xf32, #tpu.memory_space<vmem>>, vector<1x1000x64xf32>
    %get3A_12 = vector.shape_cast %get3A_11 : vector<1x1000x64xf32> to vector<1000x64xf32>
    %get3A_13 = arith.constant 0 : index
    %get3A_14 = arith.constant 0 : index
    %get3A_15 = vector.load %arg2[%get3A_13, %get3A_14] : memref<1000x64xf32, #tpu.memory_space<vmem>>, vector<1000x64xf32>
    %add3A_16 = arith.addf %get3A_12, %get3A_15 : vector<1000x64xf32>
    %mul3A = vector.broadcast %rsqrt3A : vector<1000x1xf32> to vector<1000x64xf32>
    %mul3A_17 = arith.mulf %mul3A, %add3A_16 : vector<1000x64xf32>
    %get3A_18 = arith.constant 0 : index
    %get3A_19 = arith.constant 0 : index
    %get3A_20 = vector.load %arg5[%get3A_18, %get3A_19] : memref<1x64xf32, #tpu.memory_space<vmem>>, vector<1x64xf32>
    %add3A_21 = vector.broadcast %get3A_20 : vector<1x64xf32> to vector<1000x64xf32>
    %add3A_22 = arith.addf %mul3A_17, %add3A_21 : vector<1000x64xf32>
    %max3A_23 = arith.constant 0.000000e+00 : f32
    %max3A_24 = vector.broadcast %max3A_23 : f32 to vector<1000x64xf32>
    %max3A_25 = arith.maximumf %add3A_22, %max3A_24 : vector<1000x64xf32>
    %get3A_26 = arith.constant 0 : index
    %get3A_27 = arith.constant 0 : index
    %get3A_28 = vector.load %arg3[%get3A_26, %get3A_27] : memref<1000x64xf32, #tpu.memory_space<vmem>>, vector<1000x64xf32>
    %add3A_29 = arith.addf %max3A_25, %get3A_28 : vector<1000x64xf32>
    %get3A_30 = arith.constant 0 : index
    %get3A_31 = arith.constant 0 : index
    %get3A_32 = vector.load %arg6[%get3A_30, %get3A_31] : memref<1x64xf32, #tpu.memory_space<vmem>>, vector<1x64xf32>
    %get3A_33 = arith.constant 0 : index
    %get3A_34 = arith.constant 0 : index
    %get3A_35 = vector.load %arg7[%get3A_33, %get3A_34] : memref<1x64xf32, #tpu.memory_space<vmem>>, vector<1x64xf32>
    %reduce_sum3A = arith.constant dense<0.000000e+00> : vector<1000xf32>
    %reduce_sum3A_36 = vector.multi_reduction <add>, %add3A_29, %reduce_sum3A [1] : vector<1000x64xf32> to vector<1000xf32>
    %broadcast_in_dim3A = vector.shape_cast %reduce_sum3A_36 : vector<1000xf32> to vector<1000x1xf32>
    %div3A = arith.constant 6.400000e+01 : f32
    %div3A_37 = vector.broadcast %div3A : f32 to vector<1000x1xf32>
    %div3A_38 = arith.divf %broadcast_in_dim3A, %div3A_37 : vector<1000x1xf32>
    %sub3A = vector.broadcast %div3A_38 : vector<1000x1xf32> to vector<1000x64xf32>
    %sub3A_39 = arith.subf %add3A_29, %sub3A : vector<1000x64xf32>
    %integer_pow3A = arith.mulf %sub3A_39, %sub3A_39 : vector<1000x64xf32>
    %reduce_sum3A_40 = arith.constant dense<0.000000e+00> : vector<1000xf32>
    %reduce_sum3A_41 = vector.multi_reduction <add>, %integer_pow3A, %reduce_sum3A_40 [1] : vector<1000x64xf32> to vector<1000xf32>
    %broadcast_in_dim3A_42 = vector.shape_cast %reduce_sum3A_41 : vector<1000xf32> to vector<1000x1xf32>
    %div3A_43 = arith.constant 6.400000e+01 : f32
    %div3A_44 = vector.broadcast %div3A_43 : f32 to vector<1000x1xf32>
    %div3A_45 = arith.divf %broadcast_in_dim3A_42, %div3A_44 : vector<1000x1xf32>
    %sub3A_46 = vector.broadcast %div3A_38 : vector<1000x1xf32> to vector<1000x64xf32>
    %sub3A_47 = arith.subf %add3A_29, %sub3A_46 : vector<1000x64xf32>
    %add3A_48 = arith.constant 9.99999974E-6 : f32
    %add3A_49 = vector.broadcast %add3A_48 : f32 to vector<1000x1xf32>
    %add3A_50 = arith.addf %div3A_45, %add3A_49 : vector<1000x1xf32>
    %rsqrt3A_51 = math.rsqrt %add3A_50 : vector<1000x1xf32>
    %mul3A_52 = vector.broadcast %rsqrt3A_51 : vector<1000x1xf32> to vector<1000x64xf32>
    %mul3A_53 = arith.mulf %sub3A_47, %mul3A_52 : vector<1000x64xf32>
    %mul3A_54 = vector.broadcast %get3A_32 : vector<1x64xf32> to vector<1000x64xf32>
    %mul3A_55 = arith.mulf %mul3A_53, %mul3A_54 : vector<1000x64xf32>
    %add3A_56 = vector.broadcast %get3A_35 : vector<1x64xf32> to vector<1000x64xf32>
    %add3A_57 = arith.addf %mul3A_55, %add3A_56 : vector<1000x64xf32>
    %swap3A = arith.constant 0 : index
    %swap3A_58 = arith.constant 0 : index
    %swap3A_59 = vector.load %arg9[%swap3A, %swap3A_58] : memref<1000x64xf32, #tpu.memory_space<vmem>>, vector<1000x64xf32>
    tpu.vector_store %arg9[%swap3A, %swap3A_58], %add3A_57 {strides = array<i32>} : memref<1000x64xf32, #tpu.memory_space<vmem>>, vector<1000x64xf32>,
    %get3A_60 = arith.constant 0 : index
    %get3A_61 = arith.constant 0 : index
    %get3A_62 = vector.load %arg8[%get3A_60, %get3A_61] : memref<64x64xf32, #tpu.memory_space<vmem>>, vector<64x64xf32>
    %dot_general3A = arith.constant dense<0.000000e+00> : vector<1000x64xf32>
    %dot_general3A_63 = tpu.matmul %add3A_57, %get3A_62, %dot_general3A {dimension_numbers = #tpu.dot_dimension_numbers<[1], [0], [0], [1], [0, 0, 1, 1], [], []>, transpose_lhs_hint = false} : vector<1000x64xf32>, vector<64x64xf32>, vector<1000x64xf32> -> vector<1000x64xf32>
    %mul3A_64 = vector.broadcast %rsqrt3A : vector<1000x1xf32> to vector<1000x64xf32>
    %mul3A_65 = arith.mulf %mul3A_64, %dot_general3A_63 : vector<1000x64xf32>
    %swap3A_66 = arith.constant 0 : index
    %swap3A_67 = arith.constant 0 : index
    %swap3A_68 = vector.load %arg10[%swap3A_66, %swap3A_67] : memref<1000x64xf32, #tpu.memory_space<vmem>>, vector<1000x64xf32>
    tpu.vector_store %arg10[%swap3A_66, %swap3A_67], %mul3A_65 {strides = array<i32>} : memref<1000x64xf32, #tpu.memory_space<vmem>>, vector<1000x64xf32>,
    return
  }
  func.func @transform_0(%arg0: i32) -> (i32, i32, i32) {
    %jit3A = arith.constant 25 : i32
    %div3A = arith.divsi %arg0, %jit3A : i32
    %sign3A = arith.constant 0 : i32
    %sign3A_0 = arith.cmpi sgt, %arg0, %sign3A : i32
    %sign3A_1 = arith.extui %sign3A_0 : i1 to i32
    %sign3A_2 = arith.constant 0 : i32
    %sign3A_3 = arith.cmpi slt, %arg0, %sign3A_2 : i32
    %sign3A_4 = arith.extui %sign3A_3 : i1 to i32
    %sign3A_5 = arith.subi %sign3A_1, %sign3A_4 : i32
    %sign3A_6 = arith.constant 0 : i32
    %sign3A_7 = arith.cmpi sgt, %jit3A, %sign3A_6 : i32
    %sign3A_8 = arith.extui %sign3A_7 : i1 to i32
    %sign3A_9 = arith.constant 0 : i32
    %sign3A_10 = arith.cmpi slt, %jit3A, %sign3A_9 : i32
    %sign3A_11 = arith.extui %sign3A_10 : i1 to i32
    %sign3A_12 = arith.subi %sign3A_8, %sign3A_11 : i32
    %ne3A = arith.cmpi ne, %sign3A_5, %sign3A_12 : i32
    %rem3A = arith.remsi %arg0, %jit3A : i32
    %ne3A_13 = arith.constant 0 : i32
    %ne3A_14 = arith.cmpi ne, %rem3A, %ne3A_13 : i32
    %and3A = arith.andi %ne3A, %ne3A_14 : i1
    %sub3A = arith.constant 1 : i32
    %sub3A_15 = arith.subi %div3A, %sub3A : i32
    %select_n3A = arith.select %and3A, %sub3A_15, %div3A : i32
    %jit3A_16 = arith.constant 25 : i32
    %eq3A = arith.constant 0 : i32
    %eq3A_17 = arith.cmpi eq, %jit3A_16, %eq3A : i32
    %jit3A_18 = arith.constant 1 : i32
    %select_n3A_19 = arith.select %eq3A_17, %jit3A_18, %jit3A_16 : i32
    %rem3A_20 = arith.remsi %arg0, %select_n3A_19 : i32
    %ne3A_21 = arith.constant 0 : i32
    %ne3A_22 = arith.cmpi ne, %rem3A_20, %ne3A_21 : i32
    %lt3A = arith.constant 0 : i32
    %lt3A_23 = arith.cmpi slt, %rem3A_20, %lt3A : i32
    %lt3A_24 = arith.constant 0 : i32
    %lt3A_25 = arith.cmpi slt, %select_n3A_19, %lt3A_24 : i32
    %ne3A_26 = arith.xori %lt3A_23, %lt3A_25 : i1
    %and3A_27 = arith.andi %ne3A_26, %ne3A_22 : i1
    %add3A = arith.addi %rem3A_20, %select_n3A_19 : i32
    %select_n3A_28 = arith.select %and3A_27, %add3A, %rem3A_20 : i32
    %c0_i32 = arith.constant 0 : i32
    %c0_i32_29 = arith.constant 0 : i32
    return %select_n3A, %select_n3A_28, %c0_i32 : i32, i32, i32
  }
  func.func @transform_1(%arg0: i32) -> (i32, i32) {
    %c0_i32 = arith.constant 0 : i32
    %c0_i32_0 = arith.constant 0 : i32
    return %arg0, %c0_i32 : i32, i32
  }
  func.func @transform_2(%arg0: i32) -> (i32, i32) {
    %c0_i32 = arith.constant 0 : i32
    %c0_i32_0 = arith.constant 0 : i32
    return %arg0, %c0_i32 : i32, i32
  }
  func.func @transform_3(%arg0: i32) -> (i32, i32, i32) {
    %jit3A = arith.constant 25 : i32
    %div3A = arith.divsi %arg0, %jit3A : i32
    %sign3A = arith.constant 0 : i32
    %sign3A_0 = arith.cmpi sgt, %arg0, %sign3A : i32
    %sign3A_1 = arith.extui %sign3A_0 : i1 to i32
    %sign3A_2 = arith.constant 0 : i32
    %sign3A_3 = arith.cmpi slt, %arg0, %sign3A_2 : i32
    %sign3A_4 = arith.extui %sign3A_3 : i1 to i32
    %sign3A_5 = arith.subi %sign3A_1, %sign3A_4 : i32
    %sign3A_6 = arith.constant 0 : i32
    %sign3A_7 = arith.cmpi sgt, %jit3A, %sign3A_6 : i32
    %sign3A_8 = arith.extui %sign3A_7 : i1 to i32
    %sign3A_9 = arith.constant 0 : i32
    %sign3A_10 = arith.cmpi slt, %jit3A, %sign3A_9 : i32
    %sign3A_11 = arith.extui %sign3A_10 : i1 to i32
    %sign3A_12 = arith.subi %sign3A_8, %sign3A_11 : i32
    %ne3A = arith.cmpi ne, %sign3A_5, %sign3A_12 : i32
    %rem3A = arith.remsi %arg0, %jit3A : i32
    %ne3A_13 = arith.constant 0 : i32
    %ne3A_14 = arith.cmpi ne, %rem3A, %ne3A_13 : i32
    %and3A = arith.andi %ne3A, %ne3A_14 : i1
    %sub3A = arith.constant 1 : i32
    %sub3A_15 = arith.subi %div3A, %sub3A : i32
    %select_n3A = arith.select %and3A, %sub3A_15, %div3A : i32
    %jit3A_16 = arith.constant 25 : i32
    %eq3A = arith.constant 0 : i32
    %eq3A_17 = arith.cmpi eq, %jit3A_16, %eq3A : i32
    %jit3A_18 = arith.constant 1 : i32
    %select_n3A_19 = arith.select %eq3A_17, %jit3A_18, %jit3A_16 : i32
    %rem3A_20 = arith.remsi %arg0, %select_n3A_19 : i32
    %ne3A_21 = arith.constant 0 : i32
    %ne3A_22 = arith.cmpi ne, %rem3A_20, %ne3A_21 : i32
    %lt3A = arith.constant 0 : i32
    %lt3A_23 = arith.cmpi slt, %rem3A_20, %lt3A : i32
    %lt3A_24 = arith.constant 0 : i32
    %lt3A_25 = arith.cmpi slt, %select_n3A_19, %lt3A_24 : i32
    %ne3A_26 = arith.xori %lt3A_23, %lt3A_25 : i1
    %and3A_27 = arith.andi %ne3A_26, %ne3A_22 : i1
    %add3A = arith.addi %rem3A_20, %select_n3A_19 : i32
    %select_n3A_28 = arith.select %and3A_27, %add3A, %rem3A_20 : i32
    %c0_i32 = arith.constant 0 : i32
    %c0_i32_29 = arith.constant 0 : i32
    return %select_n3A, %select_n3A_28, %c0_i32 : i32, i32, i32
  }
  func.func @transform_4(%arg0: i32) -> (i32, i32) {
    %c0_i32 = arith.constant 0 : i32
    %c0_i32_0 = arith.constant 0 : i32
    %c0_i32_1 = arith.constant 0 : i32
    return %c0_i32, %c0_i32_0 : i32, i32
  }
  func.func @transform_5(%arg0: i32) -> (i32, i32) {
    %c0_i32 = arith.constant 0 : i32
    %c0_i32_0 = arith.constant 0 : i32
    %c0_i32_1 = arith.constant 0 : i32
    return %c0_i32, %c0_i32_0 : i32, i32
  }
  func.func @transform_6(%arg0: i32) -> (i32, i32) {
    %c0_i32 = arith.constant 0 : i32
    %c0_i32_0 = arith.constant 0 : i32
    %c0_i32_1 = arith.constant 0 : i32
    return %c0_i32, %c0_i32_0 : i32, i32
  }
  func.func @transform_7(%arg0: i32) -> (i32, i32) {
    %c0_i32 = arith.constant 0 : i32
    %c0_i32_0 = arith.constant 0 : i32
    %c0_i32_1 = arith.constant 0 : i32
    return %c0_i32, %c0_i32_0 : i32, i32
  }
  func.func @transform_8(%arg0: i32) -> (i32, i32) {
    %c0_i32 = arith.constant 0 : i32
    %c0_i32_0 = arith.constant 0 : i32
    return %arg0, %c0_i32 : i32, i32
  }
  func.func @transform_9(%arg0: i32) -> (i32, i32) {
    %c0_i32 = arith.constant 0 : i32
    %c0_i32_0 = arith.constant 0 : i32
    return %arg0, %c0_i32 : i32, i32
  }
}

module attributes {stable_mosaic.version = 14 : i64} {
  func.func @body(%arg0: i32, %arg1: memref<1x1000x64xf32, #tpu.memory_space<vmem>>, %arg2: memref<1000x64xf32, #tpu.memory_space<vmem>>, %arg3: memref<1000x64xf32, #tpu.memory_space<vmem>>, %arg4: memref<1x1000x16xf32, #tpu.memory_space<vmem>>, %arg5: memref<1x64xf32, #tpu.memory_space<vmem>>, %arg6: memref<1x64xf32, #tpu.memory_space<vmem>>, %arg7: memref<1x64xf32, #tpu.memory_space<vmem>>, %arg8: memref<64x32xf32, #tpu.memory_space<vmem>>, %arg9: memref<1x32xf32, #tpu.memory_space<vmem>>, %arg10: memref<32x2xf32, #tpu.memory_space<vmem>>, %arg11: memref<1x2xf32, #tpu.memory_space<vmem>>, %arg12: memref<1000x2xf32, #tpu.memory_space<vmem>>) attributes {dimension_semantics = [#tpu.dimension_semantics<arbitrary>], iteration_bounds = array<i64: 50>, scalar_prefetch = 0 : i64, scratch_operands = 0 : i64, tpu.core_type = #tpu.core_type<tc>, window_params = [{transform_indices = @transform_0, window_bounds = array<i64: 1, 1000, 64>}, {transform_indices = @transform_1, window_bounds = array<i64: 1000, 64>}, {transform_indices = @transform_2, window_bounds = array<i64: 1000, 64>}, {transform_indices = @transform_3, window_bounds = array<i64: 1, 1000, 16>}, {pipeline_mode = #tpu.pipeline_mode<synchronous>, transform_indices = @transform_4, window_bounds = array<i64: 1, 64>}, {pipeline_mode = #tpu.pipeline_mode<synchronous>, transform_indices = @transform_5, window_bounds = array<i64: 1, 64>}, {pipeline_mode = #tpu.pipeline_mode<synchronous>, transform_indices = @transform_6, window_bounds = array<i64: 1, 64>}, {pipeline_mode = #tpu.pipeline_mode<synchronous>, transform_indices = @transform_7, window_bounds = array<i64: 64, 32>}, {pipeline_mode = #tpu.pipeline_mode<synchronous>, transform_indices = @transform_8, window_bounds = array<i64: 1, 32>}, {pipeline_mode = #tpu.pipeline_mode<synchronous>, transform_indices = @transform_9, window_bounds = array<i64: 32, 2>}, {pipeline_mode = #tpu.pipeline_mode<synchronous>, transform_indices = @transform_10, window_bounds = array<i64: 1, 2>}, {transform_indices = @transform_11, window_bounds = array<i64: 1000, 2>}]} {
    %get3A = arith.constant 0 : index
    %get3A_0 = arith.constant 0 : index
    %get3A_1 = arith.constant 0 : index
    %get3A_2 = vector.load %arg4[%get3A, %get3A_0, %get3A_1] : memref<1x1000x16xf32, #tpu.memory_space<vmem>>, vector<1x1000x16xf32>
    %get3A_3 = vector.shape_cast %get3A_2 : vector<1x1000x16xf32> to vector<1000x16xf32>
    %slice3A = vector.extract_strided_slice %get3A_3 {offsets = [0, 0], sizes = [1000, 1], strides = [1, 1]} : vector<1000x16xf32> to vector<1000x1xf32>
    %add3A = arith.constant 1.000000e+00 : f32
    %add3A_4 = vector.broadcast %add3A : f32 to vector<1000x1xf32>
    %add3A_5 = arith.addf %slice3A, %add3A_4 : vector<1000x1xf32>
    %max3A = arith.constant 9.99999996E-13 : f32
    %max3A_6 = vector.broadcast %max3A : f32 to vector<1000x1xf32>
    %max3A_7 = arith.maximumf %add3A_5, %max3A_6 : vector<1000x1xf32>
    %rsqrt3A = math.rsqrt %max3A_7 : vector<1000x1xf32>
    %get3A_8 = arith.constant 0 : index
    %get3A_9 = arith.constant 0 : index
    %get3A_10 = arith.constant 0 : index
    %get3A_11 = vector.load %arg1[%get3A_8, %get3A_9, %get3A_10] : memref<1x1000x64xf32, #tpu.memory_space<vmem>>, vector<1x1000x64xf32>
    %get3A_12 = vector.shape_cast %get3A_11 : vector<1x1000x64xf32> to vector<1000x64xf32>
    %get3A_13 = arith.constant 0 : index
    %get3A_14 = arith.constant 0 : index
    %get3A_15 = vector.load %arg2[%get3A_13, %get3A_14] : memref<1000x64xf32, #tpu.memory_space<vmem>>, vector<1000x64xf32>
    %add3A_16 = arith.addf %get3A_12, %get3A_15 : vector<1000x64xf32>
    %mul3A = vector.broadcast %rsqrt3A : vector<1000x1xf32> to vector<1000x64xf32>
    %mul3A_17 = arith.mulf %mul3A, %add3A_16 : vector<1000x64xf32>
    %get3A_18 = arith.constant 0 : index
    %get3A_19 = arith.constant 0 : index
    %get3A_20 = vector.load %arg5[%get3A_18, %get3A_19] : memref<1x64xf32, #tpu.memory_space<vmem>>, vector<1x64xf32>
    %add3A_21 = vector.broadcast %get3A_20 : vector<1x64xf32> to vector<1000x64xf32>
    %add3A_22 = arith.addf %mul3A_17, %add3A_21 : vector<1000x64xf32>
    %max3A_23 = arith.constant 0.000000e+00 : f32
    %max3A_24 = vector.broadcast %max3A_23 : f32 to vector<1000x64xf32>
    %max3A_25 = arith.maximumf %add3A_22, %max3A_24 : vector<1000x64xf32>
    %get3A_26 = arith.constant 0 : index
    %get3A_27 = arith.constant 0 : index
    %get3A_28 = vector.load %arg3[%get3A_26, %get3A_27] : memref<1000x64xf32, #tpu.memory_space<vmem>>, vector<1000x64xf32>
    %add3A_29 = arith.addf %max3A_25, %get3A_28 : vector<1000x64xf32>
    %get3A_30 = arith.constant 0 : index
    %get3A_31 = arith.constant 0 : index
    %get3A_32 = vector.load %arg6[%get3A_30, %get3A_31] : memref<1x64xf32, #tpu.memory_space<vmem>>, vector<1x64xf32>
    %get3A_33 = arith.constant 0 : index
    %get3A_34 = arith.constant 0 : index
    %get3A_35 = vector.load %arg7[%get3A_33, %get3A_34] : memref<1x64xf32, #tpu.memory_space<vmem>>, vector<1x64xf32>
    %reduce_sum3A = arith.constant dense<0.000000e+00> : vector<1000xf32>
    %reduce_sum3A_36 = vector.multi_reduction <add>, %add3A_29, %reduce_sum3A [1] : vector<1000x64xf32> to vector<1000xf32>
    %broadcast_in_dim3A = vector.shape_cast %reduce_sum3A_36 : vector<1000xf32> to vector<1000x1xf32>
    %div3A = arith.constant 6.400000e+01 : f32
    %div3A_37 = vector.broadcast %div3A : f32 to vector<1000x1xf32>
    %div3A_38 = arith.divf %broadcast_in_dim3A, %div3A_37 : vector<1000x1xf32>
    %sub3A = vector.broadcast %div3A_38 : vector<1000x1xf32> to vector<1000x64xf32>
    %sub3A_39 = arith.subf %add3A_29, %sub3A : vector<1000x64xf32>
    %integer_pow3A = arith.mulf %sub3A_39, %sub3A_39 : vector<1000x64xf32>
    %reduce_sum3A_40 = arith.constant dense<0.000000e+00> : vector<1000xf32>
    %reduce_sum3A_41 = vector.multi_reduction <add>, %integer_pow3A, %reduce_sum3A_40 [1] : vector<1000x64xf32> to vector<1000xf32>
    %broadcast_in_dim3A_42 = vector.shape_cast %reduce_sum3A_41 : vector<1000xf32> to vector<1000x1xf32>
    %div3A_43 = arith.constant 6.400000e+01 : f32
    %div3A_44 = vector.broadcast %div3A_43 : f32 to vector<1000x1xf32>
    %div3A_45 = arith.divf %broadcast_in_dim3A_42, %div3A_44 : vector<1000x1xf32>
    %sub3A_46 = vector.broadcast %div3A_38 : vector<1000x1xf32> to vector<1000x64xf32>
    %sub3A_47 = arith.subf %add3A_29, %sub3A_46 : vector<1000x64xf32>
    %add3A_48 = arith.constant 9.99999974E-6 : f32
    %add3A_49 = vector.broadcast %add3A_48 : f32 to vector<1000x1xf32>
    %add3A_50 = arith.addf %div3A_45, %add3A_49 : vector<1000x1xf32>
    %rsqrt3A_51 = math.rsqrt %add3A_50 : vector<1000x1xf32>
    %mul3A_52 = vector.broadcast %rsqrt3A_51 : vector<1000x1xf32> to vector<1000x64xf32>
    %mul3A_53 = arith.mulf %sub3A_47, %mul3A_52 : vector<1000x64xf32>
    %mul3A_54 = vector.broadcast %get3A_32 : vector<1x64xf32> to vector<1000x64xf32>
    %mul3A_55 = arith.mulf %mul3A_53, %mul3A_54 : vector<1000x64xf32>
    %add3A_56 = vector.broadcast %get3A_35 : vector<1x64xf32> to vector<1000x64xf32>
    %add3A_57 = arith.addf %mul3A_55, %add3A_56 : vector<1000x64xf32>
    %get3A_58 = arith.constant 0 : index
    %get3A_59 = arith.constant 0 : index
    %get3A_60 = vector.load %arg8[%get3A_58, %get3A_59] : memref<64x32xf32, #tpu.memory_space<vmem>>, vector<64x32xf32>
    %dot_general3A = arith.constant dense<0.000000e+00> : vector<1000x32xf32>
    %dot_general3A_61 = tpu.matmul %add3A_57, %get3A_60, %dot_general3A {dimension_numbers = #tpu.dot_dimension_numbers<[1], [0], [0], [1], [0, 0, 1, 1], [], []>, transpose_lhs_hint = false} : vector<1000x64xf32>, vector<64x32xf32>, vector<1000x32xf32> -> vector<1000x32xf32>
    %get3A_62 = arith.constant 0 : index
    %get3A_63 = arith.constant 0 : index
    %get3A_64 = vector.load %arg9[%get3A_62, %get3A_63] : memref<1x32xf32, #tpu.memory_space<vmem>>, vector<1x32xf32>
    %add3A_65 = vector.broadcast %get3A_64 : vector<1x32xf32> to vector<1000x32xf32>
    %add3A_66 = arith.addf %dot_general3A_61, %add3A_65 : vector<1000x32xf32>
    %max3A_67 = arith.constant 0.000000e+00 : f32
    %max3A_68 = vector.broadcast %max3A_67 : f32 to vector<1000x32xf32>
    %max3A_69 = arith.maximumf %add3A_66, %max3A_68 : vector<1000x32xf32>
    %get3A_70 = arith.constant 0 : index
    %get3A_71 = arith.constant 0 : index
    %get3A_72 = vector.load %arg10[%get3A_70, %get3A_71] : memref<32x2xf32, #tpu.memory_space<vmem>>, vector<32x2xf32>
    %dot_general3A_73 = arith.constant dense<0.000000e+00> : vector<1000x2xf32>
    %dot_general3A_74 = tpu.matmul %max3A_69, %get3A_72, %dot_general3A_73 {dimension_numbers = #tpu.dot_dimension_numbers<[1], [0], [0], [1], [0, 0, 1, 1], [], []>, transpose_lhs_hint = false} : vector<1000x32xf32>, vector<32x2xf32>, vector<1000x2xf32> -> vector<1000x2xf32>
    %get3A_75 = arith.constant 0 : index
    %get3A_76 = arith.constant 0 : index
    %get3A_77 = vector.load %arg11[%get3A_75, %get3A_76] : memref<1x2xf32, #tpu.memory_space<vmem>>, vector<1x2xf32>
    %add3A_78 = vector.broadcast %get3A_77 : vector<1x2xf32> to vector<1000x2xf32>
    %add3A_79 = arith.addf %dot_general3A_74, %add3A_78 : vector<1000x2xf32>
    %tanh3A = math.tanh %add3A_79 : vector<1000x2xf32>
    %swap3A = arith.constant 0 : index
    %swap3A_80 = arith.constant 0 : index
    %swap3A_81 = vector.load %arg12[%swap3A, %swap3A_80] : memref<1000x2xf32, #tpu.memory_space<vmem>>, vector<1000x2xf32>
    tpu.vector_store %arg12[%swap3A, %swap3A_80], %tanh3A {strides = array<i32>} : memref<1000x2xf32, #tpu.memory_space<vmem>>, vector<1000x2xf32>,
    return
  }
  func.func @transform_0(%arg0: i32) -> (i32, i32, i32) {
    %jit3A = arith.constant 25 : i32
    %div3A = arith.divsi %arg0, %jit3A : i32
    %sign3A = arith.constant 0 : i32
    %sign3A_0 = arith.cmpi sgt, %arg0, %sign3A : i32
    %sign3A_1 = arith.extui %sign3A_0 : i1 to i32
    %sign3A_2 = arith.constant 0 : i32
    %sign3A_3 = arith.cmpi slt, %arg0, %sign3A_2 : i32
    %sign3A_4 = arith.extui %sign3A_3 : i1 to i32
    %sign3A_5 = arith.subi %sign3A_1, %sign3A_4 : i32
    %sign3A_6 = arith.constant 0 : i32
    %sign3A_7 = arith.cmpi sgt, %jit3A, %sign3A_6 : i32
    %sign3A_8 = arith.extui %sign3A_7 : i1 to i32
    %sign3A_9 = arith.constant 0 : i32
    %sign3A_10 = arith.cmpi slt, %jit3A, %sign3A_9 : i32
    %sign3A_11 = arith.extui %sign3A_10 : i1 to i32
    %sign3A_12 = arith.subi %sign3A_8, %sign3A_11 : i32
    %ne3A = arith.cmpi ne, %sign3A_5, %sign3A_12 : i32
    %rem3A = arith.remsi %arg0, %jit3A : i32
    %ne3A_13 = arith.constant 0 : i32
    %ne3A_14 = arith.cmpi ne, %rem3A, %ne3A_13 : i32
    %and3A = arith.andi %ne3A, %ne3A_14 : i1
    %sub3A = arith.constant 1 : i32
    %sub3A_15 = arith.subi %div3A, %sub3A : i32
    %select_n3A = arith.select %and3A, %sub3A_15, %div3A : i32
    %jit3A_16 = arith.constant 25 : i32
    %eq3A = arith.constant 0 : i32
    %eq3A_17 = arith.cmpi eq, %jit3A_16, %eq3A : i32
    %jit3A_18 = arith.constant 1 : i32
    %select_n3A_19 = arith.select %eq3A_17, %jit3A_18, %jit3A_16 : i32
    %rem3A_20 = arith.remsi %arg0, %select_n3A_19 : i32
    %ne3A_21 = arith.constant 0 : i32
    %ne3A_22 = arith.cmpi ne, %rem3A_20, %ne3A_21 : i32
    %lt3A = arith.constant 0 : i32
    %lt3A_23 = arith.cmpi slt, %rem3A_20, %lt3A : i32
    %lt3A_24 = arith.constant 0 : i32
    %lt3A_25 = arith.cmpi slt, %select_n3A_19, %lt3A_24 : i32
    %ne3A_26 = arith.xori %lt3A_23, %lt3A_25 : i1
    %and3A_27 = arith.andi %ne3A_26, %ne3A_22 : i1
    %add3A = arith.addi %rem3A_20, %select_n3A_19 : i32
    %select_n3A_28 = arith.select %and3A_27, %add3A, %rem3A_20 : i32
    %c0_i32 = arith.constant 0 : i32
    %c0_i32_29 = arith.constant 0 : i32
    return %select_n3A, %select_n3A_28, %c0_i32 : i32, i32, i32
  }
  func.func @transform_1(%arg0: i32) -> (i32, i32) {
    %c0_i32 = arith.constant 0 : i32
    %c0_i32_0 = arith.constant 0 : i32
    return %arg0, %c0_i32 : i32, i32
  }
  func.func @transform_2(%arg0: i32) -> (i32, i32) {
    %c0_i32 = arith.constant 0 : i32
    %c0_i32_0 = arith.constant 0 : i32
    return %arg0, %c0_i32 : i32, i32
  }
  func.func @transform_3(%arg0: i32) -> (i32, i32, i32) {
    %jit3A = arith.constant 25 : i32
    %div3A = arith.divsi %arg0, %jit3A : i32
    %sign3A = arith.constant 0 : i32
    %sign3A_0 = arith.cmpi sgt, %arg0, %sign3A : i32
    %sign3A_1 = arith.extui %sign3A_0 : i1 to i32
    %sign3A_2 = arith.constant 0 : i32
    %sign3A_3 = arith.cmpi slt, %arg0, %sign3A_2 : i32
    %sign3A_4 = arith.extui %sign3A_3 : i1 to i32
    %sign3A_5 = arith.subi %sign3A_1, %sign3A_4 : i32
    %sign3A_6 = arith.constant 0 : i32
    %sign3A_7 = arith.cmpi sgt, %jit3A, %sign3A_6 : i32
    %sign3A_8 = arith.extui %sign3A_7 : i1 to i32
    %sign3A_9 = arith.constant 0 : i32
    %sign3A_10 = arith.cmpi slt, %jit3A, %sign3A_9 : i32
    %sign3A_11 = arith.extui %sign3A_10 : i1 to i32
    %sign3A_12 = arith.subi %sign3A_8, %sign3A_11 : i32
    %ne3A = arith.cmpi ne, %sign3A_5, %sign3A_12 : i32
    %rem3A = arith.remsi %arg0, %jit3A : i32
    %ne3A_13 = arith.constant 0 : i32
    %ne3A_14 = arith.cmpi ne, %rem3A, %ne3A_13 : i32
    %and3A = arith.andi %ne3A, %ne3A_14 : i1
    %sub3A = arith.constant 1 : i32
    %sub3A_15 = arith.subi %div3A, %sub3A : i32
    %select_n3A = arith.select %and3A, %sub3A_15, %div3A : i32
    %jit3A_16 = arith.constant 25 : i32
    %eq3A = arith.constant 0 : i32
    %eq3A_17 = arith.cmpi eq, %jit3A_16, %eq3A : i32
    %jit3A_18 = arith.constant 1 : i32
    %select_n3A_19 = arith.select %eq3A_17, %jit3A_18, %jit3A_16 : i32
    %rem3A_20 = arith.remsi %arg0, %select_n3A_19 : i32
    %ne3A_21 = arith.constant 0 : i32
    %ne3A_22 = arith.cmpi ne, %rem3A_20, %ne3A_21 : i32
    %lt3A = arith.constant 0 : i32
    %lt3A_23 = arith.cmpi slt, %rem3A_20, %lt3A : i32
    %lt3A_24 = arith.constant 0 : i32
    %lt3A_25 = arith.cmpi slt, %select_n3A_19, %lt3A_24 : i32
    %ne3A_26 = arith.xori %lt3A_23, %lt3A_25 : i1
    %and3A_27 = arith.andi %ne3A_26, %ne3A_22 : i1
    %add3A = arith.addi %rem3A_20, %select_n3A_19 : i32
    %select_n3A_28 = arith.select %and3A_27, %add3A, %rem3A_20 : i32
    %c0_i32 = arith.constant 0 : i32
    %c0_i32_29 = arith.constant 0 : i32
    return %select_n3A, %select_n3A_28, %c0_i32 : i32, i32, i32
  }
  func.func @transform_4(%arg0: i32) -> (i32, i32) {
    %c0_i32 = arith.constant 0 : i32
    %c0_i32_0 = arith.constant 0 : i32
    %c0_i32_1 = arith.constant 0 : i32
    return %c0_i32, %c0_i32_0 : i32, i32
  }
  func.func @transform_5(%arg0: i32) -> (i32, i32) {
    %c0_i32 = arith.constant 0 : i32
    %c0_i32_0 = arith.constant 0 : i32
    %c0_i32_1 = arith.constant 0 : i32
    return %c0_i32, %c0_i32_0 : i32, i32
  }
  func.func @transform_6(%arg0: i32) -> (i32, i32) {
    %c0_i32 = arith.constant 0 : i32
    %c0_i32_0 = arith.constant 0 : i32
    %c0_i32_1 = arith.constant 0 : i32
    return %c0_i32, %c0_i32_0 : i32, i32
  }
  func.func @transform_7(%arg0: i32) -> (i32, i32) {
    %c0_i32 = arith.constant 0 : i32
    %c0_i32_0 = arith.constant 0 : i32
    %c0_i32_1 = arith.constant 0 : i32
    return %c0_i32, %c0_i32_0 : i32, i32
  }
  func.func @transform_8(%arg0: i32) -> (i32, i32) {
    %c0_i32 = arith.constant 0 : i32
    %c0_i32_0 = arith.constant 0 : i32
    %c0_i32_1 = arith.constant 0 : i32
    return %c0_i32, %c0_i32_0 : i32, i32
  }
  func.func @transform_9(%arg0: i32) -> (i32, i32) {
    %c0_i32 = arith.constant 0 : i32
    %c0_i32_0 = arith.constant 0 : i32
    %c0_i32_1 = arith.constant 0 : i32
    return %c0_i32, %c0_i32_0 : i32, i32
  }
  func.func @transform_10(%arg0: i32) -> (i32, i32) {
    %c0_i32 = arith.constant 0 : i32
    %c0_i32_0 = arith.constant 0 : i32
    %c0_i32_1 = arith.constant 0 : i32
    return %c0_i32, %c0_i32_0 : i32, i32
  }
  func.func @transform_11(%arg0: i32) -> (i32, i32) {
    %c0_i32 = arith.constant 0 : i32
    %c0_i32_0 = arith.constant 0 : i32
    return %arg0, %c0_i32 : i32, i32
  }
}

</mosaic_0001>

<sc_bundles>
// kernel: kernel.12.cloned.1.call-start
scs
__scs_entry_jumppad:
0x0: {  	(pc) =	sbr.rel $0x88, $3  }
0x1: {  	(tag) =	ssettag $0x0;
	lr =	simm.s32 $0x1  }
0x2: {  	[smem:$0x3F95] =	sst lr;
	_ =	strace $0xD0000000  }
0x3: {  	_ = 	snop  }
0x4: {  	_ = 	snop  }
0x5: {  	_ = 	snop  }
0x6: {  	_ = 	snop  }
0x7: {  	_ = 	snop  }
__scs_overlays_trampoline_lowered:
0x8: {  	[smem:$0x3FA4] =	sst s0  }
0x9: {  	[smem:$0x3FA5] =	sst s1  }
0xa: {  	[smem:$0x3FA6] =	sst s2  }
0xb: {  	[smem:$0x3FA7] =	sst s3  }
0xc: {  	[smem:$0x3FA8] =	sst s4  }
0xd: {  	[smem:$0x3FA9] =	sst s5  }
0xe: {  	[smem:$0x3FAA] =	sst s6  }
0xf: {  	[smem:$0x3FAB] =	sst s7  }
0x10: {  	[smem:$0x3FAC] =	sst s8  }
0x11: {  	[smem:$0x3FAD] =	sst s9;
	s0 =	simm.s32 @!p0 $0x0  }
0x12: {  	s1 =	sld [smem:$0x3F93];
	s0 =	simm.s32 @p0 $0x1  }
0x13: {  	[smem:$0x3FAE] =	sst s0;
	s0 =	simm.s32 @!p1 $0x0  }
0x14: {  	s2 =	sld [smem:$0x3F92];
	s0 =	simm.s32 @p1 $0x1  }
0x15: {  	[smem:$0x3FAF] =	sst s0;
	s0 =	simm.s32 @!p2 $0x0  }
0x16: {  	s3 =	sld [smem:$0x3FDB];
	s0 =	simm.s32 @p2 $0x1  }
0x17: {  	s4 =	simm.s32 $0x1BF5;
	[smem:$0x3FB1] =	sst s0  }
0x18: {  	s0 =	sld [smem:$0x3F94];
	_ =	swait.ge [sflag:s4], $0x0  }
0x19: {  	s7 =	sld [smem:$0x3F95]  }
0x1a: {  	s8 =	sadd.s32 $0xFFFFE003, lr  }
0x1b: {  	s9 =	sadd.s32 $0xFFFFFEF7, lr;
	s5 =	simm.s32 $0xFFFFFFFF;
	p2 =	slt.u32 s8, $0xFFFFF086  }
0x1c: {  	p1 =	slt.u32 s9, $0xF7A;
	s5 =	simm.s32 @!p2 $0x0  }
0x1d: {  	s5 =	simm.s32 @p1 $0x1;
	p0 =	seq.s32 s7, s2  }
0x1e: {  	s7 =	smul.u32 @!p0 $0xF7A, s2;
	p2 =	seq.s32 @!p0 s5, $0x0  }
0x1f: {  	s9 =	smul.u32 $0xF7A, s1;
	s8 =	simm.s32 @!p0 $0x1BF5;
	p2 =	por !p2, p0  }
0x20: {  	[sflag:s8] =	ssyncset.s32 @!p0 $0xFFFFF086;
	s6 =	sadd.s32 @!p0 s3, s7;
	s7 =	simm.s32 @!p0 $0x108  }
0x21: {  	s3 =	sadd.s32 s3, s9;
	s6 =	sadd.s32 @!p0 $0x88, s6;
	s7 =	simm.s32 @p2 $0x1082  }
0x22: {  	[simem:s7], [sflag:s8] =	dma.local @!p0 [hbm:s6], $0xF7A  }
0x23: {  	s9 =	sor.u32 $0xD0000000, s2;
	s6 =	simm.s32 $0x108;
	_ =	swait.ge @!p0 [sflag:s8], $0x0  }
0x24: {  	s3 =	sadd.s32 $0x88, s3;
	s6 =	simm.s32 @!p1 $0x1082;
	[sflag:s4] =	ssyncset.s32 $0xFFFFF086  }
0x25: {  	[simem:s6], [sflag:s4] =	dma.local [hbm:s3], $0xF7A  }
0x26: {  	[smem:$0x3F95] =	sst s1;
	(tag) =	ssettag s2;
	_ =	strace s9  }
0x27: {  	s1 =	sld [smem:$0x3FA5]  }
0x28: {  	s2 =	sld [smem:$0x3FA6]  }
0x29: {  	s4 =	sld [smem:$0x3FA8]  }
0x2a: {  	p0 =	seq.s32 s5, $0x0;
	s5 =	sld [smem:$0x3FA9]  }
0x2b: {  	s6 =	sld [smem:$0x3FAA]  }
0x2c: {  	s7 =	sld [smem:$0x3FAB]  }
0x2d: {  	s3 =	simm.s32 $0x108;
	s8 =	sld [smem:$0x3FAC]  }
0x2e: {  	s3 =	simm.s32 @!p0 $0x1082;
	s9 =	sld [smem:$0x3FAD]  }
0x2f: {  	lr =	sadd.s32 s0, s3;
	s0 =	sld [smem:$0x3FA4]  }
0x30: {  	s3 =	sld [smem:$0x3FA7]  }
0x31: {  	[smem:$0x3FB0] =	sst s10  }
0x32: {  	s10 =	sld [smem:$0x3FAE];
	_ =	sdelay $0x3  }
0x33: {  	p0 =	seq.s32 s10, $0x1;
	s10 =	sld [smem:$0x3FB0];
	_ =	sdelay $0x3  }
0x34: {  	[smem:$0x3FB0] =	sst s10  }
0x35: {  	s10 =	sld [smem:$0x3FAF];
	_ =	sdelay $0x3  }
0x36: {  	p1 =	seq.s32 s10, $0x1;
	s10 =	sld [smem:$0x3FB0];
	_ =	sdelay $0x3  }
0x37: {  	[smem:$0x3FB0] =	sst s10  }
0x38: {  	s10 =	sld [smem:$0x3FB1]  }
0x39: {  	_ = 	snop;
	(pc) =	sbr.ind lr, $3  }
0x3a: {  	_ = 	snop  }
0x3b: {  	_ = 	snop  }
0x3c: {  	p2 =	seq.s32 s10, $0x1;
	s10 =	sld [smem:$0x3FB0]  }
0x3d: {  	_ =	shalt  }
0x3e: {  	_ =	shalt  }
0x3f: {  	_ =	shalt  }
0x40: {  	_ =	shalt  }
0x41: {  	_ =	shalt  }
0x42: {  	_ =	shalt  }
0x43: {  	_ =	shalt  }
0x44: {  	_ =	shalt  }
0x45: {  	_ =	shalt  }
0x46: {  	_ =	shalt  }
0x47: {  	_ =	shalt  }
0x48: {  	_ =	shalt  }
0x49: {  	_ =	shalt  }
0x4a: {  	_ =	shalt  }
0x4b: {  	_ =	shalt  }
0x4c: {  	_ =	shalt  }
0x4d: {  	_ =	shalt  }
0x4e: {  	_ =	shalt  }
0x4f: {  	_ =	shalt  }
0x50: {  	_ =	shalt  }
0x51: {  	_ =	shalt  }
0x52: {  	_ =	shalt  }
0x53: {  	_ =	shalt  }
0x54: {  	_ =	shalt  }
0x55: {  	_ =	shalt  }
0x56: {  	_ =	shalt  }
0x57: {  	_ =	shalt  }
0x58: {  	_ =	shalt  }
0x59: {  	_ =	shalt  }
0x5a: {  	_ =	shalt  }
0x5b: {  	_ =	shalt  }
0x5c: {  	_ =	shalt  }
0x5d: {  	_ =	shalt  }
0x5e: {  	_ =	shalt  }
0x5f: {  	_ =	shalt  }
0x60: {  	_ =	shalt  }
0x61: {  	_ =	shalt  }
0x62: {  	_ =	shalt  }
0x63: {  	_ =	shalt  }
0x64: {  	_ =	shalt  }
0x65: {  	_ =	shalt  }
0x66: {  	_ =	shalt  }
0x67: {  	_ =	shalt  }
0x68: {  	_ =	shalt  }
0x69: {  	_ =	shalt  }
0x6a: {  	_ =	shalt  }
0x6b: {  	_ =	shalt  }
0x6c: {  	_ =	shalt  }
0x6d: {  	_ =	shalt  }
0x6e: {  	_ =	shalt  }
0x6f: {  	_ =	shalt  }
0x70: {  	_ =	shalt  }
0x71: {  	_ =	shalt  }
0x72: {  	_ =	shalt  }
0x73: {  	_ =	shalt  }
0x74: {  	_ =	shalt  }
0x75: {  	_ =	shalt  }
0x76: {  	_ =	shalt  }
0x77: {  	_ =	shalt  }
0x78: {  	_ =	shalt  }
0x79: {  	_ =	shalt  }
0x7a: {  	_ =	shalt  }
0x7b: {  	_ =	shalt  }
0x7c: {  	_ =	shalt  }
0x7d: {  	_ =	shalt  }
0x7e: {  	_ =	shalt  }
0x7f: {  	_ =	shalt  }
0x80: {  	_ =	shalt  }
0x81: {  	_ =	shalt  }
0x82: {  	_ =	shalt  }
0x83: {  	_ =	shalt  }
0x84: {  	_ =	shalt  }
0x85: {  	_ =	shalt  }
0x86: {  	_ =	shalt  }
0x87: {  	_ =	shalt  }
.Lfunc_end0:
.L_simem_size_0:
called_computation_lowered:
.L_overlay_start_0:
0x88: {  	s2 =	sld [smem:$0x3FD9]  }
0x89: {  	s3 =	sld [smem:$0x3FFE];
	_ =	sdelay $0x1  }
0x8a: {  	s1 =	srdreg.scid  }
0x8b: {  	s0 =	sand.u32 $0x1, s1  }
0x8c: {  	s17 =	sshll.u32 s0, $0xA;
	s2 =	sadd.s32 s3, s2  }
0x8d: {  	s2 =	sadd.s32 s2, s17  }
0x8e: {  	[smem:$0x3FBC] =	sst s2  }
0x8f: {  	_ = 	snop  }
0x90: {  	s2 =	sld [smem:$0x3FD0];
	(tm) =	ssettm $0x1  }
0x91: {  	s18 =	sld [smem:$0x3FFB];
	_ =	sdelay $0x3  }
0x92: {  	_ =	strace s18  }
0x93: {  	s3 =	sld [smem:$0x3FFC];
	_ =	sdelay $0x3  }
0x94: {  	_ =	strace s3  }
0x95: {  	s3 =	sld [smem:$0x3FFD];
	_ =	sdelay $0x3  }
0x96: {  	_ =	strace s3  }
0x97: {  	_ =	strace $0x8FFFFFFF  }
0x98: {  	s19 =	sld [smem:$0x3FDB];
	_ =	sdelay $0x1  }
0x99: {  	s4 =	simm.s32 $_scs_section_size  }
0x9a: {  	s5 =	simm.s32 $_size__tile_overlayer_lowered;
	s6 =	simm.s32 $_tile_overlayer_lowered  }
0x9b: {  	s22 =	simm.s32 $0x1BFF;
	s21 =	sshll.u32 s6, $0x1;
	s3 =	sadd.s32 s4, s19  }
0x9c: {  	s7 =	simm.s32 $0x0;
	s20 =	sshll.u32 s5, $0x1;
	s5 =	sadd.s32 s21, s3  }
0x9d: {  	[timem:s7], [sflag:s22] =	dma.local [hbm:s5], s20  }
0x9e: {  	_ =	swait.ge [sflag:s22], s20  }
0x9f: {  	s4 =	ssub.s32 $0x0, s20;
	[sflag:s22] =	ssyncset.done $0x0  }
0xa0: {  	[sflag:s22] =	ssyncadd.s32 s4;
	_ =	sdelay $0x1  }
0xa1: {  	s23 =	simm.s32 $0x1B8B  }
0xa2: {  	_ =	swait.ge [sflag:s23], $0x1  }
0xa3: {  	[sflag:s23] =	ssyncset.done $0x0  }
0xa4: {  	s25 =	simm.s32 $0x1B8E;
	s24 =	sld [smem:$0x3FFE];
	[sflag:s23] =	ssyncadd.s32 $0xFFFFFFFF  }
0xa5: {  	s26 =	simm.s32 $execute0_lowered;
	[smem:$0x3FD2] =	sst s25  }
0xa6: {  	s5 =	sshll.u32 s26, $0x1;
	_ =	strace $0x80000046;
	[dreg:$0x1] =	wrdreg $0xFFFFFFFF  }
0xa7: {  	s28 =	simm.s32 $_size_execute0_lowered;
	s3 =	sadd.s32 s3, s5;
	[dreg:$0x0] =	wrdreg $0x0  }
0xa8: {  	s5 =	sshll.u32 s28, $0x1;
	[dreg:$0x2] =	wrdreg s3  }
0xa9: {  	[dreg:$0x3] =	wrdreg s5  }
0xaa: {  	[dreg:$0x4] =	wrdreg $0xC0  }
0xab: {  	_ =	task [dreg:s7], $0x5FFFF  }
0xac: {  	[dreg:$0x1] =	wrdreg $0xFFFFFFFF  }
0xad: {  	[dreg:$0x0] =	wrdreg $0x60  }
0xae: {  	[dreg:$0x2] =	wrdreg s24  }
0xaf: {  	[dreg:$0x3] =	wrdreg s2  }
0xb0: {  	[dreg:$0x4] =	wrdreg $0x1C700  }
0xb1: {  	[dreg:$0x5] =	wrdreg $0x9  }
0xb2: {  	_ =	task.clear_ibuf [dreg:s7], $0x6FFFF;
	_ =	strace $0x90000046  }
0xb3: {  	s29 =	simm.s32 $0x9;
	_ =	strace $0x80000048  }
0xb4: {  	_ =	swait.ge [sflag:s29], $0x1  }
0xb5: {  	[sflag:s29] =	ssyncadd.s32 $0xFFFFFFFF  }
0xb6: {  	_ =	strace $0x90000048  }
0xb7: {  	_ =	sfence  }
0xb8: {  	s30 =	sld [smem:$0x0];
	_ =	sdelay $0x2  }
0xb9: {  	s31 =	sshll.u32 s1, $0xD;
	s1 =	sshrl.u32 s1, $0x2  }
0xba: {  	s3 =	sand.u32 $0x4000, s31;
	s1 =	sadd.s32 s1, s30  }
0xbb: {  	s0 =	sor.u32 s3, s0;
	s1 =	sshll.u32 s1, $0x11  }
0xbc: {  	s0 =	sor.u32 s1, s0  }
0xbd: {  	s0 =	sadd.s32 $0x8F2B, s0  }
0xbe: {  	[sflag:s0] =	ssyncadd.remote.s32 $0x1  }
0xbf: {  	_ =	sfence.sel $0xFFFF  }
0xc0: {  	[dreg:$0x0] =	wrdreg $0xFFFFFFFF;
	(pc) =	sbr.abs _section_cstart, $3  }
0xc1: {  	[dreg:$0x1] =	wrdreg $0xFFFFFFFF  }
0xc2: {  	_ =	task.clear_ibuf [dreg:s7], $0x2FFFF;
	_ =	strace $0x9FFFFFFF  }
0xc3: {  	(tm) =	ssettm $0x7FFFFFFF  }
tec
execute0_lowered:
.L_overlay_start_1:
0x0: {  	(tag) =	ssettag $0x1  }
0x1: {  	s8 =	rddreg [dreg:$0x0]  }
0x2: {  	s1 =	rddreg [dreg:$0x1]  }
0x3: {  	s2 =	rddreg [dreg:$0x2]  }
0x4: {  	s0 =	rddreg [dreg:$0x3];
	s3 =	simm.s32 $0x0;
	s4 =	srdreg.scid  }
0x5: {  	[smem:$0x7FF] =	sst s3;
	s9 =	sand.u32 $0x1, s4  }
0x6: {  	s15 =	simm.s32 $0x50;
	s4 =	stileid.u32;
	s10 =	smul.u32 $0xC600, s9  }
0x7: {  	s5 =	sadd.s32 $0x1BE00, s8;
	s7 =	sadd.s32 $0x34600, s8;
	s6 =	smul.u32 $0xC350, s4  }
0x8: {  	_ =	strace $0x80000047;
	s11 =	ssub.s32 $0x2, s9;
	s12 =	smul.u32 $0x6300, s4  }
0x9: {  	s16 =	smul.u32 $0x61A8, s9;
	s31 =	sshll.u32 s4, $0x6;
	s14 =	sshll.u32 s4, $0x4  }
0xa: {  	s29 =	sshrl.u32 s11, $0x1;
	s9 =	sor.u32 $0x1C03, s31;
	s17 =	sadd.s32 $0x61A8, s14  }
0xb: {  	s14 =	simm.s32 $0x2;
	s10 =	sadd.s32 s10, s8;
	s11 =	ssub.s32 s11, s29  }
0xc: {  	s30 =	sshrl.u32 s6, $0x3;
	s13 =	sadd.s32 s12, s2;
	s19 =	sshrl.u32 s12, $0x3  }
0xd: {  	s12 =	simm.s32 $0x3;
	v0 =	vmov s16;
	s16 =	simm.s32 $0x1;
	s8 =	sadd.s32 s5, s30  }
0xe: {  	v1 =	vlaneseq.u32;
	s18 =	sadd.s32 $0x34800, s10;
	s10 =	smax.u32 s11, $0x1;
	s11 =	sshrl.u32 s13, $0x3  }
0xf: {  	v1 =	vadd.s32 s17, v1;
	s13 =	simm.s32 $0x1770;
	s17 =	sadd.s32 s19, s18;
	s18 =	simm.s32 $0x0  }
.LBB2_1:
0x10: {  	[tilespmem:s3], [sflag:$0x2] =	stream.linear.gather [hbm4b:s8+s3], $0x7D0, $0x38;
	[tilespmem:$0x7F70] =	vst v63  }
0x11: {  	[spmem:s11], [sflag:s9] =	dma.local [hbm:s1], $0xC60  }
0x12: {  	_ =	swait.ge [sflag:s12], $0xC60  }
0x13: {  	[sflag:s12] =	ssyncset.done $0x0  }
0x14: {  	[sflag:s12] =	ssyncadd.s32 $0xFFFFF3A0  }
0x15: {  	[tilespmem:s13], [sflag:$0x3] =	stream.linear.gather [hbm4b:s7+s3], $0x500, $0x38;
	[tilespmem:$0x7F70] =	vst v63  }
0x16: {  	_ =	swait.ge [sflag:s12], $0x500  }
0x17: {  	[sflag:s12] =	ssyncset.done $0x0  }
0x18: {  	[sflag:s12] =	ssyncadd.s32 $0xFFFFFB00  }
0x19: {  	s19 =	simm.s32 $0x0;
	[bflag:$0x0] =	sbarrier.arrive $0xFFFF  }
.LBB2_2:
0x1a: {  	s20 =	smov.u32 s19  }
0x1b: {  	p0 =	seq.s32 s20, $0x18;
	s20 =	sand.u32 $0x1, s20  }
0x1c: {  	s19 =	sadd.s32 $0x1, s19;
	p1 =	seq.s32 s20, $0x1;
	s20 =	simm.s32 $0x810  }
0x1d: {  	_ =	swait.ge [sflag:s14], $0x7D0;
	s21 =	smul.u32 @!p0 $0x7D0, s19;
	s20 =	simm.s32 @!p1 $0x40  }
0x1e: {  	s31 =	simm.s32 $0x0;
	[sflag:s14] =	ssyncset.done $0x0;
	s22 =	sand.u32 @!p0 $0x1, s19;
	v2 =	vmov s20  }
0x1f: {  	[sflag:s14] =	ssyncadd.s32 $0xFFFFF830;
	p1 =	seq.s32 @!p0 s22, $0x1;
	s21 =	sadd.s32 @!p0 s6, s21  }
0x20: {  	s20 =	simm.s32 @!p0 $0x7D0;
	p1 =	por !p1, p0;
	s21 =	sshrl.u32 @!p0 s21, $0x3  }
0x21: {  	s22 =	simm.s32 @!p0 $0x0;
	s20 =	simm.s32 @p1 $0x0;
	s21 =	sadd.s32 @!p0 s5, s21  }
0x22: {  	[tilespmem:s20], [sflag:$0x2] =	stream.linear.gather @!p0 [hbm4b:s21+s22], $0x7D0, $0x38;
	[tilespmem:$0x7F70] =	vst v63  }
0x23: {  	v3 =	vld.idx.msk [tilespmem:v2+s31+$0xFFFFFFC0 ss:$0x1], $0xffff;
	_ =	sdelay $0x4  }
0x24: {  	v3 =	vsub.s32 v3, v0  }
0x25: {  	vm0 =	vlt.u32 v3, $0x61A8  }
0x26: {  	v3 =	vsel vm0, v3, v1  }
0x27: {  	[tilespmem:s31+$0xFA0] =	vst v3  }
0x28: {  	v3 =	vld.idx.msk [tilespmem:v2+s31+$0xFFFFFFD0 ss:$0x1], $0xffff;
	_ =	sdelay $0x4  }
0x29: {  	v3 =	vsub.s32 v3, v0  }
0x2a: {  	vm12 =	vlt.u32 v3, $0x61A8  }
0x2b: {  	v3 =	vsel vm12, v3, v1  }
0x2c: {  	[tilespmem:s31+$0xFB0] =	vst v3  }
0x2d: {  	v3 =	vld.idx.msk [tilespmem:v2+s31+$0xFFFFFFE0 ss:$0x1], $0xffff;
	_ =	sdelay $0x4  }
0x2e: {  	v3 =	vsub.s32 v3, v0  }
0x2f: {  	vm13 =	vlt.u32 v3, $0x61A8  }
0x30: {  	v3 =	vsel vm13, v3, v1  }
0x31: {  	[tilespmem:s31+$0xFC0] =	vst v3  }
0x32: {  	v3 =	vld.idx.msk [tilespmem:v2+s31+$0xFFFFFFF0 ss:$0x1], $0xffff;
	_ =	sdelay $0x4  }
0x33: {  	v3 =	vsub.s32 v3, v0  }
0x34: {  	vm14 =	vlt.u32 v3, $0x61A8  }
0x35: {  	v3 =	vsel vm14, v3, v1  }
0x36: {  	[tilespmem:s31+$0xFD0] =	vst v3  }
0x37: {  	v3 =	vld.idx.msk [tilespmem:v2+s31+$0x0 ss:$0x1], $0xffff;
	_ =	sdelay $0x4  }
0x38: {  	v3 =	vsub.s32 v3, v0  }
0x39: {  	vm15 =	vlt.u32 v3, $0x61A8  }
0x3a: {  	v3 =	vsel vm15, v3, v1  }
0x3b: {  	s23 =	simm.s32 $0xFA0;
	s20 =	simm.s32 $0x50;
	s21 =	simm.s32 $0x280;
	[tilespmem:s31+$0xFE0] =	vst v3  }
.LBB2_3:
0x3c: {  	[spmem:s2] =	stream.indirect.scatter.add.f32 [tilespmem:s13], [sflag:$0x1], $0x10, s23, s15, $0xb8;
	[tilespmem:$0x7F70] =	vst v63  }
0x3d: {  	s22 =	sshra.s32 s21, $0x2;
	p0 =	sne.s32 s21, $0x1E00;
	s21 =	sadd.s32 $0x140, s21;
	v3 =	vld.idx.msk [tilespmem:v2+s20+$0xFFFFFFC0 ss:$0x1], $0xffff  }
0x3e: {  	_ =	sdelay $0x4  }
0x3f: {  	v3 =	vsub.s32 v3, v0  }
0x40: {  	vm0 =	vlt.u32 v3, $0x61A8  }
0x41: {  	v3 =	vsel vm0, v3, v1  }
0x42: {  	[tilespmem:s20+$0xFA0] =	vst v3  }
0x43: {  	v3 =	vld.idx.msk [tilespmem:v2+s20+$0xFFFFFFD0 ss:$0x1], $0xffff;
	_ =	sdelay $0x5  }
0x44: {  	v3 =	vsub.s32 v3, v0  }
0x45: {  	vm0 =	vlt.u32 v3, $0x61A8  }
0x46: {  	v3 =	vsel vm0, v3, v1  }
0x47: {  	[tilespmem:s20+$0xFB0] =	vst v3  }
0x48: {  	v3 =	vld.idx.msk [tilespmem:v2+s20+$0xFFFFFFE0 ss:$0x1], $0xffff;
	_ =	sdelay $0x5  }
0x49: {  	v3 =	vsub.s32 v3, v0  }
0x4a: {  	vm0 =	vlt.u32 v3, $0x61A8  }
0x4b: {  	v3 =	vsel vm0, v3, v1  }
0x4c: {  	[tilespmem:s20+$0xFC0] =	vst v3  }
0x4d: {  	v3 =	vld.idx.msk [tilespmem:v2+s20+$0xFFFFFFF0 ss:$0x1], $0xffff;
	_ =	sdelay $0x5  }
0x4e: {  	v3 =	vsub.s32 v3, v0  }
0x4f: {  	vm0 =	vlt.u32 v3, $0x61A8  }
0x50: {  	v3 =	vsel vm0, v3, v1  }
0x51: {  	[tilespmem:s20+$0xFD0] =	vst v3  }
0x52: {  	v3 =	vld.idx.msk [tilespmem:v2+s20+$0x0 ss:$0x1], $0xffff;
	_ =	sdelay $0x4  }
.Ltmp0:
0x53: {  	(pc) =	sbr.rel @p0 .LBB2_3-.Ltmp0, $4  }
0x54: {  	v3 =	vsub.s32 v3, v0  }
0x55: {  	vm0 =	vlt.u32 v3, $0x61A8  }
0x56: {  	v3 =	vsel vm0, v3, v1  }
0x57: {  	s23 =	sadd.s32 $0xFA0, s20;
	[tilespmem:s20+$0xFE0] =	vst v3;
	s20 =	smov.u32 s22  }
0x58: {  	_ =	sdelay $0x2  }
0x59: {  	[spmem:s2] =	stream.indirect.scatter.add.f32 [tilespmem:s13], [sflag:$0x1], $0x10, s23, s15, $0xb8;
	[tilespmem:$0x7F70] =	vst v63  }
0x5a: {  	v3 =	vld.idx.msk [tilespmem:v2+s20+$0xFFFFFFC0 ss:$0x1], $0xffff;
	_ =	sdelay $0x4  }
0x5b: {  	v3 =	vsub.s32 v3, v0  }
0x5c: {  	vm0 =	vlt.u32 v3, $0x61A8  }
0x5d: {  	v3 =	vsel vm0, v3, v1  }
0x5e: {  	[tilespmem:s20+$0xFA0] =	vst v3  }
0x5f: {  	v3 =	vld.idx.msk [tilespmem:v2+s20+$0xFFFFFFD0 ss:$0x1], $0xffff;
	_ =	sdelay $0x4  }
0x60: {  	v3 =	vsub.s32 v3, v0  }
0x61: {  	vm12 =	vlt.u32 v3, $0x61A8  }
0x62: {  	v3 =	vsel vm12, v3, v1  }
0x63: {  	[tilespmem:s20+$0xFB0] =	vst v3  }
0x64: {  	v3 =	vld.idx.msk [tilespmem:v2+s20+$0xFFFFFFE0 ss:$0x1], $0xffff;
	_ =	sdelay $0x4  }
0x65: {  	v3 =	vsub.s32 v3, v0  }
0x66: {  	vm13 =	vlt.u32 v3, $0x61A8  }
0x67: {  	v3 =	vsel vm13, v3, v1  }
0x68: {  	[tilespmem:s20+$0xFC0] =	vst v3  }
0x69: {  	v3 =	vld.idx.msk [tilespmem:v2+s20+$0xFFFFFFF0 ss:$0x1], $0xffff;
	_ =	sdelay $0x4  }
0x6a: {  	v3 =	vsub.s32 v3, v0  }
0x6b: {  	vm14 =	vlt.u32 v3, $0x61A8  }
0x6c: {  	v3 =	vsel vm14, v3, v1  }
0x6d: {  	[tilespmem:s20+$0xFD0] =	vst v3  }
0x6e: {  	v2 =	vld.idx.msk [tilespmem:v2+s20+$0x0 ss:$0x1], $0xffff;
	_ =	sdelay $0x4  }
0x6f: {  	v2 =	vsub.s32 v2, v0  }
0x70: {  	vm15 =	vlt.u32 v2, $0x61A8  }
0x71: {  	v2 =	vsel vm15, v2, v1  }
0x72: {  	s21 =	sadd.s32 $0xFA0, s20;
	[tilespmem:s20+$0xFE0] =	vst v2  }
0x73: {  	[spmem:s2] =	stream.indirect.scatter.add.f32 [tilespmem:s13], [sflag:$0x1], $0x10, s21, s15, $0xb8;
	[tilespmem:$0x7F70] =	vst v63  }
0x74: {  	_ =	swait.ge [sflag:s16], $0x500  }
0x75: {  	[sflag:s16] =	ssyncset.done $0x0  }
0x76: {  	[sflag:s16] =	ssyncadd.s32 $0xFFFFFB00  }
0x77: {  	_ =	swait.ge [sflag:s16], $0x500  }
0x78: {  	[sflag:s16] =	ssyncset.done $0x0  }
0x79: {  	[sflag:s16] =	ssyncadd.s32 $0xFFFFFB00  }
0x7a: {  	_ =	swait.ge [sflag:s16], $0x500  }
0x7b: {  	[sflag:s16] =	ssyncset.done $0x0  }
0x7c: {  	[sflag:s16] =	ssyncadd.s32 $0xFFFFFB00  }
0x7d: {  	_ =	swait.ge [sflag:s16], $0x500  }
0x7e: {  	[sflag:s16] =	ssyncset.done $0x0  }
0x7f: {  	[sflag:s16] =	ssyncadd.s32 $0xFFFFFB00  }
0x80: {  	_ =	swait.ge [sflag:s16], $0x500  }
0x81: {  	[sflag:s16] =	ssyncset.done $0x0  }
0x82: {  	[sflag:s16] =	ssyncadd.s32 $0xFFFFFB00  }
0x83: {  	_ =	swait.ge [sflag:s16], $0x500  }
0x84: {  	[sflag:s16] =	ssyncset.done $0x0  }
0x85: {  	[sflag:s16] =	ssyncadd.s32 $0xFFFFFB00  }
0x86: {  	_ =	swait.ge [sflag:s16], $0x500  }
0x87: {  	[sflag:s16] =	ssyncset.done $0x0  }
0x88: {  	[sflag:s16] =	ssyncadd.s32 $0xFFFFFB00  }
0x89: {  	_ =	swait.ge [sflag:s16], $0x500  }
0x8a: {  	[sflag:s16] =	ssyncset.done $0x0  }
0x8b: {  	[sflag:s16] =	ssyncadd.s32 $0xFFFFFB00  }
0x8c: {  	_ =	swait.ge [sflag:s16], $0x500  }
0x8d: {  	[sflag:s16] =	ssyncset.done $0x0  }
0x8e: {  	[sflag:s16] =	ssyncadd.s32 $0xFFFFFB00  }
0x8f: {  	_ =	swait.ge [sflag:s16], $0x500  }
0x90: {  	[sflag:s16] =	ssyncset.done $0x0  }
0x91: {  	[sflag:s16] =	ssyncadd.s32 $0xFFFFFB00  }
0x92: {  	_ =	swait.ge [sflag:s16], $0x500  }
0x93: {  	[sflag:s16] =	ssyncset.done $0x0  }
0x94: {  	[sflag:s16] =	ssyncadd.s32 $0xFFFFFB00  }
0x95: {  	_ =	swait.ge [sflag:s16], $0x500  }
0x96: {  	[sflag:s16] =	ssyncset.done $0x0  }
0x97: {  	[sflag:s16] =	ssyncadd.s32 $0xFFFFFB00  }
0x98: {  	_ =	swait.ge [sflag:s16], $0x500  }
0x99: {  	[sflag:s16] =	ssyncset.done $0x0  }
0x9a: {  	[sflag:s16] =	ssyncadd.s32 $0xFFFFFB00  }
0x9b: {  	_ =	swait.ge [sflag:s16], $0x500  }
0x9c: {  	[sflag:s16] =	ssyncset.done $0x0  }
0x9d: {  	[sflag:s16] =	ssyncadd.s32 $0xFFFFFB00  }
0x9e: {  	_ =	swait.ge [sflag:s16], $0x500  }
0x9f: {  	[sflag:s16] =	ssyncset.done $0x0  }
0xa0: {  	[sflag:s16] =	ssyncadd.s32 $0xFFFFFB00  }
0xa1: {  	_ =	swait.ge [sflag:s16], $0x500  }
0xa2: {  	[sflag:s16] =	ssyncset.done $0x0  }
0xa3: {  	[sflag:s16] =	ssyncadd.s32 $0xFFFFFB00  }
0xa4: {  	_ =	swait.ge [sflag:s16], $0x500  }
0xa5: {  	[sflag:s16] =	ssyncset.done $0x0  }
0xa6: {  	[sflag:s16] =	ssyncadd.s32 $0xFFFFFB00  }
0xa7: {  	_ =	swait.ge [sflag:s16], $0x500  }
0xa8: {  	[sflag:s16] =	ssyncset.done $0x0  }
0xa9: {  	[sflag:s16] =	ssyncadd.s32 $0xFFFFFB00  }
0xaa: {  	_ =	swait.ge [sflag:s16], $0x500  }
0xab: {  	[sflag:s16] =	ssyncset.done $0x0  }
0xac: {  	[sflag:s16] =	ssyncadd.s32 $0xFFFFFB00  }
0xad: {  	_ =	swait.ge [sflag:s16], $0x500  }
0xae: {  	[sflag:s16] =	ssyncset.done $0x0  }
0xaf: {  	[sflag:s16] =	ssyncadd.s32 $0xFFFFFB00  }
0xb0: {  	_ =	swait.ge [sflag:s16], $0x500  }
0xb1: {  	[sflag:s16] =	ssyncset.done $0x0  }
0xb2: {  	[sflag:s16] =	ssyncadd.s32 $0xFFFFFB00  }
0xb3: {  	_ =	swait.ge [sflag:s16], $0x500  }
0xb4: {  	[sflag:s16] =	ssyncset.done $0x0  }
0xb5: {  	[sflag:s16] =	ssyncadd.s32 $0xFFFFFB00  }
0xb6: {  	_ =	swait.ge [sflag:s16], $0x500  }
0xb7: {  	[sflag:s16] =	ssyncset.done $0x0  }
0xb8: {  	[sflag:s16] =	ssyncadd.s32 $0xFFFFFB00  }
0xb9: {  	p0 =	sne.s32 s19, $0x19;
	_ =	swait.ge [sflag:s16], $0x500  }
.Ltmp1:
0xba: {  	[sflag:s16] =	ssyncset.done $0x0;
	(pc) =	sbr.rel @p0 .LBB2_2-.Ltmp1, $4  }
0xbb: {  	[sflag:s16] =	ssyncadd.s32 $0xFFFFFB00  }
0xbc: {  	_ =	swait.ge [sflag:s16], $0x500  }
0xbd: {  	[sflag:s16] =	ssyncset.done $0x0  }
0xbe: {  	[sflag:s16] =	ssyncadd.s32 $0xFFFFFB00  }
0xbf: {  	s18 =	sadd.s32 $0x1, s18  }
0xc0: {  	p0 =	sne.s32 s18, s10  }
.Ltmp2:
0xc1: {  	[bflag:$0x0] =	sbarrier.arrive $0xFFFF;
	(pc) =	sbr.rel @p0 .LBB2_1-.Ltmp2, $4  }
0xc2: {  	[hbm:s17], [sflag:s9] =	dma.local [spmem:s11], $0xC60  }
0xc3: {  	_ =	swait.ge [sflag:s12], $0xC60  }
0xc4: {  	[sflag:s12] =	ssyncset.done $0x0  }
0xc5: {  	[sflag:s12] =	ssyncadd.s32 $0xFFFFF3A0  }
0xc6: {  	_ =	sfence.sel $0x180000  }
0xc7: {  	[bflag:$0x0] =	sbarrier.arrive $0xFFFF  }
0xc8: {  	p0 =	sne.s32 s4, $0x0;
	_ =	strace $0x90000047  }
0xc9: {  	s0 =	sadd.s32 @!p0 $0x100000, s0;
	[bflag:$0x2] =	sbarrier.arrive $0xFFFF  }
0xca: {  	[sflag:s0] =	ssyncadd.tile.s32 @!p0 $0x1;
	_ =	shalt  }
.Lfunc_end2:
_tile_overlayer_lowered:
.L_overlay_start_2:
0xcb: {  	(tag) =	ssettag $0x2  }
0xcc: {  	s0 =	rddreg [dreg:$0x0];
	s2 =	stileid.u32  }
0xcd: {  	s1 =	rddreg [dreg:$0x1];
	p0 =	sne.s32 s2, $0x0  }
0xce: {  	s3 =	rddreg [dreg:$0x2];
	[bflag:$0x3] =	sbarrier.arrive $0xFFFF;
	s2 =	simm.s32 @!p0 $0x1C03  }
0xcf: {  	[timem:s3], [sflag:s2] =	dma.local @!p0 [hbm:s0], s1  }
0xd0: {  	s0 =	simm.s32 @!p0 $0x3  }
0xd1: {  	_ =	swait.ge @!p0 [sflag:s0], s1  }
0xd2: {  	s1 =	ssub.s32 @!p0 $0x0, s1;
	[sflag:s0] =	ssyncset.done @!p0 $0x0  }
0xd3: {  	[sflag:s0] =	ssyncadd.s32 @!p0 s1  }
0xd4: {  	[bflag:$0x3] =	sbarrier.arrive $0xFFFF  }
0xd5: {  	_ =	shalt  }

// kernel: kernel.15.cloned.1.call-start
scs
__scs_entry_jumppad:
0x0: {  	(pc) =	sbr.rel $0x88, $3  }
0x1: {  	(tag) =	ssettag $0x0;
	lr =	simm.s32 $0x1  }
0x2: {  	[smem:$0x3F95] =	sst lr;
	_ =	strace $0xD0000000  }
0x3: {  	_ = 	snop  }
0x4: {  	_ = 	snop  }
0x5: {  	_ = 	snop  }
0x6: {  	_ = 	snop  }
0x7: {  	_ = 	snop  }
__scs_overlays_trampoline_lowered:
0x8: {  	[smem:$0x3FA4] =	sst s0  }
0x9: {  	[smem:$0x3FA5] =	sst s1  }
0xa: {  	[smem:$0x3FA6] =	sst s2  }
0xb: {  	[smem:$0x3FA7] =	sst s3  }
0xc: {  	[smem:$0x3FA8] =	sst s4  }
0xd: {  	[smem:$0x3FA9] =	sst s5  }
0xe: {  	[smem:$0x3FAA] =	sst s6  }
0xf: {  	[smem:$0x3FAB] =	sst s7  }
0x10: {  	[smem:$0x3FAC] =	sst s8  }
0x11: {  	[smem:$0x3FAD] =	sst s9;
	s0 =	simm.s32 @!p0 $0x0  }
0x12: {  	s1 =	sld [smem:$0x3F93];
	s0 =	simm.s32 @p0 $0x1  }
0x13: {  	[smem:$0x3FAE] =	sst s0;
	s0 =	simm.s32 @!p1 $0x0  }
0x14: {  	s2 =	sld [smem:$0x3F92];
	s0 =	simm.s32 @p1 $0x1  }
0x15: {  	[smem:$0x3FAF] =	sst s0;
	s0 =	simm.s32 @!p2 $0x0  }
0x16: {  	s3 =	sld [smem:$0x3FDB];
	s0 =	simm.s32 @p2 $0x1  }
0x17: {  	s4 =	simm.s32 $0x1BF5;
	[smem:$0x3FB1] =	sst s0  }
0x18: {  	s0 =	sld [smem:$0x3F94];
	_ =	swait.ge [sflag:s4], $0x0  }
0x19: {  	s7 =	sld [smem:$0x3F95]  }
0x1a: {  	s8 =	sadd.s32 $0xFFFFE003, lr  }
0x1b: {  	s9 =	sadd.s32 $0xFFFFFEF7, lr;
	s5 =	simm.s32 $0xFFFFFFFF;
	p2 =	slt.u32 s8, $0xFFFFF086  }
0x1c: {  	p1 =	slt.u32 s9, $0xF7A;
	s5 =	simm.s32 @!p2 $0x0  }
0x1d: {  	s5 =	simm.s32 @p1 $0x1;
	p0 =	seq.s32 s7, s2  }
0x1e: {  	s7 =	smul.u32 @!p0 $0xF7A, s2;
	p2 =	seq.s32 @!p0 s5, $0x0  }
0x1f: {  	s9 =	smul.u32 $0xF7A, s1;
	s8 =	simm.s32 @!p0 $0x1BF5;
	p2 =	por !p2, p0  }
0x20: {  	[sflag:s8] =	ssyncset.s32 @!p0 $0xFFFFF086;
	s6 =	sadd.s32 @!p0 s3, s7;
	s7 =	simm.s32 @!p0 $0x108  }
0x21: {  	s3 =	sadd.s32 s3, s9;
	s6 =	sadd.s32 @!p0 $0x88, s6;
	s7 =	simm.s32 @p2 $0x1082  }
0x22: {  	[simem:s7], [sflag:s8] =	dma.local @!p0 [hbm:s6], $0xF7A  }
0x23: {  	s9 =	sor.u32 $0xD0000000, s2;
	s6 =	simm.s32 $0x108;
	_ =	swait.ge @!p0 [sflag:s8], $0x0  }
0x24: {  	s3 =	sadd.s32 $0x88, s3;
	s6 =	simm.s32 @!p1 $0x1082;
	[sflag:s4] =	ssyncset.s32 $0xFFFFF086  }
0x25: {  	[simem:s6], [sflag:s4] =	dma.local [hbm:s3], $0xF7A  }
0x26: {  	[smem:$0x3F95] =	sst s1;
	(tag) =	ssettag s2;
	_ =	strace s9  }
0x27: {  	s1 =	sld [smem:$0x3FA5]  }
0x28: {  	s2 =	sld [smem:$0x3FA6]  }
0x29: {  	s4 =	sld [smem:$0x3FA8]  }
0x2a: {  	p0 =	seq.s32 s5, $0x0;
	s5 =	sld [smem:$0x3FA9]  }
0x2b: {  	s6 =	sld [smem:$0x3FAA]  }
0x2c: {  	s7 =	sld [smem:$0x3FAB]  }
0x2d: {  	s3 =	simm.s32 $0x108;
	s8 =	sld [smem:$0x3FAC]  }
0x2e: {  	s3 =	simm.s32 @!p0 $0x1082;
	s9 =	sld [smem:$0x3FAD]  }
0x2f: {  	lr =	sadd.s32 s0, s3;
	s0 =	sld [smem:$0x3FA4]  }
0x30: {  	s3 =	sld [smem:$0x3FA7]  }
0x31: {  	[smem:$0x3FB0] =	sst s10  }
0x32: {  	s10 =	sld [smem:$0x3FAE];
	_ =	sdelay $0x3  }
0x33: {  	p0 =	seq.s32 s10, $0x1;
	s10 =	sld [smem:$0x3FB0];
	_ =	sdelay $0x3  }
0x34: {  	[smem:$0x3FB0] =	sst s10  }
0x35: {  	s10 =	sld [smem:$0x3FAF];
	_ =	sdelay $0x3  }
0x36: {  	p1 =	seq.s32 s10, $0x1;
	s10 =	sld [smem:$0x3FB0];
	_ =	sdelay $0x3  }
0x37: {  	[smem:$0x3FB0] =	sst s10  }
0x38: {  	s10 =	sld [smem:$0x3FB1]  }
0x39: {  	_ = 	snop;
	(pc) =	sbr.ind lr, $3  }
0x3a: {  	_ = 	snop  }
0x3b: {  	_ = 	snop  }
0x3c: {  	p2 =	seq.s32 s10, $0x1;
	s10 =	sld [smem:$0x3FB0]  }
0x3d: {  	_ =	shalt  }
0x3e: {  	_ =	shalt  }
0x3f: {  	_ =	shalt  }
0x40: {  	_ =	shalt  }
0x41: {  	_ =	shalt  }
0x42: {  	_ =	shalt  }
0x43: {  	_ =	shalt  }
0x44: {  	_ =	shalt  }
0x45: {  	_ =	shalt  }
0x46: {  	_ =	shalt  }
0x47: {  	_ =	shalt  }
0x48: {  	_ =	shalt  }
0x49: {  	_ =	shalt  }
0x4a: {  	_ =	shalt  }
0x4b: {  	_ =	shalt  }
0x4c: {  	_ =	shalt  }
0x4d: {  	_ =	shalt  }
0x4e: {  	_ =	shalt  }
0x4f: {  	_ =	shalt  }
0x50: {  	_ =	shalt  }
0x51: {  	_ =	shalt  }
0x52: {  	_ =	shalt  }
0x53: {  	_ =	shalt  }
0x54: {  	_ =	shalt  }
0x55: {  	_ =	shalt  }
0x56: {  	_ =	shalt  }
0x57: {  	_ =	shalt  }
0x58: {  	_ =	shalt  }
0x59: {  	_ =	shalt  }
0x5a: {  	_ =	shalt  }
0x5b: {  	_ =	shalt  }
0x5c: {  	_ =	shalt  }
0x5d: {  	_ =	shalt  }
0x5e: {  	_ =	shalt  }
0x5f: {  	_ =	shalt  }
0x60: {  	_ =	shalt  }
0x61: {  	_ =	shalt  }
0x62: {  	_ =	shalt  }
0x63: {  	_ =	shalt  }
0x64: {  	_ =	shalt  }
0x65: {  	_ =	shalt  }
0x66: {  	_ =	shalt  }
0x67: {  	_ =	shalt  }
0x68: {  	_ =	shalt  }
0x69: {  	_ =	shalt  }
0x6a: {  	_ =	shalt  }
0x6b: {  	_ =	shalt  }
0x6c: {  	_ =	shalt  }
0x6d: {  	_ =	shalt  }
0x6e: {  	_ =	shalt  }
0x6f: {  	_ =	shalt  }
0x70: {  	_ =	shalt  }
0x71: {  	_ =	shalt  }
0x72: {  	_ =	shalt  }
0x73: {  	_ =	shalt  }
0x74: {  	_ =	shalt  }
0x75: {  	_ =	shalt  }
0x76: {  	_ =	shalt  }
0x77: {  	_ =	shalt  }
0x78: {  	_ =	shalt  }
0x79: {  	_ =	shalt  }
0x7a: {  	_ =	shalt  }
0x7b: {  	_ =	shalt  }
0x7c: {  	_ =	shalt  }
0x7d: {  	_ =	shalt  }
0x7e: {  	_ =	shalt  }
0x7f: {  	_ =	shalt  }
0x80: {  	_ =	shalt  }
0x81: {  	_ =	shalt  }
0x82: {  	_ =	shalt  }
0x83: {  	_ =	shalt  }
0x84: {  	_ =	shalt  }
0x85: {  	_ =	shalt  }
0x86: {  	_ =	shalt  }
0x87: {  	_ =	shalt  }
.Lfunc_end0:
.L_simem_size_0:
called_computation.1_lowered:
.L_overlay_start_0:
0x88: {  	s2 =	sld [smem:$0x3FD9]  }
0x89: {  	s3 =	sld [smem:$0x3FFE];
	_ =	sdelay $0x1  }
0x8a: {  	s1 =	srdreg.scid  }
0x8b: {  	s0 =	sand.u32 $0x1, s1  }
0x8c: {  	s16 =	sshll.u32 s0, $0xA;
	s2 =	sadd.s32 s3, s2  }
0x8d: {  	s2 =	sadd.s32 s2, s16  }
0x8e: {  	[smem:$0x3FBC] =	sst s2  }
0x8f: {  	_ = 	snop  }
0x90: {  	(tm) =	ssettm $0x1  }
0x91: {  	s17 =	sld [smem:$0x3FFB];
	_ =	sdelay $0x3  }
0x92: {  	_ =	strace s17  }
0x93: {  	s2 =	sld [smem:$0x3FFC];
	_ =	sdelay $0x3  }
0x94: {  	_ =	strace s2  }
0x95: {  	s2 =	sld [smem:$0x3FFD];
	_ =	sdelay $0x3  }
0x96: {  	_ =	strace s2  }
0x97: {  	_ =	strace $0x8FFFFFFF  }
0x98: {  	s18 =	sld [smem:$0x3FDB];
	_ =	sdelay $0x1  }
0x99: {  	s19 =	simm.s32 $_scs_section_size  }
0x9a: {  	s4 =	simm.s32 $_size__tile_overlayer_lowered;
	s5 =	simm.s32 $_tile_overlayer_lowered  }
0x9b: {  	s22 =	simm.s32 $0x1BFF;
	s21 =	sshll.u32 s5, $0x1;
	s2 =	sadd.s32 s19, s18  }
0x9c: {  	s6 =	simm.s32 $0x0;
	s20 =	sshll.u32 s4, $0x1;
	s4 =	sadd.s32 s21, s2  }
0x9d: {  	[timem:s6], [sflag:s22] =	dma.local [hbm:s4], s20  }
0x9e: {  	_ =	swait.ge [sflag:s22], s20  }
0x9f: {  	s3 =	ssub.s32 $0x0, s20;
	[sflag:s22] =	ssyncset.done $0x0  }
0xa0: {  	[sflag:s22] =	ssyncadd.s32 s3;
	_ =	sdelay $0x1  }
0xa1: {  	s23 =	simm.s32 $0x1B8B  }
0xa2: {  	_ =	swait.ge [sflag:s23], $0x1  }
0xa3: {  	[sflag:s23] =	ssyncset.done $0x0  }
0xa4: {  	s25 =	simm.s32 $0x1B8E;
	s24 =	sld [smem:$0x3FFE];
	[sflag:s23] =	ssyncadd.s32 $0xFFFFFFFF  }
0xa5: {  	s26 =	simm.s32 $execute0_lowered;
	[smem:$0x3FD2] =	sst s25  }
0xa6: {  	s4 =	sshll.u32 s26, $0x1;
	_ =	strace $0x80000049;
	[dreg:$0x1] =	wrdreg $0xFFFFFFFF  }
0xa7: {  	s28 =	simm.s32 $_size_execute0_lowered;
	s2 =	sadd.s32 s2, s4;
	[dreg:$0x0] =	wrdreg $0x0  }
0xa8: {  	s4 =	sshll.u32 s28, $0x1;
	[dreg:$0x2] =	wrdreg s2  }
0xa9: {  	[dreg:$0x3] =	wrdreg s4  }
0xaa: {  	[dreg:$0x4] =	wrdreg $0xC0  }
0xab: {  	_ =	task [dreg:s6], $0x5FFFF  }
0xac: {  	[dreg:$0x1] =	wrdreg $0xFFFFFFFF  }
0xad: {  	[dreg:$0x0] =	wrdreg $0x60  }
0xae: {  	[dreg:$0x2] =	wrdreg s24  }
0xaf: {  	[dreg:$0x3] =	wrdreg $0x4F100  }
0xb0: {  	[dreg:$0x4] =	wrdreg $0x9  }
0xb1: {  	_ =	task.clear_ibuf [dreg:s6], $0x5FFFF;
	_ =	strace $0x90000049  }
0xb2: {  	s29 =	simm.s32 $0x9;
	_ =	strace $0x8000004B  }
0xb3: {  	_ =	swait.ge [sflag:s29], $0x1  }
0xb4: {  	[sflag:s29] =	ssyncadd.s32 $0xFFFFFFFF  }
0xb5: {  	_ =	strace $0x9000004B  }
0xb6: {  	_ =	sfence  }
0xb7: {  	s30 =	sld [smem:$0x0];
	_ =	sdelay $0x2  }
0xb8: {  	s31 =	sshll.u32 s1, $0xD;
	s1 =	sshrl.u32 s1, $0x2  }
0xb9: {  	s3 =	sand.u32 $0x4000, s31;
	s1 =	sadd.s32 s1, s30  }
0xba: {  	s0 =	sor.u32 s3, s0;
	s1 =	sshll.u32 s1, $0x11  }
0xbb: {  	s0 =	sor.u32 s1, s0  }
0xbc: {  	s0 =	sadd.s32 $0x8F2B, s0  }
0xbd: {  	[sflag:s0] =	ssyncadd.remote.s32 $0x1  }
0xbe: {  	_ =	sfence.sel $0xFFFF  }
0xbf: {  	[dreg:$0x0] =	wrdreg $0xFFFFFFFF;
	(pc) =	sbr.abs _section_cstart, $3  }
0xc0: {  	[dreg:$0x1] =	wrdreg $0xFFFFFFFF  }
0xc1: {  	_ =	task.clear_ibuf [dreg:s6], $0x2FFFF;
	_ =	strace $0x9FFFFFFF  }
0xc2: {  	(tm) =	ssettm $0x7FFFFFFF  }
0xc3: {  	_ =	shalt  }
tec
execute0_lowered:
.L_overlay_start_1:
0x0: {  	(tag) =	ssettag $0x1  }
0x1: {  	s0 =	rddreg [dreg:$0x0]  }
0x2: {  	s1 =	rddreg [dreg:$0x1]  }
0x3: {  	s2 =	simm.s32 $0x0;
	s3 =	srdreg.scid;
	s28 =	stileid.u32  }
0x4: {  	s16 =	simm.s32 $0x3;
	s17 =	simm.s32 $0x50;
	s18 =	simm.s32 $0x2710  }
0x5: {  	s19 =	simm.s32 $0x3B10;
	s20 =	simm.s32 $0x1;
	s21 =	simm.s32 $0x1F40  }
0x6: {  	s22 =	simm.s32 $0x2;
	[smem:$0x7FF] =	sst s2;
	s4 =	sadd.s32 $0x34600, s0  }
0x7: {  	s9 =	sand.u32 $0x1, s3;
	s5 =	sadd.s32 $0x3600, s0;
	s7 =	smul.u32 $0xC350, s28  }
0x8: {  	s6 =	sadd.s32 $0x1BE00, s0;
	s8 =	sadd.s32 $0x96200, s0;
	s13 =	smul.u32 $0x18C00, s28  }
0x9: {  	s31 =	sshll.u32 s28, $0x6;
	s15 =	sshll.u32 s28, $0x4;
	s10 =	smul.u32 $0x31800, s9  }
0xa: {  	_ =	strace $0x8000004A;
	s11 =	ssub.s32 $0x2, s9;
	s23 =	smul.u32 $0x61A8, s9  }
0xb: {  	s24 =	sadd.s32 $0x61A8, s15;
	s15 =	simm.s32 $0x4;
	s29 =	sshrl.u32 s11, $0x1  }
0xc: {  	s30 =	sshrl.u32 s7, $0x3;
	s14 =	sadd.s32 s13, s1;
	s25 =	sshrl.u32 s13, $0x3  }
0xd: {  	s13 =	simm.s32 $0xFA0;
	s0 =	sadd.s32 s10, s0;
	s12 =	ssub.s32 s11, s29  }
0xe: {  	s9 =	sadd.s32 s5, s30;
	s10 =	sadd.s32 s6, s30;
	s11 =	sor.u32 $0x1C04, s31  }
0xf: {  	v1 =	vlaneseq.u32;
	s14 =	sshrl.u32 s14, $0x3;
	v0 =	vmov s23;
	s23 =	simm.s32 $0x26C0;
	s0 =	sadd.s32 $0x99400, s0  }
0x10: {  	v1 =	vadd.s32 s24, v1;
	s12 =	smax.u32 s12, $0x1;
	s24 =	sadd.s32 s25, s0;
	s25 =	simm.s32 $0x0  }
.LBB2_1:
0x11: {  	[tilespmem:s2], [sflag:$0x3] =	stream.linear.gather [hbm4b:s9+s2], $0x7D0, $0x38;
	[tilespmem:$0x1DB10] =	vst v63  }
0x12: {  	_ = 	snop  }
0x13: {  	[tilespmem:s13], [sflag:$0x3] =	stream.linear.gather [hbm4b:s10+s2], $0x7D0, $0x38;
	[tilespmem:$0x1DB10] =	vst v63  }
0x14: {  	[spmem:s14], [sflag:s11] =	dma.local [hbm:s8], $0x3180  }
0x15: {  	_ =	swait.ge [sflag:s15], $0x3180  }
0x16: {  	[sflag:s15] =	ssyncset.done $0x0  }
0x17: {  	[sflag:s15] =	ssyncadd.s32 $0xFFFFCE80  }
0x18: {  	s26 =	simm.s32 $0x0;
	[bflag:$0x0] =	sbarrier.arrive $0xFFFF  }
.LBB2_2:
0x19: {  	_ =	swait.ge [sflag:s16], $0x7D0;
	s0 =	smov.u32 s26  }
0x1a: {  	s26 =	sadd.s32 $0x1, s26;
	[sflag:s16] =	ssyncset.done $0x0;
	p0 =	seq.s32 s0, $0x18  }
0x1b: {  	[sflag:s16] =	ssyncadd.s32 $0xFFFFF830;
	s28 =	smul.u32 @!p0 $0x7D0, s26  }
0x1c: {  	s29 =	sand.u32 @!p0 $0x1, s26;
	s31 =	simm.s32 @!p0 $0x0;
	_ =	swait.ge [sflag:s16], $0x7D0  }
0x1d: {  	p1 =	seq.s32 @!p0 s29, $0x1;
	s29 =	simm.s32 @!p0 $0x7D0;
	s28 =	sadd.s32 @!p0 s7, s28  }
0x1e: {  	[sflag:s16] =	ssyncset.done $0x0;
	p1 =	por !p1, p0;
	s28 =	sshrl.u32 @!p0 s28, $0x3  }
0x1f: {  	[sflag:s16] =	ssyncadd.s32 $0xFFFFF830;
	s29 =	simm.s32 @p1 $0x0;
	s30 =	sadd.s32 @!p0 s5, s28  }
0x20: {  	[tilespmem:s29], [sflag:$0x3] =	stream.linear.gather @!p0 [hbm4b:s30+s31], $0x7D0, $0x38;
	[tilespmem:$0x1DB10] =	vst v63  }
0x21: {  	s0 =	sand.u32 $0x1, s0;
	s28 =	sadd.s32 @!p0 s6, s28;
	s29 =	sadd.s32 @!p0 $0xFA0, s29  }
0x22: {  	[tilespmem:s29], [sflag:$0x3] =	stream.linear.gather @!p0 [hbm4b:s28+s31], $0x7D0, $0x38;
	[tilespmem:$0x1DB10] =	vst v63  }
0x23: {  	p0 =	seq.s32 s0, $0x1;
	s28 =	simm.s32 $0x7D0  }
0x24: {  	s28 =	simm.s32 @!p0 $0x0  }
0x25: {  	v2 =	vld [tilespmem:s28+$0xFA0];
	_ =	sdelay $0x4  }
0x26: {  	v2 =	vsub.s32 v2, v0  }
0x27: {  	vm0 =	vlt.u32 v2, $0x61A8  }
0x28: {  	v2 =	vsel vm0, v2, v1  }
0x29: {  	[tilespmem:$0x1F40] =	vst v2  }
0x2a: {  	v2 =	vld [tilespmem:s28+$0xFB0];
	_ =	sdelay $0x4  }
0x2b: {  	v2 =	vsub.s32 v2, v0  }
0x2c: {  	vm14 =	vlt.u32 v2, $0x61A8  }
0x2d: {  	v2 =	vsel vm14, v2, v1  }
0x2e: {  	[tilespmem:$0x1F50] =	vst v2  }
0x2f: {  	v2 =	vld [tilespmem:s28+$0xFC0];
	_ =	sdelay $0x4  }
0x30: {  	v2 =	vsub.s32 v2, v0  }
0x31: {  	vm15 =	vlt.u32 v2, $0x61A8  }
0x32: {  	v2 =	vsel vm15, v2, v1  }
0x33: {  	[tilespmem:$0x1F60] =	vst v2  }
0x34: {  	v2 =	vld [tilespmem:s28+$0xFD0];
	_ =	sdelay $0x4  }
0x35: {  	v2 =	vsub.s32 v2, v0  }
0x36: {  	vm4 =	vlt.u32 v2, $0x61A8  }
0x37: {  	v2 =	vsel vm4, v2, v1  }
0x38: {  	[tilespmem:$0x1F70] =	vst v2  }
0x39: {  	v2 =	vld [tilespmem:s28+$0xFE0];
	_ =	sdelay $0x4  }
0x3a: {  	v2 =	vsub.s32 v2, v0  }
0x3b: {  	vm5 =	vlt.u32 v2, $0x61A8  }
0x3c: {  	v2 =	vsel vm5, v2, v1  }
0x3d: {  	[tilespmem:$0x1F80] =	vst v2  }
0x3e: {  	[tilespmem:s18], [sflag:$0x1] =	stream.indirect.gather [hbm4b:s4+s17], $0x40, s28, s17, $0xb8;
	[tilespmem:$0x1DB10] =	vst v63  }
0x3f: {  	s3 =	sadd.s32 $0x50, s28  }
0x40: {  	[tilespmem:s19], [sflag:$0x1] =	stream.indirect.gather [hbm4b:s4+s17], $0x40, s3, s17, $0xb8;
	[tilespmem:$0x1DB10] =	vst v63  }
0x41: {  	v2 =	vld [tilespmem:s28+$0xFF0];
	_ =	sdelay $0x4  }
0x42: {  	v2 =	vsub.s32 v2, v0  }
0x43: {  	vm6 =	vlt.u32 v2, $0x61A8  }
0x44: {  	v2 =	vsel vm6, v2, v1  }
0x45: {  	[tilespmem:$0x1F90] =	vst v2  }
0x46: {  	v2 =	vld [tilespmem:s28+$0x1000];
	_ =	sdelay $0x4  }
0x47: {  	v2 =	vsub.s32 v2, v0  }
0x48: {  	vm7 =	vlt.u32 v2, $0x61A8  }
0x49: {  	v2 =	vsel vm7, v2, v1  }
0x4a: {  	[tilespmem:$0x1FA0] =	vst v2  }
0x4b: {  	v2 =	vld [tilespmem:s28+$0x1010];
	_ =	sdelay $0x4  }
0x4c: {  	v2 =	vsub.s32 v2, v0  }
0x4d: {  	vm8 =	vlt.u32 v2, $0x61A8  }
0x4e: {  	v2 =	vsel vm8, v2, v1  }
0x4f: {  	[tilespmem:$0x1FB0] =	vst v2  }
0x50: {  	v2 =	vld [tilespmem:s28+$0x1020];
	_ =	sdelay $0x4  }
0x51: {  	v2 =	vsub.s32 v2, v0  }
0x52: {  	vm9 =	vlt.u32 v2, $0x61A8  }
0x53: {  	v2 =	vsel vm9, v2, v1  }
0x54: {  	[tilespmem:$0x1FC0] =	vst v2  }
0x55: {  	v2 =	vld [tilespmem:s28+$0x1030];
	_ =	sdelay $0x4  }
0x56: {  	v2 =	vsub.s32 v2, v0  }
0x57: {  	vm10 =	vlt.u32 v2, $0x61A8  }
0x58: {  	v2 =	vsel vm10, v2, v1  }
0x59: {  	[tilespmem:$0x1FD0] =	vst v2  }
0x5a: {  	_ =	swait.ge [sflag:s20], $0x1400  }
0x5b: {  	s29 =	simm.s32 $0x2;
	[sflag:s20] =	ssyncset.done $0x0  }
0x5c: {  	s3 =	sadd.s32 $0x1080, s28;
	s28 =	sadd.s32 $0xA0, s28;
	[sflag:s20] =	ssyncadd.s32 $0xFFFFEC00  }
0x5d: {  	v2 =	vmov s3;
	[spmem:s1] =	stream.indirect.scatter.add.f32 [tilespmem:s18], [sflag:$0x2], $0x40, s21, s17, $0xb8;
	[tilespmem:$0x1DB10] =	vst v63  }
0x5e: {  	s30 =	sadd.s32 $0x0, s28;
	s3 =	sand.u32 $0x1, s29;
	_ =	swait.ge [sflag:s22], $0x1400  }
0x5f: {  	s29 =	simm.s32 $0x3B10;
	p0 =	seq.s32 s3, $0x1;
	[sflag:s22] =	ssyncset.done $0x0  }
0x60: {  	s3 =	simm.s32 $0x0;
	s29 =	simm.s32 @!p0 $0x2710;
	[sflag:s22] =	ssyncadd.s32 $0xFFFFEC00  }
0x61: {  	[tilespmem:s29], [sflag:$0x1] =	stream.indirect.gather [hbm4b:s4+s17], $0x40, s30, s17, $0xb8;
	[tilespmem:$0x1DB10] =	vst v63  }
0x62: {  	v3 =	vld.idx.msk [tilespmem:v2+s3+$0xFFFFFFC0 ss:$0x1], $0xffff;
	_ =	sdelay $0x4  }
0x63: {  	v3 =	vsub.s32 v3, v0  }
0x64: {  	vm11 =	vlt.u32 v3, $0x61A8  }
0x65: {  	v3 =	vsel vm11, v3, v1  }
0x66: {  	[tilespmem:s3+$0x1FE0] =	vst v3  }
0x67: {  	v3 =	vld.idx.msk [tilespmem:v2+s3+$0xFFFFFFD0 ss:$0x1], $0xffff;
	_ =	sdelay $0x4  }
0x68: {  	v3 =	vsub.s32 v3, v0  }
0x69: {  	vm12 =	vlt.u32 v3, $0x61A8  }
0x6a: {  	v3 =	vsel vm12, v3, v1  }
0x6b: {  	[tilespmem:s3+$0x1FF0] =	vst v3  }
0x6c: {  	v3 =	vld.idx.msk [tilespmem:v2+s3+$0xFFFFFFE0 ss:$0x1], $0xffff;
	_ =	sdelay $0x4  }
0x6d: {  	v3 =	vsub.s32 v3, v0  }
0x6e: {  	vm13 =	vlt.u32 v3, $0x61A8  }
0x6f: {  	v3 =	vsel vm13, v3, v1  }
0x70: {  	[tilespmem:s3+$0x2000] =	vst v3  }
0x71: {  	v3 =	vld.idx.msk [tilespmem:v2+s3+$0xFFFFFFF0 ss:$0x1], $0xffff;
	_ =	sdelay $0x4  }
0x72: {  	v3 =	vsub.s32 v3, v0  }
0x73: {  	vm14 =	vlt.u32 v3, $0x61A8  }
0x74: {  	v3 =	vsel vm14, v3, v1  }
0x75: {  	[tilespmem:s3+$0x2010] =	vst v3  }
0x76: {  	v3 =	vld.idx.msk [tilespmem:v2+s3+$0x0 ss:$0x1], $0xffff;
	_ =	sdelay $0x4  }
0x77: {  	v3 =	vsub.s32 v3, v0  }
0x78: {  	vm15 =	vlt.u32 v3, $0x61A8  }
0x79: {  	v3 =	vsel vm15, v3, v1  }
0x7a: {  	[tilespmem:s3+$0x2020] =	vst v3  }
0x7b: {  	s0 =	simm.s32 $0x2710;
	_ =	swait.ge [sflag:s20], $0x1400  }
0x7c: {  	s31 =	simm.s32 $0x1F90;
	s0 =	simm.s32 @!p0 $0x3B10;
	[sflag:s20] =	ssyncset.done $0x0  }
0x7d: {  	s29 =	simm.s32 $0x140;
	s30 =	simm.s32 $0x3;
	[sflag:s20] =	ssyncadd.s32 $0xFFFFEC00  }
.LBB2_3:
0x7e: {  	[spmem:s1] =	stream.indirect.scatter.add.f32 [tilespmem:s0], [sflag:$0x2], $0x40, s31, s17, $0xb8;
	[tilespmem:$0x1DB10] =	vst v63  }
0x7f: {  	s0 =	sand.u32 $0x1, s30  }
0x80: {  	p0 =	sne.s32 s29, $0x1B80;
	s31 =	sshra.s32 s29, $0x2;
	_ =	swait.ge [sflag:s22], $0x1400  }
0x81: {  	p1 =	seq.s32 s0, $0x1;
	s0 =	simm.s32 $0x3B10;
	[sflag:s22] =	ssyncset.done $0x0  }
0x82: {  	s3 =	sadd.s32 s31, s28;
	s0 =	simm.s32 @!p1 $0x2710;
	[sflag:s22] =	ssyncadd.s32 $0xFFFFEC00  }
0x83: {  	[tilespmem:s0], [sflag:$0x1] =	stream.indirect.gather [hbm4b:s4+s17], $0x40, s3, s17, $0xb8;
	[tilespmem:$0x1DB10] =	vst v63  }
0x84: {  	s29 =	sadd.s32 $0x140, s29;
	v3 =	vld.idx.msk [tilespmem:v2+s31+$0xFFFFFFC0 ss:$0x1], $0xffff;
	_ =	sdelay $0x5  }
0x85: {  	v3 =	vsub.s32 v3, v0  }
0x86: {  	vm0 =	vlt.u32 v3, $0x61A8  }
0x87: {  	v3 =	vsel vm0, v3, v1  }
0x88: {  	[tilespmem:s31+$0x1FE0] =	vst v3  }
0x89: {  	v3 =	vld.idx.msk [tilespmem:v2+s31+$0xFFFFFFD0 ss:$0x1], $0xffff;
	_ =	sdelay $0x5  }
0x8a: {  	v3 =	vsub.s32 v3, v0  }
0x8b: {  	vm0 =	vlt.u32 v3, $0x61A8  }
0x8c: {  	v3 =	vsel vm0, v3, v1  }
0x8d: {  	[tilespmem:s31+$0x1FF0] =	vst v3  }
0x8e: {  	v3 =	vld.idx.msk [tilespmem:v2+s31+$0xFFFFFFE0 ss:$0x1], $0xffff;
	_ =	sdelay $0x5  }
0x8f: {  	v3 =	vsub.s32 v3, v0  }
0x90: {  	vm0 =	vlt.u32 v3, $0x61A8  }
0x91: {  	v3 =	vsel vm0, v3, v1  }
0x92: {  	[tilespmem:s31+$0x2000] =	vst v3  }
0x93: {  	v3 =	vld.idx.msk [tilespmem:v2+s31+$0xFFFFFFF0 ss:$0x1], $0xffff;
	_ =	sdelay $0x5  }
0x94: {  	v3 =	vsub.s32 v3, v0  }
0x95: {  	vm0 =	vlt.u32 v3, $0x61A8  }
0x96: {  	v3 =	vsel vm0, v3, v1  }
0x97: {  	[tilespmem:s31+$0x2010] =	vst v3  }
0x98: {  	v3 =	vld.idx.msk [tilespmem:v2+s31+$0x0 ss:$0x1], $0xffff;
	_ =	sdelay $0x5  }
0x99: {  	v3 =	vsub.s32 v3, v0  }
0x9a: {  	vm0 =	vlt.u32 v3, $0x61A8  }
.Ltmp0:
0x9b: {  	v3 =	vsel vm0, v3, v1;
	(pc) =	sbr.rel @p0 .LBB2_3-.Ltmp0, $4  }
0x9c: {  	[tilespmem:s31+$0x2020] =	vst v3  }
0x9d: {  	_ =	swait.ge [sflag:s20], $0x1400  }
0x9e: {  	s30 =	sadd.s32 $0x1, s30;
	s0 =	simm.s32 $0x2710;
	[sflag:s20] =	ssyncset.done $0x0  }
0x9f: {  	s0 =	simm.s32 @!p1 $0x3B10;
	s31 =	sadd.s32 $0x1F90, s31;
	[sflag:s20] =	ssyncadd.s32 $0xFFFFEC00  }
0xa0: {  	[spmem:s1] =	stream.indirect.scatter.add.f32 [tilespmem:s0], [sflag:$0x2], $0x40, s31, s17, $0xb8;
	[tilespmem:$0x1DB10] =	vst v63  }
0xa1: {  	_ =	swait.ge [sflag:s20], $0x1400  }
0xa2: {  	[sflag:s20] =	ssyncset.done $0x0  }
0xa3: {  	[sflag:s20] =	ssyncadd.s32 $0xFFFFEC00  }
0xa4: {  	[spmem:s1] =	stream.indirect.scatter.add.f32 [tilespmem:s18], [sflag:$0x2], $0x40, s23, s17, $0xb8;
	[tilespmem:$0x1DB10] =	vst v63  }
0xa5: {  	p0 =	sne.s32 s26, $0x19;
	_ =	swait.ge [sflag:s22], $0x1400  }
.Ltmp1:
0xa6: {  	[sflag:s22] =	ssyncset.done $0x0;
	(pc) =	sbr.rel @p0 .LBB2_2-.Ltmp1, $4  }
0xa7: {  	[sflag:s22] =	ssyncadd.s32 $0xFFFFEC00  }
0xa8: {  	_ =	swait.ge [sflag:s22], $0x1400  }
0xa9: {  	[sflag:s22] =	ssyncset.done $0x0  }
0xaa: {  	[sflag:s22] =	ssyncadd.s32 $0xFFFFEC00  }
0xab: {  	s25 =	sadd.s32 $0x1, s25  }
0xac: {  	p0 =	sne.s32 s25, s12  }
.Ltmp2:
0xad: {  	[bflag:$0x0] =	sbarrier.arrive $0xFFFF;
	(pc) =	sbr.rel @p0 .LBB2_1-.Ltmp2, $4  }
0xae: {  	[hbm:s24], [sflag:s11] =	dma.local [spmem:s14], $0x3180  }
0xaf: {  	_ =	swait.ge [sflag:s15], $0x3180  }
0xb0: {  	[sflag:s15] =	ssyncset.done $0x0  }
0xb1: {  	[sflag:s15] =	ssyncadd.s32 $0xFFFFCE80  }
0xb2: {  	_ =	sfence.sel $0x180000  }
0xb3: {  	[bflag:$0x0] =	sbarrier.arrive $0xFFFF  }
0xb4: {  	_ =	strace $0x9000004A  }
0xb5: {  	s0 =	stileid.u32;
	[bflag:$0x2] =	sbarrier.arrive $0xFFFF  }
0xb6: {  	p0 =	sne.s32 s0, $0x0;
	s0 =	rddreg [dreg:$0x2]  }
0xb7: {  	s0 =	sadd.s32 @!p0 $0x100000, s0  }
0xb8: {  	[sflag:s0] =	ssyncadd.tile.s32 @!p0 $0x1;
	_ =	shalt  }
.Lfunc_end2:
_tile_overlayer_lowered:
.L_overlay_start_2:
0xb9: {  	(tag) =	ssettag $0x2  }
0xba: {  	s0 =	rddreg [dreg:$0x0];
	s2 =	stileid.u32  }
0xbb: {  	s1 =	rddreg [dreg:$0x1];
	p0 =	sne.s32 s2, $0x0  }
0xbc: {  	s3 =	rddreg [dreg:$0x2];
	[bflag:$0x3] =	sbarrier.arrive $0xFFFF;
	s2 =	simm.s32 @!p0 $0x1C04  }
0xbd: {  	[timem:s3], [sflag:s2] =	dma.local @!p0 [hbm:s0], s1  }
0xbe: {  	s0 =	simm.s32 @!p0 $0x4  }
0xbf: {  	_ =	swait.ge @!p0 [sflag:s0], s1  }
0xc0: {  	s1 =	ssub.s32 @!p0 $0x0, s1;
	[sflag:s0] =	ssyncset.done @!p0 $0x0  }
0xc1: {  	[sflag:s0] =	ssyncadd.s32 @!p0 s1  }
0xc2: {  	[bflag:$0x3] =	sbarrier.arrive $0xFFFF  }
0xc3: {  	_ =	shalt  }

// kernel: kernel.18.cloned.1.call-start
scs
__scs_entry_jumppad:
0x0: {  	(pc) =	sbr.rel $0x88, $3  }
0x1: {  	(tag) =	ssettag $0x0;
	lr =	simm.s32 $0x1  }
0x2: {  	[smem:$0x3F95] =	sst lr;
	_ =	strace $0xD0000000  }
0x3: {  	_ = 	snop  }
0x4: {  	_ = 	snop  }
0x5: {  	_ = 	snop  }
0x6: {  	_ = 	snop  }
0x7: {  	_ = 	snop  }
__scs_overlays_trampoline_lowered:
0x8: {  	[smem:$0x3FA4] =	sst s0  }
0x9: {  	[smem:$0x3FA5] =	sst s1  }
0xa: {  	[smem:$0x3FA6] =	sst s2  }
0xb: {  	[smem:$0x3FA7] =	sst s3  }
0xc: {  	[smem:$0x3FA8] =	sst s4  }
0xd: {  	[smem:$0x3FA9] =	sst s5  }
0xe: {  	[smem:$0x3FAA] =	sst s6  }
0xf: {  	[smem:$0x3FAB] =	sst s7  }
0x10: {  	[smem:$0x3FAC] =	sst s8  }
0x11: {  	[smem:$0x3FAD] =	sst s9;
	s0 =	simm.s32 @!p0 $0x0  }
0x12: {  	s1 =	sld [smem:$0x3F93];
	s0 =	simm.s32 @p0 $0x1  }
0x13: {  	[smem:$0x3FAE] =	sst s0;
	s0 =	simm.s32 @!p1 $0x0  }
0x14: {  	s2 =	sld [smem:$0x3F92];
	s0 =	simm.s32 @p1 $0x1  }
0x15: {  	[smem:$0x3FAF] =	sst s0;
	s0 =	simm.s32 @!p2 $0x0  }
0x16: {  	s3 =	sld [smem:$0x3FDB];
	s0 =	simm.s32 @p2 $0x1  }
0x17: {  	s4 =	simm.s32 $0x1BF5;
	[smem:$0x3FB1] =	sst s0  }
0x18: {  	s0 =	sld [smem:$0x3F94];
	_ =	swait.ge [sflag:s4], $0x0  }
0x19: {  	s7 =	sld [smem:$0x3F95]  }
0x1a: {  	s8 =	sadd.s32 $0xFFFFE003, lr  }
0x1b: {  	s9 =	sadd.s32 $0xFFFFFEF7, lr;
	s5 =	simm.s32 $0xFFFFFFFF;
	p2 =	slt.u32 s8, $0xFFFFF086  }
0x1c: {  	p1 =	slt.u32 s9, $0xF7A;
	s5 =	simm.s32 @!p2 $0x0  }
0x1d: {  	s5 =	simm.s32 @p1 $0x1;
	p0 =	seq.s32 s7, s2  }
0x1e: {  	s7 =	smul.u32 @!p0 $0xF7A, s2;
	p2 =	seq.s32 @!p0 s5, $0x0  }
0x1f: {  	s9 =	smul.u32 $0xF7A, s1;
	s8 =	simm.s32 @!p0 $0x1BF5;
	p2 =	por !p2, p0  }
0x20: {  	[sflag:s8] =	ssyncset.s32 @!p0 $0xFFFFF086;
	s6 =	sadd.s32 @!p0 s3, s7;
	s7 =	simm.s32 @!p0 $0x108  }
0x21: {  	s3 =	sadd.s32 s3, s9;
	s6 =	sadd.s32 @!p0 $0x88, s6;
	s7 =	simm.s32 @p2 $0x1082  }
0x22: {  	[simem:s7], [sflag:s8] =	dma.local @!p0 [hbm:s6], $0xF7A  }
0x23: {  	s9 =	sor.u32 $0xD0000000, s2;
	s6 =	simm.s32 $0x108;
	_ =	swait.ge @!p0 [sflag:s8], $0x0  }
0x24: {  	s3 =	sadd.s32 $0x88, s3;
	s6 =	simm.s32 @!p1 $0x1082;
	[sflag:s4] =	ssyncset.s32 $0xFFFFF086  }
0x25: {  	[simem:s6], [sflag:s4] =	dma.local [hbm:s3], $0xF7A  }
0x26: {  	[smem:$0x3F95] =	sst s1;
	(tag) =	ssettag s2;
	_ =	strace s9  }
0x27: {  	s1 =	sld [smem:$0x3FA5]  }
0x28: {  	s2 =	sld [smem:$0x3FA6]  }
0x29: {  	s4 =	sld [smem:$0x3FA8]  }
0x2a: {  	p0 =	seq.s32 s5, $0x0;
	s5 =	sld [smem:$0x3FA9]  }
0x2b: {  	s6 =	sld [smem:$0x3FAA]  }
0x2c: {  	s7 =	sld [smem:$0x3FAB]  }
0x2d: {  	s3 =	simm.s32 $0x108;
	s8 =	sld [smem:$0x3FAC]  }
0x2e: {  	s3 =	simm.s32 @!p0 $0x1082;
	s9 =	sld [smem:$0x3FAD]  }
0x2f: {  	lr =	sadd.s32 s0, s3;
	s0 =	sld [smem:$0x3FA4]  }
0x30: {  	s3 =	sld [smem:$0x3FA7]  }
0x31: {  	[smem:$0x3FB0] =	sst s10  }
0x32: {  	s10 =	sld [smem:$0x3FAE];
	_ =	sdelay $0x3  }
0x33: {  	p0 =	seq.s32 s10, $0x1;
	s10 =	sld [smem:$0x3FB0];
	_ =	sdelay $0x3  }
0x34: {  	[smem:$0x3FB0] =	sst s10  }
0x35: {  	s10 =	sld [smem:$0x3FAF];
	_ =	sdelay $0x3  }
0x36: {  	p1 =	seq.s32 s10, $0x1;
	s10 =	sld [smem:$0x3FB0];
	_ =	sdelay $0x3  }
0x37: {  	[smem:$0x3FB0] =	sst s10  }
0x38: {  	s10 =	sld [smem:$0x3FB1]  }
0x39: {  	_ = 	snop;
	(pc) =	sbr.ind lr, $3  }
0x3a: {  	_ = 	snop  }
0x3b: {  	_ = 	snop  }
0x3c: {  	p2 =	seq.s32 s10, $0x1;
	s10 =	sld [smem:$0x3FB0]  }
0x3d: {  	_ =	shalt  }
0x3e: {  	_ =	shalt  }
0x3f: {  	_ =	shalt  }
0x40: {  	_ =	shalt  }
0x41: {  	_ =	shalt  }
0x42: {  	_ =	shalt  }
0x43: {  	_ =	shalt  }
0x44: {  	_ =	shalt  }
0x45: {  	_ =	shalt  }
0x46: {  	_ =	shalt  }
0x47: {  	_ =	shalt  }
0x48: {  	_ =	shalt  }
0x49: {  	_ =	shalt  }
0x4a: {  	_ =	shalt  }
0x4b: {  	_ =	shalt  }
0x4c: {  	_ =	shalt  }
0x4d: {  	_ =	shalt  }
0x4e: {  	_ =	shalt  }
0x4f: {  	_ =	shalt  }
0x50: {  	_ =	shalt  }
0x51: {  	_ =	shalt  }
0x52: {  	_ =	shalt  }
0x53: {  	_ =	shalt  }
0x54: {  	_ =	shalt  }
0x55: {  	_ =	shalt  }
0x56: {  	_ =	shalt  }
0x57: {  	_ =	shalt  }
0x58: {  	_ =	shalt  }
0x59: {  	_ =	shalt  }
0x5a: {  	_ =	shalt  }
0x5b: {  	_ =	shalt  }
0x5c: {  	_ =	shalt  }
0x5d: {  	_ =	shalt  }
0x5e: {  	_ =	shalt  }
0x5f: {  	_ =	shalt  }
0x60: {  	_ =	shalt  }
0x61: {  	_ =	shalt  }
0x62: {  	_ =	shalt  }
0x63: {  	_ =	shalt  }
0x64: {  	_ =	shalt  }
0x65: {  	_ =	shalt  }
0x66: {  	_ =	shalt  }
0x67: {  	_ =	shalt  }
0x68: {  	_ =	shalt  }
0x69: {  	_ =	shalt  }
0x6a: {  	_ =	shalt  }
0x6b: {  	_ =	shalt  }
0x6c: {  	_ =	shalt  }
0x6d: {  	_ =	shalt  }
0x6e: {  	_ =	shalt  }
0x6f: {  	_ =	shalt  }
0x70: {  	_ =	shalt  }
0x71: {  	_ =	shalt  }
0x72: {  	_ =	shalt  }
0x73: {  	_ =	shalt  }
0x74: {  	_ =	shalt  }
0x75: {  	_ =	shalt  }
0x76: {  	_ =	shalt  }
0x77: {  	_ =	shalt  }
0x78: {  	_ =	shalt  }
0x79: {  	_ =	shalt  }
0x7a: {  	_ =	shalt  }
0x7b: {  	_ =	shalt  }
0x7c: {  	_ =	shalt  }
0x7d: {  	_ =	shalt  }
0x7e: {  	_ =	shalt  }
0x7f: {  	_ =	shalt  }
0x80: {  	_ =	shalt  }
0x81: {  	_ =	shalt  }
0x82: {  	_ =	shalt  }
0x83: {  	_ =	shalt  }
0x84: {  	_ =	shalt  }
0x85: {  	_ =	shalt  }
0x86: {  	_ =	shalt  }
0x87: {  	_ =	shalt  }
.Lfunc_end0:
.L_simem_size_0:
called_computation.2_lowered:
.L_overlay_start_0:
0x88: {  	s2 =	sld [smem:$0x3FD9]  }
0x89: {  	s3 =	sld [smem:$0x3FFE];
	_ =	sdelay $0x1  }
0x8a: {  	s1 =	srdreg.scid  }
0x8b: {  	s0 =	sand.u32 $0x1, s1  }
0x8c: {  	s16 =	sshll.u32 s0, $0xA;
	s2 =	sadd.s32 s3, s2  }
0x8d: {  	s2 =	sadd.s32 s2, s16  }
0x8e: {  	[smem:$0x3FBC] =	sst s2  }
0x8f: {  	_ = 	snop  }
0x90: {  	(tm) =	ssettm $0x1  }
0x91: {  	s17 =	sld [smem:$0x3FFB];
	_ =	sdelay $0x3  }
0x92: {  	_ =	strace s17  }
0x93: {  	s2 =	sld [smem:$0x3FFC];
	_ =	sdelay $0x3  }
0x94: {  	_ =	strace s2  }
0x95: {  	s2 =	sld [smem:$0x3FFD];
	_ =	sdelay $0x3  }
0x96: {  	_ =	strace s2  }
0x97: {  	_ =	strace $0x8FFFFFFF  }
0x98: {  	s18 =	sld [smem:$0x3FDB];
	_ =	sdelay $0x1  }
0x99: {  	s19 =	simm.s32 $_scs_section_size  }
0x9a: {  	s4 =	simm.s32 $_size__tile_overlayer_lowered;
	s5 =	simm.s32 $_tile_overlayer_lowered  }
0x9b: {  	s22 =	simm.s32 $0x1BFF;
	s21 =	sshll.u32 s5, $0x1;
	s2 =	sadd.s32 s19, s18  }
0x9c: {  	s6 =	simm.s32 $0x0;
	s20 =	sshll.u32 s4, $0x1;
	s4 =	sadd.s32 s21, s2  }
0x9d: {  	[timem:s6], [sflag:s22] =	dma.local [hbm:s4], s20  }
0x9e: {  	_ =	swait.ge [sflag:s22], s20  }
0x9f: {  	s3 =	ssub.s32 $0x0, s20;
	[sflag:s22] =	ssyncset.done $0x0  }
0xa0: {  	[sflag:s22] =	ssyncadd.s32 s3;
	_ =	sdelay $0x1  }
0xa1: {  	s23 =	simm.s32 $0x1B8B  }
0xa2: {  	_ =	swait.ge [sflag:s23], $0x1  }
0xa3: {  	[sflag:s23] =	ssyncset.done $0x0  }
0xa4: {  	s25 =	simm.s32 $0x1B8E;
	s24 =	sld [smem:$0x3FFE];
	[sflag:s23] =	ssyncadd.s32 $0xFFFFFFFF  }
0xa5: {  	s26 =	simm.s32 $execute0_lowered;
	[smem:$0x3FD2] =	sst s25  }
0xa6: {  	s4 =	sshll.u32 s26, $0x1;
	_ =	strace $0x8000004C;
	[dreg:$0x1] =	wrdreg $0xFFFFFFFF  }
0xa7: {  	s28 =	simm.s32 $_size_execute0_lowered;
	s2 =	sadd.s32 s2, s4;
	[dreg:$0x0] =	wrdreg $0x0  }
0xa8: {  	s4 =	sshll.u32 s28, $0x1;
	[dreg:$0x2] =	wrdreg s2  }
0xa9: {  	[dreg:$0x3] =	wrdreg s4  }
0xaa: {  	[dreg:$0x4] =	wrdreg $0xC0  }
0xab: {  	_ =	task [dreg:s6], $0x5FFFF  }
0xac: {  	[dreg:$0x1] =	wrdreg $0xFFFFFFFF  }
0xad: {  	[dreg:$0x0] =	wrdreg $0x60  }
0xae: {  	[dreg:$0x2] =	wrdreg s24  }
0xaf: {  	[dreg:$0x3] =	wrdreg $0x4F100  }
0xb0: {  	[dreg:$0x4] =	wrdreg $0x9  }
0xb1: {  	_ =	task.clear_ibuf [dreg:s6], $0x5FFFF;
	_ =	strace $0x9000004C  }
0xb2: {  	s29 =	simm.s32 $0x9;
	_ =	strace $0x8000004E  }
0xb3: {  	_ =	swait.ge [sflag:s29], $0x1  }
0xb4: {  	[sflag:s29] =	ssyncadd.s32 $0xFFFFFFFF  }
0xb5: {  	_ =	strace $0x9000004E  }
0xb6: {  	_ =	sfence  }
0xb7: {  	s30 =	sld [smem:$0x0];
	_ =	sdelay $0x2  }
0xb8: {  	s31 =	sshll.u32 s1, $0xD;
	s1 =	sshrl.u32 s1, $0x2  }
0xb9: {  	s3 =	sand.u32 $0x4000, s31;
	s1 =	sadd.s32 s1, s30  }
0xba: {  	s0 =	sor.u32 s3, s0;
	s1 =	sshll.u32 s1, $0x11  }
0xbb: {  	s0 =	sor.u32 s1, s0  }
0xbc: {  	s0 =	sadd.s32 $0x8F2B, s0  }
0xbd: {  	[sflag:s0] =	ssyncadd.remote.s32 $0x1  }
0xbe: {  	_ =	sfence.sel $0xFFFF  }
0xbf: {  	[dreg:$0x0] =	wrdreg $0xFFFFFFFF;
	(pc) =	sbr.abs _section_cstart, $3  }
0xc0: {  	[dreg:$0x1] =	wrdreg $0xFFFFFFFF  }
0xc1: {  	_ =	task.clear_ibuf [dreg:s6], $0x2FFFF;
	_ =	strace $0x9FFFFFFF  }
0xc2: {  	(tm) =	ssettm $0x7FFFFFFF  }
0xc3: {  	_ =	shalt  }
tec
execute0_lowered:
.L_overlay_start_1:
0x0: {  	(tag) =	ssettag $0x1  }
0x1: {  	s0 =	rddreg [dreg:$0x0]  }
0x2: {  	s1 =	rddreg [dreg:$0x1]  }
0x3: {  	s2 =	simm.s32 $0x0;
	s3 =	srdreg.scid;
	s28 =	stileid.u32  }
0x4: {  	s16 =	simm.s32 $0x3;
	s17 =	simm.s32 $0x50;
	s18 =	simm.s32 $0x2710  }
0x5: {  	s19 =	simm.s32 $0x3B10;
	s20 =	simm.s32 $0x1;
	s21 =	simm.s32 $0x1F40  }
0x6: {  	s22 =	simm.s32 $0x2;
	[smem:$0x7FF] =	sst s2;
	s4 =	sadd.s32 $0x34600, s0  }
0x7: {  	s9 =	sand.u32 $0x1, s3;
	s5 =	sadd.s32 $0x3600, s0;
	s7 =	smul.u32 $0xC350, s28  }
0x8: {  	s6 =	sadd.s32 $0x1BE00, s0;
	s8 =	sadd.s32 $0x96200, s0;
	s13 =	smul.u32 $0x18C00, s28  }
0x9: {  	s31 =	sshll.u32 s28, $0x6;
	s15 =	sshll.u32 s28, $0x4;
	s10 =	smul.u32 $0x31800, s9  }
0xa: {  	_ =	strace $0x8000004D;
	s11 =	ssub.s32 $0x2, s9;
	s23 =	smul.u32 $0x61A8, s9  }
0xb: {  	s24 =	sadd.s32 $0x61A8, s15;
	s15 =	simm.s32 $0x4;
	s29 =	sshrl.u32 s11, $0x1  }
0xc: {  	s30 =	sshrl.u32 s7, $0x3;
	s14 =	sadd.s32 s13, s1;
	s25 =	sshrl.u32 s13, $0x3  }
0xd: {  	s13 =	simm.s32 $0xFA0;
	s0 =	sadd.s32 s10, s0;
	s12 =	ssub.s32 s11, s29  }
0xe: {  	s9 =	sadd.s32 s5, s30;
	s10 =	sadd.s32 s6, s30;
	s11 =	sor.u32 $0x1C04, s31  }
0xf: {  	v1 =	vlaneseq.u32;
	s14 =	sshrl.u32 s14, $0x3;
	v0 =	vmov s23;
	s23 =	simm.s32 $0x26C0;
	s0 =	sadd.s32 $0x99400, s0  }
0x10: {  	v1 =	vadd.s32 s24, v1;
	s12 =	smax.u32 s12, $0x1;
	s24 =	sadd.s32 s25, s0;
	s25 =	simm.s32 $0x0  }
.LBB2_1:
0x11: {  	[tilespmem:s2], [sflag:$0x3] =	stream.linear.gather [hbm4b:s9+s2], $0x7D0, $0x38;
	[tilespmem:$0x1DB10] =	vst v63  }
0x12: {  	_ = 	snop  }
0x13: {  	[tilespmem:s13], [sflag:$0x3] =	stream.linear.gather [hbm4b:s10+s2], $0x7D0, $0x38;
	[tilespmem:$0x1DB10] =	vst v63  }
0x14: {  	[spmem:s14], [sflag:s11] =	dma.local [hbm:s8], $0x3180  }
0x15: {  	_ =	swait.ge [sflag:s15], $0x3180  }
0x16: {  	[sflag:s15] =	ssyncset.done $0x0  }
0x17: {  	[sflag:s15] =	ssyncadd.s32 $0xFFFFCE80  }
0x18: {  	s26 =	simm.s32 $0x0;
	[bflag:$0x0] =	sbarrier.arrive $0xFFFF  }
.LBB2_2:
0x19: {  	_ =	swait.ge [sflag:s16], $0x7D0;
	s0 =	smov.u32 s26  }
0x1a: {  	s26 =	sadd.s32 $0x1, s26;
	[sflag:s16] =	ssyncset.done $0x0;
	p0 =	seq.s32 s0, $0x18  }
0x1b: {  	[sflag:s16] =	ssyncadd.s32 $0xFFFFF830;
	s28 =	smul.u32 @!p0 $0x7D0, s26  }
0x1c: {  	s29 =	sand.u32 @!p0 $0x1, s26;
	s31 =	simm.s32 @!p0 $0x0;
	_ =	swait.ge [sflag:s16], $0x7D0  }
0x1d: {  	p1 =	seq.s32 @!p0 s29, $0x1;
	s29 =	simm.s32 @!p0 $0x7D0;
	s28 =	sadd.s32 @!p0 s7, s28  }
0x1e: {  	[sflag:s16] =	ssyncset.done $0x0;
	p1 =	por !p1, p0;
	s28 =	sshrl.u32 @!p0 s28, $0x3  }
0x1f: {  	[sflag:s16] =	ssyncadd.s32 $0xFFFFF830;
	s29 =	simm.s32 @p1 $0x0;
	s30 =	sadd.s32 @!p0 s5, s28  }
0x20: {  	[tilespmem:s29], [sflag:$0x3] =	stream.linear.gather @!p0 [hbm4b:s30+s31], $0x7D0, $0x38;
	[tilespmem:$0x1DB10] =	vst v63  }
0x21: {  	s0 =	sand.u32 $0x1, s0;
	s28 =	sadd.s32 @!p0 s6, s28;
	s29 =	sadd.s32 @!p0 $0xFA0, s29  }
0x22: {  	[tilespmem:s29], [sflag:$0x3] =	stream.linear.gather @!p0 [hbm4b:s28+s31], $0x7D0, $0x38;
	[tilespmem:$0x1DB10] =	vst v63  }
0x23: {  	p0 =	seq.s32 s0, $0x1;
	s28 =	simm.s32 $0x7D0  }
0x24: {  	s28 =	simm.s32 @!p0 $0x0  }
0x25: {  	v2 =	vld [tilespmem:s28+$0xFA0];
	_ =	sdelay $0x4  }
0x26: {  	v2 =	vsub.s32 v2, v0  }
0x27: {  	vm0 =	vlt.u32 v2, $0x61A8  }
0x28: {  	v2 =	vsel vm0, v2, v1  }
0x29: {  	[tilespmem:$0x1F40] =	vst v2  }
0x2a: {  	v2 =	vld [tilespmem:s28+$0xFB0];
	_ =	sdelay $0x4  }
0x2b: {  	v2 =	vsub.s32 v2, v0  }
0x2c: {  	vm14 =	vlt.u32 v2, $0x61A8  }
0x2d: {  	v2 =	vsel vm14, v2, v1  }
0x2e: {  	[tilespmem:$0x1F50] =	vst v2  }
0x2f: {  	v2 =	vld [tilespmem:s28+$0xFC0];
	_ =	sdelay $0x4  }
0x30: {  	v2 =	vsub.s32 v2, v0  }
0x31: {  	vm15 =	vlt.u32 v2, $0x61A8  }
0x32: {  	v2 =	vsel vm15, v2, v1  }
0x33: {  	[tilespmem:$0x1F60] =	vst v2  }
0x34: {  	v2 =	vld [tilespmem:s28+$0xFD0];
	_ =	sdelay $0x4  }
0x35: {  	v2 =	vsub.s32 v2, v0  }
0x36: {  	vm4 =	vlt.u32 v2, $0x61A8  }
0x37: {  	v2 =	vsel vm4, v2, v1  }
0x38: {  	[tilespmem:$0x1F70] =	vst v2  }
0x39: {  	v2 =	vld [tilespmem:s28+$0xFE0];
	_ =	sdelay $0x4  }
0x3a: {  	v2 =	vsub.s32 v2, v0  }
0x3b: {  	vm5 =	vlt.u32 v2, $0x61A8  }
0x3c: {  	v2 =	vsel vm5, v2, v1  }
0x3d: {  	[tilespmem:$0x1F80] =	vst v2  }
0x3e: {  	[tilespmem:s18], [sflag:$0x1] =	stream.indirect.gather [hbm4b:s4+s17], $0x40, s28, s17, $0xb8;
	[tilespmem:$0x1DB10] =	vst v63  }
0x3f: {  	s3 =	sadd.s32 $0x50, s28  }
0x40: {  	[tilespmem:s19], [sflag:$0x1] =	stream.indirect.gather [hbm4b:s4+s17], $0x40, s3, s17, $0xb8;
	[tilespmem:$0x1DB10] =	vst v63  }
0x41: {  	v2 =	vld [tilespmem:s28+$0xFF0];
	_ =	sdelay $0x4  }
0x42: {  	v2 =	vsub.s32 v2, v0  }
0x43: {  	vm6 =	vlt.u32 v2, $0x61A8  }
0x44: {  	v2 =	vsel vm6, v2, v1  }
0x45: {  	[tilespmem:$0x1F90] =	vst v2  }
0x46: {  	v2 =	vld [tilespmem:s28+$0x1000];
	_ =	sdelay $0x4  }
0x47: {  	v2 =	vsub.s32 v2, v0  }
0x48: {  	vm7 =	vlt.u32 v2, $0x61A8  }
0x49: {  	v2 =	vsel vm7, v2, v1  }
0x4a: {  	[tilespmem:$0x1FA0] =	vst v2  }
0x4b: {  	v2 =	vld [tilespmem:s28+$0x1010];
	_ =	sdelay $0x4  }
0x4c: {  	v2 =	vsub.s32 v2, v0  }
0x4d: {  	vm8 =	vlt.u32 v2, $0x61A8  }
0x4e: {  	v2 =	vsel vm8, v2, v1  }
0x4f: {  	[tilespmem:$0x1FB0] =	vst v2  }
0x50: {  	v2 =	vld [tilespmem:s28+$0x1020];
	_ =	sdelay $0x4  }
0x51: {  	v2 =	vsub.s32 v2, v0  }
0x52: {  	vm9 =	vlt.u32 v2, $0x61A8  }
0x53: {  	v2 =	vsel vm9, v2, v1  }
0x54: {  	[tilespmem:$0x1FC0] =	vst v2  }
0x55: {  	v2 =	vld [tilespmem:s28+$0x1030];
	_ =	sdelay $0x4  }
0x56: {  	v2 =	vsub.s32 v2, v0  }
0x57: {  	vm10 =	vlt.u32 v2, $0x61A8  }
0x58: {  	v2 =	vsel vm10, v2, v1  }
0x59: {  	[tilespmem:$0x1FD0] =	vst v2  }
0x5a: {  	_ =	swait.ge [sflag:s20], $0x1400  }
0x5b: {  	s29 =	simm.s32 $0x2;
	[sflag:s20] =	ssyncset.done $0x0  }
0x5c: {  	s3 =	sadd.s32 $0x1080, s28;
	s28 =	sadd.s32 $0xA0, s28;
	[sflag:s20] =	ssyncadd.s32 $0xFFFFEC00  }
0x5d: {  	v2 =	vmov s3;
	[spmem:s1] =	stream.indirect.scatter.add.f32 [tilespmem:s18], [sflag:$0x2], $0x40, s21, s17, $0xb8;
	[tilespmem:$0x1DB10] =	vst v63  }
0x5e: {  	s30 =	sadd.s32 $0x0, s28;
	s3 =	sand.u32 $0x1, s29;
	_ =	swait.ge [sflag:s22], $0x1400  }
0x5f: {  	s29 =	simm.s32 $0x3B10;
	p0 =	seq.s32 s3, $0x1;
	[sflag:s22] =	ssyncset.done $0x0  }
0x60: {  	s3 =	simm.s32 $0x0;
	s29 =	simm.s32 @!p0 $0x2710;
	[sflag:s22] =	ssyncadd.s32 $0xFFFFEC00  }
0x61: {  	[tilespmem:s29], [sflag:$0x1] =	stream.indirect.gather [hbm4b:s4+s17], $0x40, s30, s17, $0xb8;
	[tilespmem:$0x1DB10] =	vst v63  }
0x62: {  	v3 =	vld.idx.msk [tilespmem:v2+s3+$0xFFFFFFC0 ss:$0x1], $0xffff;
	_ =	sdelay $0x4  }
0x63: {  	v3 =	vsub.s32 v3, v0  }
0x64: {  	vm11 =	vlt.u32 v3, $0x61A8  }
0x65: {  	v3 =	vsel vm11, v3, v1  }
0x66: {  	[tilespmem:s3+$0x1FE0] =	vst v3  }
0x67: {  	v3 =	vld.idx.msk [tilespmem:v2+s3+$0xFFFFFFD0 ss:$0x1], $0xffff;
	_ =	sdelay $0x4  }
0x68: {  	v3 =	vsub.s32 v3, v0  }
0x69: {  	vm12 =	vlt.u32 v3, $0x61A8  }
0x6a: {  	v3 =	vsel vm12, v3, v1  }
0x6b: {  	[tilespmem:s3+$0x1FF0] =	vst v3  }
0x6c: {  	v3 =	vld.idx.msk [tilespmem:v2+s3+$0xFFFFFFE0 ss:$0x1], $0xffff;
	_ =	sdelay $0x4  }
0x6d: {  	v3 =	vsub.s32 v3, v0  }
0x6e: {  	vm13 =	vlt.u32 v3, $0x61A8  }
0x6f: {  	v3 =	vsel vm13, v3, v1  }
0x70: {  	[tilespmem:s3+$0x2000] =	vst v3  }
0x71: {  	v3 =	vld.idx.msk [tilespmem:v2+s3+$0xFFFFFFF0 ss:$0x1], $0xffff;
	_ =	sdelay $0x4  }
0x72: {  	v3 =	vsub.s32 v3, v0  }
0x73: {  	vm14 =	vlt.u32 v3, $0x61A8  }
0x74: {  	v3 =	vsel vm14, v3, v1  }
0x75: {  	[tilespmem:s3+$0x2010] =	vst v3  }
0x76: {  	v3 =	vld.idx.msk [tilespmem:v2+s3+$0x0 ss:$0x1], $0xffff;
	_ =	sdelay $0x4  }
0x77: {  	v3 =	vsub.s32 v3, v0  }
0x78: {  	vm15 =	vlt.u32 v3, $0x61A8  }
0x79: {  	v3 =	vsel vm15, v3, v1  }
0x7a: {  	[tilespmem:s3+$0x2020] =	vst v3  }
0x7b: {  	s0 =	simm.s32 $0x2710;
	_ =	swait.ge [sflag:s20], $0x1400  }
0x7c: {  	s31 =	simm.s32 $0x1F90;
	s0 =	simm.s32 @!p0 $0x3B10;
	[sflag:s20] =	ssyncset.done $0x0  }
0x7d: {  	s29 =	simm.s32 $0x140;
	s30 =	simm.s32 $0x3;
	[sflag:s20] =	ssyncadd.s32 $0xFFFFEC00  }
.LBB2_3:
0x7e: {  	[spmem:s1] =	stream.indirect.scatter.add.f32 [tilespmem:s0], [sflag:$0x2], $0x40, s31, s17, $0xb8;
	[tilespmem:$0x1DB10] =	vst v63  }
0x7f: {  	s0 =	sand.u32 $0x1, s30  }
0x80: {  	p0 =	sne.s32 s29, $0x1B80;
	s31 =	sshra.s32 s29, $0x2;
	_ =	swait.ge [sflag:s22], $0x1400  }
0x81: {  	p1 =	seq.s32 s0, $0x1;
	s0 =	simm.s32 $0x3B10;
	[sflag:s22] =	ssyncset.done $0x0  }
0x82: {  	s3 =	sadd.s32 s31, s28;
	s0 =	simm.s32 @!p1 $0x2710;
	[sflag:s22] =	ssyncadd.s32 $0xFFFFEC00  }
0x83: {  	[tilespmem:s0], [sflag:$0x1] =	stream.indirect.gather [hbm4b:s4+s17], $0x40, s3, s17, $0xb8;
	[tilespmem:$0x1DB10] =	vst v63  }
0x84: {  	s29 =	sadd.s32 $0x140, s29;
	v3 =	vld.idx.msk [tilespmem:v2+s31+$0xFFFFFFC0 ss:$0x1], $0xffff;
	_ =	sdelay $0x5  }
0x85: {  	v3 =	vsub.s32 v3, v0  }
0x86: {  	vm0 =	vlt.u32 v3, $0x61A8  }
0x87: {  	v3 =	vsel vm0, v3, v1  }
0x88: {  	[tilespmem:s31+$0x1FE0] =	vst v3  }
0x89: {  	v3 =	vld.idx.msk [tilespmem:v2+s31+$0xFFFFFFD0 ss:$0x1], $0xffff;
	_ =	sdelay $0x5  }
0x8a: {  	v3 =	vsub.s32 v3, v0  }
0x8b: {  	vm0 =	vlt.u32 v3, $0x61A8  }
0x8c: {  	v3 =	vsel vm0, v3, v1  }
0x8d: {  	[tilespmem:s31+$0x1FF0] =	vst v3  }
0x8e: {  	v3 =	vld.idx.msk [tilespmem:v2+s31+$0xFFFFFFE0 ss:$0x1], $0xffff;
	_ =	sdelay $0x5  }
0x8f: {  	v3 =	vsub.s32 v3, v0  }
0x90: {  	vm0 =	vlt.u32 v3, $0x61A8  }
0x91: {  	v3 =	vsel vm0, v3, v1  }
0x92: {  	[tilespmem:s31+$0x2000] =	vst v3  }
0x93: {  	v3 =	vld.idx.msk [tilespmem:v2+s31+$0xFFFFFFF0 ss:$0x1], $0xffff;
	_ =	sdelay $0x5  }
0x94: {  	v3 =	vsub.s32 v3, v0  }
0x95: {  	vm0 =	vlt.u32 v3, $0x61A8  }
0x96: {  	v3 =	vsel vm0, v3, v1  }
0x97: {  	[tilespmem:s31+$0x2010] =	vst v3  }
0x98: {  	v3 =	vld.idx.msk [tilespmem:v2+s31+$0x0 ss:$0x1], $0xffff;
	_ =	sdelay $0x5  }
0x99: {  	v3 =	vsub.s32 v3, v0  }
0x9a: {  	vm0 =	vlt.u32 v3, $0x61A8  }
.Ltmp0:
0x9b: {  	v3 =	vsel vm0, v3, v1;
	(pc) =	sbr.rel @p0 .LBB2_3-.Ltmp0, $4  }
0x9c: {  	[tilespmem:s31+$0x2020] =	vst v3  }
0x9d: {  	_ =	swait.ge [sflag:s20], $0x1400  }
0x9e: {  	s30 =	sadd.s32 $0x1, s30;
	s0 =	simm.s32 $0x2710;
	[sflag:s20] =	ssyncset.done $0x0  }
0x9f: {  	s0 =	simm.s32 @!p1 $0x3B10;
	s31 =	sadd.s32 $0x1F90, s31;
	[sflag:s20] =	ssyncadd.s32 $0xFFFFEC00  }
0xa0: {  	[spmem:s1] =	stream.indirect.scatter.add.f32 [tilespmem:s0], [sflag:$0x2], $0x40, s31, s17, $0xb8;
	[tilespmem:$0x1DB10] =	vst v63  }
0xa1: {  	_ =	swait.ge [sflag:s20], $0x1400  }
0xa2: {  	[sflag:s20] =	ssyncset.done $0x0  }
0xa3: {  	[sflag:s20] =	ssyncadd.s32 $0xFFFFEC00  }
0xa4: {  	[spmem:s1] =	stream.indirect.scatter.add.f32 [tilespmem:s18], [sflag:$0x2], $0x40, s23, s17, $0xb8;
	[tilespmem:$0x1DB10] =	vst v63  }
0xa5: {  	p0 =	sne.s32 s26, $0x19;
	_ =	swait.ge [sflag:s22], $0x1400  }
.Ltmp1:
0xa6: {  	[sflag:s22] =	ssyncset.done $0x0;
	(pc) =	sbr.rel @p0 .LBB2_2-.Ltmp1, $4  }
0xa7: {  	[sflag:s22] =	ssyncadd.s32 $0xFFFFEC00  }
0xa8: {  	_ =	swait.ge [sflag:s22], $0x1400  }
0xa9: {  	[sflag:s22] =	ssyncset.done $0x0  }
0xaa: {  	[sflag:s22] =	ssyncadd.s32 $0xFFFFEC00  }
0xab: {  	s25 =	sadd.s32 $0x1, s25  }
0xac: {  	p0 =	sne.s32 s25, s12  }
.Ltmp2:
0xad: {  	[bflag:$0x0] =	sbarrier.arrive $0xFFFF;
	(pc) =	sbr.rel @p0 .LBB2_1-.Ltmp2, $4  }
0xae: {  	[hbm:s24], [sflag:s11] =	dma.local [spmem:s14], $0x3180  }
0xaf: {  	_ =	swait.ge [sflag:s15], $0x3180  }
0xb0: {  	[sflag:s15] =	ssyncset.done $0x0  }
0xb1: {  	[sflag:s15] =	ssyncadd.s32 $0xFFFFCE80  }
0xb2: {  	_ =	sfence.sel $0x180000  }
0xb3: {  	[bflag:$0x0] =	sbarrier.arrive $0xFFFF  }
0xb4: {  	_ =	strace $0x9000004D  }
0xb5: {  	s0 =	stileid.u32;
	[bflag:$0x2] =	sbarrier.arrive $0xFFFF  }
0xb6: {  	p0 =	sne.s32 s0, $0x0;
	s0 =	rddreg [dreg:$0x2]  }
0xb7: {  	s0 =	sadd.s32 @!p0 $0x100000, s0  }
0xb8: {  	[sflag:s0] =	ssyncadd.tile.s32 @!p0 $0x1;
	_ =	shalt  }
.Lfunc_end2:
_tile_overlayer_lowered:
.L_overlay_start_2:
0xb9: {  	(tag) =	ssettag $0x2  }
0xba: {  	s0 =	rddreg [dreg:$0x0];
	s2 =	stileid.u32  }
0xbb: {  	s1 =	rddreg [dreg:$0x1];
	p0 =	sne.s32 s2, $0x0  }
0xbc: {  	s3 =	rddreg [dreg:$0x2];
	[bflag:$0x3] =	sbarrier.arrive $0xFFFF;
	s2 =	simm.s32 @!p0 $0x1C04  }
0xbd: {  	[timem:s3], [sflag:s2] =	dma.local @!p0 [hbm:s0], s1  }
0xbe: {  	s0 =	simm.s32 @!p0 $0x4  }
0xbf: {  	_ =	swait.ge @!p0 [sflag:s0], s1  }
0xc0: {  	s1 =	ssub.s32 @!p0 $0x0, s1;
	[sflag:s0] =	ssyncset.done @!p0 $0x0  }
0xc1: {  	[sflag:s0] =	ssyncadd.s32 @!p0 s1  }
0xc2: {  	[bflag:$0x3] =	sbarrier.arrive $0xFFFF  }
0xc3: {  	_ =	shalt  }

// kernel: kernel.21.cloned.1.call-start
scs
__scs_entry_jumppad:
0x0: {  	(pc) =	sbr.rel $0x88, $3  }
0x1: {  	(tag) =	ssettag $0x0;
	lr =	simm.s32 $0x1  }
0x2: {  	[smem:$0x3F95] =	sst lr;
	_ =	strace $0xD0000000  }
0x3: {  	_ = 	snop  }
0x4: {  	_ = 	snop  }
0x5: {  	_ = 	snop  }
0x6: {  	_ = 	snop  }
0x7: {  	_ = 	snop  }
__scs_overlays_trampoline_lowered:
0x8: {  	[smem:$0x3FA4] =	sst s0  }
0x9: {  	[smem:$0x3FA5] =	sst s1  }
0xa: {  	[smem:$0x3FA6] =	sst s2  }
0xb: {  	[smem:$0x3FA7] =	sst s3  }
0xc: {  	[smem:$0x3FA8] =	sst s4  }
0xd: {  	[smem:$0x3FA9] =	sst s5  }
0xe: {  	[smem:$0x3FAA] =	sst s6  }
0xf: {  	[smem:$0x3FAB] =	sst s7  }
0x10: {  	[smem:$0x3FAC] =	sst s8  }
0x11: {  	[smem:$0x3FAD] =	sst s9;
	s0 =	simm.s32 @!p0 $0x0  }
0x12: {  	s1 =	sld [smem:$0x3F93];
	s0 =	simm.s32 @p0 $0x1  }
0x13: {  	[smem:$0x3FAE] =	sst s0;
	s0 =	simm.s32 @!p1 $0x0  }
0x14: {  	s2 =	sld [smem:$0x3F92];
	s0 =	simm.s32 @p1 $0x1  }
0x15: {  	[smem:$0x3FAF] =	sst s0;
	s0 =	simm.s32 @!p2 $0x0  }
0x16: {  	s3 =	sld [smem:$0x3FDB];
	s0 =	simm.s32 @p2 $0x1  }
0x17: {  	s4 =	simm.s32 $0x1BF5;
	[smem:$0x3FB1] =	sst s0  }
0x18: {  	s0 =	sld [smem:$0x3F94];
	_ =	swait.ge [sflag:s4], $0x0  }
0x19: {  	s7 =	sld [smem:$0x3F95]  }
0x1a: {  	s8 =	sadd.s32 $0xFFFFE003, lr  }
0x1b: {  	s9 =	sadd.s32 $0xFFFFFEF7, lr;
	s5 =	simm.s32 $0xFFFFFFFF;
	p2 =	slt.u32 s8, $0xFFFFF086  }
0x1c: {  	p1 =	slt.u32 s9, $0xF7A;
	s5 =	simm.s32 @!p2 $0x0  }
0x1d: {  	s5 =	simm.s32 @p1 $0x1;
	p0 =	seq.s32 s7, s2  }
0x1e: {  	s7 =	smul.u32 @!p0 $0xF7A, s2;
	p2 =	seq.s32 @!p0 s5, $0x0  }
0x1f: {  	s9 =	smul.u32 $0xF7A, s1;
	s8 =	simm.s32 @!p0 $0x1BF5;
	p2 =	por !p2, p0  }
0x20: {  	[sflag:s8] =	ssyncset.s32 @!p0 $0xFFFFF086;
	s6 =	sadd.s32 @!p0 s3, s7;
	s7 =	simm.s32 @!p0 $0x108  }
0x21: {  	s3 =	sadd.s32 s3, s9;
	s6 =	sadd.s32 @!p0 $0x88, s6;
	s7 =	simm.s32 @p2 $0x1082  }
0x22: {  	[simem:s7], [sflag:s8] =	dma.local @!p0 [hbm:s6], $0xF7A  }
0x23: {  	s9 =	sor.u32 $0xD0000000, s2;
	s6 =	simm.s32 $0x108;
	_ =	swait.ge @!p0 [sflag:s8], $0x0  }
0x24: {  	s3 =	sadd.s32 $0x88, s3;
	s6 =	simm.s32 @!p1 $0x1082;
	[sflag:s4] =	ssyncset.s32 $0xFFFFF086  }
0x25: {  	[simem:s6], [sflag:s4] =	dma.local [hbm:s3], $0xF7A  }
0x26: {  	[smem:$0x3F95] =	sst s1;
	(tag) =	ssettag s2;
	_ =	strace s9  }
0x27: {  	s1 =	sld [smem:$0x3FA5]  }
0x28: {  	s2 =	sld [smem:$0x3FA6]  }
0x29: {  	s4 =	sld [smem:$0x3FA8]  }
0x2a: {  	p0 =	seq.s32 s5, $0x0;
	s5 =	sld [smem:$0x3FA9]  }
0x2b: {  	s6 =	sld [smem:$0x3FAA]  }
0x2c: {  	s7 =	sld [smem:$0x3FAB]  }
0x2d: {  	s3 =	simm.s32 $0x108;
	s8 =	sld [smem:$0x3FAC]  }
0x2e: {  	s3 =	simm.s32 @!p0 $0x1082;
	s9 =	sld [smem:$0x3FAD]  }
0x2f: {  	lr =	sadd.s32 s0, s3;
	s0 =	sld [smem:$0x3FA4]  }
0x30: {  	s3 =	sld [smem:$0x3FA7]  }
0x31: {  	[smem:$0x3FB0] =	sst s10  }
0x32: {  	s10 =	sld [smem:$0x3FAE];
	_ =	sdelay $0x3  }
0x33: {  	p0 =	seq.s32 s10, $0x1;
	s10 =	sld [smem:$0x3FB0];
	_ =	sdelay $0x3  }
0x34: {  	[smem:$0x3FB0] =	sst s10  }
0x35: {  	s10 =	sld [smem:$0x3FAF];
	_ =	sdelay $0x3  }
0x36: {  	p1 =	seq.s32 s10, $0x1;
	s10 =	sld [smem:$0x3FB0];
	_ =	sdelay $0x3  }
0x37: {  	[smem:$0x3FB0] =	sst s10  }
0x38: {  	s10 =	sld [smem:$0x3FB1]  }
0x39: {  	_ = 	snop;
	(pc) =	sbr.ind lr, $3  }
0x3a: {  	_ = 	snop  }
0x3b: {  	_ = 	snop  }
0x3c: {  	p2 =	seq.s32 s10, $0x1;
	s10 =	sld [smem:$0x3FB0]  }
0x3d: {  	_ =	shalt  }
0x3e: {  	_ =	shalt  }
0x3f: {  	_ =	shalt  }
0x40: {  	_ =	shalt  }
0x41: {  	_ =	shalt  }
0x42: {  	_ =	shalt  }
0x43: {  	_ =	shalt  }
0x44: {  	_ =	shalt  }
0x45: {  	_ =	shalt  }
0x46: {  	_ =	shalt  }
0x47: {  	_ =	shalt  }
0x48: {  	_ =	shalt  }
0x49: {  	_ =	shalt  }
0x4a: {  	_ =	shalt  }
0x4b: {  	_ =	shalt  }
0x4c: {  	_ =	shalt  }
0x4d: {  	_ =	shalt  }
0x4e: {  	_ =	shalt  }
0x4f: {  	_ =	shalt  }
0x50: {  	_ =	shalt  }
0x51: {  	_ =	shalt  }
0x52: {  	_ =	shalt  }
0x53: {  	_ =	shalt  }
0x54: {  	_ =	shalt  }
0x55: {  	_ =	shalt  }
0x56: {  	_ =	shalt  }
0x57: {  	_ =	shalt  }
0x58: {  	_ =	shalt  }
0x59: {  	_ =	shalt  }
0x5a: {  	_ =	shalt  }
0x5b: {  	_ =	shalt  }
0x5c: {  	_ =	shalt  }
0x5d: {  	_ =	shalt  }
0x5e: {  	_ =	shalt  }
0x5f: {  	_ =	shalt  }
0x60: {  	_ =	shalt  }
0x61: {  	_ =	shalt  }
0x62: {  	_ =	shalt  }
0x63: {  	_ =	shalt  }
0x64: {  	_ =	shalt  }
0x65: {  	_ =	shalt  }
0x66: {  	_ =	shalt  }
0x67: {  	_ =	shalt  }
0x68: {  	_ =	shalt  }
0x69: {  	_ =	shalt  }
0x6a: {  	_ =	shalt  }
0x6b: {  	_ =	shalt  }
0x6c: {  	_ =	shalt  }
0x6d: {  	_ =	shalt  }
0x6e: {  	_ =	shalt  }
0x6f: {  	_ =	shalt  }
0x70: {  	_ =	shalt  }
0x71: {  	_ =	shalt  }
0x72: {  	_ =	shalt  }
0x73: {  	_ =	shalt  }
0x74: {  	_ =	shalt  }
0x75: {  	_ =	shalt  }
0x76: {  	_ =	shalt  }
0x77: {  	_ =	shalt  }
0x78: {  	_ =	shalt  }
0x79: {  	_ =	shalt  }
0x7a: {  	_ =	shalt  }
0x7b: {  	_ =	shalt  }
0x7c: {  	_ =	shalt  }
0x7d: {  	_ =	shalt  }
0x7e: {  	_ =	shalt  }
0x7f: {  	_ =	shalt  }
0x80: {  	_ =	shalt  }
0x81: {  	_ =	shalt  }
0x82: {  	_ =	shalt  }
0x83: {  	_ =	shalt  }
0x84: {  	_ =	shalt  }
0x85: {  	_ =	shalt  }
0x86: {  	_ =	shalt  }
0x87: {  	_ =	shalt  }
.Lfunc_end0:
.L_simem_size_0:
called_computation.3_lowered:
.L_overlay_start_0:
0x88: {  	s2 =	sld [smem:$0x3FD9]  }
0x89: {  	s3 =	sld [smem:$0x3FFE];
	_ =	sdelay $0x1  }
0x8a: {  	s1 =	srdreg.scid  }
0x8b: {  	s0 =	sand.u32 $0x1, s1  }
0x8c: {  	s16 =	sshll.u32 s0, $0xA;
	s2 =	sadd.s32 s3, s2  }
0x8d: {  	s2 =	sadd.s32 s2, s16  }
0x8e: {  	[smem:$0x3FBC] =	sst s2  }
0x8f: {  	_ = 	snop  }
0x90: {  	(tm) =	ssettm $0x1  }
0x91: {  	s17 =	sld [smem:$0x3FFB];
	_ =	sdelay $0x3  }
0x92: {  	_ =	strace s17  }
0x93: {  	s2 =	sld [smem:$0x3FFC];
	_ =	sdelay $0x3  }
0x94: {  	_ =	strace s2  }
0x95: {  	s2 =	sld [smem:$0x3FFD];
	_ =	sdelay $0x3  }
0x96: {  	_ =	strace s2  }
0x97: {  	_ =	strace $0x8FFFFFFF  }
0x98: {  	s18 =	sld [smem:$0x3FDB];
	_ =	sdelay $0x1  }
0x99: {  	s19 =	simm.s32 $_scs_section_size  }
0x9a: {  	s4 =	simm.s32 $_size__tile_overlayer_lowered;
	s5 =	simm.s32 $_tile_overlayer_lowered  }
0x9b: {  	s22 =	simm.s32 $0x1BFF;
	s21 =	sshll.u32 s5, $0x1;
	s2 =	sadd.s32 s19, s18  }
0x9c: {  	s6 =	simm.s32 $0x0;
	s20 =	sshll.u32 s4, $0x1;
	s4 =	sadd.s32 s21, s2  }
0x9d: {  	[timem:s6], [sflag:s22] =	dma.local [hbm:s4], s20  }
0x9e: {  	_ =	swait.ge [sflag:s22], s20  }
0x9f: {  	s3 =	ssub.s32 $0x0, s20;
	[sflag:s22] =	ssyncset.done $0x0  }
0xa0: {  	[sflag:s22] =	ssyncadd.s32 s3;
	_ =	sdelay $0x1  }
0xa1: {  	s23 =	simm.s32 $0x1B8B  }
0xa2: {  	_ =	swait.ge [sflag:s23], $0x1  }
0xa3: {  	[sflag:s23] =	ssyncset.done $0x0  }
0xa4: {  	s25 =	simm.s32 $0x1B8E;
	s24 =	sld [smem:$0x3FFE];
	[sflag:s23] =	ssyncadd.s32 $0xFFFFFFFF  }
0xa5: {  	s26 =	simm.s32 $execute0_lowered;
	[smem:$0x3FD2] =	sst s25  }
0xa6: {  	s4 =	sshll.u32 s26, $0x1;
	_ =	strace $0x8000004F;
	[dreg:$0x1] =	wrdreg $0xFFFFFFFF  }
0xa7: {  	s28 =	simm.s32 $_size_execute0_lowered;
	s2 =	sadd.s32 s2, s4;
	[dreg:$0x0] =	wrdreg $0x0  }
0xa8: {  	s4 =	sshll.u32 s28, $0x1;
	[dreg:$0x2] =	wrdreg s2  }
0xa9: {  	[dreg:$0x3] =	wrdreg s4  }
0xaa: {  	[dreg:$0x4] =	wrdreg $0xC0  }
0xab: {  	_ =	task [dreg:s6], $0x5FFFF  }
0xac: {  	[dreg:$0x1] =	wrdreg $0xFFFFFFFF  }
0xad: {  	[dreg:$0x0] =	wrdreg $0x60  }
0xae: {  	[dreg:$0x2] =	wrdreg s24  }
0xaf: {  	[dreg:$0x3] =	wrdreg $0x4F100  }
0xb0: {  	[dreg:$0x4] =	wrdreg $0x9  }
0xb1: {  	_ =	task.clear_ibuf [dreg:s6], $0x5FFFF;
	_ =	strace $0x9000004F  }
0xb2: {  	s29 =	simm.s32 $0x9;
	_ =	strace $0x80000051  }
0xb3: {  	_ =	swait.ge [sflag:s29], $0x1  }
0xb4: {  	[sflag:s29] =	ssyncadd.s32 $0xFFFFFFFF  }
0xb5: {  	_ =	strace $0x90000051  }
0xb6: {  	_ =	sfence  }
0xb7: {  	s30 =	sld [smem:$0x0];
	_ =	sdelay $0x2  }
0xb8: {  	s31 =	sshll.u32 s1, $0xD;
	s1 =	sshrl.u32 s1, $0x2  }
0xb9: {  	s3 =	sand.u32 $0x4000, s31;
	s1 =	sadd.s32 s1, s30  }
0xba: {  	s0 =	sor.u32 s3, s0;
	s1 =	sshll.u32 s1, $0x11  }
0xbb: {  	s0 =	sor.u32 s1, s0  }
0xbc: {  	s0 =	sadd.s32 $0x8F2B, s0  }
0xbd: {  	[sflag:s0] =	ssyncadd.remote.s32 $0x1  }
0xbe: {  	_ =	sfence.sel $0xFFFF  }
0xbf: {  	[dreg:$0x0] =	wrdreg $0xFFFFFFFF;
	(pc) =	sbr.abs _section_cstart, $3  }
0xc0: {  	[dreg:$0x1] =	wrdreg $0xFFFFFFFF  }
0xc1: {  	_ =	task.clear_ibuf [dreg:s6], $0x2FFFF;
	_ =	strace $0x9FFFFFFF  }
0xc2: {  	(tm) =	ssettm $0x7FFFFFFF  }
0xc3: {  	_ =	shalt  }
tec
execute0_lowered:
.L_overlay_start_1:
0x0: {  	(tag) =	ssettag $0x1  }
0x1: {  	s0 =	rddreg [dreg:$0x0]  }
0x2: {  	s1 =	rddreg [dreg:$0x1]  }
0x3: {  	s2 =	simm.s32 $0x0;
	s3 =	srdreg.scid;
	s28 =	stileid.u32  }
0x4: {  	s16 =	simm.s32 $0x3;
	s17 =	simm.s32 $0x50;
	s18 =	simm.s32 $0x2710  }
0x5: {  	s19 =	simm.s32 $0x3B10;
	s20 =	simm.s32 $0x1;
	s21 =	simm.s32 $0x1F40  }
0x6: {  	s22 =	simm.s32 $0x2;
	[smem:$0x7FF] =	sst s2;
	s4 =	sadd.s32 $0x34600, s0  }
0x7: {  	s9 =	sand.u32 $0x1, s3;
	s5 =	sadd.s32 $0x3600, s0;
	s7 =	smul.u32 $0xC350, s28  }
0x8: {  	s6 =	sadd.s32 $0x1BE00, s0;
	s8 =	sadd.s32 $0x96200, s0;
	s13 =	smul.u32 $0x18C00, s28  }
0x9: {  	s31 =	sshll.u32 s28, $0x6;
	s15 =	sshll.u32 s28, $0x4;
	s10 =	smul.u32 $0x31800, s9  }
0xa: {  	_ =	strace $0x80000050;
	s11 =	ssub.s32 $0x2, s9;
	s23 =	smul.u32 $0x61A8, s9  }
0xb: {  	s24 =	sadd.s32 $0x61A8, s15;
	s15 =	simm.s32 $0x4;
	s29 =	sshrl.u32 s11, $0x1  }
0xc: {  	s30 =	sshrl.u32 s7, $0x3;
	s14 =	sadd.s32 s13, s1;
	s25 =	sshrl.u32 s13, $0x3  }
0xd: {  	s13 =	simm.s32 $0xFA0;
	s0 =	sadd.s32 s10, s0;
	s12 =	ssub.s32 s11, s29  }
0xe: {  	s9 =	sadd.s32 s5, s30;
	s10 =	sadd.s32 s6, s30;
	s11 =	sor.u32 $0x1C04, s31  }
0xf: {  	v1 =	vlaneseq.u32;
	s14 =	sshrl.u32 s14, $0x3;
	v0 =	vmov s23;
	s23 =	simm.s32 $0x26C0;
	s0 =	sadd.s32 $0x99400, s0  }
0x10: {  	v1 =	vadd.s32 s24, v1;
	s12 =	smax.u32 s12, $0x1;
	s24 =	sadd.s32 s25, s0;
	s25 =	simm.s32 $0x0  }
.LBB2_1:
0x11: {  	[tilespmem:s2], [sflag:$0x3] =	stream.linear.gather [hbm4b:s9+s2], $0x7D0, $0x38;
	[tilespmem:$0x1DB10] =	vst v63  }
0x12: {  	_ = 	snop  }
0x13: {  	[tilespmem:s13], [sflag:$0x3] =	stream.linear.gather [hbm4b:s10+s2], $0x7D0, $0x38;
	[tilespmem:$0x1DB10] =	vst v63  }
0x14: {  	[spmem:s14], [sflag:s11] =	dma.local [hbm:s8], $0x3180  }
0x15: {  	_ =	swait.ge [sflag:s15], $0x3180  }
0x16: {  	[sflag:s15] =	ssyncset.done $0x0  }
0x17: {  	[sflag:s15] =	ssyncadd.s32 $0xFFFFCE80  }
0x18: {  	s26 =	simm.s32 $0x0;
	[bflag:$0x0] =	sbarrier.arrive $0xFFFF  }
.LBB2_2:
0x19: {  	_ =	swait.ge [sflag:s16], $0x7D0;
	s0 =	smov.u32 s26  }
0x1a: {  	s26 =	sadd.s32 $0x1, s26;
	[sflag:s16] =	ssyncset.done $0x0;
	p0 =	seq.s32 s0, $0x18  }
0x1b: {  	[sflag:s16] =	ssyncadd.s32 $0xFFFFF830;
	s28 =	smul.u32 @!p0 $0x7D0, s26  }
0x1c: {  	s29 =	sand.u32 @!p0 $0x1, s26;
	s31 =	simm.s32 @!p0 $0x0;
	_ =	swait.ge [sflag:s16], $0x7D0  }
0x1d: {  	p1 =	seq.s32 @!p0 s29, $0x1;
	s29 =	simm.s32 @!p0 $0x7D0;
	s28 =	sadd.s32 @!p0 s7, s28  }
0x1e: {  	[sflag:s16] =	ssyncset.done $0x0;
	p1 =	por !p1, p0;
	s28 =	sshrl.u32 @!p0 s28, $0x3  }
0x1f: {  	[sflag:s16] =	ssyncadd.s32 $0xFFFFF830;
	s29 =	simm.s32 @p1 $0x0;
	s30 =	sadd.s32 @!p0 s5, s28  }
0x20: {  	[tilespmem:s29], [sflag:$0x3] =	stream.linear.gather @!p0 [hbm4b:s30+s31], $0x7D0, $0x38;
	[tilespmem:$0x1DB10] =	vst v63  }
0x21: {  	s0 =	sand.u32 $0x1, s0;
	s28 =	sadd.s32 @!p0 s6, s28;
	s29 =	sadd.s32 @!p0 $0xFA0, s29  }
0x22: {  	[tilespmem:s29], [sflag:$0x3] =	stream.linear.gather @!p0 [hbm4b:s28+s31], $0x7D0, $0x38;
	[tilespmem:$0x1DB10] =	vst v63  }
0x23: {  	p0 =	seq.s32 s0, $0x1;
	s28 =	simm.s32 $0x7D0  }
0x24: {  	s28 =	simm.s32 @!p0 $0x0  }
0x25: {  	v2 =	vld [tilespmem:s28+$0xFA0];
	_ =	sdelay $0x4  }
0x26: {  	v2 =	vsub.s32 v2, v0  }
0x27: {  	vm0 =	vlt.u32 v2, $0x61A8  }
0x28: {  	v2 =	vsel vm0, v2, v1  }
0x29: {  	[tilespmem:$0x1F40] =	vst v2  }
0x2a: {  	v2 =	vld [tilespmem:s28+$0xFB0];
	_ =	sdelay $0x4  }
0x2b: {  	v2 =	vsub.s32 v2, v0  }
0x2c: {  	vm14 =	vlt.u32 v2, $0x61A8  }
0x2d: {  	v2 =	vsel vm14, v2, v1  }
0x2e: {  	[tilespmem:$0x1F50] =	vst v2  }
0x2f: {  	v2 =	vld [tilespmem:s28+$0xFC0];
	_ =	sdelay $0x4  }
0x30: {  	v2 =	vsub.s32 v2, v0  }
0x31: {  	vm15 =	vlt.u32 v2, $0x61A8  }
0x32: {  	v2 =	vsel vm15, v2, v1  }
0x33: {  	[tilespmem:$0x1F60] =	vst v2  }
0x34: {  	v2 =	vld [tilespmem:s28+$0xFD0];
	_ =	sdelay $0x4  }
0x35: {  	v2 =	vsub.s32 v2, v0  }
0x36: {  	vm4 =	vlt.u32 v2, $0x61A8  }
0x37: {  	v2 =	vsel vm4, v2, v1  }
0x38: {  	[tilespmem:$0x1F70] =	vst v2  }
0x39: {  	v2 =	vld [tilespmem:s28+$0xFE0];
	_ =	sdelay $0x4  }
0x3a: {  	v2 =	vsub.s32 v2, v0  }
0x3b: {  	vm5 =	vlt.u32 v2, $0x61A8  }
0x3c: {  	v2 =	vsel vm5, v2, v1  }
0x3d: {  	[tilespmem:$0x1F80] =	vst v2  }
0x3e: {  	[tilespmem:s18], [sflag:$0x1] =	stream.indirect.gather [hbm4b:s4+s17], $0x40, s28, s17, $0xb8;
	[tilespmem:$0x1DB10] =	vst v63  }
0x3f: {  	s3 =	sadd.s32 $0x50, s28  }
0x40: {  	[tilespmem:s19], [sflag:$0x1] =	stream.indirect.gather [hbm4b:s4+s17], $0x40, s3, s17, $0xb8;
	[tilespmem:$0x1DB10] =	vst v63  }
0x41: {  	v2 =	vld [tilespmem:s28+$0xFF0];
	_ =	sdelay $0x4  }
0x42: {  	v2 =	vsub.s32 v2, v0  }
0x43: {  	vm6 =	vlt.u32 v2, $0x61A8  }
0x44: {  	v2 =	vsel vm6, v2, v1  }
0x45: {  	[tilespmem:$0x1F90] =	vst v2  }
0x46: {  	v2 =	vld [tilespmem:s28+$0x1000];
	_ =	sdelay $0x4  }
0x47: {  	v2 =	vsub.s32 v2, v0  }
0x48: {  	vm7 =	vlt.u32 v2, $0x61A8  }
0x49: {  	v2 =	vsel vm7, v2, v1  }
0x4a: {  	[tilespmem:$0x1FA0] =	vst v2  }
0x4b: {  	v2 =	vld [tilespmem:s28+$0x1010];
	_ =	sdelay $0x4  }
0x4c: {  	v2 =	vsub.s32 v2, v0  }
0x4d: {  	vm8 =	vlt.u32 v2, $0x61A8  }
0x4e: {  	v2 =	vsel vm8, v2, v1  }
0x4f: {  	[tilespmem:$0x1FB0] =	vst v2  }
0x50: {  	v2 =	vld [tilespmem:s28+$0x1020];
	_ =	sdelay $0x4  }
0x51: {  	v2 =	vsub.s32 v2, v0  }
0x52: {  	vm9 =	vlt.u32 v2, $0x61A8  }
0x53: {  	v2 =	vsel vm9, v2, v1  }
0x54: {  	[tilespmem:$0x1FC0] =	vst v2  }
0x55: {  	v2 =	vld [tilespmem:s28+$0x1030];
	_ =	sdelay $0x4  }
0x56: {  	v2 =	vsub.s32 v2, v0  }
0x57: {  	vm10 =	vlt.u32 v2, $0x61A8  }
0x58: {  	v2 =	vsel vm10, v2, v1  }
0x59: {  	[tilespmem:$0x1FD0] =	vst v2  }
0x5a: {  	_ =	swait.ge [sflag:s20], $0x1400  }
0x5b: {  	s29 =	simm.s32 $0x2;
	[sflag:s20] =	ssyncset.done $0x0  }
0x5c: {  	s3 =	sadd.s32 $0x1080, s28;
	s28 =	sadd.s32 $0xA0, s28;
	[sflag:s20] =	ssyncadd.s32 $0xFFFFEC00  }
0x5d: {  	v2 =	vmov s3;
	[spmem:s1] =	stream.indirect.scatter.add.f32 [tilespmem:s18], [sflag:$0x2], $0x40, s21, s17, $0xb8;
	[tilespmem:$0x1DB10] =	vst v63  }
0x5e: {  	s30 =	sadd.s32 $0x0, s28;
	s3 =	sand.u32 $0x1, s29;
	_ =	swait.ge [sflag:s22], $0x1400  }
0x5f: {  	s29 =	simm.s32 $0x3B10;
	p0 =	seq.s32 s3, $0x1;
	[sflag:s22] =	ssyncset.done $0x0  }
0x60: {  	s3 =	simm.s32 $0x0;
	s29 =	simm.s32 @!p0 $0x2710;
	[sflag:s22] =	ssyncadd.s32 $0xFFFFEC00  }
0x61: {  	[tilespmem:s29], [sflag:$0x1] =	stream.indirect.gather [hbm4b:s4+s17], $0x40, s30, s17, $0xb8;
	[tilespmem:$0x1DB10] =	vst v63  }
0x62: {  	v3 =	vld.idx.msk [tilespmem:v2+s3+$0xFFFFFFC0 ss:$0x1], $0xffff;
	_ =	sdelay $0x4  }
0x63: {  	v3 =	vsub.s32 v3, v0  }
0x64: {  	vm11 =	vlt.u32 v3, $0x61A8  }
0x65: {  	v3 =	vsel vm11, v3, v1  }
0x66: {  	[tilespmem:s3+$0x1FE0] =	vst v3  }
0x67: {  	v3 =	vld.idx.msk [tilespmem:v2+s3+$0xFFFFFFD0 ss:$0x1], $0xffff;
	_ =	sdelay $0x4  }
0x68: {  	v3 =	vsub.s32 v3, v0  }
0x69: {  	vm12 =	vlt.u32 v3, $0x61A8  }
0x6a: {  	v3 =	vsel vm12, v3, v1  }
0x6b: {  	[tilespmem:s3+$0x1FF0] =	vst v3  }
0x6c: {  	v3 =	vld.idx.msk [tilespmem:v2+s3+$0xFFFFFFE0 ss:$0x1], $0xffff;
	_ =	sdelay $0x4  }
0x6d: {  	v3 =	vsub.s32 v3, v0  }
0x6e: {  	vm13 =	vlt.u32 v3, $0x61A8  }
0x6f: {  	v3 =	vsel vm13, v3, v1  }
0x70: {  	[tilespmem:s3+$0x2000] =	vst v3  }
0x71: {  	v3 =	vld.idx.msk [tilespmem:v2+s3+$0xFFFFFFF0 ss:$0x1], $0xffff;
	_ =	sdelay $0x4  }
0x72: {  	v3 =	vsub.s32 v3, v0  }
0x73: {  	vm14 =	vlt.u32 v3, $0x61A8  }
0x74: {  	v3 =	vsel vm14, v3, v1  }
0x75: {  	[tilespmem:s3+$0x2010] =	vst v3  }
0x76: {  	v3 =	vld.idx.msk [tilespmem:v2+s3+$0x0 ss:$0x1], $0xffff;
	_ =	sdelay $0x4  }
0x77: {  	v3 =	vsub.s32 v3, v0  }
0x78: {  	vm15 =	vlt.u32 v3, $0x61A8  }
0x79: {  	v3 =	vsel vm15, v3, v1  }
0x7a: {  	[tilespmem:s3+$0x2020] =	vst v3  }
0x7b: {  	s0 =	simm.s32 $0x2710;
	_ =	swait.ge [sflag:s20], $0x1400  }
0x7c: {  	s31 =	simm.s32 $0x1F90;
	s0 =	simm.s32 @!p0 $0x3B10;
	[sflag:s20] =	ssyncset.done $0x0  }
0x7d: {  	s29 =	simm.s32 $0x140;
	s30 =	simm.s32 $0x3;
	[sflag:s20] =	ssyncadd.s32 $0xFFFFEC00  }
.LBB2_3:
0x7e: {  	[spmem:s1] =	stream.indirect.scatter.add.f32 [tilespmem:s0], [sflag:$0x2], $0x40, s31, s17, $0xb8;
	[tilespmem:$0x1DB10] =	vst v63  }
0x7f: {  	s0 =	sand.u32 $0x1, s30  }
0x80: {  	p0 =	sne.s32 s29, $0x1B80;
	s31 =	sshra.s32 s29, $0x2;
	_ =	swait.ge [sflag:s22], $0x1400  }
0x81: {  	p1 =	seq.s32 s0, $0x1;
	s0 =	simm.s32 $0x3B10;
	[sflag:s22] =	ssyncset.done $0x0  }
0x82: {  	s3 =	sadd.s32 s31, s28;
	s0 =	simm.s32 @!p1 $0x2710;
	[sflag:s22] =	ssyncadd.s32 $0xFFFFEC00  }
0x83: {  	[tilespmem:s0], [sflag:$0x1] =	stream.indirect.gather [hbm4b:s4+s17], $0x40, s3, s17, $0xb8;
	[tilespmem:$0x1DB10] =	vst v63  }
0x84: {  	s29 =	sadd.s32 $0x140, s29;
	v3 =	vld.idx.msk [tilespmem:v2+s31+$0xFFFFFFC0 ss:$0x1], $0xffff;
	_ =	sdelay $0x5  }
0x85: {  	v3 =	vsub.s32 v3, v0  }
0x86: {  	vm0 =	vlt.u32 v3, $0x61A8  }
0x87: {  	v3 =	vsel vm0, v3, v1  }
0x88: {  	[tilespmem:s31+$0x1FE0] =	vst v3  }
0x89: {  	v3 =	vld.idx.msk [tilespmem:v2+s31+$0xFFFFFFD0 ss:$0x1], $0xffff;
	_ =	sdelay $0x5  }
0x8a: {  	v3 =	vsub.s32 v3, v0  }
0x8b: {  	vm0 =	vlt.u32 v3, $0x61A8  }
0x8c: {  	v3 =	vsel vm0, v3, v1  }
0x8d: {  	[tilespmem:s31+$0x1FF0] =	vst v3  }
0x8e: {  	v3 =	vld.idx.msk [tilespmem:v2+s31+$0xFFFFFFE0 ss:$0x1], $0xffff;
	_ =	sdelay $0x5  }
0x8f: {  	v3 =	vsub.s32 v3, v0  }
0x90: {  	vm0 =	vlt.u32 v3, $0x61A8  }
0x91: {  	v3 =	vsel vm0, v3, v1  }
0x92: {  	[tilespmem:s31+$0x2000] =	vst v3  }
0x93: {  	v3 =	vld.idx.msk [tilespmem:v2+s31+$0xFFFFFFF0 ss:$0x1], $0xffff;
	_ =	sdelay $0x5  }
0x94: {  	v3 =	vsub.s32 v3, v0  }
0x95: {  	vm0 =	vlt.u32 v3, $0x61A8  }
0x96: {  	v3 =	vsel vm0, v3, v1  }
0x97: {  	[tilespmem:s31+$0x2010] =	vst v3  }
0x98: {  	v3 =	vld.idx.msk [tilespmem:v2+s31+$0x0 ss:$0x1], $0xffff;
	_ =	sdelay $0x5  }
0x99: {  	v3 =	vsub.s32 v3, v0  }
0x9a: {  	vm0 =	vlt.u32 v3, $0x61A8  }
.Ltmp0:
0x9b: {  	v3 =	vsel vm0, v3, v1;
	(pc) =	sbr.rel @p0 .LBB2_3-.Ltmp0, $4  }
0x9c: {  	[tilespmem:s31+$0x2020] =	vst v3  }
0x9d: {  	_ =	swait.ge [sflag:s20], $0x1400  }
0x9e: {  	s30 =	sadd.s32 $0x1, s30;
	s0 =	simm.s32 $0x2710;
	[sflag:s20] =	ssyncset.done $0x0  }
0x9f: {  	s0 =	simm.s32 @!p1 $0x3B10;
	s31 =	sadd.s32 $0x1F90, s31;
	[sflag:s20] =	ssyncadd.s32 $0xFFFFEC00  }
0xa0: {  	[spmem:s1] =	stream.indirect.scatter.add.f32 [tilespmem:s0], [sflag:$0x2], $0x40, s31, s17, $0xb8;
	[tilespmem:$0x1DB10] =	vst v63  }
0xa1: {  	_ =	swait.ge [sflag:s20], $0x1400  }
0xa2: {  	[sflag:s20] =	ssyncset.done $0x0  }
0xa3: {  	[sflag:s20] =	ssyncadd.s32 $0xFFFFEC00  }
0xa4: {  	[spmem:s1] =	stream.indirect.scatter.add.f32 [tilespmem:s18], [sflag:$0x2], $0x40, s23, s17, $0xb8;
	[tilespmem:$0x1DB10] =	vst v63  }
0xa5: {  	p0 =	sne.s32 s26, $0x19;
	_ =	swait.ge [sflag:s22], $0x1400  }
.Ltmp1:
0xa6: {  	[sflag:s22] =	ssyncset.done $0x0;
	(pc) =	sbr.rel @p0 .LBB2_2-.Ltmp1, $4  }
0xa7: {  	[sflag:s22] =	ssyncadd.s32 $0xFFFFEC00  }
0xa8: {  	_ =	swait.ge [sflag:s22], $0x1400  }
0xa9: {  	[sflag:s22] =	ssyncset.done $0x0  }
0xaa: {  	[sflag:s22] =	ssyncadd.s32 $0xFFFFEC00  }
0xab: {  	s25 =	sadd.s32 $0x1, s25  }
0xac: {  	p0 =	sne.s32 s25, s12  }
.Ltmp2:
0xad: {  	[bflag:$0x0] =	sbarrier.arrive $0xFFFF;
	(pc) =	sbr.rel @p0 .LBB2_1-.Ltmp2, $4  }
0xae: {  	[hbm:s24], [sflag:s11] =	dma.local [spmem:s14], $0x3180  }
0xaf: {  	_ =	swait.ge [sflag:s15], $0x3180  }
0xb0: {  	[sflag:s15] =	ssyncset.done $0x0  }
0xb1: {  	[sflag:s15] =	ssyncadd.s32 $0xFFFFCE80  }
0xb2: {  	_ =	sfence.sel $0x180000  }
0xb3: {  	[bflag:$0x0] =	sbarrier.arrive $0xFFFF  }
0xb4: {  	_ =	strace $0x90000050  }
0xb5: {  	s0 =	stileid.u32;
	[bflag:$0x2] =	sbarrier.arrive $0xFFFF  }
0xb6: {  	p0 =	sne.s32 s0, $0x0;
	s0 =	rddreg [dreg:$0x2]  }
0xb7: {  	s0 =	sadd.s32 @!p0 $0x100000, s0  }
0xb8: {  	[sflag:s0] =	ssyncadd.tile.s32 @!p0 $0x1;
	_ =	shalt  }
.Lfunc_end2:
_tile_overlayer_lowered:
.L_overlay_start_2:
0xb9: {  	(tag) =	ssettag $0x2  }
0xba: {  	s0 =	rddreg [dreg:$0x0];
	s2 =	stileid.u32  }
0xbb: {  	s1 =	rddreg [dreg:$0x1];
	p0 =	sne.s32 s2, $0x0  }
0xbc: {  	s3 =	rddreg [dreg:$0x2];
	[bflag:$0x3] =	sbarrier.arrive $0xFFFF;
	s2 =	simm.s32 @!p0 $0x1C04  }
0xbd: {  	[timem:s3], [sflag:s2] =	dma.local @!p0 [hbm:s0], s1  }
0xbe: {  	s0 =	simm.s32 @!p0 $0x4  }
0xbf: {  	_ =	swait.ge @!p0 [sflag:s0], s1  }
0xc0: {  	s1 =	ssub.s32 @!p0 $0x0, s1;
	[sflag:s0] =	ssyncset.done @!p0 $0x0  }
0xc1: {  	[sflag:s0] =	ssyncadd.s32 @!p0 s1  }
0xc2: {  	[bflag:$0x3] =	sbarrier.arrive $0xFFFF  }
0xc3: {  	_ =	shalt  }

// kernel: kernel.24.cloned.1.call-start
scs
__scs_entry_jumppad:
0x0: {  	(pc) =	sbr.rel $0x88, $3  }
0x1: {  	(tag) =	ssettag $0x0;
	lr =	simm.s32 $0x1  }
0x2: {  	[smem:$0x3F95] =	sst lr;
	_ =	strace $0xD0000000  }
0x3: {  	_ = 	snop  }
0x4: {  	_ = 	snop  }
0x5: {  	_ = 	snop  }
0x6: {  	_ = 	snop  }
0x7: {  	_ = 	snop  }
__scs_overlays_trampoline_lowered:
0x8: {  	[smem:$0x3FA4] =	sst s0  }
0x9: {  	[smem:$0x3FA5] =	sst s1  }
0xa: {  	[smem:$0x3FA6] =	sst s2  }
0xb: {  	[smem:$0x3FA7] =	sst s3  }
0xc: {  	[smem:$0x3FA8] =	sst s4  }
0xd: {  	[smem:$0x3FA9] =	sst s5  }
0xe: {  	[smem:$0x3FAA] =	sst s6  }
0xf: {  	[smem:$0x3FAB] =	sst s7  }
0x10: {  	[smem:$0x3FAC] =	sst s8  }
0x11: {  	[smem:$0x3FAD] =	sst s9;
	s0 =	simm.s32 @!p0 $0x0  }
0x12: {  	s1 =	sld [smem:$0x3F93];
	s0 =	simm.s32 @p0 $0x1  }
0x13: {  	[smem:$0x3FAE] =	sst s0;
	s0 =	simm.s32 @!p1 $0x0  }
0x14: {  	s2 =	sld [smem:$0x3F92];
	s0 =	simm.s32 @p1 $0x1  }
0x15: {  	[smem:$0x3FAF] =	sst s0;
	s0 =	simm.s32 @!p2 $0x0  }
0x16: {  	s3 =	sld [smem:$0x3FDB];
	s0 =	simm.s32 @p2 $0x1  }
0x17: {  	s4 =	simm.s32 $0x1BF5;
	[smem:$0x3FB1] =	sst s0  }
0x18: {  	s0 =	sld [smem:$0x3F94];
	_ =	swait.ge [sflag:s4], $0x0  }
0x19: {  	s7 =	sld [smem:$0x3F95]  }
0x1a: {  	s8 =	sadd.s32 $0xFFFFE003, lr  }
0x1b: {  	s9 =	sadd.s32 $0xFFFFFEF7, lr;
	s5 =	simm.s32 $0xFFFFFFFF;
	p2 =	slt.u32 s8, $0xFFFFF086  }
0x1c: {  	p1 =	slt.u32 s9, $0xF7A;
	s5 =	simm.s32 @!p2 $0x0  }
0x1d: {  	s5 =	simm.s32 @p1 $0x1;
	p0 =	seq.s32 s7, s2  }
0x1e: {  	s7 =	smul.u32 @!p0 $0xF7A, s2;
	p2 =	seq.s32 @!p0 s5, $0x0  }
0x1f: {  	s9 =	smul.u32 $0xF7A, s1;
	s8 =	simm.s32 @!p0 $0x1BF5;
	p2 =	por !p2, p0  }
0x20: {  	[sflag:s8] =	ssyncset.s32 @!p0 $0xFFFFF086;
	s6 =	sadd.s32 @!p0 s3, s7;
	s7 =	simm.s32 @!p0 $0x108  }
0x21: {  	s3 =	sadd.s32 s3, s9;
	s6 =	sadd.s32 @!p0 $0x88, s6;
	s7 =	simm.s32 @p2 $0x1082  }
0x22: {  	[simem:s7], [sflag:s8] =	dma.local @!p0 [hbm:s6], $0xF7A  }
0x23: {  	s9 =	sor.u32 $0xD0000000, s2;
	s6 =	simm.s32 $0x108;
	_ =	swait.ge @!p0 [sflag:s8], $0x0  }
0x24: {  	s3 =	sadd.s32 $0x88, s3;
	s6 =	simm.s32 @!p1 $0x1082;
	[sflag:s4] =	ssyncset.s32 $0xFFFFF086  }
0x25: {  	[simem:s6], [sflag:s4] =	dma.local [hbm:s3], $0xF7A  }
0x26: {  	[smem:$0x3F95] =	sst s1;
	(tag) =	ssettag s2;
	_ =	strace s9  }
0x27: {  	s1 =	sld [smem:$0x3FA5]  }
0x28: {  	s2 =	sld [smem:$0x3FA6]  }
0x29: {  	s4 =	sld [smem:$0x3FA8]  }
0x2a: {  	p0 =	seq.s32 s5, $0x0;
	s5 =	sld [smem:$0x3FA9]  }
0x2b: {  	s6 =	sld [smem:$0x3FAA]  }
0x2c: {  	s7 =	sld [smem:$0x3FAB]  }
0x2d: {  	s3 =	simm.s32 $0x108;
	s8 =	sld [smem:$0x3FAC]  }
0x2e: {  	s3 =	simm.s32 @!p0 $0x1082;
	s9 =	sld [smem:$0x3FAD]  }
0x2f: {  	lr =	sadd.s32 s0, s3;
	s0 =	sld [smem:$0x3FA4]  }
0x30: {  	s3 =	sld [smem:$0x3FA7]  }
0x31: {  	[smem:$0x3FB0] =	sst s10  }
0x32: {  	s10 =	sld [smem:$0x3FAE];
	_ =	sdelay $0x3  }
0x33: {  	p0 =	seq.s32 s10, $0x1;
	s10 =	sld [smem:$0x3FB0];
	_ =	sdelay $0x3  }
0x34: {  	[smem:$0x3FB0] =	sst s10  }
0x35: {  	s10 =	sld [smem:$0x3FAF];
	_ =	sdelay $0x3  }
0x36: {  	p1 =	seq.s32 s10, $0x1;
	s10 =	sld [smem:$0x3FB0];
	_ =	sdelay $0x3  }
0x37: {  	[smem:$0x3FB0] =	sst s10  }
0x38: {  	s10 =	sld [smem:$0x3FB1]  }
0x39: {  	_ = 	snop;
	(pc) =	sbr.ind lr, $3  }
0x3a: {  	_ = 	snop  }
0x3b: {  	_ = 	snop  }
0x3c: {  	p2 =	seq.s32 s10, $0x1;
	s10 =	sld [smem:$0x3FB0]  }
0x3d: {  	_ =	shalt  }
0x3e: {  	_ =	shalt  }
0x3f: {  	_ =	shalt  }
0x40: {  	_ =	shalt  }
0x41: {  	_ =	shalt  }
0x42: {  	_ =	shalt  }
0x43: {  	_ =	shalt  }
0x44: {  	_ =	shalt  }
0x45: {  	_ =	shalt  }
0x46: {  	_ =	shalt  }
0x47: {  	_ =	shalt  }
0x48: {  	_ =	shalt  }
0x49: {  	_ =	shalt  }
0x4a: {  	_ =	shalt  }
0x4b: {  	_ =	shalt  }
0x4c: {  	_ =	shalt  }
0x4d: {  	_ =	shalt  }
0x4e: {  	_ =	shalt  }
0x4f: {  	_ =	shalt  }
0x50: {  	_ =	shalt  }
0x51: {  	_ =	shalt  }
0x52: {  	_ =	shalt  }
0x53: {  	_ =	shalt  }
0x54: {  	_ =	shalt  }
0x55: {  	_ =	shalt  }
0x56: {  	_ =	shalt  }
0x57: {  	_ =	shalt  }
0x58: {  	_ =	shalt  }
0x59: {  	_ =	shalt  }
0x5a: {  	_ =	shalt  }
0x5b: {  	_ =	shalt  }
0x5c: {  	_ =	shalt  }
0x5d: {  	_ =	shalt  }
0x5e: {  	_ =	shalt  }
0x5f: {  	_ =	shalt  }
0x60: {  	_ =	shalt  }
0x61: {  	_ =	shalt  }
0x62: {  	_ =	shalt  }
0x63: {  	_ =	shalt  }
0x64: {  	_ =	shalt  }
0x65: {  	_ =	shalt  }
0x66: {  	_ =	shalt  }
0x67: {  	_ =	shalt  }
0x68: {  	_ =	shalt  }
0x69: {  	_ =	shalt  }
0x6a: {  	_ =	shalt  }
0x6b: {  	_ =	shalt  }
0x6c: {  	_ =	shalt  }
0x6d: {  	_ =	shalt  }
0x6e: {  	_ =	shalt  }
0x6f: {  	_ =	shalt  }
0x70: {  	_ =	shalt  }
0x71: {  	_ =	shalt  }
0x72: {  	_ =	shalt  }
0x73: {  	_ =	shalt  }
0x74: {  	_ =	shalt  }
0x75: {  	_ =	shalt  }
0x76: {  	_ =	shalt  }
0x77: {  	_ =	shalt  }
0x78: {  	_ =	shalt  }
0x79: {  	_ =	shalt  }
0x7a: {  	_ =	shalt  }
0x7b: {  	_ =	shalt  }
0x7c: {  	_ =	shalt  }
0x7d: {  	_ =	shalt  }
0x7e: {  	_ =	shalt  }
0x7f: {  	_ =	shalt  }
0x80: {  	_ =	shalt  }
0x81: {  	_ =	shalt  }
0x82: {  	_ =	shalt  }
0x83: {  	_ =	shalt  }
0x84: {  	_ =	shalt  }
0x85: {  	_ =	shalt  }
0x86: {  	_ =	shalt  }
0x87: {  	_ =	shalt  }
.Lfunc_end0:
.L_simem_size_0:
called_computation.4_lowered:
.L_overlay_start_0:
0x88: {  	s2 =	sld [smem:$0x3FD9]  }
0x89: {  	s3 =	sld [smem:$0x3FFE];
	_ =	sdelay $0x1  }
0x8a: {  	s1 =	srdreg.scid  }
0x8b: {  	s0 =	sand.u32 $0x1, s1  }
0x8c: {  	s16 =	sshll.u32 s0, $0xA;
	s2 =	sadd.s32 s3, s2  }
0x8d: {  	s2 =	sadd.s32 s2, s16  }
0x8e: {  	[smem:$0x3FBC] =	sst s2  }
0x8f: {  	_ = 	snop  }
0x90: {  	(tm) =	ssettm $0x1  }
0x91: {  	s17 =	sld [smem:$0x3FFB];
	_ =	sdelay $0x3  }
0x92: {  	_ =	strace s17  }
0x93: {  	s2 =	sld [smem:$0x3FFC];
	_ =	sdelay $0x3  }
0x94: {  	_ =	strace s2  }
0x95: {  	s2 =	sld [smem:$0x3FFD];
	_ =	sdelay $0x3  }
0x96: {  	_ =	strace s2  }
0x97: {  	_ =	strace $0x8FFFFFFF  }
0x98: {  	s18 =	sld [smem:$0x3FDB];
	_ =	sdelay $0x1  }
0x99: {  	s19 =	simm.s32 $_scs_section_size  }
0x9a: {  	s4 =	simm.s32 $_size__tile_overlayer_lowered;
	s5 =	simm.s32 $_tile_overlayer_lowered  }
0x9b: {  	s22 =	simm.s32 $0x1BFF;
	s21 =	sshll.u32 s5, $0x1;
	s2 =	sadd.s32 s19, s18  }
0x9c: {  	s6 =	simm.s32 $0x0;
	s20 =	sshll.u32 s4, $0x1;
	s4 =	sadd.s32 s21, s2  }
0x9d: {  	[timem:s6], [sflag:s22] =	dma.local [hbm:s4], s20  }
0x9e: {  	_ =	swait.ge [sflag:s22], s20  }
0x9f: {  	s3 =	ssub.s32 $0x0, s20;
	[sflag:s22] =	ssyncset.done $0x0  }
0xa0: {  	[sflag:s22] =	ssyncadd.s32 s3;
	_ =	sdelay $0x1  }
0xa1: {  	s23 =	simm.s32 $0x1B8B  }
0xa2: {  	_ =	swait.ge [sflag:s23], $0x1  }
0xa3: {  	[sflag:s23] =	ssyncset.done $0x0  }
0xa4: {  	s25 =	simm.s32 $0x1B8E;
	s24 =	sld [smem:$0x3FFE];
	[sflag:s23] =	ssyncadd.s32 $0xFFFFFFFF  }
0xa5: {  	s26 =	simm.s32 $execute0_lowered;
	[smem:$0x3FD2] =	sst s25  }
0xa6: {  	s4 =	sshll.u32 s26, $0x1;
	_ =	strace $0x80000052;
	[dreg:$0x1] =	wrdreg $0xFFFFFFFF  }
0xa7: {  	s28 =	simm.s32 $_size_execute0_lowered;
	s2 =	sadd.s32 s2, s4;
	[dreg:$0x0] =	wrdreg $0x0  }
0xa8: {  	s4 =	sshll.u32 s28, $0x1;
	[dreg:$0x2] =	wrdreg s2  }
0xa9: {  	[dreg:$0x3] =	wrdreg s4  }
0xaa: {  	[dreg:$0x4] =	wrdreg $0xC0  }
0xab: {  	_ =	task [dreg:s6], $0x5FFFF  }
0xac: {  	[dreg:$0x1] =	wrdreg $0xFFFFFFFF  }
0xad: {  	[dreg:$0x0] =	wrdreg $0x60  }
0xae: {  	[dreg:$0x2] =	wrdreg s24  }
0xaf: {  	[dreg:$0x3] =	wrdreg $0x4F100  }
0xb0: {  	[dreg:$0x4] =	wrdreg $0x9  }
0xb1: {  	_ =	task.clear_ibuf [dreg:s6], $0x5FFFF;
	_ =	strace $0x90000052  }
0xb2: {  	s29 =	simm.s32 $0x9;
	_ =	strace $0x80000054  }
0xb3: {  	_ =	swait.ge [sflag:s29], $0x1  }
0xb4: {  	[sflag:s29] =	ssyncadd.s32 $0xFFFFFFFF  }
0xb5: {  	_ =	strace $0x90000054  }
0xb6: {  	_ =	sfence  }
0xb7: {  	s30 =	sld [smem:$0x0];
	_ =	sdelay $0x2  }
0xb8: {  	s31 =	sshll.u32 s1, $0xD;
	s1 =	sshrl.u32 s1, $0x2  }
0xb9: {  	s3 =	sand.u32 $0x4000, s31;
	s1 =	sadd.s32 s1, s30  }
0xba: {  	s0 =	sor.u32 s3, s0;
	s1 =	sshll.u32 s1, $0x11  }
0xbb: {  	s0 =	sor.u32 s1, s0  }
0xbc: {  	s0 =	sadd.s32 $0x8F2B, s0  }
0xbd: {  	[sflag:s0] =	ssyncadd.remote.s32 $0x1  }
0xbe: {  	_ =	sfence.sel $0xFFFF  }
0xbf: {  	[dreg:$0x0] =	wrdreg $0xFFFFFFFF;
	(pc) =	sbr.abs _section_cstart, $3  }
0xc0: {  	[dreg:$0x1] =	wrdreg $0xFFFFFFFF  }
0xc1: {  	_ =	task.clear_ibuf [dreg:s6], $0x2FFFF;
	_ =	strace $0x9FFFFFFF  }
0xc2: {  	(tm) =	ssettm $0x7FFFFFFF  }
0xc3: {  	_ =	shalt  }
tec
execute0_lowered:
.L_overlay_start_1:
0x0: {  	(tag) =	ssettag $0x1  }
0x1: {  	s0 =	rddreg [dreg:$0x0]  }
0x2: {  	s1 =	rddreg [dreg:$0x1]  }
0x3: {  	s2 =	simm.s32 $0x0;
	s3 =	srdreg.scid;
	s28 =	stileid.u32  }
0x4: {  	s16 =	simm.s32 $0x3;
	s17 =	simm.s32 $0x50;
	s18 =	simm.s32 $0x2710  }
0x5: {  	s19 =	simm.s32 $0x3B10;
	s20 =	simm.s32 $0x1;
	s21 =	simm.s32 $0x1F40  }
0x6: {  	s22 =	simm.s32 $0x2;
	[smem:$0x7FF] =	sst s2;
	s4 =	sadd.s32 $0x34600, s0  }
0x7: {  	s9 =	sand.u32 $0x1, s3;
	s5 =	sadd.s32 $0x3600, s0;
	s7 =	smul.u32 $0xC350, s28  }
0x8: {  	s6 =	sadd.s32 $0x1BE00, s0;
	s8 =	sadd.s32 $0x96200, s0;
	s13 =	smul.u32 $0x18C00, s28  }
0x9: {  	s31 =	sshll.u32 s28, $0x6;
	s15 =	sshll.u32 s28, $0x4;
	s10 =	smul.u32 $0x31800, s9  }
0xa: {  	_ =	strace $0x80000053;
	s11 =	ssub.s32 $0x2, s9;
	s23 =	smul.u32 $0x61A8, s9  }
0xb: {  	s24 =	sadd.s32 $0x61A8, s15;
	s15 =	simm.s32 $0x4;
	s29 =	sshrl.u32 s11, $0x1  }
0xc: {  	s30 =	sshrl.u32 s7, $0x3;
	s14 =	sadd.s32 s13, s1;
	s25 =	sshrl.u32 s13, $0x3  }
0xd: {  	s13 =	simm.s32 $0xFA0;
	s0 =	sadd.s32 s10, s0;
	s12 =	ssub.s32 s11, s29  }
0xe: {  	s9 =	sadd.s32 s5, s30;
	s10 =	sadd.s32 s6, s30;
	s11 =	sor.u32 $0x1C04, s31  }
0xf: {  	v1 =	vlaneseq.u32;
	s14 =	sshrl.u32 s14, $0x3;
	v0 =	vmov s23;
	s23 =	simm.s32 $0x26C0;
	s0 =	sadd.s32 $0x99400, s0  }
0x10: {  	v1 =	vadd.s32 s24, v1;
	s12 =	smax.u32 s12, $0x1;
	s24 =	sadd.s32 s25, s0;
	s25 =	simm.s32 $0x0  }
.LBB2_1:
0x11: {  	[tilespmem:s2], [sflag:$0x3] =	stream.linear.gather [hbm4b:s9+s2], $0x7D0, $0x38;
	[tilespmem:$0x1DB10] =	vst v63  }
0x12: {  	_ = 	snop  }
0x13: {  	[tilespmem:s13], [sflag:$0x3] =	stream.linear.gather [hbm4b:s10+s2], $0x7D0, $0x38;
	[tilespmem:$0x1DB10] =	vst v63  }
0x14: {  	[spmem:s14], [sflag:s11] =	dma.local [hbm:s8], $0x3180  }
0x15: {  	_ =	swait.ge [sflag:s15], $0x3180  }
0x16: {  	[sflag:s15] =	ssyncset.done $0x0  }
0x17: {  	[sflag:s15] =	ssyncadd.s32 $0xFFFFCE80  }
0x18: {  	s26 =	simm.s32 $0x0;
	[bflag:$0x0] =	sbarrier.arrive $0xFFFF  }
.LBB2_2:
0x19: {  	_ =	swait.ge [sflag:s16], $0x7D0;
	s0 =	smov.u32 s26  }
0x1a: {  	s26 =	sadd.s32 $0x1, s26;
	[sflag:s16] =	ssyncset.done $0x0;
	p0 =	seq.s32 s0, $0x18  }
0x1b: {  	[sflag:s16] =	ssyncadd.s32 $0xFFFFF830;
	s28 =	smul.u32 @!p0 $0x7D0, s26  }
0x1c: {  	s29 =	sand.u32 @!p0 $0x1, s26;
	s31 =	simm.s32 @!p0 $0x0;
	_ =	swait.ge [sflag:s16], $0x7D0  }
0x1d: {  	p1 =	seq.s32 @!p0 s29, $0x1;
	s29 =	simm.s32 @!p0 $0x7D0;
	s28 =	sadd.s32 @!p0 s7, s28  }
0x1e: {  	[sflag:s16] =	ssyncset.done $0x0;
	p1 =	por !p1, p0;
	s28 =	sshrl.u32 @!p0 s28, $0x3  }
0x1f: {  	[sflag:s16] =	ssyncadd.s32 $0xFFFFF830;
	s29 =	simm.s32 @p1 $0x0;
	s30 =	sadd.s32 @!p0 s5, s28  }
0x20: {  	[tilespmem:s29], [sflag:$0x3] =	stream.linear.gather @!p0 [hbm4b:s30+s31], $0x7D0, $0x38;
	[tilespmem:$0x1DB10] =	vst v63  }
0x21: {  	s0 =	sand.u32 $0x1, s0;
	s28 =	sadd.s32 @!p0 s6, s28;
	s29 =	sadd.s32 @!p0 $0xFA0, s29  }
0x22: {  	[tilespmem:s29], [sflag:$0x3] =	stream.linear.gather @!p0 [hbm4b:s28+s31], $0x7D0, $0x38;
	[tilespmem:$0x1DB10] =	vst v63  }
0x23: {  	p0 =	seq.s32 s0, $0x1;
	s28 =	simm.s32 $0x7D0  }
0x24: {  	s28 =	simm.s32 @!p0 $0x0  }
0x25: {  	v2 =	vld [tilespmem:s28+$0xFA0];
	_ =	sdelay $0x4  }
0x26: {  	v2 =	vsub.s32 v2, v0  }
0x27: {  	vm0 =	vlt.u32 v2, $0x61A8  }
0x28: {  	v2 =	vsel vm0, v2, v1  }
0x29: {  	[tilespmem:$0x1F40] =	vst v2  }
0x2a: {  	v2 =	vld [tilespmem:s28+$0xFB0];
	_ =	sdelay $0x4  }
0x2b: {  	v2 =	vsub.s32 v2, v0  }
0x2c: {  	vm14 =	vlt.u32 v2, $0x61A8  }
0x2d: {  	v2 =	vsel vm14, v2, v1  }
0x2e: {  	[tilespmem:$0x1F50] =	vst v2  }
0x2f: {  	v2 =	vld [tilespmem:s28+$0xFC0];
	_ =	sdelay $0x4  }
0x30: {  	v2 =	vsub.s32 v2, v0  }
0x31: {  	vm15 =	vlt.u32 v2, $0x61A8  }
0x32: {  	v2 =	vsel vm15, v2, v1  }
0x33: {  	[tilespmem:$0x1F60] =	vst v2  }
0x34: {  	v2 =	vld [tilespmem:s28+$0xFD0];
	_ =	sdelay $0x4  }
0x35: {  	v2 =	vsub.s32 v2, v0  }
0x36: {  	vm4 =	vlt.u32 v2, $0x61A8  }
0x37: {  	v2 =	vsel vm4, v2, v1  }
0x38: {  	[tilespmem:$0x1F70] =	vst v2  }
0x39: {  	v2 =	vld [tilespmem:s28+$0xFE0];
	_ =	sdelay $0x4  }
0x3a: {  	v2 =	vsub.s32 v2, v0  }
0x3b: {  	vm5 =	vlt.u32 v2, $0x61A8  }
0x3c: {  	v2 =	vsel vm5, v2, v1  }
0x3d: {  	[tilespmem:$0x1F80] =	vst v2  }
0x3e: {  	[tilespmem:s18], [sflag:$0x1] =	stream.indirect.gather [hbm4b:s4+s17], $0x40, s28, s17, $0xb8;
	[tilespmem:$0x1DB10] =	vst v63  }
0x3f: {  	s3 =	sadd.s32 $0x50, s28  }
0x40: {  	[tilespmem:s19], [sflag:$0x1] =	stream.indirect.gather [hbm4b:s4+s17], $0x40, s3, s17, $0xb8;
	[tilespmem:$0x1DB10] =	vst v63  }
0x41: {  	v2 =	vld [tilespmem:s28+$0xFF0];
	_ =	sdelay $0x4  }
0x42: {  	v2 =	vsub.s32 v2, v0  }
0x43: {  	vm6 =	vlt.u32 v2, $0x61A8  }
0x44: {  	v2 =	vsel vm6, v2, v1  }
0x45: {  	[tilespmem:$0x1F90] =	vst v2  }
0x46: {  	v2 =	vld [tilespmem:s28+$0x1000];
	_ =	sdelay $0x4  }
0x47: {  	v2 =	vsub.s32 v2, v0  }
0x48: {  	vm7 =	vlt.u32 v2, $0x61A8  }
0x49: {  	v2 =	vsel vm7, v2, v1  }
0x4a: {  	[tilespmem:$0x1FA0] =	vst v2  }
0x4b: {  	v2 =	vld [tilespmem:s28+$0x1010];
	_ =	sdelay $0x4  }
0x4c: {  	v2 =	vsub.s32 v2, v0  }
0x4d: {  	vm8 =	vlt.u32 v2, $0x61A8  }
0x4e: {  	v2 =	vsel vm8, v2, v1  }
0x4f: {  	[tilespmem:$0x1FB0] =	vst v2  }
0x50: {  	v2 =	vld [tilespmem:s28+$0x1020];
	_ =	sdelay $0x4  }
0x51: {  	v2 =	vsub.s32 v2, v0  }
0x52: {  	vm9 =	vlt.u32 v2, $0x61A8  }
0x53: {  	v2 =	vsel vm9, v2, v1  }
0x54: {  	[tilespmem:$0x1FC0] =	vst v2  }
0x55: {  	v2 =	vld [tilespmem:s28+$0x1030];
	_ =	sdelay $0x4  }
0x56: {  	v2 =	vsub.s32 v2, v0  }
0x57: {  	vm10 =	vlt.u32 v2, $0x61A8  }
0x58: {  	v2 =	vsel vm10, v2, v1  }
0x59: {  	[tilespmem:$0x1FD0] =	vst v2  }
0x5a: {  	_ =	swait.ge [sflag:s20], $0x1400  }
0x5b: {  	s29 =	simm.s32 $0x2;
	[sflag:s20] =	ssyncset.done $0x0  }
0x5c: {  	s3 =	sadd.s32 $0x1080, s28;
	s28 =	sadd.s32 $0xA0, s28;
	[sflag:s20] =	ssyncadd.s32 $0xFFFFEC00  }
0x5d: {  	v2 =	vmov s3;
	[spmem:s1] =	stream.indirect.scatter.add.f32 [tilespmem:s18], [sflag:$0x2], $0x40, s21, s17, $0xb8;
	[tilespmem:$0x1DB10] =	vst v63  }
0x5e: {  	s30 =	sadd.s32 $0x0, s28;
	s3 =	sand.u32 $0x1, s29;
	_ =	swait.ge [sflag:s22], $0x1400  }
0x5f: {  	s29 =	simm.s32 $0x3B10;
	p0 =	seq.s32 s3, $0x1;
	[sflag:s22] =	ssyncset.done $0x0  }
0x60: {  	s3 =	simm.s32 $0x0;
	s29 =	simm.s32 @!p0 $0x2710;
	[sflag:s22] =	ssyncadd.s32 $0xFFFFEC00  }
0x61: {  	[tilespmem:s29], [sflag:$0x1] =	stream.indirect.gather [hbm4b:s4+s17], $0x40, s30, s17, $0xb8;
	[tilespmem:$0x1DB10] =	vst v63  }
0x62: {  	v3 =	vld.idx.msk [tilespmem:v2+s3+$0xFFFFFFC0 ss:$0x1], $0xffff;
	_ =	sdelay $0x4  }
0x63: {  	v3 =	vsub.s32 v3, v0  }
0x64: {  	vm11 =	vlt.u32 v3, $0x61A8  }
0x65: {  	v3 =	vsel vm11, v3, v1  }
0x66: {  	[tilespmem:s3+$0x1FE0] =	vst v3  }
0x67: {  	v3 =	vld.idx.msk [tilespmem:v2+s3+$0xFFFFFFD0 ss:$0x1], $0xffff;
	_ =	sdelay $0x4  }
0x68: {  	v3 =	vsub.s32 v3, v0  }
0x69: {  	vm12 =	vlt.u32 v3, $0x61A8  }
0x6a: {  	v3 =	vsel vm12, v3, v1  }
0x6b: {  	[tilespmem:s3+$0x1FF0] =	vst v3  }
0x6c: {  	v3 =	vld.idx.msk [tilespmem:v2+s3+$0xFFFFFFE0 ss:$0x1], $0xffff;
	_ =	sdelay $0x4  }
0x6d: {  	v3 =	vsub.s32 v3, v0  }
0x6e: {  	vm13 =	vlt.u32 v3, $0x61A8  }
0x6f: {  	v3 =	vsel vm13, v3, v1  }
0x70: {  	[tilespmem:s3+$0x2000] =	vst v3  }
0x71: {  	v3 =	vld.idx.msk [tilespmem:v2+s3+$0xFFFFFFF0 ss:$0x1], $0xffff;
	_ =	sdelay $0x4  }
0x72: {  	v3 =	vsub.s32 v3, v0  }
0x73: {  	vm14 =	vlt.u32 v3, $0x61A8  }
0x74: {  	v3 =	vsel vm14, v3, v1  }
0x75: {  	[tilespmem:s3+$0x2010] =	vst v3  }
0x76: {  	v3 =	vld.idx.msk [tilespmem:v2+s3+$0x0 ss:$0x1], $0xffff;
	_ =	sdelay $0x4  }
0x77: {  	v3 =	vsub.s32 v3, v0  }
0x78: {  	vm15 =	vlt.u32 v3, $0x61A8  }
0x79: {  	v3 =	vsel vm15, v3, v1  }
0x7a: {  	[tilespmem:s3+$0x2020] =	vst v3  }
0x7b: {  	s0 =	simm.s32 $0x2710;
	_ =	swait.ge [sflag:s20], $0x1400  }
0x7c: {  	s31 =	simm.s32 $0x1F90;
	s0 =	simm.s32 @!p0 $0x3B10;
	[sflag:s20] =	ssyncset.done $0x0  }
0x7d: {  	s29 =	simm.s32 $0x140;
	s30 =	simm.s32 $0x3;
	[sflag:s20] =	ssyncadd.s32 $0xFFFFEC00  }
.LBB2_3:
0x7e: {  	[spmem:s1] =	stream.indirect.scatter.add.f32 [tilespmem:s0], [sflag:$0x2], $0x40, s31, s17, $0xb8;
	[tilespmem:$0x1DB10] =	vst v63  }
0x7f: {  	s0 =	sand.u32 $0x1, s30  }
0x80: {  	p0 =	sne.s32 s29, $0x1B80;
	s31 =	sshra.s32 s29, $0x2;
	_ =	swait.ge [sflag:s22], $0x1400  }
0x81: {  	p1 =	seq.s32 s0, $0x1;
	s0 =	simm.s32 $0x3B10;
	[sflag:s22] =	ssyncset.done $0x0  }
0x82: {  	s3 =	sadd.s32 s31, s28;
	s0 =	simm.s32 @!p1 $0x2710;
	[sflag:s22] =	ssyncadd.s32 $0xFFFFEC00  }
0x83: {  	[tilespmem:s0], [sflag:$0x1] =	stream.indirect.gather [hbm4b:s4+s17], $0x40, s3, s17, $0xb8;
	[tilespmem:$0x1DB10] =	vst v63  }
0x84: {  	s29 =	sadd.s32 $0x140, s29;
	v3 =	vld.idx.msk [tilespmem:v2+s31+$0xFFFFFFC0 ss:$0x1], $0xffff;
	_ =	sdelay $0x5  }
0x85: {  	v3 =	vsub.s32 v3, v0  }
0x86: {  	vm0 =	vlt.u32 v3, $0x61A8  }
0x87: {  	v3 =	vsel vm0, v3, v1  }
0x88: {  	[tilespmem:s31+$0x1FE0] =	vst v3  }
0x89: {  	v3 =	vld.idx.msk [tilespmem:v2+s31+$0xFFFFFFD0 ss:$0x1], $0xffff;
	_ =	sdelay $0x5  }
0x8a: {  	v3 =	vsub.s32 v3, v0  }
0x8b: {  	vm0 =	vlt.u32 v3, $0x61A8  }
0x8c: {  	v3 =	vsel vm0, v3, v1  }
0x8d: {  	[tilespmem:s31+$0x1FF0] =	vst v3  }
0x8e: {  	v3 =	vld.idx.msk [tilespmem:v2+s31+$0xFFFFFFE0 ss:$0x1], $0xffff;
	_ =	sdelay $0x5  }
0x8f: {  	v3 =	vsub.s32 v3, v0  }
0x90: {  	vm0 =	vlt.u32 v3, $0x61A8  }
0x91: {  	v3 =	vsel vm0, v3, v1  }
0x92: {  	[tilespmem:s31+$0x2000] =	vst v3  }
0x93: {  	v3 =	vld.idx.msk [tilespmem:v2+s31+$0xFFFFFFF0 ss:$0x1], $0xffff;
	_ =	sdelay $0x5  }
0x94: {  	v3 =	vsub.s32 v3, v0  }
0x95: {  	vm0 =	vlt.u32 v3, $0x61A8  }
0x96: {  	v3 =	vsel vm0, v3, v1  }
0x97: {  	[tilespmem:s31+$0x2010] =	vst v3  }
0x98: {  	v3 =	vld.idx.msk [tilespmem:v2+s31+$0x0 ss:$0x1], $0xffff;
	_ =	sdelay $0x5  }
0x99: {  	v3 =	vsub.s32 v3, v0  }
0x9a: {  	vm0 =	vlt.u32 v3, $0x61A8  }
.Ltmp0:
0x9b: {  	v3 =	vsel vm0, v3, v1;
	(pc) =	sbr.rel @p0 .LBB2_3-.Ltmp0, $4  }
0x9c: {  	[tilespmem:s31+$0x2020] =	vst v3  }
0x9d: {  	_ =	swait.ge [sflag:s20], $0x1400  }
0x9e: {  	s30 =	sadd.s32 $0x1, s30;
	s0 =	simm.s32 $0x2710;
	[sflag:s20] =	ssyncset.done $0x0  }
0x9f: {  	s0 =	simm.s32 @!p1 $0x3B10;
	s31 =	sadd.s32 $0x1F90, s31;
	[sflag:s20] =	ssyncadd.s32 $0xFFFFEC00  }
0xa0: {  	[spmem:s1] =	stream.indirect.scatter.add.f32 [tilespmem:s0], [sflag:$0x2], $0x40, s31, s17, $0xb8;
	[tilespmem:$0x1DB10] =	vst v63  }
0xa1: {  	_ =	swait.ge [sflag:s20], $0x1400  }
0xa2: {  	[sflag:s20] =	ssyncset.done $0x0  }
0xa3: {  	[sflag:s20] =	ssyncadd.s32 $0xFFFFEC00  }
0xa4: {  	[spmem:s1] =	stream.indirect.scatter.add.f32 [tilespmem:s18], [sflag:$0x2], $0x40, s23, s17, $0xb8;
	[tilespmem:$0x1DB10] =	vst v63  }
0xa5: {  	p0 =	sne.s32 s26, $0x19;
	_ =	swait.ge [sflag:s22], $0x1400  }
.Ltmp1:
0xa6: {  	[sflag:s22] =	ssyncset.done $0x0;
	(pc) =	sbr.rel @p0 .LBB2_2-.Ltmp1, $4  }
0xa7: {  	[sflag:s22] =	ssyncadd.s32 $0xFFFFEC00  }
0xa8: {  	_ =	swait.ge [sflag:s22], $0x1400  }
0xa9: {  	[sflag:s22] =	ssyncset.done $0x0  }
0xaa: {  	[sflag:s22] =	ssyncadd.s32 $0xFFFFEC00  }
0xab: {  	s25 =	sadd.s32 $0x1, s25  }
0xac: {  	p0 =	sne.s32 s25, s12  }
.Ltmp2:
0xad: {  	[bflag:$0x0] =	sbarrier.arrive $0xFFFF;
	(pc) =	sbr.rel @p0 .LBB2_1-.Ltmp2, $4  }
0xae: {  	[hbm:s24], [sflag:s11] =	dma.local [spmem:s14], $0x3180  }
0xaf: {  	_ =	swait.ge [sflag:s15], $0x3180  }
0xb0: {  	[sflag:s15] =	ssyncset.done $0x0  }
0xb1: {  	[sflag:s15] =	ssyncadd.s32 $0xFFFFCE80  }
0xb2: {  	_ =	sfence.sel $0x180000  }
0xb3: {  	[bflag:$0x0] =	sbarrier.arrive $0xFFFF  }
0xb4: {  	_ =	strace $0x90000053  }
0xb5: {  	s0 =	stileid.u32;
	[bflag:$0x2] =	sbarrier.arrive $0xFFFF  }
0xb6: {  	p0 =	sne.s32 s0, $0x0;
	s0 =	rddreg [dreg:$0x2]  }
0xb7: {  	s0 =	sadd.s32 @!p0 $0x100000, s0  }
0xb8: {  	[sflag:s0] =	ssyncadd.tile.s32 @!p0 $0x1;
	_ =	shalt  }
.Lfunc_end2:
_tile_overlayer_lowered:
.L_overlay_start_2:
0xb9: {  	(tag) =	ssettag $0x2  }
0xba: {  	s0 =	rddreg [dreg:$0x0];
	s2 =	stileid.u32  }
0xbb: {  	s1 =	rddreg [dreg:$0x1];
	p0 =	sne.s32 s2, $0x0  }
0xbc: {  	s3 =	rddreg [dreg:$0x2];
	[bflag:$0x3] =	sbarrier.arrive $0xFFFF;
	s2 =	simm.s32 @!p0 $0x1C04  }
0xbd: {  	[timem:s3], [sflag:s2] =	dma.local @!p0 [hbm:s0], s1  }
0xbe: {  	s0 =	simm.s32 @!p0 $0x4  }
0xbf: {  	_ =	swait.ge @!p0 [sflag:s0], s1  }
0xc0: {  	s1 =	ssub.s32 @!p0 $0x0, s1;
	[sflag:s0] =	ssyncset.done @!p0 $0x0  }
0xc1: {  	[sflag:s0] =	ssyncadd.s32 @!p0 s1  }
0xc2: {  	[bflag:$0x3] =	sbarrier.arrive $0xFFFF  }
0xc3: {  	_ =	shalt  }

</sc_bundles>
